<compile_context>
chip_gen: v7x
topology: tpu7x:2x2x1
jax: 0.10.2.dev20260603
libtpu: 0.0.44.dev20260713+nightly
codegen_flags: <defaults>
</compile_context>

<pallas_src>
import functools

import jax
import jax.numpy as jnp
from jax import lax
from jax.experimental import pallas as pl
from jax.experimental.pallas import tpu as pltpu
from jax.experimental.pallas import tpu_sc as plsc

_TOPK = 10
_L = 16
_NW = 32
_T = 32
_PAD = 128


def _mm_body(x_ref, w_ref, o_ref):
    o_ref[...] = lax.dot_general(
        x_ref[...], w_ref[...], (((1,), (1,)), ((), ())),
        preferred_element_type=jnp.float32)


def _matmul(x, gate_weight, *, bt, rows, row0):
    h = x.shape[1]
    e = gate_weight.shape[0]
    blk0 = row0 // bt
    return pl.pallas_call(
        _mm_body,
        grid=(rows // bt,),
        in_specs=[
            pl.BlockSpec((bt, h), lambda i: (blk0 + i, 0)),
            pl.BlockSpec((e, h), lambda i: (0, 0)),
        ],
        out_specs=pl.BlockSpec((bt, e), lambda i: (i, 0)),
        out_shape=jax.ShapeDtypeStruct((rows, e), jnp.float32),
    )(x, gate_weight)


def _topk_body(logits_hbm, sel_hbm, rw_hbm, buf0, buf1, selb0, selb1,
               rwb0, rwb1, sem0, sem1, osem0, osem1, *, n_experts, tpw):
    nchunks = n_experts // _L
    ntiles = tpw // _T
    wid = lax.axis_index("s") * 2 + lax.axis_index("c")
    base = wid * tpw
    lane = lax.broadcasted_iota(jnp.int32, (_L,), 0)
    mask10 = lane < _TOPK
    bufs = (buf0, buf1)
    selbs = (selb0, selb1)
    rwbs = (rwb0, rwb1)
    sems = (sem0, sem1)
    osems = (osem0, osem1)

    pltpu.make_async_copy(logits_hbm.at[pl.ds(base, _T)], buf0, sem0).start()

    def process_tile(i, ph):
        buf, selb, rwb = bufs[ph], selbs[ph], rwbs[ph]
        row0 = base + i * _T

        def tok_body(t, c2):
            nodes = []
            for c in range(nchunks):
                v = buf[t, pl.ds(c * _L, _L)]
                nodes.append(plsc.sort_key_val(v, lane + c * _L,
                                               descending=(c % 2 == 1)))
            while len(nodes) > 1:
                nxt = []
                for j in range(0, len(nodes), 2):
                    (ak, av), (bk, bv) = nodes[j], nodes[j + 1]
                    take = ak >= bk
                    mk = jnp.where(take, ak, bk)
                    mv = jnp.where(take, av, bv)
                    desc = (len(nodes) == 2) or (j // 2) % 2 == 1
                    nxt.append(plsc.sort_key_val(mk, mv, descending=desc))
                nodes = nxt
            rk, rv = nodes[0]
            m = rk[0]
            ex = jnp.exp(rk - m)
            esel = jnp.where(mask10, ex, 0.0)
            w = esel / jnp.sum(esel)
            off = t * _PAD
            selb[pl.ds(off, _L)] = rv
            rwb[pl.ds(off, _L)] = w
            return c2

        lax.fori_loop(0, _T, tok_body, 0, unroll=2)
        ooff = row0 * _PAD
        pltpu.make_async_copy(selb, sel_hbm.at[pl.ds(ooff, _T * _PAD)],
                              osems[ph]).start()
        pltpu.make_async_copy(rwb, rw_hbm.at[pl.ds(ooff, _T * _PAD)],
                              osems[ph]).start()

    def pair_body(p, carry):
        for ph in range(2):
            i = 2 * p + ph

            @pl.when(i + 1 < ntiles)
            def _():
                nxt_row = base + (i + 1) * _T
                pltpu.make_async_copy(
                    logits_hbm.at[pl.ds(nxt_row, _T)], bufs[1 - ph],
                    sems[1 - ph]).start()

            pltpu.make_async_copy(
                logits_hbm.at[pl.ds(base + i * _T, _T)], bufs[ph],
                sems[ph]).wait()

            @pl.when(i >= 2)
            def _():
                pltpu.make_async_copy(
                    selbs[ph], sel_hbm.at[pl.ds(base * _PAD, _T * _PAD)],
                    osems[ph]).wait()
                pltpu.make_async_copy(
                    rwbs[ph], rw_hbm.at[pl.ds(base * _PAD, _T * _PAD)],
                    osems[ph]).wait()

            process_tile(i, ph)
        return carry

    lax.fori_loop(0, ntiles // 2, pair_body, 0)
    for ph in range(2):
        pltpu.make_async_copy(
            selbs[ph], sel_hbm.at[pl.ds(base * _PAD, _T * _PAD)],
            osems[ph]).wait()
        pltpu.make_async_copy(
            rwbs[ph], rw_hbm.at[pl.ds(base * _PAD, _T * _PAD)],
            osems[ph]).wait()


def _sc_topk(logits):
    n, e = logits.shape
    tpw = n // _NW
    mesh = plsc.VectorSubcoreMesh(core_axis_name="c", subcore_axis_name="s")
    return pl.kernel(
        functools.partial(_topk_body, n_experts=e, tpw=tpw),
        out_type=[
            jax.ShapeDtypeStruct((n * _PAD,), jnp.int32),
            jax.ShapeDtypeStruct((n * _PAD,), jnp.float32),
        ],
        mesh=mesh,
        compiler_params=pltpu.CompilerParams(needs_layout_passes=False),
        scratch_types=[
            pltpu.VMEM((_T, e), jnp.float32),
            pltpu.VMEM((_T, e), jnp.float32),
            pltpu.VMEM((_T * _PAD,), jnp.int32),
            pltpu.VMEM((_T * _PAD,), jnp.int32),
            pltpu.VMEM((_T * _PAD,), jnp.float32),
            pltpu.VMEM((_T * _PAD,), jnp.float32),
            pltpu.SemaphoreType.DMA,
            pltpu.SemaphoreType.DMA,
            pltpu.SemaphoreType.DMA,
            pltpu.SemaphoreType.DMA,
        ],
    )(logits)


def _repack_body(s_ref, w_ref, os_ref, ow_ref):
    os_ref[...] = s_ref[:, :_TOPK]
    ow_ref[...] = w_ref[:, :_TOPK]


def _repack(sel128, rw128, *, bt):
    n = sel128.shape[0]
    return pl.pallas_call(
        _repack_body,
        grid=(n // bt,),
        in_specs=[
            pl.BlockSpec((bt, _PAD), lambda i: (i, 0)),
            pl.BlockSpec((bt, _PAD), lambda i: (i, 0)),
        ],
        out_specs=[
            pl.BlockSpec((bt, _TOPK), lambda i: (i, 0)),
            pl.BlockSpec((bt, _TOPK), lambda i: (i, 0)),
        ],
        out_shape=[
            jax.ShapeDtypeStruct((n, _TOPK), jnp.int32),
            jax.ShapeDtypeStruct((n, _TOPK), jnp.float32),
        ],
    )(sel128, rw128)


_CHUNKS = 2


def kernel(hidden_states, gate_weight, expert_bias):
    b, s, h = hidden_states.shape
    e = gate_weight.shape[0]
    n = b * s
    splits = [(0, 12288), (12288, n - 12288)]
    x = hidden_states.reshape(n, h)
    logit_parts, sel_parts, rw_parts = [], [], []
    for row0, nc in splits:
        lg = _matmul(x, gate_weight, bt=2048, rows=nc, row0=row0)
        sel_pad, rw_pad = _sc_topk(lg)
        sel_c, rw_c = _repack(sel_pad.reshape(nc, _PAD),
                              rw_pad.reshape(nc, _PAD), bt=1024)
        logit_parts.append(lg)
        sel_parts.append(sel_c)
        rw_parts.append(rw_c)
    logits = jnp.concatenate(logit_parts, axis=0)
    sel = jnp.concatenate(sel_parts, axis=0)
    rw = jnp.concatenate(rw_parts, axis=0)
    return (
        logits.reshape(b, s, e),
        sel.reshape(b, s, _TOPK),
        rw.reshape(b, s, _TOPK).astype(hidden_states.dtype),
    )

# --- scband reference (transcript-rebuilt; emitter-appended) ---
"""Pipeline reference for scband-mo-erouter-91147795955939 (READ-ONLY COPY).

The authoritative reference and input builder live on the scoring server;
editing this copy changes nothing except your own understanding.
"""

import jax, jax.numpy as jnp
import numpy as np

B, S, H, E, K = 4, 8192, 768, 512, 10

def setup_inputs(seed: int = 0) -> dict:
    key = jax.random.key(seed)
    k1, k2 = jax.random.split(key)
    hidden_states = jax.random.normal(k1, (B, S, H), dtype=jnp.float32)
    gate_weight = jax.random.normal(k2, (E, H), dtype=jnp.float32) * (0.02 / np.sqrt(E))
    expert_bias = jnp.zeros((E,), dtype=jnp.float32)
    return {"hidden_states": hidden_states, "gate_weight": gate_weight, "expert_bias": expert_bias}

def reference(hidden_states, gate_weight, expert_bias):
    # router_logits = self.gate(hidden_states)  (Linear, no bias)
    router_logits = jnp.einsum('bsh,eh->bse', hidden_states, gate_weight)
    # loss-free balancing: bias logits only for expert selection
    biased_logits = router_logits + expert_bias[None, None, :]
    _, selected_experts = jax.lax.top_k(biased_logits, K)
    # gather UNbiased logits at the selected indices
    routing_weights = jnp.take_along_axis(router_logits, selected_experts, axis=-1)
    routing_weights = jax.nn.softmax(routing_weights.astype(jnp.float32), axis=-1).astype(hidden_states.dtype)
    return (router_logits, selected_experts, routing_weights)

if __name__ == "__main__":
    import jax
    _d = setup_inputs()
    print(jax.jit(kernel)(*tuple(_d.values())))

</pallas_src>

<mosaic_0001>
#map = affine_map<(d0, d1) -> (0, 0)>
#map1 = affine_map<(d0, d1) -> (0)>
module attributes {stable_mosaic.version = 14 : i64} {
  func.func @_topk_body(%arg0: i32, %arg1: i32, %arg2: memref<12288x512xf32, #tpu.memory_space<hbm>>, %arg3: memref<1572864xi32, #tpu.memory_space<hbm>>, %arg4: memref<1572864xf32, #tpu.memory_space<hbm>>, %arg5: memref<32x512xf32, #tpu.memory_space<vmem>>, %arg6: memref<32x512xf32, #tpu.memory_space<vmem>>, %arg7: memref<4096xi32, #tpu.memory_space<vmem>>, %arg8: memref<4096xi32, #tpu.memory_space<vmem>>, %arg9: memref<4096xf32, #tpu.memory_space<vmem>>, %arg10: memref<4096xf32, #tpu.memory_space<vmem>>, %arg11: memref<!tpu.dma_semaphore, #tpu.memory_space<semaphore_mem>>, %arg12: memref<!tpu.dma_semaphore, #tpu.memory_space<semaphore_mem>>, %arg13: memref<!tpu.dma_semaphore, #tpu.memory_space<semaphore_mem>>, %arg14: memref<!tpu.dma_semaphore, #tpu.memory_space<semaphore_mem>>) attributes {dimension_semantics = [#tpu.dimension_semantics<core_parallel>, #tpu.dimension_semantics<subcore_parallel>], iteration_bounds = array<i64: 2, 16>, scalar_prefetch = 0 : i64, scratch_operands = 10 : i64, tpu.core_type = #tpu.core_type<sc_vector_subcore>, window_params = [{transform_indices = #map}, {transform_indices = #map1}, {transform_indices = #map1}]} {
    %mul3A = arith.constant 2 : i32
    %mul3A_0 = arith.muli %arg1, %mul3A : i32
    %add3A = arith.addi %mul3A_0, %arg0 : i32
    %mul3A_1 = arith.constant 384 : i32
    %mul3A_2 = arith.muli %add3A, %mul3A_1 : i32
    %iota3A = tpu.iota {dimensions = array<i32: 0>} : vector<16xi32>
    %lt3A = arith.constant 10 : i32
    %lt3A_3 = vector.broadcast %lt3A : i32 to vector<16xi32>
    %lt3A_4 = arith.cmpi slt, %iota3A, %lt3A_3 : vector<16xi32>
    %dma_start3A = arith.constant 0 : i32
    %dma_start3A_5 = tpu.memref_slice %arg2[%mul3A_2, %dma_start3A] : memref<12288x512xf32, #tpu.memory_space<hbm>> -> memref<32x512xf32, #tpu.memory_space<hbm>>
    %dma_start3A_6 = arith.constant 0 : i32
    %dma_start3A_7 = tpu.memref_slice %arg2[%mul3A_2, %dma_start3A_6] : memref<12288x512xf32, #tpu.memory_space<hbm>> -> memref<32x512xf32, #tpu.memory_space<hbm>>
    tpu.enqueue_dma source(%dma_start3A_7 : memref<32x512xf32, #tpu.memory_space<hbm>>) target(%arg5 : memref<32x512xf32, #tpu.memory_space<vmem>>) target_semaphore(%arg11 : memref<!tpu.dma_semaphore, #tpu.memory_space<semaphore_mem>>)
    %scan3A = arith.constant 0 : i32
    %scan3A_8 = arith.constant 0 : i32
    %scan3A_9 = arith.constant 6 : i32
    %scan3A_10 = arith.addi %scan3A_8, %scan3A_9 : i32
    %scan3A_11 = arith.constant 1 : i32
    scf.for %scan3A_28 = %scan3A_8 to %scan3A_10 step %scan3A_11  : i32 {
      %mul3A_29 = arith.constant 2 : i32
      %mul3A_30 = arith.muli %mul3A_29, %scan3A_28 : i32
      %add3A_31 = arith.constant 0 : i32
      %add3A_32 = arith.addi %mul3A_30, %add3A_31 : i32
      %add3A_33 = arith.constant 1 : i32
      %add3A_34 = arith.addi %add3A_32, %add3A_33 : i32
      %lt3A_35 = arith.constant 12 : i32
      %lt3A_36 = arith.cmpi slt, %add3A_34, %lt3A_35 : i32
      %convert_element_type3A = arith.extui %lt3A_36 : i1 to i32
      %cond3A = arith.constant 0 : i32
      %cond3A_37 = arith.cmpi ne, %convert_element_type3A, %cond3A : i32
      scf.if %cond3A_37 {
        %add3A_102 = arith.constant 1 : i32
        %add3A_103 = arith.addi %add3A_32, %add3A_102 : i32
        %mul3A_104 = arith.constant 32 : i32
        %mul3A_105 = arith.muli %add3A_103, %mul3A_104 : i32
        %add3A_106 = arith.addi %mul3A_2, %mul3A_105 : i32
        %dma_start3A_107 = arith.constant 0 : i32
        %dma_start3A_108 = tpu.memref_slice %arg2[%add3A_106, %dma_start3A_107] : memref<12288x512xf32, #tpu.memory_space<hbm>> -> memref<32x512xf32, #tpu.memory_space<hbm>>
        %dma_start3A_109 = arith.constant 0 : i32
        %dma_start3A_110 = tpu.memref_slice %arg2[%add3A_106, %dma_start3A_109] : memref<12288x512xf32, #tpu.memory_space<hbm>> -> memref<32x512xf32, #tpu.memory_space<hbm>>
        tpu.enqueue_dma source(%dma_start3A_110 : memref<32x512xf32, #tpu.memory_space<hbm>>) target(%arg6 : memref<32x512xf32, #tpu.memory_space<vmem>>) target_semaphore(%arg12 : memref<!tpu.dma_semaphore, #tpu.memory_space<semaphore_mem>>)
      } else {
      }
      %mul3A_38 = arith.constant 32 : i32
      %mul3A_39 = arith.muli %add3A_32, %mul3A_38 : i32
      %add3A_40 = arith.addi %mul3A_2, %mul3A_39 : i32
      %dma_wait3A_41 = arith.constant 0 : i32
      %dma_wait3A_42 = tpu.memref_slice %arg2[%add3A_40, %dma_wait3A_41] : memref<12288x512xf32, #tpu.memory_space<hbm>> -> memref<32x512xf32, #tpu.memory_space<hbm>>
      %dma_wait3A_43 = arith.constant 0 : i32
      %dma_wait3A_44 = tpu.memref_slice %arg2[%add3A_40, %dma_wait3A_43] : memref<12288x512xf32, #tpu.memory_space<hbm>> -> memref<32x512xf32, #tpu.memory_space<hbm>>
      tpu.wait_dma2 semaphore(%arg11 : memref<!tpu.dma_semaphore, #tpu.memory_space<semaphore_mem>>) src(%dma_wait3A_44 : memref<32x512xf32, #tpu.memory_space<hbm>>) dst(%arg5 : memref<32x512xf32, #tpu.memory_space<vmem>>)
      %ge3A = arith.constant 2 : i32
      %ge3A_45 = arith.cmpi sge, %add3A_32, %ge3A : i32
      %convert_element_type3A_46 = arith.extui %ge3A_45 : i1 to i32
      %cond3A_47 = arith.constant 0 : i32
      %cond3A_48 = arith.cmpi ne, %convert_element_type3A_46, %cond3A_47 : i32
      scf.if %cond3A_48 {
        %mul3A_102 = arith.constant 128 : i32
        %mul3A_103 = arith.muli %mul3A_2, %mul3A_102 : i32
        %dma_wait3A_104 = tpu.memref_slice %arg3[%mul3A_103] : memref<1572864xi32, #tpu.memory_space<hbm>> -> memref<4096xi32, #tpu.memory_space<hbm>>
        %dma_wait3A_105 = tpu.memref_slice %arg3[%mul3A_103] : memref<1572864xi32, #tpu.memory_space<hbm>> -> memref<4096xi32, #tpu.memory_space<hbm>>
        tpu.wait_dma2 semaphore(%arg13 : memref<!tpu.dma_semaphore, #tpu.memory_space<semaphore_mem>>) src(%arg7 : memref<4096xi32, #tpu.memory_space<vmem>>) dst(%dma_wait3A_105 : memref<4096xi32, #tpu.memory_space<hbm>>)
        %mul3A_106 = arith.constant 128 : i32
        %mul3A_107 = arith.muli %mul3A_2, %mul3A_106 : i32
        %dma_wait3A_108 = tpu.memref_slice %arg4[%mul3A_107] : memref<1572864xf32, #tpu.memory_space<hbm>> -> memref<4096xf32, #tpu.memory_space<hbm>>
        %dma_wait3A_109 = tpu.memref_slice %arg4[%mul3A_107] : memref<1572864xf32, #tpu.memory_space<hbm>> -> memref<4096xf32, #tpu.memory_space<hbm>>
        tpu.wait_dma2 semaphore(%arg13 : memref<!tpu.dma_semaphore, #tpu.memory_space<semaphore_mem>>) src(%arg9 : memref<4096xf32, #tpu.memory_space<vmem>>) dst(%dma_wait3A_109 : memref<4096xf32, #tpu.memory_space<hbm>>)
      } else {
      }
      %mul3A_49 = arith.constant 32 : i32
      %mul3A_50 = arith.muli %add3A_32, %mul3A_49 : i32
      %add3A_51 = arith.addi %mul3A_2, %mul3A_50 : i32
      %scan3A_52 = arith.constant 0 : i32
      %scan3A_53 = arith.constant 0 : i32
      %scan3A_54 = arith.constant 32 : i32
      %scan3A_55 = arith.addi %scan3A_53, %scan3A_54 : i32
      %scan3A_56 = arith.constant 2 : i32
      scf.for %scan3A_102 = %scan3A_53 to %scan3A_55 step %scan3A_56  : i32 {
        %get3A = arith.index_cast %scan3A_102 : i32 to index
        %get3A_103 = arith.constant 0 : index
        %get3A_104 = tpu.vector_load %arg5[%get3A, %get3A_103] {strides = array<i32>} : memref<32x512xf32, #tpu.memory_space<vmem>>, vector<16xf32>,
        %add3A_105 = arith.constant 0 : i32
        %add3A_106 = vector.broadcast %add3A_105 : i32 to vector<16xi32>
        %add3A_107 = arith.addi %iota3A, %add3A_106 : vector<16xi32>
        %masked_sort3A = arith.constant dense<true> : vector<16xi1>
        %masked_sort3A_108, %masked_sort3A_109, %masked_sort3A_110 = tpu.sort %get3A_104, %add3A_107 masked %masked_sort3A : (vector<16xf32>, vector<16xi32>, vector<16xi1>) -> (vector<16xi1>, vector<16xf32>, vector<16xi32>)
        %get3A_111 = arith.index_cast %scan3A_102 : i32 to index
        %get3A_112 = arith.constant 16 : index
        %get3A_113 = tpu.vector_load %arg5[%get3A_111, %get3A_112] {strides = array<i32>} : memref<32x512xf32, #tpu.memory_space<vmem>>, vector<16xf32>,
        %add3A_114 = arith.constant 16 : i32
        %add3A_115 = vector.broadcast %add3A_114 : i32 to vector<16xi32>
        %add3A_116 = arith.addi %iota3A, %add3A_115 : vector<16xi32>
        %masked_sort3A_117 = arith.constant dense<true> : vector<16xi1>
        %masked_sort3A_118, %masked_sort3A_119, %masked_sort3A_120 = tpu.sort %get3A_113, %add3A_116 masked %masked_sort3A_117 {descending = true} : (vector<16xf32>, vector<16xi32>, vector<16xi1>) -> (vector<16xi1>, vector<16xf32>, vector<16xi32>)
        %get3A_121 = arith.index_cast %scan3A_102 : i32 to index
        %get3A_122 = arith.constant 32 : index
        %get3A_123 = tpu.vector_load %arg5[%get3A_121, %get3A_122] {strides = array<i32>} : memref<32x512xf32, #tpu.memory_space<vmem>>, vector<16xf32>,
        %add3A_124 = arith.constant 32 : i32
        %add3A_125 = vector.broadcast %add3A_124 : i32 to vector<16xi32>
        %add3A_126 = arith.addi %iota3A, %add3A_125 : vector<16xi32>
        %masked_sort3A_127 = arith.constant dense<true> : vector<16xi1>
        %masked_sort3A_128, %masked_sort3A_129, %masked_sort3A_130 = tpu.sort %get3A_123, %add3A_126 masked %masked_sort3A_127 : (vector<16xf32>, vector<16xi32>, vector<16xi1>) -> (vector<16xi1>, vector<16xf32>, vector<16xi32>)
        %get3A_131 = arith.index_cast %scan3A_102 : i32 to index
        %get3A_132 = arith.constant 48 : index
        %get3A_133 = tpu.vector_load %arg5[%get3A_131, %get3A_132] {strides = array<i32>} : memref<32x512xf32, #tpu.memory_space<vmem>>, vector<16xf32>,
        %add3A_134 = arith.constant 48 : i32
        %add3A_135 = vector.broadcast %add3A_134 : i32 to vector<16xi32>
        %add3A_136 = arith.addi %iota3A, %add3A_135 : vector<16xi32>
        %masked_sort3A_137 = arith.constant dense<true> : vector<16xi1>
        %masked_sort3A_138, %masked_sort3A_139, %masked_sort3A_140 = tpu.sort %get3A_133, %add3A_136 masked %masked_sort3A_137 {descending = true} : (vector<16xf32>, vector<16xi32>, vector<16xi1>) -> (vector<16xi1>, vector<16xf32>, vector<16xi32>)
        %get3A_141 = arith.index_cast %scan3A_102 : i32 to index
        %get3A_142 = arith.constant 64 : index
        %get3A_143 = tpu.vector_load %arg5[%get3A_141, %get3A_142] {strides = array<i32>} : memref<32x512xf32, #tpu.memory_space<vmem>>, vector<16xf32>,
        %add3A_144 = arith.constant 64 : i32
        %add3A_145 = vector.broadcast %add3A_144 : i32 to vector<16xi32>
        %add3A_146 = arith.addi %iota3A, %add3A_145 : vector<16xi32>
        %masked_sort3A_147 = arith.constant dense<true> : vector<16xi1>
        %masked_sort3A_148, %masked_sort3A_149, %masked_sort3A_150 = tpu.sort %get3A_143, %add3A_146 masked %masked_sort3A_147 : (vector<16xf32>, vector<16xi32>, vector<16xi1>) -> (vector<16xi1>, vector<16xf32>, vector<16xi32>)
        %get3A_151 = arith.index_cast %scan3A_102 : i32 to index
        %get3A_152 = arith.constant 80 : index
        %get3A_153 = tpu.vector_load %arg5[%get3A_151, %get3A_152] {strides = array<i32>} : memref<32x512xf32, #tpu.memory_space<vmem>>, vector<16xf32>,
        %add3A_154 = arith.constant 80 : i32
        %add3A_155 = vector.broadcast %add3A_154 : i32 to vector<16xi32>
        %add3A_156 = arith.addi %iota3A, %add3A_155 : vector<16xi32>
        %masked_sort3A_157 = arith.constant dense<true> : vector<16xi1>
        %masked_sort3A_158, %masked_sort3A_159, %masked_sort3A_160 = tpu.sort %get3A_153, %add3A_156 masked %masked_sort3A_157 {descending = true} : (vector<16xf32>, vector<16xi32>, vector<16xi1>) -> (vector<16xi1>, vector<16xf32>, vector<16xi32>)
        %get3A_161 = arith.index_cast %scan3A_102 : i32 to index
        %get3A_162 = arith.constant 96 : index
        %get3A_163 = tpu.vector_load %arg5[%get3A_161, %get3A_162] {strides = array<i32>} : memref<32x512xf32, #tpu.memory_space<vmem>>, vector<16xf32>,
        %add3A_164 = arith.constant 96 : i32
        %add3A_165 = vector.broadcast %add3A_164 : i32 to vector<16xi32>
        %add3A_166 = arith.addi %iota3A, %add3A_165 : vector<16xi32>
        %masked_sort3A_167 = arith.constant dense<true> : vector<16xi1>
        %masked_sort3A_168, %masked_sort3A_169, %masked_sort3A_170 = tpu.sort %get3A_163, %add3A_166 masked %masked_sort3A_167 : (vector<16xf32>, vector<16xi32>, vector<16xi1>) -> (vector<16xi1>, vector<16xf32>, vector<16xi32>)
        %get3A_171 = arith.index_cast %scan3A_102 : i32 to index
        %get3A_172 = arith.constant 112 : index
        %get3A_173 = tpu.vector_load %arg5[%get3A_171, %get3A_172] {strides = array<i32>} : memref<32x512xf32, #tpu.memory_space<vmem>>, vector<16xf32>,
        %add3A_174 = arith.constant 112 : i32
        %add3A_175 = vector.broadcast %add3A_174 : i32 to vector<16xi32>
        %add3A_176 = arith.addi %iota3A, %add3A_175 : vector<16xi32>
        %masked_sort3A_177 = arith.constant dense<true> : vector<16xi1>
        %masked_sort3A_178, %masked_sort3A_179, %masked_sort3A_180 = tpu.sort %get3A_173, %add3A_176 masked %masked_sort3A_177 {descending = true} : (vector<16xf32>, vector<16xi32>, vector<16xi1>) -> (vector<16xi1>, vector<16xf32>, vector<16xi32>)
        %get3A_181 = arith.index_cast %scan3A_102 : i32 to index
        %get3A_182 = arith.constant 128 : index
        %get3A_183 = tpu.vector_load %arg5[%get3A_181, %get3A_182] {strides = array<i32>} : memref<32x512xf32, #tpu.memory_space<vmem>>, vector<16xf32>,
        %add3A_184 = arith.constant 128 : i32
        %add3A_185 = vector.broadcast %add3A_184 : i32 to vector<16xi32>
        %add3A_186 = arith.addi %iota3A, %add3A_185 : vector<16xi32>
        %masked_sort3A_187 = arith.constant dense<true> : vector<16xi1>
        %masked_sort3A_188, %masked_sort3A_189, %masked_sort3A_190 = tpu.sort %get3A_183, %add3A_186 masked %masked_sort3A_187 : (vector<16xf32>, vector<16xi32>, vector<16xi1>) -> (vector<16xi1>, vector<16xf32>, vector<16xi32>)
        %get3A_191 = arith.index_cast %scan3A_102 : i32 to index
        %get3A_192 = arith.constant 144 : index
        %get3A_193 = tpu.vector_load %arg5[%get3A_191, %get3A_192] {strides = array<i32>} : memref<32x512xf32, #tpu.memory_space<vmem>>, vector<16xf32>,
        %add3A_194 = arith.constant 144 : i32
        %add3A_195 = vector.broadcast %add3A_194 : i32 to vector<16xi32>
        %add3A_196 = arith.addi %iota3A, %add3A_195 : vector<16xi32>
        %masked_sort3A_197 = arith.constant dense<true> : vector<16xi1>
        %masked_sort3A_198, %masked_sort3A_199, %masked_sort3A_200 = tpu.sort %get3A_193, %add3A_196 masked %masked_sort3A_197 {descending = true} : (vector<16xf32>, vector<16xi32>, vector<16xi1>) -> (vector<16xi1>, vector<16xf32>, vector<16xi32>)
        %get3A_201 = arith.index_cast %scan3A_102 : i32 to index
        %get3A_202 = arith.constant 160 : index
        %get3A_203 = tpu.vector_load %arg5[%get3A_201, %get3A_202] {strides = array<i32>} : memref<32x512xf32, #tpu.memory_space<vmem>>, vector<16xf32>,
        %add3A_204 = arith.constant 160 : i32
        %add3A_205 = vector.broadcast %add3A_204 : i32 to vector<16xi32>
        %add3A_206 = arith.addi %iota3A, %add3A_205 : vector<16xi32>
        %masked_sort3A_207 = arith.constant dense<true> : vector<16xi1>
        %masked_sort3A_208, %masked_sort3A_209, %masked_sort3A_210 = tpu.sort %get3A_203, %add3A_206 masked %masked_sort3A_207 : (vector<16xf32>, vector<16xi32>, vector<16xi1>) -> (vector<16xi1>, vector<16xf32>, vector<16xi32>)
        %get3A_211 = arith.index_cast %scan3A_102 : i32 to index
        %get3A_212 = arith.constant 176 : index
        %get3A_213 = tpu.vector_load %arg5[%get3A_211, %get3A_212] {strides = array<i32>} : memref<32x512xf32, #tpu.memory_space<vmem>>, vector<16xf32>,
        %add3A_214 = arith.constant 176 : i32
        %add3A_215 = vector.broadcast %add3A_214 : i32 to vector<16xi32>
        %add3A_216 = arith.addi %iota3A, %add3A_215 : vector<16xi32>
        %masked_sort3A_217 = arith.constant dense<true> : vector<16xi1>
        %masked_sort3A_218, %masked_sort3A_219, %masked_sort3A_220 = tpu.sort %get3A_213, %add3A_216 masked %masked_sort3A_217 {descending = true} : (vector<16xf32>, vector<16xi32>, vector<16xi1>) -> (vector<16xi1>, vector<16xf32>, vector<16xi32>)
        %get3A_221 = arith.index_cast %scan3A_102 : i32 to index
        %get3A_222 = arith.constant 192 : index
        %get3A_223 = tpu.vector_load %arg5[%get3A_221, %get3A_222] {strides = array<i32>} : memref<32x512xf32, #tpu.memory_space<vmem>>, vector<16xf32>,
        %add3A_224 = arith.constant 192 : i32
        %add3A_225 = vector.broadcast %add3A_224 : i32 to vector<16xi32>
        %add3A_226 = arith.addi %iota3A, %add3A_225 : vector<16xi32>
        %masked_sort3A_227 = arith.constant dense<true> : vector<16xi1>
        %masked_sort3A_228, %masked_sort3A_229, %masked_sort3A_230 = tpu.sort %get3A_223, %add3A_226 masked %masked_sort3A_227 : (vector<16xf32>, vector<16xi32>, vector<16xi1>) -> (vector<16xi1>, vector<16xf32>, vector<16xi32>)
        %get3A_231 = arith.index_cast %scan3A_102 : i32 to index
        %get3A_232 = arith.constant 208 : index
        %get3A_233 = tpu.vector_load %arg5[%get3A_231, %get3A_232] {strides = array<i32>} : memref<32x512xf32, #tpu.memory_space<vmem>>, vector<16xf32>,
        %add3A_234 = arith.constant 208 : i32
        %add3A_235 = vector.broadcast %add3A_234 : i32 to vector<16xi32>
        %add3A_236 = arith.addi %iota3A, %add3A_235 : vector<16xi32>
        %masked_sort3A_237 = arith.constant dense<true> : vector<16xi1>
        %masked_sort3A_238, %masked_sort3A_239, %masked_sort3A_240 = tpu.sort %get3A_233, %add3A_236 masked %masked_sort3A_237 {descending = true} : (vector<16xf32>, vector<16xi32>, vector<16xi1>) -> (vector<16xi1>, vector<16xf32>, vector<16xi32>)
        %get3A_241 = arith.index_cast %scan3A_102 : i32 to index
        %get3A_242 = arith.constant 224 : index
        %get3A_243 = tpu.vector_load %arg5[%get3A_241, %get3A_242] {strides = array<i32>} : memref<32x512xf32, #tpu.memory_space<vmem>>, vector<16xf32>,
        %add3A_244 = arith.constant 224 : i32
        %add3A_245 = vector.broadcast %add3A_244 : i32 to vector<16xi32>
        %add3A_246 = arith.addi %iota3A, %add3A_245 : vector<16xi32>
        %masked_sort3A_247 = arith.constant dense<true> : vector<16xi1>
        %masked_sort3A_248, %masked_sort3A_249, %masked_sort3A_250 = tpu.sort %get3A_243, %add3A_246 masked %masked_sort3A_247 : (vector<16xf32>, vector<16xi32>, vector<16xi1>) -> (vector<16xi1>, vector<16xf32>, vector<16xi32>)
        %get3A_251 = arith.index_cast %scan3A_102 : i32 to index
        %get3A_252 = arith.constant 240 : index
        %get3A_253 = tpu.vector_load %arg5[%get3A_251, %get3A_252] {strides = array<i32>} : memref<32x512xf32, #tpu.memory_space<vmem>>, vector<16xf32>,
        %add3A_254 = arith.constant 240 : i32
        %add3A_255 = vector.broadcast %add3A_254 : i32 to vector<16xi32>
        %add3A_256 = arith.addi %iota3A, %add3A_255 : vector<16xi32>
        %masked_sort3A_257 = arith.constant dense<true> : vector<16xi1>
        %masked_sort3A_258, %masked_sort3A_259, %masked_sort3A_260 = tpu.sort %get3A_253, %add3A_256 masked %masked_sort3A_257 {descending = true} : (vector<16xf32>, vector<16xi32>, vector<16xi1>) -> (vector<16xi1>, vector<16xf32>, vector<16xi32>)
        %get3A_261 = arith.index_cast %scan3A_102 : i32 to index
        %get3A_262 = arith.constant 256 : index
        %get3A_263 = tpu.vector_load %arg5[%get3A_261, %get3A_262] {strides = array<i32>} : memref<32x512xf32, #tpu.memory_space<vmem>>, vector<16xf32>,
        %add3A_264 = arith.constant 256 : i32
        %add3A_265 = vector.broadcast %add3A_264 : i32 to vector<16xi32>
        %add3A_266 = arith.addi %iota3A, %add3A_265 : vector<16xi32>
        %masked_sort3A_267 = arith.constant dense<true> : vector<16xi1>
        %masked_sort3A_268, %masked_sort3A_269, %masked_sort3A_270 = tpu.sort %get3A_263, %add3A_266 masked %masked_sort3A_267 : (vector<16xf32>, vector<16xi32>, vector<16xi1>) -> (vector<16xi1>, vector<16xf32>, vector<16xi32>)
        %get3A_271 = arith.index_cast %scan3A_102 : i32 to index
        %get3A_272 = arith.constant 272 : index
        %get3A_273 = tpu.vector_load %arg5[%get3A_271, %get3A_272] {strides = array<i32>} : memref<32x512xf32, #tpu.memory_space<vmem>>, vector<16xf32>,
        %add3A_274 = arith.constant 272 : i32
        %add3A_275 = vector.broadcast %add3A_274 : i32 to vector<16xi32>
        %add3A_276 = arith.addi %iota3A, %add3A_275 : vector<16xi32>
        %masked_sort3A_277 = arith.constant dense<true> : vector<16xi1>
        %masked_sort3A_278, %masked_sort3A_279, %masked_sort3A_280 = tpu.sort %get3A_273, %add3A_276 masked %masked_sort3A_277 {descending = true} : (vector<16xf32>, vector<16xi32>, vector<16xi1>) -> (vector<16xi1>, vector<16xf32>, vector<16xi32>)
        %get3A_281 = arith.index_cast %scan3A_102 : i32 to index
        %get3A_282 = arith.constant 288 : index
        %get3A_283 = tpu.vector_load %arg5[%get3A_281, %get3A_282] {strides = array<i32>} : memref<32x512xf32, #tpu.memory_space<vmem>>, vector<16xf32>,
        %add3A_284 = arith.constant 288 : i32
        %add3A_285 = vector.broadcast %add3A_284 : i32 to vector<16xi32>
        %add3A_286 = arith.addi %iota3A, %add3A_285 : vector<16xi32>
        %masked_sort3A_287 = arith.constant dense<true> : vector<16xi1>
        %masked_sort3A_288, %masked_sort3A_289, %masked_sort3A_290 = tpu.sort %get3A_283, %add3A_286 masked %masked_sort3A_287 : (vector<16xf32>, vector<16xi32>, vector<16xi1>) -> (vector<16xi1>, vector<16xf32>, vector<16xi32>)
        %get3A_291 = arith.index_cast %scan3A_102 : i32 to index
        %get3A_292 = arith.constant 304 : index
        %get3A_293 = tpu.vector_load %arg5[%get3A_291, %get3A_292] {strides = array<i32>} : memref<32x512xf32, #tpu.memory_space<vmem>>, vector<16xf32>,
        %add3A_294 = arith.constant 304 : i32
        %add3A_295 = vector.broadcast %add3A_294 : i32 to vector<16xi32>
        %add3A_296 = arith.addi %iota3A, %add3A_295 : vector<16xi32>
        %masked_sort3A_297 = arith.constant dense<true> : vector<16xi1>
        %masked_sort3A_298, %masked_sort3A_299, %masked_sort3A_300 = tpu.sort %get3A_293, %add3A_296 masked %masked_sort3A_297 {descending = true} : (vector<16xf32>, vector<16xi32>, vector<16xi1>) -> (vector<16xi1>, vector<16xf32>, vector<16xi32>)
        %get3A_301 = arith.index_cast %scan3A_102 : i32 to index
        %get3A_302 = arith.constant 320 : index
        %get3A_303 = tpu.vector_load %arg5[%get3A_301, %get3A_302] {strides = array<i32>} : memref<32x512xf32, #tpu.memory_space<vmem>>, vector<16xf32>,
        %add3A_304 = arith.constant 320 : i32
        %add3A_305 = vector.broadcast %add3A_304 : i32 to vector<16xi32>
        %add3A_306 = arith.addi %iota3A, %add3A_305 : vector<16xi32>
        %masked_sort3A_307 = arith.constant dense<true> : vector<16xi1>
        %masked_sort3A_308, %masked_sort3A_309, %masked_sort3A_310 = tpu.sort %get3A_303, %add3A_306 masked %masked_sort3A_307 : (vector<16xf32>, vector<16xi32>, vector<16xi1>) -> (vector<16xi1>, vector<16xf32>, vector<16xi32>)
        %get3A_311 = arith.index_cast %scan3A_102 : i32 to index
        %get3A_312 = arith.constant 336 : index
        %get3A_313 = tpu.vector_load %arg5[%get3A_311, %get3A_312] {strides = array<i32>} : memref<32x512xf32, #tpu.memory_space<vmem>>, vector<16xf32>,
        %add3A_314 = arith.constant 336 : i32
        %add3A_315 = vector.broadcast %add3A_314 : i32 to vector<16xi32>
        %add3A_316 = arith.addi %iota3A, %add3A_315 : vector<16xi32>
        %masked_sort3A_317 = arith.constant dense<true> : vector<16xi1>
        %masked_sort3A_318, %masked_sort3A_319, %masked_sort3A_320 = tpu.sort %get3A_313, %add3A_316 masked %masked_sort3A_317 {descending = true} : (vector<16xf32>, vector<16xi32>, vector<16xi1>) -> (vector<16xi1>, vector<16xf32>, vector<16xi32>)
        %get3A_321 = arith.index_cast %scan3A_102 : i32 to index
        %get3A_322 = arith.constant 352 : index
        %get3A_323 = tpu.vector_load %arg5[%get3A_321, %get3A_322] {strides = array<i32>} : memref<32x512xf32, #tpu.memory_space<vmem>>, vector<16xf32>,
        %add3A_324 = arith.constant 352 : i32
        %add3A_325 = vector.broadcast %add3A_324 : i32 to vector<16xi32>
        %add3A_326 = arith.addi %iota3A, %add3A_325 : vector<16xi32>
        %masked_sort3A_327 = arith.constant dense<true> : vector<16xi1>
        %masked_sort3A_328, %masked_sort3A_329, %masked_sort3A_330 = tpu.sort %get3A_323, %add3A_326 masked %masked_sort3A_327 : (vector<16xf32>, vector<16xi32>, vector<16xi1>) -> (vector<16xi1>, vector<16xf32>, vector<16xi32>)
        %get3A_331 = arith.index_cast %scan3A_102 : i32 to index
        %get3A_332 = arith.constant 368 : index
        %get3A_333 = tpu.vector_load %arg5[%get3A_331, %get3A_332] {strides = array<i32>} : memref<32x512xf32, #tpu.memory_space<vmem>>, vector<16xf32>,
        %add3A_334 = arith.constant 368 : i32
        %add3A_335 = vector.broadcast %add3A_334 : i32 to vector<16xi32>
        %add3A_336 = arith.addi %iota3A, %add3A_335 : vector<16xi32>
        %masked_sort3A_337 = arith.constant dense<true> : vector<16xi1>
        %masked_sort3A_338, %masked_sort3A_339, %masked_sort3A_340 = tpu.sort %get3A_333, %add3A_336 masked %masked_sort3A_337 {descending = true} : (vector<16xf32>, vector<16xi32>, vector<16xi1>) -> (vector<16xi1>, vector<16xf32>, vector<16xi32>)
        %get3A_341 = arith.index_cast %scan3A_102 : i32 to index
        %get3A_342 = arith.constant 384 : index
        %get3A_343 = tpu.vector_load %arg5[%get3A_341, %get3A_342] {strides = array<i32>} : memref<32x512xf32, #tpu.memory_space<vmem>>, vector<16xf32>,
        %add3A_344 = arith.constant 384 : i32
        %add3A_345 = vector.broadcast %add3A_344 : i32 to vector<16xi32>
        %add3A_346 = arith.addi %iota3A, %add3A_345 : vector<16xi32>
        %masked_sort3A_347 = arith.constant dense<true> : vector<16xi1>
        %masked_sort3A_348, %masked_sort3A_349, %masked_sort3A_350 = tpu.sort %get3A_343, %add3A_346 masked %masked_sort3A_347 : (vector<16xf32>, vector<16xi32>, vector<16xi1>) -> (vector<16xi1>, vector<16xf32>, vector<16xi32>)
        %get3A_351 = arith.index_cast %scan3A_102 : i32 to index
        %get3A_352 = arith.constant 400 : index
        %get3A_353 = tpu.vector_load %arg5[%get3A_351, %get3A_352] {strides = array<i32>} : memref<32x512xf32, #tpu.memory_space<vmem>>, vector<16xf32>,
        %add3A_354 = arith.constant 400 : i32
        %add3A_355 = vector.broadcast %add3A_354 : i32 to vector<16xi32>
        %add3A_356 = arith.addi %iota3A, %add3A_355 : vector<16xi32>
        %masked_sort3A_357 = arith.constant dense<true> : vector<16xi1>
        %masked_sort3A_358, %masked_sort3A_359, %masked_sort3A_360 = tpu.sort %get3A_353, %add3A_356 masked %masked_sort3A_357 {descending = true} : (vector<16xf32>, vector<16xi32>, vector<16xi1>) -> (vector<16xi1>, vector<16xf32>, vector<16xi32>)
        %get3A_361 = arith.index_cast %scan3A_102 : i32 to index
        %get3A_362 = arith.constant 416 : index
        %get3A_363 = tpu.vector_load %arg5[%get3A_361, %get3A_362] {strides = array<i32>} : memref<32x512xf32, #tpu.memory_space<vmem>>, vector<16xf32>,
        %add3A_364 = arith.constant 416 : i32
        %add3A_365 = vector.broadcast %add3A_364 : i32 to vector<16xi32>
        %add3A_366 = arith.addi %iota3A, %add3A_365 : vector<16xi32>
        %masked_sort3A_367 = arith.constant dense<true> : vector<16xi1>
        %masked_sort3A_368, %masked_sort3A_369, %masked_sort3A_370 = tpu.sort %get3A_363, %add3A_366 masked %masked_sort3A_367 : (vector<16xf32>, vector<16xi32>, vector<16xi1>) -> (vector<16xi1>, vector<16xf32>, vector<16xi32>)
        %get3A_371 = arith.index_cast %scan3A_102 : i32 to index
        %get3A_372 = arith.constant 432 : index
        %get3A_373 = tpu.vector_load %arg5[%get3A_371, %get3A_372] {strides = array<i32>} : memref<32x512xf32, #tpu.memory_space<vmem>>, vector<16xf32>,
        %add3A_374 = arith.constant 432 : i32
        %add3A_375 = vector.broadcast %add3A_374 : i32 to vector<16xi32>
        %add3A_376 = arith.addi %iota3A, %add3A_375 : vector<16xi32>
        %masked_sort3A_377 = arith.constant dense<true> : vector<16xi1>
        %masked_sort3A_378, %masked_sort3A_379, %masked_sort3A_380 = tpu.sort %get3A_373, %add3A_376 masked %masked_sort3A_377 {descending = true} : (vector<16xf32>, vector<16xi32>, vector<16xi1>) -> (vector<16xi1>, vector<16xf32>, vector<16xi32>)
        %get3A_381 = arith.index_cast %scan3A_102 : i32 to index
        %get3A_382 = arith.constant 448 : index
        %get3A_383 = tpu.vector_load %arg5[%get3A_381, %get3A_382] {strides = array<i32>} : memref<32x512xf32, #tpu.memory_space<vmem>>, vector<16xf32>,
        %add3A_384 = arith.constant 448 : i32
        %add3A_385 = vector.broadcast %add3A_384 : i32 to vector<16xi32>
        %add3A_386 = arith.addi %iota3A, %add3A_385 : vector<16xi32>
        %masked_sort3A_387 = arith.constant dense<true> : vector<16xi1>
        %masked_sort3A_388, %masked_sort3A_389, %masked_sort3A_390 = tpu.sort %get3A_383, %add3A_386 masked %masked_sort3A_387 : (vector<16xf32>, vector<16xi32>, vector<16xi1>) -> (vector<16xi1>, vector<16xf32>, vector<16xi32>)
        %get3A_391 = arith.index_cast %scan3A_102 : i32 to index
        %get3A_392 = arith.constant 464 : index
        %get3A_393 = tpu.vector_load %arg5[%get3A_391, %get3A_392] {strides = array<i32>} : memref<32x512xf32, #tpu.memory_space<vmem>>, vector<16xf32>,
        %add3A_394 = arith.constant 464 : i32
        %add3A_395 = vector.broadcast %add3A_394 : i32 to vector<16xi32>
        %add3A_396 = arith.addi %iota3A, %add3A_395 : vector<16xi32>
        %masked_sort3A_397 = arith.constant dense<true> : vector<16xi1>
        %masked_sort3A_398, %masked_sort3A_399, %masked_sort3A_400 = tpu.sort %get3A_393, %add3A_396 masked %masked_sort3A_397 {descending = true} : (vector<16xf32>, vector<16xi32>, vector<16xi1>) -> (vector<16xi1>, vector<16xf32>, vector<16xi32>)
        %get3A_401 = arith.index_cast %scan3A_102 : i32 to index
        %get3A_402 = arith.constant 480 : index
        %get3A_403 = tpu.vector_load %arg5[%get3A_401, %get3A_402] {strides = array<i32>} : memref<32x512xf32, #tpu.memory_space<vmem>>, vector<16xf32>,
        %add3A_404 = arith.constant 480 : i32
        %add3A_405 = vector.broadcast %add3A_404 : i32 to vector<16xi32>
        %add3A_406 = arith.addi %iota3A, %add3A_405 : vector<16xi32>
        %masked_sort3A_407 = arith.constant dense<true> : vector<16xi1>
        %masked_sort3A_408, %masked_sort3A_409, %masked_sort3A_410 = tpu.sort %get3A_403, %add3A_406 masked %masked_sort3A_407 : (vector<16xf32>, vector<16xi32>, vector<16xi1>) -> (vector<16xi1>, vector<16xf32>, vector<16xi32>)
        %get3A_411 = arith.index_cast %scan3A_102 : i32 to index
        %get3A_412 = arith.constant 496 : index
        %get3A_413 = tpu.vector_load %arg5[%get3A_411, %get3A_412] {strides = array<i32>} : memref<32x512xf32, #tpu.memory_space<vmem>>, vector<16xf32>,
        %add3A_414 = arith.constant 496 : i32
        %add3A_415 = vector.broadcast %add3A_414 : i32 to vector<16xi32>
        %add3A_416 = arith.addi %iota3A, %add3A_415 : vector<16xi32>
        %masked_sort3A_417 = arith.constant dense<true> : vector<16xi1>
        %masked_sort3A_418, %masked_sort3A_419, %masked_sort3A_420 = tpu.sort %get3A_413, %add3A_416 masked %masked_sort3A_417 {descending = true} : (vector<16xf32>, vector<16xi32>, vector<16xi1>) -> (vector<16xi1>, vector<16xf32>, vector<16xi32>)
        %ge3A_421 = arith.cmpf oge, %masked_sort3A_109, %masked_sort3A_119 : vector<16xf32>
        %select_n3A = arith.select %ge3A_421, %masked_sort3A_109, %masked_sort3A_119 : vector<16xi1>, vector<16xf32>
        %select_n3A_422 = arith.select %ge3A_421, %masked_sort3A_110, %masked_sort3A_120 : vector<16xi1>, vector<16xi32>
        %masked_sort3A_423 = arith.constant dense<true> : vector<16xi1>
        %masked_sort3A_424, %masked_sort3A_425, %masked_sort3A_426 = tpu.sort %select_n3A, %select_n3A_422 masked %masked_sort3A_423 : (vector<16xf32>, vector<16xi32>, vector<16xi1>) -> (vector<16xi1>, vector<16xf32>, vector<16xi32>)
        %ge3A_427 = arith.cmpf oge, %masked_sort3A_129, %masked_sort3A_139 : vector<16xf32>
        %select_n3A_428 = arith.select %ge3A_427, %masked_sort3A_129, %masked_sort3A_139 : vector<16xi1>, vector<16xf32>
        %select_n3A_429 = arith.select %ge3A_427, %masked_sort3A_130, %masked_sort3A_140 : vector<16xi1>, vector<16xi32>
        %masked_sort3A_430 = arith.constant dense<true> : vector<16xi1>
        %masked_sort3A_431, %masked_sort3A_432, %masked_sort3A_433 = tpu.sort %select_n3A_428, %select_n3A_429 masked %masked_sort3A_430 {descending = true} : (vector<16xf32>, vector<16xi32>, vector<16xi1>) -> (vector<16xi1>, vector<16xf32>, vector<16xi32>)
        %ge3A_434 = arith.cmpf oge, %masked_sort3A_149, %masked_sort3A_159 : vector<16xf32>
        %select_n3A_435 = arith.select %ge3A_434, %masked_sort3A_149, %masked_sort3A_159 : vector<16xi1>, vector<16xf32>
        %select_n3A_436 = arith.select %ge3A_434, %masked_sort3A_150, %masked_sort3A_160 : vector<16xi1>, vector<16xi32>
        %masked_sort3A_437 = arith.constant dense<true> : vector<16xi1>
        %masked_sort3A_438, %masked_sort3A_439, %masked_sort3A_440 = tpu.sort %select_n3A_435, %select_n3A_436 masked %masked_sort3A_437 : (vector<16xf32>, vector<16xi32>, vector<16xi1>) -> (vector<16xi1>, vector<16xf32>, vector<16xi32>)
        %ge3A_441 = arith.cmpf oge, %masked_sort3A_169, %masked_sort3A_179 : vector<16xf32>
        %select_n3A_442 = arith.select %ge3A_441, %masked_sort3A_169, %masked_sort3A_179 : vector<16xi1>, vector<16xf32>
        %select_n3A_443 = arith.select %ge3A_441, %masked_sort3A_170, %masked_sort3A_180 : vector<16xi1>, vector<16xi32>
        %masked_sort3A_444 = arith.constant dense<true> : vector<16xi1>
        %masked_sort3A_445, %masked_sort3A_446, %masked_sort3A_447 = tpu.sort %select_n3A_442, %select_n3A_443 masked %masked_sort3A_444 {descending = true} : (vector<16xf32>, vector<16xi32>, vector<16xi1>) -> (vector<16xi1>, vector<16xf32>, vector<16xi32>)
        %ge3A_448 = arith.cmpf oge, %masked_sort3A_189, %masked_sort3A_199 : vector<16xf32>
        %select_n3A_449 = arith.select %ge3A_448, %masked_sort3A_189, %masked_sort3A_199 : vector<16xi1>, vector<16xf32>
        %select_n3A_450 = arith.select %ge3A_448, %masked_sort3A_190, %masked_sort3A_200 : vector<16xi1>, vector<16xi32>
        %masked_sort3A_451 = arith.constant dense<true> : vector<16xi1>
        %masked_sort3A_452, %masked_sort3A_453, %masked_sort3A_454 = tpu.sort %select_n3A_449, %select_n3A_450 masked %masked_sort3A_451 : (vector<16xf32>, vector<16xi32>, vector<16xi1>) -> (vector<16xi1>, vector<16xf32>, vector<16xi32>)
        %ge3A_455 = arith.cmpf oge, %masked_sort3A_209, %masked_sort3A_219 : vector<16xf32>
        %select_n3A_456 = arith.select %ge3A_455, %masked_sort3A_209, %masked_sort3A_219 : vector<16xi1>, vector<16xf32>
        %select_n3A_457 = arith.select %ge3A_455, %masked_sort3A_210, %masked_sort3A_220 : vector<16xi1>, vector<16xi32>
        %masked_sort3A_458 = arith.constant dense<true> : vector<16xi1>
        %masked_sort3A_459, %masked_sort3A_460, %masked_sort3A_461 = tpu.sort %select_n3A_456, %select_n3A_457 masked %masked_sort3A_458 {descending = true} : (vector<16xf32>, vector<16xi32>, vector<16xi1>) -> (vector<16xi1>, vector<16xf32>, vector<16xi32>)
        %ge3A_462 = arith.cmpf oge, %masked_sort3A_229, %masked_sort3A_239 : vector<16xf32>
        %select_n3A_463 = arith.select %ge3A_462, %masked_sort3A_229, %masked_sort3A_239 : vector<16xi1>, vector<16xf32>
        %select_n3A_464 = arith.select %ge3A_462, %masked_sort3A_230, %masked_sort3A_240 : vector<16xi1>, vector<16xi32>
        %masked_sort3A_465 = arith.constant dense<true> : vector<16xi1>
        %masked_sort3A_466, %masked_sort3A_467, %masked_sort3A_468 = tpu.sort %select_n3A_463, %select_n3A_464 masked %masked_sort3A_465 : (vector<16xf32>, vector<16xi32>, vector<16xi1>) -> (vector<16xi1>, vector<16xf32>, vector<16xi32>)
        %ge3A_469 = arith.cmpf oge, %masked_sort3A_249, %masked_sort3A_259 : vector<16xf32>
        %select_n3A_470 = arith.select %ge3A_469, %masked_sort3A_249, %masked_sort3A_259 : vector<16xi1>, vector<16xf32>
        %select_n3A_471 = arith.select %ge3A_469, %masked_sort3A_250, %masked_sort3A_260 : vector<16xi1>, vector<16xi32>
        %masked_sort3A_472 = arith.constant dense<true> : vector<16xi1>
        %masked_sort3A_473, %masked_sort3A_474, %masked_sort3A_475 = tpu.sort %select_n3A_470, %select_n3A_471 masked %masked_sort3A_472 {descending = true} : (vector<16xf32>, vector<16xi32>, vector<16xi1>) -> (vector<16xi1>, vector<16xf32>, vector<16xi32>)
        %ge3A_476 = arith.cmpf oge, %masked_sort3A_269, %masked_sort3A_279 : vector<16xf32>
        %select_n3A_477 = arith.select %ge3A_476, %masked_sort3A_269, %masked_sort3A_279 : vector<16xi1>, vector<16xf32>
        %select_n3A_478 = arith.select %ge3A_476, %masked_sort3A_270, %masked_sort3A_280 : vector<16xi1>, vector<16xi32>
        %masked_sort3A_479 = arith.constant dense<true> : vector<16xi1>
        %masked_sort3A_480, %masked_sort3A_481, %masked_sort3A_482 = tpu.sort %select_n3A_477, %select_n3A_478 masked %masked_sort3A_479 : (vector<16xf32>, vector<16xi32>, vector<16xi1>) -> (vector<16xi1>, vector<16xf32>, vector<16xi32>)
        %ge3A_483 = arith.cmpf oge, %masked_sort3A_289, %masked_sort3A_299 : vector<16xf32>
        %select_n3A_484 = arith.select %ge3A_483, %masked_sort3A_289, %masked_sort3A_299 : vector<16xi1>, vector<16xf32>
        %select_n3A_485 = arith.select %ge3A_483, %masked_sort3A_290, %masked_sort3A_300 : vector<16xi1>, vector<16xi32>
        %masked_sort3A_486 = arith.constant dense<true> : vector<16xi1>
        %masked_sort3A_487, %masked_sort3A_488, %masked_sort3A_489 = tpu.sort %select_n3A_484, %select_n3A_485 masked %masked_sort3A_486 {descending = true} : (vector<16xf32>, vector<16xi32>, vector<16xi1>) -> (vector<16xi1>, vector<16xf32>, vector<16xi32>)
        %ge3A_490 = arith.cmpf oge, %masked_sort3A_309, %masked_sort3A_319 : vector<16xf32>
        %select_n3A_491 = arith.select %ge3A_490, %masked_sort3A_309, %masked_sort3A_319 : vector<16xi1>, vector<16xf32>
        %select_n3A_492 = arith.select %ge3A_490, %masked_sort3A_310, %masked_sort3A_320 : vector<16xi1>, vector<16xi32>
        %masked_sort3A_493 = arith.constant dense<true> : vector<16xi1>
        %masked_sort3A_494, %masked_sort3A_495, %masked_sort3A_496 = tpu.sort %select_n3A_491, %select_n3A_492 masked %masked_sort3A_493 : (vector<16xf32>, vector<16xi32>, vector<16xi1>) -> (vector<16xi1>, vector<16xf32>, vector<16xi32>)
        %ge3A_497 = arith.cmpf oge, %masked_sort3A_329, %masked_sort3A_339 : vector<16xf32>
        %select_n3A_498 = arith.select %ge3A_497, %masked_sort3A_329, %masked_sort3A_339 : vector<16xi1>, vector<16xf32>
        %select_n3A_499 = arith.select %ge3A_497, %masked_sort3A_330, %masked_sort3A_340 : vector<16xi1>, vector<16xi32>
        %masked_sort3A_500 = arith.constant dense<true> : vector<16xi1>
        %masked_sort3A_501, %masked_sort3A_502, %masked_sort3A_503 = tpu.sort %select_n3A_498, %select_n3A_499 masked %masked_sort3A_500 {descending = true} : (vector<16xf32>, vector<16xi32>, vector<16xi1>) -> (vector<16xi1>, vector<16xf32>, vector<16xi32>)
        %ge3A_504 = arith.cmpf oge, %masked_sort3A_349, %masked_sort3A_359 : vector<16xf32>
        %select_n3A_505 = arith.select %ge3A_504, %masked_sort3A_349, %masked_sort3A_359 : vector<16xi1>, vector<16xf32>
        %select_n3A_506 = arith.select %ge3A_504, %masked_sort3A_350, %masked_sort3A_360 : vector<16xi1>, vector<16xi32>
        %masked_sort3A_507 = arith.constant dense<true> : vector<16xi1>
        %masked_sort3A_508, %masked_sort3A_509, %masked_sort3A_510 = tpu.sort %select_n3A_505, %select_n3A_506 masked %masked_sort3A_507 : (vector<16xf32>, vector<16xi32>, vector<16xi1>) -> (vector<16xi1>, vector<16xf32>, vector<16xi32>)
        %ge3A_511 = arith.cmpf oge, %masked_sort3A_369, %masked_sort3A_379 : vector<16xf32>
        %select_n3A_512 = arith.select %ge3A_511, %masked_sort3A_369, %masked_sort3A_379 : vector<16xi1>, vector<16xf32>
        %select_n3A_513 = arith.select %ge3A_511, %masked_sort3A_370, %masked_sort3A_380 : vector<16xi1>, vector<16xi32>
        %masked_sort3A_514 = arith.constant dense<true> : vector<16xi1>
        %masked_sort3A_515, %masked_sort3A_516, %masked_sort3A_517 = tpu.sort %select_n3A_512, %select_n3A_513 masked %masked_sort3A_514 {descending = true} : (vector<16xf32>, vector<16xi32>, vector<16xi1>) -> (vector<16xi1>, vector<16xf32>, vector<16xi32>)
        %ge3A_518 = arith.cmpf oge, %masked_sort3A_389, %masked_sort3A_399 : vector<16xf32>
        %select_n3A_519 = arith.select %ge3A_518, %masked_sort3A_389, %masked_sort3A_399 : vector<16xi1>, vector<16xf32>
        %select_n3A_520 = arith.select %ge3A_518, %masked_sort3A_390, %masked_sort3A_400 : vector<16xi1>, vector<16xi32>
        %masked_sort3A_521 = arith.constant dense<true> : vector<16xi1>
        %masked_sort3A_522, %masked_sort3A_523, %masked_sort3A_524 = tpu.sort %select_n3A_519, %select_n3A_520 masked %masked_sort3A_521 : (vector<16xf32>, vector<16xi32>, vector<16xi1>) -> (vector<16xi1>, vector<16xf32>, vector<16xi32>)
        %ge3A_525 = arith.cmpf oge, %masked_sort3A_409, %masked_sort3A_419 : vector<16xf32>
        %select_n3A_526 = arith.select %ge3A_525, %masked_sort3A_409, %masked_sort3A_419 : vector<16xi1>, vector<16xf32>
        %select_n3A_527 = arith.select %ge3A_525, %masked_sort3A_410, %masked_sort3A_420 : vector<16xi1>, vector<16xi32>
        %masked_sort3A_528 = arith.constant dense<true> : vector<16xi1>
        %masked_sort3A_529, %masked_sort3A_530, %masked_sort3A_531 = tpu.sort %select_n3A_526, %select_n3A_527 masked %masked_sort3A_528 {descending = true} : (vector<16xf32>, vector<16xi32>, vector<16xi1>) -> (vector<16xi1>, vector<16xf32>, vector<16xi32>)
        %ge3A_532 = arith.cmpf oge, %masked_sort3A_425, %masked_sort3A_432 : vector<16xf32>
        %select_n3A_533 = arith.select %ge3A_532, %masked_sort3A_425, %masked_sort3A_432 : vector<16xi1>, vector<16xf32>
        %select_n3A_534 = arith.select %ge3A_532, %masked_sort3A_426, %masked_sort3A_433 : vector<16xi1>, vector<16xi32>
        %masked_sort3A_535 = arith.constant dense<true> : vector<16xi1>
        %masked_sort3A_536, %masked_sort3A_537, %masked_sort3A_538 = tpu.sort %select_n3A_533, %select_n3A_534 masked %masked_sort3A_535 : (vector<16xf32>, vector<16xi32>, vector<16xi1>) -> (vector<16xi1>, vector<16xf32>, vector<16xi32>)
        %ge3A_539 = arith.cmpf oge, %masked_sort3A_439, %masked_sort3A_446 : vector<16xf32>
        %select_n3A_540 = arith.select %ge3A_539, %masked_sort3A_439, %masked_sort3A_446 : vector<16xi1>, vector<16xf32>
        %select_n3A_541 = arith.select %ge3A_539, %masked_sort3A_440, %masked_sort3A_447 : vector<16xi1>, vector<16xi32>
        %masked_sort3A_542 = arith.constant dense<true> : vector<16xi1>
        %masked_sort3A_543, %masked_sort3A_544, %masked_sort3A_545 = tpu.sort %select_n3A_540, %select_n3A_541 masked %masked_sort3A_542 {descending = true} : (vector<16xf32>, vector<16xi32>, vector<16xi1>) -> (vector<16xi1>, vector<16xf32>, vector<16xi32>)
        %ge3A_546 = arith.cmpf oge, %masked_sort3A_453, %masked_sort3A_460 : vector<16xf32>
        %select_n3A_547 = arith.select %ge3A_546, %masked_sort3A_453, %masked_sort3A_460 : vector<16xi1>, vector<16xf32>
        %select_n3A_548 = arith.select %ge3A_546, %masked_sort3A_454, %masked_sort3A_461 : vector<16xi1>, vector<16xi32>
        %masked_sort3A_549 = arith.constant dense<true> : vector<16xi1>
        %masked_sort3A_550, %masked_sort3A_551, %masked_sort3A_552 = tpu.sort %select_n3A_547, %select_n3A_548 masked %masked_sort3A_549 : (vector<16xf32>, vector<16xi32>, vector<16xi1>) -> (vector<16xi1>, vector<16xf32>, vector<16xi32>)
        %ge3A_553 = arith.cmpf oge, %masked_sort3A_467, %masked_sort3A_474 : vector<16xf32>
        %select_n3A_554 = arith.select %ge3A_553, %masked_sort3A_467, %masked_sort3A_474 : vector<16xi1>, vector<16xf32>
        %select_n3A_555 = arith.select %ge3A_553, %masked_sort3A_468, %masked_sort3A_475 : vector<16xi1>, vector<16xi32>
        %masked_sort3A_556 = arith.constant dense<true> : vector<16xi1>
        %masked_sort3A_557, %masked_sort3A_558, %masked_sort3A_559 = tpu.sort %select_n3A_554, %select_n3A_555 masked %masked_sort3A_556 {descending = true} : (vector<16xf32>, vector<16xi32>, vector<16xi1>) -> (vector<16xi1>, vector<16xf32>, vector<16xi32>)
        %ge3A_560 = arith.cmpf oge, %masked_sort3A_481, %masked_sort3A_488 : vector<16xf32>
        %select_n3A_561 = arith.select %ge3A_560, %masked_sort3A_481, %masked_sort3A_488 : vector<16xi1>, vector<16xf32>
        %select_n3A_562 = arith.select %ge3A_560, %masked_sort3A_482, %masked_sort3A_489 : vector<16xi1>, vector<16xi32>
        %masked_sort3A_563 = arith.constant dense<true> : vector<16xi1>
        %masked_sort3A_564, %masked_sort3A_565, %masked_sort3A_566 = tpu.sort %select_n3A_561, %select_n3A_562 masked %masked_sort3A_563 : (vector<16xf32>, vector<16xi32>, vector<16xi1>) -> (vector<16xi1>, vector<16xf32>, vector<16xi32>)
        %ge3A_567 = arith.cmpf oge, %masked_sort3A_495, %masked_sort3A_502 : vector<16xf32>
        %select_n3A_568 = arith.select %ge3A_567, %masked_sort3A_495, %masked_sort3A_502 : vector<16xi1>, vector<16xf32>
        %select_n3A_569 = arith.select %ge3A_567, %masked_sort3A_496, %masked_sort3A_503 : vector<16xi1>, vector<16xi32>
        %masked_sort3A_570 = arith.constant dense<true> : vector<16xi1>
        %masked_sort3A_571, %masked_sort3A_572, %masked_sort3A_573 = tpu.sort %select_n3A_568, %select_n3A_569 masked %masked_sort3A_570 {descending = true} : (vector<16xf32>, vector<16xi32>, vector<16xi1>) -> (vector<16xi1>, vector<16xf32>, vector<16xi32>)
        %ge3A_574 = arith.cmpf oge, %masked_sort3A_509, %masked_sort3A_516 : vector<16xf32>
        %select_n3A_575 = arith.select %ge3A_574, %masked_sort3A_509, %masked_sort3A_516 : vector<16xi1>, vector<16xf32>
        %select_n3A_576 = arith.select %ge3A_574, %masked_sort3A_510, %masked_sort3A_517 : vector<16xi1>, vector<16xi32>
        %masked_sort3A_577 = arith.constant dense<true> : vector<16xi1>
        %masked_sort3A_578, %masked_sort3A_579, %masked_sort3A_580 = tpu.sort %select_n3A_575, %select_n3A_576 masked %masked_sort3A_577 : (vector<16xf32>, vector<16xi32>, vector<16xi1>) -> (vector<16xi1>, vector<16xf32>, vector<16xi32>)
        %ge3A_581 = arith.cmpf oge, %masked_sort3A_523, %masked_sort3A_530 : vector<16xf32>
        %select_n3A_582 = arith.select %ge3A_581, %masked_sort3A_523, %masked_sort3A_530 : vector<16xi1>, vector<16xf32>
        %select_n3A_583 = arith.select %ge3A_581, %masked_sort3A_524, %masked_sort3A_531 : vector<16xi1>, vector<16xi32>
        %masked_sort3A_584 = arith.constant dense<true> : vector<16xi1>
        %masked_sort3A_585, %masked_sort3A_586, %masked_sort3A_587 = tpu.sort %select_n3A_582, %select_n3A_583 masked %masked_sort3A_584 {descending = true} : (vector<16xf32>, vector<16xi32>, vector<16xi1>) -> (vector<16xi1>, vector<16xf32>, vector<16xi32>)
        %ge3A_588 = arith.cmpf oge, %masked_sort3A_537, %masked_sort3A_544 : vector<16xf32>
        %select_n3A_589 = arith.select %ge3A_588, %masked_sort3A_537, %masked_sort3A_544 : vector<16xi1>, vector<16xf32>
        %select_n3A_590 = arith.select %ge3A_588, %masked_sort3A_538, %masked_sort3A_545 : vector<16xi1>, vector<16xi32>
        %masked_sort3A_591 = arith.constant dense<true> : vector<16xi1>
        %masked_sort3A_592, %masked_sort3A_593, %masked_sort3A_594 = tpu.sort %select_n3A_589, %select_n3A_590 masked %masked_sort3A_591 : (vector<16xf32>, vector<16xi32>, vector<16xi1>) -> (vector<16xi1>, vector<16xf32>, vector<16xi32>)
        %ge3A_595 = arith.cmpf oge, %masked_sort3A_551, %masked_sort3A_558 : vector<16xf32>
        %select_n3A_596 = arith.select %ge3A_595, %masked_sort3A_551, %masked_sort3A_558 : vector<16xi1>, vector<16xf32>
        %select_n3A_597 = arith.select %ge3A_595, %masked_sort3A_552, %masked_sort3A_559 : vector<16xi1>, vector<16xi32>
        %masked_sort3A_598 = arith.constant dense<true> : vector<16xi1>
        %masked_sort3A_599, %masked_sort3A_600, %masked_sort3A_601 = tpu.sort %select_n3A_596, %select_n3A_597 masked %masked_sort3A_598 {descending = true} : (vector<16xf32>, vector<16xi32>, vector<16xi1>) -> (vector<16xi1>, vector<16xf32>, vector<16xi32>)
        %ge3A_602 = arith.cmpf oge, %masked_sort3A_565, %masked_sort3A_572 : vector<16xf32>
        %select_n3A_603 = arith.select %ge3A_602, %masked_sort3A_565, %masked_sort3A_572 : vector<16xi1>, vector<16xf32>
        %select_n3A_604 = arith.select %ge3A_602, %masked_sort3A_566, %masked_sort3A_573 : vector<16xi1>, vector<16xi32>
        %masked_sort3A_605 = arith.constant dense<true> : vector<16xi1>
        %masked_sort3A_606, %masked_sort3A_607, %masked_sort3A_608 = tpu.sort %select_n3A_603, %select_n3A_604 masked %masked_sort3A_605 : (vector<16xf32>, vector<16xi32>, vector<16xi1>) -> (vector<16xi1>, vector<16xf32>, vector<16xi32>)
        %ge3A_609 = arith.cmpf oge, %masked_sort3A_579, %masked_sort3A_586 : vector<16xf32>
        %select_n3A_610 = arith.select %ge3A_609, %masked_sort3A_579, %masked_sort3A_586 : vector<16xi1>, vector<16xf32>
        %select_n3A_611 = arith.select %ge3A_609, %masked_sort3A_580, %masked_sort3A_587 : vector<16xi1>, vector<16xi32>
        %masked_sort3A_612 = arith.constant dense<true> : vector<16xi1>
        %masked_sort3A_613, %masked_sort3A_614, %masked_sort3A_615 = tpu.sort %select_n3A_610, %select_n3A_611 masked %masked_sort3A_612 {descending = true} : (vector<16xf32>, vector<16xi32>, vector<16xi1>) -> (vector<16xi1>, vector<16xf32>, vector<16xi32>)
        %ge3A_616 = arith.cmpf oge, %masked_sort3A_593, %masked_sort3A_600 : vector<16xf32>
        %select_n3A_617 = arith.select %ge3A_616, %masked_sort3A_593, %masked_sort3A_600 : vector<16xi1>, vector<16xf32>
        %select_n3A_618 = arith.select %ge3A_616, %masked_sort3A_594, %masked_sort3A_601 : vector<16xi1>, vector<16xi32>
        %masked_sort3A_619 = arith.constant dense<true> : vector<16xi1>
        %masked_sort3A_620, %masked_sort3A_621, %masked_sort3A_622 = tpu.sort %select_n3A_617, %select_n3A_618 masked %masked_sort3A_619 : (vector<16xf32>, vector<16xi32>, vector<16xi1>) -> (vector<16xi1>, vector<16xf32>, vector<16xi32>)
        %ge3A_623 = arith.cmpf oge, %masked_sort3A_607, %masked_sort3A_614 : vector<16xf32>
        %select_n3A_624 = arith.select %ge3A_623, %masked_sort3A_607, %masked_sort3A_614 : vector<16xi1>, vector<16xf32>
        %select_n3A_625 = arith.select %ge3A_623, %masked_sort3A_608, %masked_sort3A_615 : vector<16xi1>, vector<16xi32>
        %masked_sort3A_626 = arith.constant dense<true> : vector<16xi1>
        %masked_sort3A_627, %masked_sort3A_628, %masked_sort3A_629 = tpu.sort %select_n3A_624, %select_n3A_625 masked %masked_sort3A_626 {descending = true} : (vector<16xf32>, vector<16xi32>, vector<16xi1>) -> (vector<16xi1>, vector<16xf32>, vector<16xi32>)
        %ge3A_630 = arith.cmpf oge, %masked_sort3A_621, %masked_sort3A_628 : vector<16xf32>
        %select_n3A_631 = arith.select %ge3A_630, %masked_sort3A_621, %masked_sort3A_628 : vector<16xi1>, vector<16xf32>
        %select_n3A_632 = arith.select %ge3A_630, %masked_sort3A_622, %masked_sort3A_629 : vector<16xi1>, vector<16xi32>
        %masked_sort3A_633 = arith.constant dense<true> : vector<16xi1>
        %masked_sort3A_634, %masked_sort3A_635, %masked_sort3A_636 = tpu.sort %select_n3A_631, %select_n3A_632 masked %masked_sort3A_633 {descending = true} : (vector<16xf32>, vector<16xi32>, vector<16xi1>) -> (vector<16xi1>, vector<16xf32>, vector<16xi32>)
        %slice3A = vector.extract_strided_slice %masked_sort3A_635 {offsets = [0], sizes = [1], strides = [1]} : vector<16xf32> to vector<1xf32>
        %squeeze3A = vector.extract %slice3A[0] : f32 from vector<1xf32>
        %sub3A = vector.broadcast %squeeze3A : f32 to vector<16xf32>
        %sub3A_637 = arith.subf %masked_sort3A_635, %sub3A : vector<16xf32>
        %exp3A = math.exp %sub3A_637 : vector<16xf32>
        %jit3A = arith.constant 0.000000e+00 : f32
        %broadcast_in_dim3A = vector.broadcast %jit3A : f32 to vector<16xf32>
        %select_n3A_638 = arith.select %lt3A_4, %exp3A, %broadcast_in_dim3A : vector<16xi1>, vector<16xf32>
        %reduce_sum3A = arith.constant true
        %reduce_sum3A_639 = vector.broadcast %reduce_sum3A : i1 to vector<16xi1>
        %reduce_sum3A_640 = tpu.scan <sum>, %select_n3A_638 masked %reduce_sum3A_639 : vector<16xf32>, vector<16xi1> -> vector<16xf32>
        %reduce_sum3A_641 = vector.extract %reduce_sum3A_640[15] : f32 from vector<16xf32>
        %div3A = vector.broadcast %reduce_sum3A_641 : f32 to vector<16xf32>
        %div3A_642 = arith.divf %select_n3A_638, %div3A : vector<16xf32>
        %mul3A_643 = arith.constant 128 : i32
        %mul3A_644 = arith.muli %scan3A_102, %mul3A_643 : i32
        %swap3A = arith.index_cast %mul3A_644 : i32 to index
        %swap3A_645 = tpu.vector_load %arg7[%swap3A] {strides = array<i32>} : memref<4096xi32, #tpu.memory_space<vmem>>, vector<16xi32>,
        tpu.vector_store %arg7[%swap3A], %masked_sort3A_636 {strides = array<i32>} : memref<4096xi32, #tpu.memory_space<vmem>>, vector<16xi32>,
        %swap3A_646 = arith.index_cast %mul3A_644 : i32 to index
        %swap3A_647 = tpu.vector_load %arg9[%swap3A_646] {strides = array<i32>} : memref<4096xf32, #tpu.memory_space<vmem>>, vector<16xf32>,
        tpu.vector_store %arg9[%swap3A_646], %div3A_642 {strides = array<i32>} : memref<4096xf32, #tpu.memory_space<vmem>>, vector<16xf32>,
        %scan3A_648 = arith.constant 1 : i32
        %scan3A_649 = arith.addi %scan3A_102, %scan3A_648 : i32
        %get3A_650 = arith.index_cast %scan3A_649 : i32 to index
        %get3A_651 = arith.constant 0 : index
        %get3A_652 = tpu.vector_load %arg5[%get3A_650, %get3A_651] {strides = array<i32>} : memref<32x512xf32, #tpu.memory_space<vmem>>, vector<16xf32>,
        %add3A_653 = arith.constant 0 : i32
        %add3A_654 = vector.broadcast %add3A_653 : i32 to vector<16xi32>
        %add3A_655 = arith.addi %iota3A, %add3A_654 : vector<16xi32>
        %masked_sort3A_656 = arith.constant dense<true> : vector<16xi1>
        %masked_sort3A_657, %masked_sort3A_658, %masked_sort3A_659 = tpu.sort %get3A_652, %add3A_655 masked %masked_sort3A_656 : (vector<16xf32>, vector<16xi32>, vector<16xi1>) -> (vector<16xi1>, vector<16xf32>, vector<16xi32>)
        %get3A_660 = arith.index_cast %scan3A_649 : i32 to index
        %get3A_661 = arith.constant 16 : index
        %get3A_662 = tpu.vector_load %arg5[%get3A_660, %get3A_661] {strides = array<i32>} : memref<32x512xf32, #tpu.memory_space<vmem>>, vector<16xf32>,
        %add3A_663 = arith.constant 16 : i32
        %add3A_664 = vector.broadcast %add3A_663 : i32 to vector<16xi32>
        %add3A_665 = arith.addi %iota3A, %add3A_664 : vector<16xi32>
        %masked_sort3A_666 = arith.constant dense<true> : vector<16xi1>
        %masked_sort3A_667, %masked_sort3A_668, %masked_sort3A_669 = tpu.sort %get3A_662, %add3A_665 masked %masked_sort3A_666 {descending = true} : (vector<16xf32>, vector<16xi32>, vector<16xi1>) -> (vector<16xi1>, vector<16xf32>, vector<16xi32>)
        %get3A_670 = arith.index_cast %scan3A_649 : i32 to index
        %get3A_671 = arith.constant 32 : index
        %get3A_672 = tpu.vector_load %arg5[%get3A_670, %get3A_671] {strides = array<i32>} : memref<32x512xf32, #tpu.memory_space<vmem>>, vector<16xf32>,
        %add3A_673 = arith.constant 32 : i32
        %add3A_674 = vector.broadcast %add3A_673 : i32 to vector<16xi32>
        %add3A_675 = arith.addi %iota3A, %add3A_674 : vector<16xi32>
        %masked_sort3A_676 = arith.constant dense<true> : vector<16xi1>
        %masked_sort3A_677, %masked_sort3A_678, %masked_sort3A_679 = tpu.sort %get3A_672, %add3A_675 masked %masked_sort3A_676 : (vector<16xf32>, vector<16xi32>, vector<16xi1>) -> (vector<16xi1>, vector<16xf32>, vector<16xi32>)
        %get3A_680 = arith.index_cast %scan3A_649 : i32 to index
        %get3A_681 = arith.constant 48 : index
        %get3A_682 = tpu.vector_load %arg5[%get3A_680, %get3A_681] {strides = array<i32>} : memref<32x512xf32, #tpu.memory_space<vmem>>, vector<16xf32>,
        %add3A_683 = arith.constant 48 : i32
        %add3A_684 = vector.broadcast %add3A_683 : i32 to vector<16xi32>
        %add3A_685 = arith.addi %iota3A, %add3A_684 : vector<16xi32>
        %masked_sort3A_686 = arith.constant dense<true> : vector<16xi1>
        %masked_sort3A_687, %masked_sort3A_688, %masked_sort3A_689 = tpu.sort %get3A_682, %add3A_685 masked %masked_sort3A_686 {descending = true} : (vector<16xf32>, vector<16xi32>, vector<16xi1>) -> (vector<16xi1>, vector<16xf32>, vector<16xi32>)
        %get3A_690 = arith.index_cast %scan3A_649 : i32 to index
        %get3A_691 = arith.constant 64 : index
        %get3A_692 = tpu.vector_load %arg5[%get3A_690, %get3A_691] {strides = array<i32>} : memref<32x512xf32, #tpu.memory_space<vmem>>, vector<16xf32>,
        %add3A_693 = arith.constant 64 : i32
        %add3A_694 = vector.broadcast %add3A_693 : i32 to vector<16xi32>
        %add3A_695 = arith.addi %iota3A, %add3A_694 : vector<16xi32>
        %masked_sort3A_696 = arith.constant dense<true> : vector<16xi1>
        %masked_sort3A_697, %masked_sort3A_698, %masked_sort3A_699 = tpu.sort %get3A_692, %add3A_695 masked %masked_sort3A_696 : (vector<16xf32>, vector<16xi32>, vector<16xi1>) -> (vector<16xi1>, vector<16xf32>, vector<16xi32>)
        %get3A_700 = arith.index_cast %scan3A_649 : i32 to index
        %get3A_701 = arith.constant 80 : index
        %get3A_702 = tpu.vector_load %arg5[%get3A_700, %get3A_701] {strides = array<i32>} : memref<32x512xf32, #tpu.memory_space<vmem>>, vector<16xf32>,
        %add3A_703 = arith.constant 80 : i32
        %add3A_704 = vector.broadcast %add3A_703 : i32 to vector<16xi32>
        %add3A_705 = arith.addi %iota3A, %add3A_704 : vector<16xi32>
        %masked_sort3A_706 = arith.constant dense<true> : vector<16xi1>
        %masked_sort3A_707, %masked_sort3A_708, %masked_sort3A_709 = tpu.sort %get3A_702, %add3A_705 masked %masked_sort3A_706 {descending = true} : (vector<16xf32>, vector<16xi32>, vector<16xi1>) -> (vector<16xi1>, vector<16xf32>, vector<16xi32>)
        %get3A_710 = arith.index_cast %scan3A_649 : i32 to index
        %get3A_711 = arith.constant 96 : index
        %get3A_712 = tpu.vector_load %arg5[%get3A_710, %get3A_711] {strides = array<i32>} : memref<32x512xf32, #tpu.memory_space<vmem>>, vector<16xf32>,
        %add3A_713 = arith.constant 96 : i32
        %add3A_714 = vector.broadcast %add3A_713 : i32 to vector<16xi32>
        %add3A_715 = arith.addi %iota3A, %add3A_714 : vector<16xi32>
        %masked_sort3A_716 = arith.constant dense<true> : vector<16xi1>
        %masked_sort3A_717, %masked_sort3A_718, %masked_sort3A_719 = tpu.sort %get3A_712, %add3A_715 masked %masked_sort3A_716 : (vector<16xf32>, vector<16xi32>, vector<16xi1>) -> (vector<16xi1>, vector<16xf32>, vector<16xi32>)
        %get3A_720 = arith.index_cast %scan3A_649 : i32 to index
        %get3A_721 = arith.constant 112 : index
        %get3A_722 = tpu.vector_load %arg5[%get3A_720, %get3A_721] {strides = array<i32>} : memref<32x512xf32, #tpu.memory_space<vmem>>, vector<16xf32>,
        %add3A_723 = arith.constant 112 : i32
        %add3A_724 = vector.broadcast %add3A_723 : i32 to vector<16xi32>
        %add3A_725 = arith.addi %iota3A, %add3A_724 : vector<16xi32>
        %masked_sort3A_726 = arith.constant dense<true> : vector<16xi1>
        %masked_sort3A_727, %masked_sort3A_728, %masked_sort3A_729 = tpu.sort %get3A_722, %add3A_725 masked %masked_sort3A_726 {descending = true} : (vector<16xf32>, vector<16xi32>, vector<16xi1>) -> (vector<16xi1>, vector<16xf32>, vector<16xi32>)
        %get3A_730 = arith.index_cast %scan3A_649 : i32 to index
        %get3A_731 = arith.constant 128 : index
        %get3A_732 = tpu.vector_load %arg5[%get3A_730, %get3A_731] {strides = array<i32>} : memref<32x512xf32, #tpu.memory_space<vmem>>, vector<16xf32>,
        %add3A_733 = arith.constant 128 : i32
        %add3A_734 = vector.broadcast %add3A_733 : i32 to vector<16xi32>
        %add3A_735 = arith.addi %iota3A, %add3A_734 : vector<16xi32>
        %masked_sort3A_736 = arith.constant dense<true> : vector<16xi1>
        %masked_sort3A_737, %masked_sort3A_738, %masked_sort3A_739 = tpu.sort %get3A_732, %add3A_735 masked %masked_sort3A_736 : (vector<16xf32>, vector<16xi32>, vector<16xi1>) -> (vector<16xi1>, vector<16xf32>, vector<16xi32>)
        %get3A_740 = arith.index_cast %scan3A_649 : i32 to index
        %get3A_741 = arith.constant 144 : index
        %get3A_742 = tpu.vector_load %arg5[%get3A_740, %get3A_741] {strides = array<i32>} : memref<32x512xf32, #tpu.memory_space<vmem>>, vector<16xf32>,
        %add3A_743 = arith.constant 144 : i32
        %add3A_744 = vector.broadcast %add3A_743 : i32 to vector<16xi32>
        %add3A_745 = arith.addi %iota3A, %add3A_744 : vector<16xi32>
        %masked_sort3A_746 = arith.constant dense<true> : vector<16xi1>
        %masked_sort3A_747, %masked_sort3A_748, %masked_sort3A_749 = tpu.sort %get3A_742, %add3A_745 masked %masked_sort3A_746 {descending = true} : (vector<16xf32>, vector<16xi32>, vector<16xi1>) -> (vector<16xi1>, vector<16xf32>, vector<16xi32>)
        %get3A_750 = arith.index_cast %scan3A_649 : i32 to index
        %get3A_751 = arith.constant 160 : index
        %get3A_752 = tpu.vector_load %arg5[%get3A_750, %get3A_751] {strides = array<i32>} : memref<32x512xf32, #tpu.memory_space<vmem>>, vector<16xf32>,
        %add3A_753 = arith.constant 160 : i32
        %add3A_754 = vector.broadcast %add3A_753 : i32 to vector<16xi32>
        %add3A_755 = arith.addi %iota3A, %add3A_754 : vector<16xi32>
        %masked_sort3A_756 = arith.constant dense<true> : vector<16xi1>
        %masked_sort3A_757, %masked_sort3A_758, %masked_sort3A_759 = tpu.sort %get3A_752, %add3A_755 masked %masked_sort3A_756 : (vector<16xf32>, vector<16xi32>, vector<16xi1>) -> (vector<16xi1>, vector<16xf32>, vector<16xi32>)
        %get3A_760 = arith.index_cast %scan3A_649 : i32 to index
        %get3A_761 = arith.constant 176 : index
        %get3A_762 = tpu.vector_load %arg5[%get3A_760, %get3A_761] {strides = array<i32>} : memref<32x512xf32, #tpu.memory_space<vmem>>, vector<16xf32>,
        %add3A_763 = arith.constant 176 : i32
        %add3A_764 = vector.broadcast %add3A_763 : i32 to vector<16xi32>
        %add3A_765 = arith.addi %iota3A, %add3A_764 : vector<16xi32>
        %masked_sort3A_766 = arith.constant dense<true> : vector<16xi1>
        %masked_sort3A_767, %masked_sort3A_768, %masked_sort3A_769 = tpu.sort %get3A_762, %add3A_765 masked %masked_sort3A_766 {descending = true} : (vector<16xf32>, vector<16xi32>, vector<16xi1>) -> (vector<16xi1>, vector<16xf32>, vector<16xi32>)
        %get3A_770 = arith.index_cast %scan3A_649 : i32 to index
        %get3A_771 = arith.constant 192 : index
        %get3A_772 = tpu.vector_load %arg5[%get3A_770, %get3A_771] {strides = array<i32>} : memref<32x512xf32, #tpu.memory_space<vmem>>, vector<16xf32>,
        %add3A_773 = arith.constant 192 : i32
        %add3A_774 = vector.broadcast %add3A_773 : i32 to vector<16xi32>
        %add3A_775 = arith.addi %iota3A, %add3A_774 : vector<16xi32>
        %masked_sort3A_776 = arith.constant dense<true> : vector<16xi1>
        %masked_sort3A_777, %masked_sort3A_778, %masked_sort3A_779 = tpu.sort %get3A_772, %add3A_775 masked %masked_sort3A_776 : (vector<16xf32>, vector<16xi32>, vector<16xi1>) -> (vector<16xi1>, vector<16xf32>, vector<16xi32>)
        %get3A_780 = arith.index_cast %scan3A_649 : i32 to index
        %get3A_781 = arith.constant 208 : index
        %get3A_782 = tpu.vector_load %arg5[%get3A_780, %get3A_781] {strides = array<i32>} : memref<32x512xf32, #tpu.memory_space<vmem>>, vector<16xf32>,
        %add3A_783 = arith.constant 208 : i32
        %add3A_784 = vector.broadcast %add3A_783 : i32 to vector<16xi32>
        %add3A_785 = arith.addi %iota3A, %add3A_784 : vector<16xi32>
        %masked_sort3A_786 = arith.constant dense<true> : vector<16xi1>
        %masked_sort3A_787, %masked_sort3A_788, %masked_sort3A_789 = tpu.sort %get3A_782, %add3A_785 masked %masked_sort3A_786 {descending = true} : (vector<16xf32>, vector<16xi32>, vector<16xi1>) -> (vector<16xi1>, vector<16xf32>, vector<16xi32>)
        %get3A_790 = arith.index_cast %scan3A_649 : i32 to index
        %get3A_791 = arith.constant 224 : index
        %get3A_792 = tpu.vector_load %arg5[%get3A_790, %get3A_791] {strides = array<i32>} : memref<32x512xf32, #tpu.memory_space<vmem>>, vector<16xf32>,
        %add3A_793 = arith.constant 224 : i32
        %add3A_794 = vector.broadcast %add3A_793 : i32 to vector<16xi32>
        %add3A_795 = arith.addi %iota3A, %add3A_794 : vector<16xi32>
        %masked_sort3A_796 = arith.constant dense<true> : vector<16xi1>
        %masked_sort3A_797, %masked_sort3A_798, %masked_sort3A_799 = tpu.sort %get3A_792, %add3A_795 masked %masked_sort3A_796 : (vector<16xf32>, vector<16xi32>, vector<16xi1>) -> (vector<16xi1>, vector<16xf32>, vector<16xi32>)
        %get3A_800 = arith.index_cast %scan3A_649 : i32 to index
        %get3A_801 = arith.constant 240 : index
        %get3A_802 = tpu.vector_load %arg5[%get3A_800, %get3A_801] {strides = array<i32>} : memref<32x512xf32, #tpu.memory_space<vmem>>, vector<16xf32>,
        %add3A_803 = arith.constant 240 : i32
        %add3A_804 = vector.broadcast %add3A_803 : i32 to vector<16xi32>
        %add3A_805 = arith.addi %iota3A, %add3A_804 : vector<16xi32>
        %masked_sort3A_806 = arith.constant dense<true> : vector<16xi1>
        %masked_sort3A_807, %masked_sort3A_808, %masked_sort3A_809 = tpu.sort %get3A_802, %add3A_805 masked %masked_sort3A_806 {descending = true} : (vector<16xf32>, vector<16xi32>, vector<16xi1>) -> (vector<16xi1>, vector<16xf32>, vector<16xi32>)
        %get3A_810 = arith.index_cast %scan3A_649 : i32 to index
        %get3A_811 = arith.constant 256 : index
        %get3A_812 = tpu.vector_load %arg5[%get3A_810, %get3A_811] {strides = array<i32>} : memref<32x512xf32, #tpu.memory_space<vmem>>, vector<16xf32>,
        %add3A_813 = arith.constant 256 : i32
        %add3A_814 = vector.broadcast %add3A_813 : i32 to vector<16xi32>
        %add3A_815 = arith.addi %iota3A, %add3A_814 : vector<16xi32>
        %masked_sort3A_816 = arith.constant dense<true> : vector<16xi1>
        %masked_sort3A_817, %masked_sort3A_818, %masked_sort3A_819 = tpu.sort %get3A_812, %add3A_815 masked %masked_sort3A_816 : (vector<16xf32>, vector<16xi32>, vector<16xi1>) -> (vector<16xi1>, vector<16xf32>, vector<16xi32>)
        %get3A_820 = arith.index_cast %scan3A_649 : i32 to index
        %get3A_821 = arith.constant 272 : index
        %get3A_822 = tpu.vector_load %arg5[%get3A_820, %get3A_821] {strides = array<i32>} : memref<32x512xf32, #tpu.memory_space<vmem>>, vector<16xf32>,
        %add3A_823 = arith.constant 272 : i32
        %add3A_824 = vector.broadcast %add3A_823 : i32 to vector<16xi32>
        %add3A_825 = arith.addi %iota3A, %add3A_824 : vector<16xi32>
        %masked_sort3A_826 = arith.constant dense<true> : vector<16xi1>
        %masked_sort3A_827, %masked_sort3A_828, %masked_sort3A_829 = tpu.sort %get3A_822, %add3A_825 masked %masked_sort3A_826 {descending = true} : (vector<16xf32>, vector<16xi32>, vector<16xi1>) -> (vector<16xi1>, vector<16xf32>, vector<16xi32>)
        %get3A_830 = arith.index_cast %scan3A_649 : i32 to index
        %get3A_831 = arith.constant 288 : index
        %get3A_832 = tpu.vector_load %arg5[%get3A_830, %get3A_831] {strides = array<i32>} : memref<32x512xf32, #tpu.memory_space<vmem>>, vector<16xf32>,
        %add3A_833 = arith.constant 288 : i32
        %add3A_834 = vector.broadcast %add3A_833 : i32 to vector<16xi32>
        %add3A_835 = arith.addi %iota3A, %add3A_834 : vector<16xi32>
        %masked_sort3A_836 = arith.constant dense<true> : vector<16xi1>
        %masked_sort3A_837, %masked_sort3A_838, %masked_sort3A_839 = tpu.sort %get3A_832, %add3A_835 masked %masked_sort3A_836 : (vector<16xf32>, vector<16xi32>, vector<16xi1>) -> (vector<16xi1>, vector<16xf32>, vector<16xi32>)
        %get3A_840 = arith.index_cast %scan3A_649 : i32 to index
        %get3A_841 = arith.constant 304 : index
        %get3A_842 = tpu.vector_load %arg5[%get3A_840, %get3A_841] {strides = array<i32>} : memref<32x512xf32, #tpu.memory_space<vmem>>, vector<16xf32>,
        %add3A_843 = arith.constant 304 : i32
        %add3A_844 = vector.broadcast %add3A_843 : i32 to vector<16xi32>
        %add3A_845 = arith.addi %iota3A, %add3A_844 : vector<16xi32>
        %masked_sort3A_846 = arith.constant dense<true> : vector<16xi1>
        %masked_sort3A_847, %masked_sort3A_848, %masked_sort3A_849 = tpu.sort %get3A_842, %add3A_845 masked %masked_sort3A_846 {descending = true} : (vector<16xf32>, vector<16xi32>, vector<16xi1>) -> (vector<16xi1>, vector<16xf32>, vector<16xi32>)
        %get3A_850 = arith.index_cast %scan3A_649 : i32 to index
        %get3A_851 = arith.constant 320 : index
        %get3A_852 = tpu.vector_load %arg5[%get3A_850, %get3A_851] {strides = array<i32>} : memref<32x512xf32, #tpu.memory_space<vmem>>, vector<16xf32>,
        %add3A_853 = arith.constant 320 : i32
        %add3A_854 = vector.broadcast %add3A_853 : i32 to vector<16xi32>
        %add3A_855 = arith.addi %iota3A, %add3A_854 : vector<16xi32>
        %masked_sort3A_856 = arith.constant dense<true> : vector<16xi1>
        %masked_sort3A_857, %masked_sort3A_858, %masked_sort3A_859 = tpu.sort %get3A_852, %add3A_855 masked %masked_sort3A_856 : (vector<16xf32>, vector<16xi32>, vector<16xi1>) -> (vector<16xi1>, vector<16xf32>, vector<16xi32>)
        %get3A_860 = arith.index_cast %scan3A_649 : i32 to index
        %get3A_861 = arith.constant 336 : index
        %get3A_862 = tpu.vector_load %arg5[%get3A_860, %get3A_861] {strides = array<i32>} : memref<32x512xf32, #tpu.memory_space<vmem>>, vector<16xf32>,
        %add3A_863 = arith.constant 336 : i32
        %add3A_864 = vector.broadcast %add3A_863 : i32 to vector<16xi32>
        %add3A_865 = arith.addi %iota3A, %add3A_864 : vector<16xi32>
        %masked_sort3A_866 = arith.constant dense<true> : vector<16xi1>
        %masked_sort3A_867, %masked_sort3A_868, %masked_sort3A_869 = tpu.sort %get3A_862, %add3A_865 masked %masked_sort3A_866 {descending = true} : (vector<16xf32>, vector<16xi32>, vector<16xi1>) -> (vector<16xi1>, vector<16xf32>, vector<16xi32>)
        %get3A_870 = arith.index_cast %scan3A_649 : i32 to index
        %get3A_871 = arith.constant 352 : index
        %get3A_872 = tpu.vector_load %arg5[%get3A_870, %get3A_871] {strides = array<i32>} : memref<32x512xf32, #tpu.memory_space<vmem>>, vector<16xf32>,
        %add3A_873 = arith.constant 352 : i32
        %add3A_874 = vector.broadcast %add3A_873 : i32 to vector<16xi32>
        %add3A_875 = arith.addi %iota3A, %add3A_874 : vector<16xi32>
        %masked_sort3A_876 = arith.constant dense<true> : vector<16xi1>
        %masked_sort3A_877, %masked_sort3A_878, %masked_sort3A_879 = tpu.sort %get3A_872, %add3A_875 masked %masked_sort3A_876 : (vector<16xf32>, vector<16xi32>, vector<16xi1>) -> (vector<16xi1>, vector<16xf32>, vector<16xi32>)
        %get3A_880 = arith.index_cast %scan3A_649 : i32 to index
        %get3A_881 = arith.constant 368 : index
        %get3A_882 = tpu.vector_load %arg5[%get3A_880, %get3A_881] {strides = array<i32>} : memref<32x512xf32, #tpu.memory_space<vmem>>, vector<16xf32>,
        %add3A_883 = arith.constant 368 : i32
        %add3A_884 = vector.broadcast %add3A_883 : i32 to vector<16xi32>
        %add3A_885 = arith.addi %iota3A, %add3A_884 : vector<16xi32>
        %masked_sort3A_886 = arith.constant dense<true> : vector<16xi1>
        %masked_sort3A_887, %masked_sort3A_888, %masked_sort3A_889 = tpu.sort %get3A_882, %add3A_885 masked %masked_sort3A_886 {descending = true} : (vector<16xf32>, vector<16xi32>, vector<16xi1>) -> (vector<16xi1>, vector<16xf32>, vector<16xi32>)
        %get3A_890 = arith.index_cast %scan3A_649 : i32 to index
        %get3A_891 = arith.constant 384 : index
        %get3A_892 = tpu.vector_load %arg5[%get3A_890, %get3A_891] {strides = array<i32>} : memref<32x512xf32, #tpu.memory_space<vmem>>, vector<16xf32>,
        %add3A_893 = arith.constant 384 : i32
        %add3A_894 = vector.broadcast %add3A_893 : i32 to vector<16xi32>
        %add3A_895 = arith.addi %iota3A, %add3A_894 : vector<16xi32>
        %masked_sort3A_896 = arith.constant dense<true> : vector<16xi1>
        %masked_sort3A_897, %masked_sort3A_898, %masked_sort3A_899 = tpu.sort %get3A_892, %add3A_895 masked %masked_sort3A_896 : (vector<16xf32>, vector<16xi32>, vector<16xi1>) -> (vector<16xi1>, vector<16xf32>, vector<16xi32>)
        %get3A_900 = arith.index_cast %scan3A_649 : i32 to index
        %get3A_901 = arith.constant 400 : index
        %get3A_902 = tpu.vector_load %arg5[%get3A_900, %get3A_901] {strides = array<i32>} : memref<32x512xf32, #tpu.memory_space<vmem>>, vector<16xf32>,
        %add3A_903 = arith.constant 400 : i32
        %add3A_904 = vector.broadcast %add3A_903 : i32 to vector<16xi32>
        %add3A_905 = arith.addi %iota3A, %add3A_904 : vector<16xi32>
        %masked_sort3A_906 = arith.constant dense<true> : vector<16xi1>
        %masked_sort3A_907, %masked_sort3A_908, %masked_sort3A_909 = tpu.sort %get3A_902, %add3A_905 masked %masked_sort3A_906 {descending = true} : (vector<16xf32>, vector<16xi32>, vector<16xi1>) -> (vector<16xi1>, vector<16xf32>, vector<16xi32>)
        %get3A_910 = arith.index_cast %scan3A_649 : i32 to index
        %get3A_911 = arith.constant 416 : index
        %get3A_912 = tpu.vector_load %arg5[%get3A_910, %get3A_911] {strides = array<i32>} : memref<32x512xf32, #tpu.memory_space<vmem>>, vector<16xf32>,
        %add3A_913 = arith.constant 416 : i32
        %add3A_914 = vector.broadcast %add3A_913 : i32 to vector<16xi32>
        %add3A_915 = arith.addi %iota3A, %add3A_914 : vector<16xi32>
        %masked_sort3A_916 = arith.constant dense<true> : vector<16xi1>
        %masked_sort3A_917, %masked_sort3A_918, %masked_sort3A_919 = tpu.sort %get3A_912, %add3A_915 masked %masked_sort3A_916 : (vector<16xf32>, vector<16xi32>, vector<16xi1>) -> (vector<16xi1>, vector<16xf32>, vector<16xi32>)
        %get3A_920 = arith.index_cast %scan3A_649 : i32 to index
        %get3A_921 = arith.constant 432 : index
        %get3A_922 = tpu.vector_load %arg5[%get3A_920, %get3A_921] {strides = array<i32>} : memref<32x512xf32, #tpu.memory_space<vmem>>, vector<16xf32>,
        %add3A_923 = arith.constant 432 : i32
        %add3A_924 = vector.broadcast %add3A_923 : i32 to vector<16xi32>
        %add3A_925 = arith.addi %iota3A, %add3A_924 : vector<16xi32>
        %masked_sort3A_926 = arith.constant dense<true> : vector<16xi1>
        %masked_sort3A_927, %masked_sort3A_928, %masked_sort3A_929 = tpu.sort %get3A_922, %add3A_925 masked %masked_sort3A_926 {descending = true} : (vector<16xf32>, vector<16xi32>, vector<16xi1>) -> (vector<16xi1>, vector<16xf32>, vector<16xi32>)
        %get3A_930 = arith.index_cast %scan3A_649 : i32 to index
        %get3A_931 = arith.constant 448 : index
        %get3A_932 = tpu.vector_load %arg5[%get3A_930, %get3A_931] {strides = array<i32>} : memref<32x512xf32, #tpu.memory_space<vmem>>, vector<16xf32>,
        %add3A_933 = arith.constant 448 : i32
        %add3A_934 = vector.broadcast %add3A_933 : i32 to vector<16xi32>
        %add3A_935 = arith.addi %iota3A, %add3A_934 : vector<16xi32>
        %masked_sort3A_936 = arith.constant dense<true> : vector<16xi1>
        %masked_sort3A_937, %masked_sort3A_938, %masked_sort3A_939 = tpu.sort %get3A_932, %add3A_935 masked %masked_sort3A_936 : (vector<16xf32>, vector<16xi32>, vector<16xi1>) -> (vector<16xi1>, vector<16xf32>, vector<16xi32>)
        %get3A_940 = arith.index_cast %scan3A_649 : i32 to index
        %get3A_941 = arith.constant 464 : index
        %get3A_942 = tpu.vector_load %arg5[%get3A_940, %get3A_941] {strides = array<i32>} : memref<32x512xf32, #tpu.memory_space<vmem>>, vector<16xf32>,
        %add3A_943 = arith.constant 464 : i32
        %add3A_944 = vector.broadcast %add3A_943 : i32 to vector<16xi32>
        %add3A_945 = arith.addi %iota3A, %add3A_944 : vector<16xi32>
        %masked_sort3A_946 = arith.constant dense<true> : vector<16xi1>
        %masked_sort3A_947, %masked_sort3A_948, %masked_sort3A_949 = tpu.sort %get3A_942, %add3A_945 masked %masked_sort3A_946 {descending = true} : (vector<16xf32>, vector<16xi32>, vector<16xi1>) -> (vector<16xi1>, vector<16xf32>, vector<16xi32>)
        %get3A_950 = arith.index_cast %scan3A_649 : i32 to index
        %get3A_951 = arith.constant 480 : index
        %get3A_952 = tpu.vector_load %arg5[%get3A_950, %get3A_951] {strides = array<i32>} : memref<32x512xf32, #tpu.memory_space<vmem>>, vector<16xf32>,
        %add3A_953 = arith.constant 480 : i32
        %add3A_954 = vector.broadcast %add3A_953 : i32 to vector<16xi32>
        %add3A_955 = arith.addi %iota3A, %add3A_954 : vector<16xi32>
        %masked_sort3A_956 = arith.constant dense<true> : vector<16xi1>
        %masked_sort3A_957, %masked_sort3A_958, %masked_sort3A_959 = tpu.sort %get3A_952, %add3A_955 masked %masked_sort3A_956 : (vector<16xf32>, vector<16xi32>, vector<16xi1>) -> (vector<16xi1>, vector<16xf32>, vector<16xi32>)
        %get3A_960 = arith.index_cast %scan3A_649 : i32 to index
        %get3A_961 = arith.constant 496 : index
        %get3A_962 = tpu.vector_load %arg5[%get3A_960, %get3A_961] {strides = array<i32>} : memref<32x512xf32, #tpu.memory_space<vmem>>, vector<16xf32>,
        %add3A_963 = arith.constant 496 : i32
        %add3A_964 = vector.broadcast %add3A_963 : i32 to vector<16xi32>
        %add3A_965 = arith.addi %iota3A, %add3A_964 : vector<16xi32>
        %masked_sort3A_966 = arith.constant dense<true> : vector<16xi1>
        %masked_sort3A_967, %masked_sort3A_968, %masked_sort3A_969 = tpu.sort %get3A_962, %add3A_965 masked %masked_sort3A_966 {descending = true} : (vector<16xf32>, vector<16xi32>, vector<16xi1>) -> (vector<16xi1>, vector<16xf32>, vector<16xi32>)
        %ge3A_970 = arith.cmpf oge, %masked_sort3A_658, %masked_sort3A_668 : vector<16xf32>
        %select_n3A_971 = arith.select %ge3A_970, %masked_sort3A_658, %masked_sort3A_668 : vector<16xi1>, vector<16xf32>
        %select_n3A_972 = arith.select %ge3A_970, %masked_sort3A_659, %masked_sort3A_669 : vector<16xi1>, vector<16xi32>
        %masked_sort3A_973 = arith.constant dense<true> : vector<16xi1>
        %masked_sort3A_974, %masked_sort3A_975, %masked_sort3A_976 = tpu.sort %select_n3A_971, %select_n3A_972 masked %masked_sort3A_973 : (vector<16xf32>, vector<16xi32>, vector<16xi1>) -> (vector<16xi1>, vector<16xf32>, vector<16xi32>)
        %ge3A_977 = arith.cmpf oge, %masked_sort3A_678, %masked_sort3A_688 : vector<16xf32>
        %select_n3A_978 = arith.select %ge3A_977, %masked_sort3A_678, %masked_sort3A_688 : vector<16xi1>, vector<16xf32>
        %select_n3A_979 = arith.select %ge3A_977, %masked_sort3A_679, %masked_sort3A_689 : vector<16xi1>, vector<16xi32>
        %masked_sort3A_980 = arith.constant dense<true> : vector<16xi1>
        %masked_sort3A_981, %masked_sort3A_982, %masked_sort3A_983 = tpu.sort %select_n3A_978, %select_n3A_979 masked %masked_sort3A_980 {descending = true} : (vector<16xf32>, vector<16xi32>, vector<16xi1>) -> (vector<16xi1>, vector<16xf32>, vector<16xi32>)
        %ge3A_984 = arith.cmpf oge, %masked_sort3A_698, %masked_sort3A_708 : vector<16xf32>
        %select_n3A_985 = arith.select %ge3A_984, %masked_sort3A_698, %masked_sort3A_708 : vector<16xi1>, vector<16xf32>
        %select_n3A_986 = arith.select %ge3A_984, %masked_sort3A_699, %masked_sort3A_709 : vector<16xi1>, vector<16xi32>
        %masked_sort3A_987 = arith.constant dense<true> : vector<16xi1>
        %masked_sort3A_988, %masked_sort3A_989, %masked_sort3A_990 = tpu.sort %select_n3A_985, %select_n3A_986 masked %masked_sort3A_987 : (vector<16xf32>, vector<16xi32>, vector<16xi1>) -> (vector<16xi1>, vector<16xf32>, vector<16xi32>)
        %ge3A_991 = arith.cmpf oge, %masked_sort3A_718, %masked_sort3A_728 : vector<16xf32>
        %select_n3A_992 = arith.select %ge3A_991, %masked_sort3A_718, %masked_sort3A_728 : vector<16xi1>, vector<16xf32>
        %select_n3A_993 = arith.select %ge3A_991, %masked_sort3A_719, %masked_sort3A_729 : vector<16xi1>, vector<16xi32>
        %masked_sort3A_994 = arith.constant dense<true> : vector<16xi1>
        %masked_sort3A_995, %masked_sort3A_996, %masked_sort3A_997 = tpu.sort %select_n3A_992, %select_n3A_993 masked %masked_sort3A_994 {descending = true} : (vector<16xf32>, vector<16xi32>, vector<16xi1>) -> (vector<16xi1>, vector<16xf32>, vector<16xi32>)
        %ge3A_998 = arith.cmpf oge, %masked_sort3A_738, %masked_sort3A_748 : vector<16xf32>
        %select_n3A_999 = arith.select %ge3A_998, %masked_sort3A_738, %masked_sort3A_748 : vector<16xi1>, vector<16xf32>
        %select_n3A_1000 = arith.select %ge3A_998, %masked_sort3A_739, %masked_sort3A_749 : vector<16xi1>, vector<16xi32>
        %masked_sort3A_1001 = arith.constant dense<true> : vector<16xi1>
        %masked_sort3A_1002, %masked_sort3A_1003, %masked_sort3A_1004 = tpu.sort %select_n3A_999, %select_n3A_1000 masked %masked_sort3A_1001 : (vector<16xf32>, vector<16xi32>, vector<16xi1>) -> (vector<16xi1>, vector<16xf32>, vector<16xi32>)
        %ge3A_1005 = arith.cmpf oge, %masked_sort3A_758, %masked_sort3A_768 : vector<16xf32>
        %select_n3A_1006 = arith.select %ge3A_1005, %masked_sort3A_758, %masked_sort3A_768 : vector<16xi1>, vector<16xf32>
        %select_n3A_1007 = arith.select %ge3A_1005, %masked_sort3A_759, %masked_sort3A_769 : vector<16xi1>, vector<16xi32>
        %masked_sort3A_1008 = arith.constant dense<true> : vector<16xi1>
        %masked_sort3A_1009, %masked_sort3A_1010, %masked_sort3A_1011 = tpu.sort %select_n3A_1006, %select_n3A_1007 masked %masked_sort3A_1008 {descending = true} : (vector<16xf32>, vector<16xi32>, vector<16xi1>) -> (vector<16xi1>, vector<16xf32>, vector<16xi32>)
        %ge3A_1012 = arith.cmpf oge, %masked_sort3A_778, %masked_sort3A_788 : vector<16xf32>
        %select_n3A_1013 = arith.select %ge3A_1012, %masked_sort3A_778, %masked_sort3A_788 : vector<16xi1>, vector<16xf32>
        %select_n3A_1014 = arith.select %ge3A_1012, %masked_sort3A_779, %masked_sort3A_789 : vector<16xi1>, vector<16xi32>
        %masked_sort3A_1015 = arith.constant dense<true> : vector<16xi1>
        %masked_sort3A_1016, %masked_sort3A_1017, %masked_sort3A_1018 = tpu.sort %select_n3A_1013, %select_n3A_1014 masked %masked_sort3A_1015 : (vector<16xf32>, vector<16xi32>, vector<16xi1>) -> (vector<16xi1>, vector<16xf32>, vector<16xi32>)
        %ge3A_1019 = arith.cmpf oge, %masked_sort3A_798, %masked_sort3A_808 : vector<16xf32>
        %select_n3A_1020 = arith.select %ge3A_1019, %masked_sort3A_798, %masked_sort3A_808 : vector<16xi1>, vector<16xf32>
        %select_n3A_1021 = arith.select %ge3A_1019, %masked_sort3A_799, %masked_sort3A_809 : vector<16xi1>, vector<16xi32>
        %masked_sort3A_1022 = arith.constant dense<true> : vector<16xi1>
        %masked_sort3A_1023, %masked_sort3A_1024, %masked_sort3A_1025 = tpu.sort %select_n3A_1020, %select_n3A_1021 masked %masked_sort3A_1022 {descending = true} : (vector<16xf32>, vector<16xi32>, vector<16xi1>) -> (vector<16xi1>, vector<16xf32>, vector<16xi32>)
        %ge3A_1026 = arith.cmpf oge, %masked_sort3A_818, %masked_sort3A_828 : vector<16xf32>
        %select_n3A_1027 = arith.select %ge3A_1026, %masked_sort3A_818, %masked_sort3A_828 : vector<16xi1>, vector<16xf32>
        %select_n3A_1028 = arith.select %ge3A_1026, %masked_sort3A_819, %masked_sort3A_829 : vector<16xi1>, vector<16xi32>
        %masked_sort3A_1029 = arith.constant dense<true> : vector<16xi1>
        %masked_sort3A_1030, %masked_sort3A_1031, %masked_sort3A_1032 = tpu.sort %select_n3A_1027, %select_n3A_1028 masked %masked_sort3A_1029 : (vector<16xf32>, vector<16xi32>, vector<16xi1>) -> (vector<16xi1>, vector<16xf32>, vector<16xi32>)
        %ge3A_1033 = arith.cmpf oge, %masked_sort3A_838, %masked_sort3A_848 : vector<16xf32>
        %select_n3A_1034 = arith.select %ge3A_1033, %masked_sort3A_838, %masked_sort3A_848 : vector<16xi1>, vector<16xf32>
        %select_n3A_1035 = arith.select %ge3A_1033, %masked_sort3A_839, %masked_sort3A_849 : vector<16xi1>, vector<16xi32>
        %masked_sort3A_1036 = arith.constant dense<true> : vector<16xi1>
        %masked_sort3A_1037, %masked_sort3A_1038, %masked_sort3A_1039 = tpu.sort %select_n3A_1034, %select_n3A_1035 masked %masked_sort3A_1036 {descending = true} : (vector<16xf32>, vector<16xi32>, vector<16xi1>) -> (vector<16xi1>, vector<16xf32>, vector<16xi32>)
        %ge3A_1040 = arith.cmpf oge, %masked_sort3A_858, %masked_sort3A_868 : vector<16xf32>
        %select_n3A_1041 = arith.select %ge3A_1040, %masked_sort3A_858, %masked_sort3A_868 : vector<16xi1>, vector<16xf32>
        %select_n3A_1042 = arith.select %ge3A_1040, %masked_sort3A_859, %masked_sort3A_869 : vector<16xi1>, vector<16xi32>
        %masked_sort3A_1043 = arith.constant dense<true> : vector<16xi1>
        %masked_sort3A_1044, %masked_sort3A_1045, %masked_sort3A_1046 = tpu.sort %select_n3A_1041, %select_n3A_1042 masked %masked_sort3A_1043 : (vector<16xf32>, vector<16xi32>, vector<16xi1>) -> (vector<16xi1>, vector<16xf32>, vector<16xi32>)
        %ge3A_1047 = arith.cmpf oge, %masked_sort3A_878, %masked_sort3A_888 : vector<16xf32>
        %select_n3A_1048 = arith.select %ge3A_1047, %masked_sort3A_878, %masked_sort3A_888 : vector<16xi1>, vector<16xf32>
        %select_n3A_1049 = arith.select %ge3A_1047, %masked_sort3A_879, %masked_sort3A_889 : vector<16xi1>, vector<16xi32>
        %masked_sort3A_1050 = arith.constant dense<true> : vector<16xi1>
        %masked_sort3A_1051, %masked_sort3A_1052, %masked_sort3A_1053 = tpu.sort %select_n3A_1048, %select_n3A_1049 masked %masked_sort3A_1050 {descending = true} : (vector<16xf32>, vector<16xi32>, vector<16xi1>) -> (vector<16xi1>, vector<16xf32>, vector<16xi32>)
        %ge3A_1054 = arith.cmpf oge, %masked_sort3A_898, %masked_sort3A_908 : vector<16xf32>
        %select_n3A_1055 = arith.select %ge3A_1054, %masked_sort3A_898, %masked_sort3A_908 : vector<16xi1>, vector<16xf32>
        %select_n3A_1056 = arith.select %ge3A_1054, %masked_sort3A_899, %masked_sort3A_909 : vector<16xi1>, vector<16xi32>
        %masked_sort3A_1057 = arith.constant dense<true> : vector<16xi1>
        %masked_sort3A_1058, %masked_sort3A_1059, %masked_sort3A_1060 = tpu.sort %select_n3A_1055, %select_n3A_1056 masked %masked_sort3A_1057 : (vector<16xf32>, vector<16xi32>, vector<16xi1>) -> (vector<16xi1>, vector<16xf32>, vector<16xi32>)
        %ge3A_1061 = arith.cmpf oge, %masked_sort3A_918, %masked_sort3A_928 : vector<16xf32>
        %select_n3A_1062 = arith.select %ge3A_1061, %masked_sort3A_918, %masked_sort3A_928 : vector<16xi1>, vector<16xf32>
        %select_n3A_1063 = arith.select %ge3A_1061, %masked_sort3A_919, %masked_sort3A_929 : vector<16xi1>, vector<16xi32>
        %masked_sort3A_1064 = arith.constant dense<true> : vector<16xi1>
        %masked_sort3A_1065, %masked_sort3A_1066, %masked_sort3A_1067 = tpu.sort %select_n3A_1062, %select_n3A_1063 masked %masked_sort3A_1064 {descending = true} : (vector<16xf32>, vector<16xi32>, vector<16xi1>) -> (vector<16xi1>, vector<16xf32>, vector<16xi32>)
        %ge3A_1068 = arith.cmpf oge, %masked_sort3A_938, %masked_sort3A_948 : vector<16xf32>
        %select_n3A_1069 = arith.select %ge3A_1068, %masked_sort3A_938, %masked_sort3A_948 : vector<16xi1>, vector<16xf32>
        %select_n3A_1070 = arith.select %ge3A_1068, %masked_sort3A_939, %masked_sort3A_949 : vector<16xi1>, vector<16xi32>
        %masked_sort3A_1071 = arith.constant dense<true> : vector<16xi1>
        %masked_sort3A_1072, %masked_sort3A_1073, %masked_sort3A_1074 = tpu.sort %select_n3A_1069, %select_n3A_1070 masked %masked_sort3A_1071 : (vector<16xf32>, vector<16xi32>, vector<16xi1>) -> (vector<16xi1>, vector<16xf32>, vector<16xi32>)
        %ge3A_1075 = arith.cmpf oge, %masked_sort3A_958, %masked_sort3A_968 : vector<16xf32>
        %select_n3A_1076 = arith.select %ge3A_1075, %masked_sort3A_958, %masked_sort3A_968 : vector<16xi1>, vector<16xf32>
        %select_n3A_1077 = arith.select %ge3A_1075, %masked_sort3A_959, %masked_sort3A_969 : vector<16xi1>, vector<16xi32>
        %masked_sort3A_1078 = arith.constant dense<true> : vector<16xi1>
        %masked_sort3A_1079, %masked_sort3A_1080, %masked_sort3A_1081 = tpu.sort %select_n3A_1076, %select_n3A_1077 masked %masked_sort3A_1078 {descending = true} : (vector<16xf32>, vector<16xi32>, vector<16xi1>) -> (vector<16xi1>, vector<16xf32>, vector<16xi32>)
        %ge3A_1082 = arith.cmpf oge, %masked_sort3A_975, %masked_sort3A_982 : vector<16xf32>
        %select_n3A_1083 = arith.select %ge3A_1082, %masked_sort3A_975, %masked_sort3A_982 : vector<16xi1>, vector<16xf32>
        %select_n3A_1084 = arith.select %ge3A_1082, %masked_sort3A_976, %masked_sort3A_983 : vector<16xi1>, vector<16xi32>
        %masked_sort3A_1085 = arith.constant dense<true> : vector<16xi1>
        %masked_sort3A_1086, %masked_sort3A_1087, %masked_sort3A_1088 = tpu.sort %select_n3A_1083, %select_n3A_1084 masked %masked_sort3A_1085 : (vector<16xf32>, vector<16xi32>, vector<16xi1>) -> (vector<16xi1>, vector<16xf32>, vector<16xi32>)
        %ge3A_1089 = arith.cmpf oge, %masked_sort3A_989, %masked_sort3A_996 : vector<16xf32>
        %select_n3A_1090 = arith.select %ge3A_1089, %masked_sort3A_989, %masked_sort3A_996 : vector<16xi1>, vector<16xf32>
        %select_n3A_1091 = arith.select %ge3A_1089, %masked_sort3A_990, %masked_sort3A_997 : vector<16xi1>, vector<16xi32>
        %masked_sort3A_1092 = arith.constant dense<true> : vector<16xi1>
        %masked_sort3A_1093, %masked_sort3A_1094, %masked_sort3A_1095 = tpu.sort %select_n3A_1090, %select_n3A_1091 masked %masked_sort3A_1092 {descending = true} : (vector<16xf32>, vector<16xi32>, vector<16xi1>) -> (vector<16xi1>, vector<16xf32>, vector<16xi32>)
        %ge3A_1096 = arith.cmpf oge, %masked_sort3A_1003, %masked_sort3A_1010 : vector<16xf32>
        %select_n3A_1097 = arith.select %ge3A_1096, %masked_sort3A_1003, %masked_sort3A_1010 : vector<16xi1>, vector<16xf32>
        %select_n3A_1098 = arith.select %ge3A_1096, %masked_sort3A_1004, %masked_sort3A_1011 : vector<16xi1>, vector<16xi32>
        %masked_sort3A_1099 = arith.constant dense<true> : vector<16xi1>
        %masked_sort3A_1100, %masked_sort3A_1101, %masked_sort3A_1102 = tpu.sort %select_n3A_1097, %select_n3A_1098 masked %masked_sort3A_1099 : (vector<16xf32>, vector<16xi32>, vector<16xi1>) -> (vector<16xi1>, vector<16xf32>, vector<16xi32>)
        %ge3A_1103 = arith.cmpf oge, %masked_sort3A_1017, %masked_sort3A_1024 : vector<16xf32>
        %select_n3A_1104 = arith.select %ge3A_1103, %masked_sort3A_1017, %masked_sort3A_1024 : vector<16xi1>, vector<16xf32>
        %select_n3A_1105 = arith.select %ge3A_1103, %masked_sort3A_1018, %masked_sort3A_1025 : vector<16xi1>, vector<16xi32>
        %masked_sort3A_1106 = arith.constant dense<true> : vector<16xi1>
        %masked_sort3A_1107, %masked_sort3A_1108, %masked_sort3A_1109 = tpu.sort %select_n3A_1104, %select_n3A_1105 masked %masked_sort3A_1106 {descending = true} : (vector<16xf32>, vector<16xi32>, vector<16xi1>) -> (vector<16xi1>, vector<16xf32>, vector<16xi32>)
        %ge3A_1110 = arith.cmpf oge, %masked_sort3A_1031, %masked_sort3A_1038 : vector<16xf32>
        %select_n3A_1111 = arith.select %ge3A_1110, %masked_sort3A_1031, %masked_sort3A_1038 : vector<16xi1>, vector<16xf32>
        %select_n3A_1112 = arith.select %ge3A_1110, %masked_sort3A_1032, %masked_sort3A_1039 : vector<16xi1>, vector<16xi32>
        %masked_sort3A_1113 = arith.constant dense<true> : vector<16xi1>
        %masked_sort3A_1114, %masked_sort3A_1115, %masked_sort3A_1116 = tpu.sort %select_n3A_1111, %select_n3A_1112 masked %masked_sort3A_1113 : (vector<16xf32>, vector<16xi32>, vector<16xi1>) -> (vector<16xi1>, vector<16xf32>, vector<16xi32>)
        %ge3A_1117 = arith.cmpf oge, %masked_sort3A_1045, %masked_sort3A_1052 : vector<16xf32>
        %select_n3A_1118 = arith.select %ge3A_1117, %masked_sort3A_1045, %masked_sort3A_1052 : vector<16xi1>, vector<16xf32>
        %select_n3A_1119 = arith.select %ge3A_1117, %masked_sort3A_1046, %masked_sort3A_1053 : vector<16xi1>, vector<16xi32>
        %masked_sort3A_1120 = arith.constant dense<true> : vector<16xi1>
        %masked_sort3A_1121, %masked_sort3A_1122, %masked_sort3A_1123 = tpu.sort %select_n3A_1118, %select_n3A_1119 masked %masked_sort3A_1120 {descending = true} : (vector<16xf32>, vector<16xi32>, vector<16xi1>) -> (vector<16xi1>, vector<16xf32>, vector<16xi32>)
        %ge3A_1124 = arith.cmpf oge, %masked_sort3A_1059, %masked_sort3A_1066 : vector<16xf32>
        %select_n3A_1125 = arith.select %ge3A_1124, %masked_sort3A_1059, %masked_sort3A_1066 : vector<16xi1>, vector<16xf32>
        %select_n3A_1126 = arith.select %ge3A_1124, %masked_sort3A_1060, %masked_sort3A_1067 : vector<16xi1>, vector<16xi32>
        %masked_sort3A_1127 = arith.constant dense<true> : vector<16xi1>
        %masked_sort3A_1128, %masked_sort3A_1129, %masked_sort3A_1130 = tpu.sort %select_n3A_1125, %select_n3A_1126 masked %masked_sort3A_1127 : (vector<16xf32>, vector<16xi32>, vector<16xi1>) -> (vector<16xi1>, vector<16xf32>, vector<16xi32>)
        %ge3A_1131 = arith.cmpf oge, %masked_sort3A_1073, %masked_sort3A_1080 : vector<16xf32>
        %select_n3A_1132 = arith.select %ge3A_1131, %masked_sort3A_1073, %masked_sort3A_1080 : vector<16xi1>, vector<16xf32>
        %select_n3A_1133 = arith.select %ge3A_1131, %masked_sort3A_1074, %masked_sort3A_1081 : vector<16xi1>, vector<16xi32>
        %masked_sort3A_1134 = arith.constant dense<true> : vector<16xi1>
        %masked_sort3A_1135, %masked_sort3A_1136, %masked_sort3A_1137 = tpu.sort %select_n3A_1132, %select_n3A_1133 masked %masked_sort3A_1134 {descending = true} : (vector<16xf32>, vector<16xi32>, vector<16xi1>) -> (vector<16xi1>, vector<16xf32>, vector<16xi32>)
        %ge3A_1138 = arith.cmpf oge, %masked_sort3A_1087, %masked_sort3A_1094 : vector<16xf32>
        %select_n3A_1139 = arith.select %ge3A_1138, %masked_sort3A_1087, %masked_sort3A_1094 : vector<16xi1>, vector<16xf32>
        %select_n3A_1140 = arith.select %ge3A_1138, %masked_sort3A_1088, %masked_sort3A_1095 : vector<16xi1>, vector<16xi32>
        %masked_sort3A_1141 = arith.constant dense<true> : vector<16xi1>
        %masked_sort3A_1142, %masked_sort3A_1143, %masked_sort3A_1144 = tpu.sort %select_n3A_1139, %select_n3A_1140 masked %masked_sort3A_1141 : (vector<16xf32>, vector<16xi32>, vector<16xi1>) -> (vector<16xi1>, vector<16xf32>, vector<16xi32>)
        %ge3A_1145 = arith.cmpf oge, %masked_sort3A_1101, %masked_sort3A_1108 : vector<16xf32>
        %select_n3A_1146 = arith.select %ge3A_1145, %masked_sort3A_1101, %masked_sort3A_1108 : vector<16xi1>, vector<16xf32>
        %select_n3A_1147 = arith.select %ge3A_1145, %masked_sort3A_1102, %masked_sort3A_1109 : vector<16xi1>, vector<16xi32>
        %masked_sort3A_1148 = arith.constant dense<true> : vector<16xi1>
        %masked_sort3A_1149, %masked_sort3A_1150, %masked_sort3A_1151 = tpu.sort %select_n3A_1146, %select_n3A_1147 masked %masked_sort3A_1148 {descending = true} : (vector<16xf32>, vector<16xi32>, vector<16xi1>) -> (vector<16xi1>, vector<16xf32>, vector<16xi32>)
        %ge3A_1152 = arith.cmpf oge, %masked_sort3A_1115, %masked_sort3A_1122 : vector<16xf32>
        %select_n3A_1153 = arith.select %ge3A_1152, %masked_sort3A_1115, %masked_sort3A_1122 : vector<16xi1>, vector<16xf32>
        %select_n3A_1154 = arith.select %ge3A_1152, %masked_sort3A_1116, %masked_sort3A_1123 : vector<16xi1>, vector<16xi32>
        %masked_sort3A_1155 = arith.constant dense<true> : vector<16xi1>
        %masked_sort3A_1156, %masked_sort3A_1157, %masked_sort3A_1158 = tpu.sort %select_n3A_1153, %select_n3A_1154 masked %masked_sort3A_1155 : (vector<16xf32>, vector<16xi32>, vector<16xi1>) -> (vector<16xi1>, vector<16xf32>, vector<16xi32>)
        %ge3A_1159 = arith.cmpf oge, %masked_sort3A_1129, %masked_sort3A_1136 : vector<16xf32>
        %select_n3A_1160 = arith.select %ge3A_1159, %masked_sort3A_1129, %masked_sort3A_1136 : vector<16xi1>, vector<16xf32>
        %select_n3A_1161 = arith.select %ge3A_1159, %masked_sort3A_1130, %masked_sort3A_1137 : vector<16xi1>, vector<16xi32>
        %masked_sort3A_1162 = arith.constant dense<true> : vector<16xi1>
        %masked_sort3A_1163, %masked_sort3A_1164, %masked_sort3A_1165 = tpu.sort %select_n3A_1160, %select_n3A_1161 masked %masked_sort3A_1162 {descending = true} : (vector<16xf32>, vector<16xi32>, vector<16xi1>) -> (vector<16xi1>, vector<16xf32>, vector<16xi32>)
        %ge3A_1166 = arith.cmpf oge, %masked_sort3A_1143, %masked_sort3A_1150 : vector<16xf32>
        %select_n3A_1167 = arith.select %ge3A_1166, %masked_sort3A_1143, %masked_sort3A_1150 : vector<16xi1>, vector<16xf32>
        %select_n3A_1168 = arith.select %ge3A_1166, %masked_sort3A_1144, %masked_sort3A_1151 : vector<16xi1>, vector<16xi32>
        %masked_sort3A_1169 = arith.constant dense<true> : vector<16xi1>
        %masked_sort3A_1170, %masked_sort3A_1171, %masked_sort3A_1172 = tpu.sort %select_n3A_1167, %select_n3A_1168 masked %masked_sort3A_1169 : (vector<16xf32>, vector<16xi32>, vector<16xi1>) -> (vector<16xi1>, vector<16xf32>, vector<16xi32>)
        %ge3A_1173 = arith.cmpf oge, %masked_sort3A_1157, %masked_sort3A_1164 : vector<16xf32>
        %select_n3A_1174 = arith.select %ge3A_1173, %masked_sort3A_1157, %masked_sort3A_1164 : vector<16xi1>, vector<16xf32>
        %select_n3A_1175 = arith.select %ge3A_1173, %masked_sort3A_1158, %masked_sort3A_1165 : vector<16xi1>, vector<16xi32>
        %masked_sort3A_1176 = arith.constant dense<true> : vector<16xi1>
        %masked_sort3A_1177, %masked_sort3A_1178, %masked_sort3A_1179 = tpu.sort %select_n3A_1174, %select_n3A_1175 masked %masked_sort3A_1176 {descending = true} : (vector<16xf32>, vector<16xi32>, vector<16xi1>) -> (vector<16xi1>, vector<16xf32>, vector<16xi32>)
        %ge3A_1180 = arith.cmpf oge, %masked_sort3A_1171, %masked_sort3A_1178 : vector<16xf32>
        %select_n3A_1181 = arith.select %ge3A_1180, %masked_sort3A_1171, %masked_sort3A_1178 : vector<16xi1>, vector<16xf32>
        %select_n3A_1182 = arith.select %ge3A_1180, %masked_sort3A_1172, %masked_sort3A_1179 : vector<16xi1>, vector<16xi32>
        %masked_sort3A_1183 = arith.constant dense<true> : vector<16xi1>
        %masked_sort3A_1184, %masked_sort3A_1185, %masked_sort3A_1186 = tpu.sort %select_n3A_1181, %select_n3A_1182 masked %masked_sort3A_1183 {descending = true} : (vector<16xf32>, vector<16xi32>, vector<16xi1>) -> (vector<16xi1>, vector<16xf32>, vector<16xi32>)
        %slice3A_1187 = vector.extract_strided_slice %masked_sort3A_1185 {offsets = [0], sizes = [1], strides = [1]} : vector<16xf32> to vector<1xf32>
        %squeeze3A_1188 = vector.extract %slice3A_1187[0] : f32 from vector<1xf32>
        %sub3A_1189 = vector.broadcast %squeeze3A_1188 : f32 to vector<16xf32>
        %sub3A_1190 = arith.subf %masked_sort3A_1185, %sub3A_1189 : vector<16xf32>
        %exp3A_1191 = math.exp %sub3A_1190 : vector<16xf32>
        %jit3A_1192 = arith.constant 0.000000e+00 : f32
        %broadcast_in_dim3A_1193 = vector.broadcast %jit3A_1192 : f32 to vector<16xf32>
        %select_n3A_1194 = arith.select %lt3A_4, %exp3A_1191, %broadcast_in_dim3A_1193 : vector<16xi1>, vector<16xf32>
        %reduce_sum3A_1195 = arith.constant true
        %reduce_sum3A_1196 = vector.broadcast %reduce_sum3A_1195 : i1 to vector<16xi1>
        %reduce_sum3A_1197 = tpu.scan <sum>, %select_n3A_1194 masked %reduce_sum3A_1196 : vector<16xf32>, vector<16xi1> -> vector<16xf32>
        %reduce_sum3A_1198 = vector.extract %reduce_sum3A_1197[15] : f32 from vector<16xf32>
        %div3A_1199 = vector.broadcast %reduce_sum3A_1198 : f32 to vector<16xf32>
        %div3A_1200 = arith.divf %select_n3A_1194, %div3A_1199 : vector<16xf32>
        %mul3A_1201 = arith.constant 128 : i32
        %mul3A_1202 = arith.muli %scan3A_649, %mul3A_1201 : i32
        %swap3A_1203 = arith.index_cast %mul3A_1202 : i32 to index
        %swap3A_1204 = tpu.vector_load %arg7[%swap3A_1203] {strides = array<i32>} : memref<4096xi32, #tpu.memory_space<vmem>>, vector<16xi32>,
        tpu.vector_store %arg7[%swap3A_1203], %masked_sort3A_1186 {strides = array<i32>} : memref<4096xi32, #tpu.memory_space<vmem>>, vector<16xi32>,
        %swap3A_1205 = arith.index_cast %mul3A_1202 : i32 to index
        %swap3A_1206 = tpu.vector_load %arg9[%swap3A_1205] {strides = array<i32>} : memref<4096xf32, #tpu.memory_space<vmem>>, vector<16xf32>,
        tpu.vector_store %arg9[%swap3A_1205], %div3A_1200 {strides = array<i32>} : memref<4096xf32, #tpu.memory_space<vmem>>, vector<16xf32>,
      }
      %scan3A_57 = arith.constant 32 : i32
      %mul3A_58 = arith.constant 128 : i32
      %mul3A_59 = arith.muli %add3A_51, %mul3A_58 : i32
      %dma_start3A_60 = tpu.memref_slice %arg3[%mul3A_59] : memref<1572864xi32, #tpu.memory_space<hbm>> -> memref<4096xi32, #tpu.memory_space<hbm>>
      %dma_start3A_61 = tpu.memref_slice %arg3[%mul3A_59] : memref<1572864xi32, #tpu.memory_space<hbm>> -> memref<4096xi32, #tpu.memory_space<hbm>>
      tpu.enqueue_dma source(%arg7 : memref<4096xi32, #tpu.memory_space<vmem>>) target(%dma_start3A_61 : memref<4096xi32, #tpu.memory_space<hbm>>) target_semaphore(%arg13 : memref<!tpu.dma_semaphore, #tpu.memory_space<semaphore_mem>>)
      %dma_start3A_62 = tpu.memref_slice %arg4[%mul3A_59] : memref<1572864xf32, #tpu.memory_space<hbm>> -> memref<4096xf32, #tpu.memory_space<hbm>>
      %dma_start3A_63 = tpu.memref_slice %arg4[%mul3A_59] : memref<1572864xf32, #tpu.memory_space<hbm>> -> memref<4096xf32, #tpu.memory_space<hbm>>
      tpu.enqueue_dma source(%arg9 : memref<4096xf32, #tpu.memory_space<vmem>>) target(%dma_start3A_63 : memref<4096xf32, #tpu.memory_space<hbm>>) target_semaphore(%arg13 : memref<!tpu.dma_semaphore, #tpu.memory_space<semaphore_mem>>)
      %mul3A_64 = arith.constant 2 : i32
      %mul3A_65 = arith.muli %mul3A_64, %scan3A_28 : i32
      %add3A_66 = arith.constant 1 : i32
      %add3A_67 = arith.addi %mul3A_65, %add3A_66 : i32
      %add3A_68 = arith.constant 1 : i32
      %add3A_69 = arith.addi %add3A_67, %add3A_68 : i32
      %lt3A_70 = arith.constant 12 : i32
      %lt3A_71 = arith.cmpi slt, %add3A_69, %lt3A_70 : i32
      %convert_element_type3A_72 = arith.extui %lt3A_71 : i1 to i32
      %cond3A_73 = arith.constant 0 : i32
      %cond3A_74 = arith.cmpi ne, %convert_element_type3A_72, %cond3A_73 : i32
      scf.if %cond3A_74 {
        %add3A_102 = arith.constant 1 : i32
        %add3A_103 = arith.addi %add3A_67, %add3A_102 : i32
        %mul3A_104 = arith.constant 32 : i32
        %mul3A_105 = arith.muli %add3A_103, %mul3A_104 : i32
        %add3A_106 = arith.addi %mul3A_2, %mul3A_105 : i32
        %dma_start3A_107 = arith.constant 0 : i32
        %dma_start3A_108 = tpu.memref_slice %arg2[%add3A_106, %dma_start3A_107] : memref<12288x512xf32, #tpu.memory_space<hbm>> -> memref<32x512xf32, #tpu.memory_space<hbm>>
        %dma_start3A_109 = arith.constant 0 : i32
        %dma_start3A_110 = tpu.memref_slice %arg2[%add3A_106, %dma_start3A_109] : memref<12288x512xf32, #tpu.memory_space<hbm>> -> memref<32x512xf32, #tpu.memory_space<hbm>>
        tpu.enqueue_dma source(%dma_start3A_110 : memref<32x512xf32, #tpu.memory_space<hbm>>) target(%arg5 : memref<32x512xf32, #tpu.memory_space<vmem>>) target_semaphore(%arg11 : memref<!tpu.dma_semaphore, #tpu.memory_space<semaphore_mem>>)
      } else {
      }
      %mul3A_75 = arith.constant 32 : i32
      %mul3A_76 = arith.muli %add3A_67, %mul3A_75 : i32
      %add3A_77 = arith.addi %mul3A_2, %mul3A_76 : i32
      %dma_wait3A_78 = arith.constant 0 : i32
      %dma_wait3A_79 = tpu.memref_slice %arg2[%add3A_77, %dma_wait3A_78] : memref<12288x512xf32, #tpu.memory_space<hbm>> -> memref<32x512xf32, #tpu.memory_space<hbm>>
      %dma_wait3A_80 = arith.constant 0 : i32
      %dma_wait3A_81 = tpu.memref_slice %arg2[%add3A_77, %dma_wait3A_80] : memref<12288x512xf32, #tpu.memory_space<hbm>> -> memref<32x512xf32, #tpu.memory_space<hbm>>
      tpu.wait_dma2 semaphore(%arg12 : memref<!tpu.dma_semaphore, #tpu.memory_space<semaphore_mem>>) src(%dma_wait3A_81 : memref<32x512xf32, #tpu.memory_space<hbm>>) dst(%arg6 : memref<32x512xf32, #tpu.memory_space<vmem>>)
      %ge3A_82 = arith.constant 2 : i32
      %ge3A_83 = arith.cmpi sge, %add3A_67, %ge3A_82 : i32
      %convert_element_type3A_84 = arith.extui %ge3A_83 : i1 to i32
      %cond3A_85 = arith.constant 0 : i32
      %cond3A_86 = arith.cmpi ne, %convert_element_type3A_84, %cond3A_85 : i32
      scf.if %cond3A_86 {
        %mul3A_102 = arith.constant 128 : i32
        %mul3A_103 = arith.muli %mul3A_2, %mul3A_102 : i32
        %dma_wait3A_104 = tpu.memref_slice %arg3[%mul3A_103] : memref<1572864xi32, #tpu.memory_space<hbm>> -> memref<4096xi32, #tpu.memory_space<hbm>>
        %dma_wait3A_105 = tpu.memref_slice %arg3[%mul3A_103] : memref<1572864xi32, #tpu.memory_space<hbm>> -> memref<4096xi32, #tpu.memory_space<hbm>>
        tpu.wait_dma2 semaphore(%arg14 : memref<!tpu.dma_semaphore, #tpu.memory_space<semaphore_mem>>) src(%arg8 : memref<4096xi32, #tpu.memory_space<vmem>>) dst(%dma_wait3A_105 : memref<4096xi32, #tpu.memory_space<hbm>>)
        %mul3A_106 = arith.constant 128 : i32
        %mul3A_107 = arith.muli %mul3A_2, %mul3A_106 : i32
        %dma_wait3A_108 = tpu.memref_slice %arg4[%mul3A_107] : memref<1572864xf32, #tpu.memory_space<hbm>> -> memref<4096xf32, #tpu.memory_space<hbm>>
        %dma_wait3A_109 = tpu.memref_slice %arg4[%mul3A_107] : memref<1572864xf32, #tpu.memory_space<hbm>> -> memref<4096xf32, #tpu.memory_space<hbm>>
        tpu.wait_dma2 semaphore(%arg14 : memref<!tpu.dma_semaphore, #tpu.memory_space<semaphore_mem>>) src(%arg10 : memref<4096xf32, #tpu.memory_space<vmem>>) dst(%dma_wait3A_109 : memref<4096xf32, #tpu.memory_space<hbm>>)
      } else {
      }
      %mul3A_87 = arith.constant 32 : i32
      %mul3A_88 = arith.muli %add3A_67, %mul3A_87 : i32
      %add3A_89 = arith.addi %mul3A_2, %mul3A_88 : i32
      %scan3A_90 = arith.constant 0 : i32
      %scan3A_91 = arith.constant 0 : i32
      %scan3A_92 = arith.constant 32 : i32
      %scan3A_93 = arith.addi %scan3A_91, %scan3A_92 : i32
      %scan3A_94 = arith.constant 2 : i32
      scf.for %scan3A_102 = %scan3A_91 to %scan3A_93 step %scan3A_94  : i32 {
        %get3A = arith.index_cast %scan3A_102 : i32 to index
        %get3A_103 = arith.constant 0 : index
        %get3A_104 = tpu.vector_load %arg6[%get3A, %get3A_103] {strides = array<i32>} : memref<32x512xf32, #tpu.memory_space<vmem>>, vector<16xf32>,
        %add3A_105 = arith.constant 0 : i32
        %add3A_106 = vector.broadcast %add3A_105 : i32 to vector<16xi32>
        %add3A_107 = arith.addi %iota3A, %add3A_106 : vector<16xi32>
        %masked_sort3A = arith.constant dense<true> : vector<16xi1>
        %masked_sort3A_108, %masked_sort3A_109, %masked_sort3A_110 = tpu.sort %get3A_104, %add3A_107 masked %masked_sort3A : (vector<16xf32>, vector<16xi32>, vector<16xi1>) -> (vector<16xi1>, vector<16xf32>, vector<16xi32>)
        %get3A_111 = arith.index_cast %scan3A_102 : i32 to index
        %get3A_112 = arith.constant 16 : index
        %get3A_113 = tpu.vector_load %arg6[%get3A_111, %get3A_112] {strides = array<i32>} : memref<32x512xf32, #tpu.memory_space<vmem>>, vector<16xf32>,
        %add3A_114 = arith.constant 16 : i32
        %add3A_115 = vector.broadcast %add3A_114 : i32 to vector<16xi32>
        %add3A_116 = arith.addi %iota3A, %add3A_115 : vector<16xi32>
        %masked_sort3A_117 = arith.constant dense<true> : vector<16xi1>
        %masked_sort3A_118, %masked_sort3A_119, %masked_sort3A_120 = tpu.sort %get3A_113, %add3A_116 masked %masked_sort3A_117 {descending = true} : (vector<16xf32>, vector<16xi32>, vector<16xi1>) -> (vector<16xi1>, vector<16xf32>, vector<16xi32>)
        %get3A_121 = arith.index_cast %scan3A_102 : i32 to index
        %get3A_122 = arith.constant 32 : index
        %get3A_123 = tpu.vector_load %arg6[%get3A_121, %get3A_122] {strides = array<i32>} : memref<32x512xf32, #tpu.memory_space<vmem>>, vector<16xf32>,
        %add3A_124 = arith.constant 32 : i32
        %add3A_125 = vector.broadcast %add3A_124 : i32 to vector<16xi32>
        %add3A_126 = arith.addi %iota3A, %add3A_125 : vector<16xi32>
        %masked_sort3A_127 = arith.constant dense<true> : vector<16xi1>
        %masked_sort3A_128, %masked_sort3A_129, %masked_sort3A_130 = tpu.sort %get3A_123, %add3A_126 masked %masked_sort3A_127 : (vector<16xf32>, vector<16xi32>, vector<16xi1>) -> (vector<16xi1>, vector<16xf32>, vector<16xi32>)
        %get3A_131 = arith.index_cast %scan3A_102 : i32 to index
        %get3A_132 = arith.constant 48 : index
        %get3A_133 = tpu.vector_load %arg6[%get3A_131, %get3A_132] {strides = array<i32>} : memref<32x512xf32, #tpu.memory_space<vmem>>, vector<16xf32>,
        %add3A_134 = arith.constant 48 : i32
        %add3A_135 = vector.broadcast %add3A_134 : i32 to vector<16xi32>
        %add3A_136 = arith.addi %iota3A, %add3A_135 : vector<16xi32>
        %masked_sort3A_137 = arith.constant dense<true> : vector<16xi1>
        %masked_sort3A_138, %masked_sort3A_139, %masked_sort3A_140 = tpu.sort %get3A_133, %add3A_136 masked %masked_sort3A_137 {descending = true} : (vector<16xf32>, vector<16xi32>, vector<16xi1>) -> (vector<16xi1>, vector<16xf32>, vector<16xi32>)
        %get3A_141 = arith.index_cast %scan3A_102 : i32 to index
        %get3A_142 = arith.constant 64 : index
        %get3A_143 = tpu.vector_load %arg6[%get3A_141, %get3A_142] {strides = array<i32>} : memref<32x512xf32, #tpu.memory_space<vmem>>, vector<16xf32>,
        %add3A_144 = arith.constant 64 : i32
        %add3A_145 = vector.broadcast %add3A_144 : i32 to vector<16xi32>
        %add3A_146 = arith.addi %iota3A, %add3A_145 : vector<16xi32>
        %masked_sort3A_147 = arith.constant dense<true> : vector<16xi1>
        %masked_sort3A_148, %masked_sort3A_149, %masked_sort3A_150 = tpu.sort %get3A_143, %add3A_146 masked %masked_sort3A_147 : (vector<16xf32>, vector<16xi32>, vector<16xi1>) -> (vector<16xi1>, vector<16xf32>, vector<16xi32>)
        %get3A_151 = arith.index_cast %scan3A_102 : i32 to index
        %get3A_152 = arith.constant 80 : index
        %get3A_153 = tpu.vector_load %arg6[%get3A_151, %get3A_152] {strides = array<i32>} : memref<32x512xf32, #tpu.memory_space<vmem>>, vector<16xf32>,
        %add3A_154 = arith.constant 80 : i32
        %add3A_155 = vector.broadcast %add3A_154 : i32 to vector<16xi32>
        %add3A_156 = arith.addi %iota3A, %add3A_155 : vector<16xi32>
        %masked_sort3A_157 = arith.constant dense<true> : vector<16xi1>
        %masked_sort3A_158, %masked_sort3A_159, %masked_sort3A_160 = tpu.sort %get3A_153, %add3A_156 masked %masked_sort3A_157 {descending = true} : (vector<16xf32>, vector<16xi32>, vector<16xi1>) -> (vector<16xi1>, vector<16xf32>, vector<16xi32>)
        %get3A_161 = arith.index_cast %scan3A_102 : i32 to index
        %get3A_162 = arith.constant 96 : index
        %get3A_163 = tpu.vector_load %arg6[%get3A_161, %get3A_162] {strides = array<i32>} : memref<32x512xf32, #tpu.memory_space<vmem>>, vector<16xf32>,
        %add3A_164 = arith.constant 96 : i32
        %add3A_165 = vector.broadcast %add3A_164 : i32 to vector<16xi32>
        %add3A_166 = arith.addi %iota3A, %add3A_165 : vector<16xi32>
        %masked_sort3A_167 = arith.constant dense<true> : vector<16xi1>
        %masked_sort3A_168, %masked_sort3A_169, %masked_sort3A_170 = tpu.sort %get3A_163, %add3A_166 masked %masked_sort3A_167 : (vector<16xf32>, vector<16xi32>, vector<16xi1>) -> (vector<16xi1>, vector<16xf32>, vector<16xi32>)
        %get3A_171 = arith.index_cast %scan3A_102 : i32 to index
        %get3A_172 = arith.constant 112 : index
        %get3A_173 = tpu.vector_load %arg6[%get3A_171, %get3A_172] {strides = array<i32>} : memref<32x512xf32, #tpu.memory_space<vmem>>, vector<16xf32>,
        %add3A_174 = arith.constant 112 : i32
        %add3A_175 = vector.broadcast %add3A_174 : i32 to vector<16xi32>
        %add3A_176 = arith.addi %iota3A, %add3A_175 : vector<16xi32>
        %masked_sort3A_177 = arith.constant dense<true> : vector<16xi1>
        %masked_sort3A_178, %masked_sort3A_179, %masked_sort3A_180 = tpu.sort %get3A_173, %add3A_176 masked %masked_sort3A_177 {descending = true} : (vector<16xf32>, vector<16xi32>, vector<16xi1>) -> (vector<16xi1>, vector<16xf32>, vector<16xi32>)
        %get3A_181 = arith.index_cast %scan3A_102 : i32 to index
        %get3A_182 = arith.constant 128 : index
        %get3A_183 = tpu.vector_load %arg6[%get3A_181, %get3A_182] {strides = array<i32>} : memref<32x512xf32, #tpu.memory_space<vmem>>, vector<16xf32>,
        %add3A_184 = arith.constant 128 : i32
        %add3A_185 = vector.broadcast %add3A_184 : i32 to vector<16xi32>
        %add3A_186 = arith.addi %iota3A, %add3A_185 : vector<16xi32>
        %masked_sort3A_187 = arith.constant dense<true> : vector<16xi1>
        %masked_sort3A_188, %masked_sort3A_189, %masked_sort3A_190 = tpu.sort %get3A_183, %add3A_186 masked %masked_sort3A_187 : (vector<16xf32>, vector<16xi32>, vector<16xi1>) -> (vector<16xi1>, vector<16xf32>, vector<16xi32>)
        %get3A_191 = arith.index_cast %scan3A_102 : i32 to index
        %get3A_192 = arith.constant 144 : index
        %get3A_193 = tpu.vector_load %arg6[%get3A_191, %get3A_192] {strides = array<i32>} : memref<32x512xf32, #tpu.memory_space<vmem>>, vector<16xf32>,
        %add3A_194 = arith.constant 144 : i32
        %add3A_195 = vector.broadcast %add3A_194 : i32 to vector<16xi32>
        %add3A_196 = arith.addi %iota3A, %add3A_195 : vector<16xi32>
        %masked_sort3A_197 = arith.constant dense<true> : vector<16xi1>
        %masked_sort3A_198, %masked_sort3A_199, %masked_sort3A_200 = tpu.sort %get3A_193, %add3A_196 masked %masked_sort3A_197 {descending = true} : (vector<16xf32>, vector<16xi32>, vector<16xi1>) -> (vector<16xi1>, vector<16xf32>, vector<16xi32>)
        %get3A_201 = arith.index_cast %scan3A_102 : i32 to index
        %get3A_202 = arith.constant 160 : index
        %get3A_203 = tpu.vector_load %arg6[%get3A_201, %get3A_202] {strides = array<i32>} : memref<32x512xf32, #tpu.memory_space<vmem>>, vector<16xf32>,
        %add3A_204 = arith.constant 160 : i32
        %add3A_205 = vector.broadcast %add3A_204 : i32 to vector<16xi32>
        %add3A_206 = arith.addi %iota3A, %add3A_205 : vector<16xi32>
        %masked_sort3A_207 = arith.constant dense<true> : vector<16xi1>
        %masked_sort3A_208, %masked_sort3A_209, %masked_sort3A_210 = tpu.sort %get3A_203, %add3A_206 masked %masked_sort3A_207 : (vector<16xf32>, vector<16xi32>, vector<16xi1>) -> (vector<16xi1>, vector<16xf32>, vector<16xi32>)
        %get3A_211 = arith.index_cast %scan3A_102 : i32 to index
        %get3A_212 = arith.constant 176 : index
        %get3A_213 = tpu.vector_load %arg6[%get3A_211, %get3A_212] {strides = array<i32>} : memref<32x512xf32, #tpu.memory_space<vmem>>, vector<16xf32>,
        %add3A_214 = arith.constant 176 : i32
        %add3A_215 = vector.broadcast %add3A_214 : i32 to vector<16xi32>
        %add3A_216 = arith.addi %iota3A, %add3A_215 : vector<16xi32>
        %masked_sort3A_217 = arith.constant dense<true> : vector<16xi1>
        %masked_sort3A_218, %masked_sort3A_219, %masked_sort3A_220 = tpu.sort %get3A_213, %add3A_216 masked %masked_sort3A_217 {descending = true} : (vector<16xf32>, vector<16xi32>, vector<16xi1>) -> (vector<16xi1>, vector<16xf32>, vector<16xi32>)
        %get3A_221 = arith.index_cast %scan3A_102 : i32 to index
        %get3A_222 = arith.constant 192 : index
        %get3A_223 = tpu.vector_load %arg6[%get3A_221, %get3A_222] {strides = array<i32>} : memref<32x512xf32, #tpu.memory_space<vmem>>, vector<16xf32>,
        %add3A_224 = arith.constant 192 : i32
        %add3A_225 = vector.broadcast %add3A_224 : i32 to vector<16xi32>
        %add3A_226 = arith.addi %iota3A, %add3A_225 : vector<16xi32>
        %masked_sort3A_227 = arith.constant dense<true> : vector<16xi1>
        %masked_sort3A_228, %masked_sort3A_229, %masked_sort3A_230 = tpu.sort %get3A_223, %add3A_226 masked %masked_sort3A_227 : (vector<16xf32>, vector<16xi32>, vector<16xi1>) -> (vector<16xi1>, vector<16xf32>, vector<16xi32>)
        %get3A_231 = arith.index_cast %scan3A_102 : i32 to index
        %get3A_232 = arith.constant 208 : index
        %get3A_233 = tpu.vector_load %arg6[%get3A_231, %get3A_232] {strides = array<i32>} : memref<32x512xf32, #tpu.memory_space<vmem>>, vector<16xf32>,
        %add3A_234 = arith.constant 208 : i32
        %add3A_235 = vector.broadcast %add3A_234 : i32 to vector<16xi32>
        %add3A_236 = arith.addi %iota3A, %add3A_235 : vector<16xi32>
        %masked_sort3A_237 = arith.constant dense<true> : vector<16xi1>
        %masked_sort3A_238, %masked_sort3A_239, %masked_sort3A_240 = tpu.sort %get3A_233, %add3A_236 masked %masked_sort3A_237 {descending = true} : (vector<16xf32>, vector<16xi32>, vector<16xi1>) -> (vector<16xi1>, vector<16xf32>, vector<16xi32>)
        %get3A_241 = arith.index_cast %scan3A_102 : i32 to index
        %get3A_242 = arith.constant 224 : index
        %get3A_243 = tpu.vector_load %arg6[%get3A_241, %get3A_242] {strides = array<i32>} : memref<32x512xf32, #tpu.memory_space<vmem>>, vector<16xf32>,
        %add3A_244 = arith.constant 224 : i32
        %add3A_245 = vector.broadcast %add3A_244 : i32 to vector<16xi32>
        %add3A_246 = arith.addi %iota3A, %add3A_245 : vector<16xi32>
        %masked_sort3A_247 = arith.constant dense<true> : vector<16xi1>
        %masked_sort3A_248, %masked_sort3A_249, %masked_sort3A_250 = tpu.sort %get3A_243, %add3A_246 masked %masked_sort3A_247 : (vector<16xf32>, vector<16xi32>, vector<16xi1>) -> (vector<16xi1>, vector<16xf32>, vector<16xi32>)
        %get3A_251 = arith.index_cast %scan3A_102 : i32 to index
        %get3A_252 = arith.constant 240 : index
        %get3A_253 = tpu.vector_load %arg6[%get3A_251, %get3A_252] {strides = array<i32>} : memref<32x512xf32, #tpu.memory_space<vmem>>, vector<16xf32>,
        %add3A_254 = arith.constant 240 : i32
        %add3A_255 = vector.broadcast %add3A_254 : i32 to vector<16xi32>
        %add3A_256 = arith.addi %iota3A, %add3A_255 : vector<16xi32>
        %masked_sort3A_257 = arith.constant dense<true> : vector<16xi1>
        %masked_sort3A_258, %masked_sort3A_259, %masked_sort3A_260 = tpu.sort %get3A_253, %add3A_256 masked %masked_sort3A_257 {descending = true} : (vector<16xf32>, vector<16xi32>, vector<16xi1>) -> (vector<16xi1>, vector<16xf32>, vector<16xi32>)
        %get3A_261 = arith.index_cast %scan3A_102 : i32 to index
        %get3A_262 = arith.constant 256 : index
        %get3A_263 = tpu.vector_load %arg6[%get3A_261, %get3A_262] {strides = array<i32>} : memref<32x512xf32, #tpu.memory_space<vmem>>, vector<16xf32>,
        %add3A_264 = arith.constant 256 : i32
        %add3A_265 = vector.broadcast %add3A_264 : i32 to vector<16xi32>
        %add3A_266 = arith.addi %iota3A, %add3A_265 : vector<16xi32>
        %masked_sort3A_267 = arith.constant dense<true> : vector<16xi1>
        %masked_sort3A_268, %masked_sort3A_269, %masked_sort3A_270 = tpu.sort %get3A_263, %add3A_266 masked %masked_sort3A_267 : (vector<16xf32>, vector<16xi32>, vector<16xi1>) -> (vector<16xi1>, vector<16xf32>, vector<16xi32>)
        %get3A_271 = arith.index_cast %scan3A_102 : i32 to index
        %get3A_272 = arith.constant 272 : index
        %get3A_273 = tpu.vector_load %arg6[%get3A_271, %get3A_272] {strides = array<i32>} : memref<32x512xf32, #tpu.memory_space<vmem>>, vector<16xf32>,
        %add3A_274 = arith.constant 272 : i32
        %add3A_275 = vector.broadcast %add3A_274 : i32 to vector<16xi32>
        %add3A_276 = arith.addi %iota3A, %add3A_275 : vector<16xi32>
        %masked_sort3A_277 = arith.constant dense<true> : vector<16xi1>
        %masked_sort3A_278, %masked_sort3A_279, %masked_sort3A_280 = tpu.sort %get3A_273, %add3A_276 masked %masked_sort3A_277 {descending = true} : (vector<16xf32>, vector<16xi32>, vector<16xi1>) -> (vector<16xi1>, vector<16xf32>, vector<16xi32>)
        %get3A_281 = arith.index_cast %scan3A_102 : i32 to index
        %get3A_282 = arith.constant 288 : index
        %get3A_283 = tpu.vector_load %arg6[%get3A_281, %get3A_282] {strides = array<i32>} : memref<32x512xf32, #tpu.memory_space<vmem>>, vector<16xf32>,
        %add3A_284 = arith.constant 288 : i32
        %add3A_285 = vector.broadcast %add3A_284 : i32 to vector<16xi32>
        %add3A_286 = arith.addi %iota3A, %add3A_285 : vector<16xi32>
        %masked_sort3A_287 = arith.constant dense<true> : vector<16xi1>
        %masked_sort3A_288, %masked_sort3A_289, %masked_sort3A_290 = tpu.sort %get3A_283, %add3A_286 masked %masked_sort3A_287 : (vector<16xf32>, vector<16xi32>, vector<16xi1>) -> (vector<16xi1>, vector<16xf32>, vector<16xi32>)
        %get3A_291 = arith.index_cast %scan3A_102 : i32 to index
        %get3A_292 = arith.constant 304 : index
        %get3A_293 = tpu.vector_load %arg6[%get3A_291, %get3A_292] {strides = array<i32>} : memref<32x512xf32, #tpu.memory_space<vmem>>, vector<16xf32>,
        %add3A_294 = arith.constant 304 : i32
        %add3A_295 = vector.broadcast %add3A_294 : i32 to vector<16xi32>
        %add3A_296 = arith.addi %iota3A, %add3A_295 : vector<16xi32>
        %masked_sort3A_297 = arith.constant dense<true> : vector<16xi1>
        %masked_sort3A_298, %masked_sort3A_299, %masked_sort3A_300 = tpu.sort %get3A_293, %add3A_296 masked %masked_sort3A_297 {descending = true} : (vector<16xf32>, vector<16xi32>, vector<16xi1>) -> (vector<16xi1>, vector<16xf32>, vector<16xi32>)
        %get3A_301 = arith.index_cast %scan3A_102 : i32 to index
        %get3A_302 = arith.constant 320 : index
        %get3A_303 = tpu.vector_load %arg6[%get3A_301, %get3A_302] {strides = array<i32>} : memref<32x512xf32, #tpu.memory_space<vmem>>, vector<16xf32>,
        %add3A_304 = arith.constant 320 : i32
        %add3A_305 = vector.broadcast %add3A_304 : i32 to vector<16xi32>
        %add3A_306 = arith.addi %iota3A, %add3A_305 : vector<16xi32>
        %masked_sort3A_307 = arith.constant dense<true> : vector<16xi1>
        %masked_sort3A_308, %masked_sort3A_309, %masked_sort3A_310 = tpu.sort %get3A_303, %add3A_306 masked %masked_sort3A_307 : (vector<16xf32>, vector<16xi32>, vector<16xi1>) -> (vector<16xi1>, vector<16xf32>, vector<16xi32>)
        %get3A_311 = arith.index_cast %scan3A_102 : i32 to index
        %get3A_312 = arith.constant 336 : index
        %get3A_313 = tpu.vector_load %arg6[%get3A_311, %get3A_312] {strides = array<i32>} : memref<32x512xf32, #tpu.memory_space<vmem>>, vector<16xf32>,
        %add3A_314 = arith.constant 336 : i32
        %add3A_315 = vector.broadcast %add3A_314 : i32 to vector<16xi32>
        %add3A_316 = arith.addi %iota3A, %add3A_315 : vector<16xi32>
        %masked_sort3A_317 = arith.constant dense<true> : vector<16xi1>
        %masked_sort3A_318, %masked_sort3A_319, %masked_sort3A_320 = tpu.sort %get3A_313, %add3A_316 masked %masked_sort3A_317 {descending = true} : (vector<16xf32>, vector<16xi32>, vector<16xi1>) -> (vector<16xi1>, vector<16xf32>, vector<16xi32>)
        %get3A_321 = arith.index_cast %scan3A_102 : i32 to index
        %get3A_322 = arith.constant 352 : index
        %get3A_323 = tpu.vector_load %arg6[%get3A_321, %get3A_322] {strides = array<i32>} : memref<32x512xf32, #tpu.memory_space<vmem>>, vector<16xf32>,
        %add3A_324 = arith.constant 352 : i32
        %add3A_325 = vector.broadcast %add3A_324 : i32 to vector<16xi32>
        %add3A_326 = arith.addi %iota3A, %add3A_325 : vector<16xi32>
        %masked_sort3A_327 = arith.constant dense<true> : vector<16xi1>
        %masked_sort3A_328, %masked_sort3A_329, %masked_sort3A_330 = tpu.sort %get3A_323, %add3A_326 masked %masked_sort3A_327 : (vector<16xf32>, vector<16xi32>, vector<16xi1>) -> (vector<16xi1>, vector<16xf32>, vector<16xi32>)
        %get3A_331 = arith.index_cast %scan3A_102 : i32 to index
        %get3A_332 = arith.constant 368 : index
        %get3A_333 = tpu.vector_load %arg6[%get3A_331, %get3A_332] {strides = array<i32>} : memref<32x512xf32, #tpu.memory_space<vmem>>, vector<16xf32>,
        %add3A_334 = arith.constant 368 : i32
        %add3A_335 = vector.broadcast %add3A_334 : i32 to vector<16xi32>
        %add3A_336 = arith.addi %iota3A, %add3A_335 : vector<16xi32>
        %masked_sort3A_337 = arith.constant dense<true> : vector<16xi1>
        %masked_sort3A_338, %masked_sort3A_339, %masked_sort3A_340 = tpu.sort %get3A_333, %add3A_336 masked %masked_sort3A_337 {descending = true} : (vector<16xf32>, vector<16xi32>, vector<16xi1>) -> (vector<16xi1>, vector<16xf32>, vector<16xi32>)
        %get3A_341 = arith.index_cast %scan3A_102 : i32 to index
        %get3A_342 = arith.constant 384 : index
        %get3A_343 = tpu.vector_load %arg6[%get3A_341, %get3A_342] {strides = array<i32>} : memref<32x512xf32, #tpu.memory_space<vmem>>, vector<16xf32>,
        %add3A_344 = arith.constant 384 : i32
        %add3A_345 = vector.broadcast %add3A_344 : i32 to vector<16xi32>
        %add3A_346 = arith.addi %iota3A, %add3A_345 : vector<16xi32>
        %masked_sort3A_347 = arith.constant dense<true> : vector<16xi1>
        %masked_sort3A_348, %masked_sort3A_349, %masked_sort3A_350 = tpu.sort %get3A_343, %add3A_346 masked %masked_sort3A_347 : (vector<16xf32>, vector<16xi32>, vector<16xi1>) -> (vector<16xi1>, vector<16xf32>, vector<16xi32>)
        %get3A_351 = arith.index_cast %scan3A_102 : i32 to index
        %get3A_352 = arith.constant 400 : index
        %get3A_353 = tpu.vector_load %arg6[%get3A_351, %get3A_352] {strides = array<i32>} : memref<32x512xf32, #tpu.memory_space<vmem>>, vector<16xf32>,
        %add3A_354 = arith.constant 400 : i32
        %add3A_355 = vector.broadcast %add3A_354 : i32 to vector<16xi32>
        %add3A_356 = arith.addi %iota3A, %add3A_355 : vector<16xi32>
        %masked_sort3A_357 = arith.constant dense<true> : vector<16xi1>
        %masked_sort3A_358, %masked_sort3A_359, %masked_sort3A_360 = tpu.sort %get3A_353, %add3A_356 masked %masked_sort3A_357 {descending = true} : (vector<16xf32>, vector<16xi32>, vector<16xi1>) -> (vector<16xi1>, vector<16xf32>, vector<16xi32>)
        %get3A_361 = arith.index_cast %scan3A_102 : i32 to index
        %get3A_362 = arith.constant 416 : index
        %get3A_363 = tpu.vector_load %arg6[%get3A_361, %get3A_362] {strides = array<i32>} : memref<32x512xf32, #tpu.memory_space<vmem>>, vector<16xf32>,
        %add3A_364 = arith.constant 416 : i32
        %add3A_365 = vector.broadcast %add3A_364 : i32 to vector<16xi32>
        %add3A_366 = arith.addi %iota3A, %add3A_365 : vector<16xi32>
        %masked_sort3A_367 = arith.constant dense<true> : vector<16xi1>
        %masked_sort3A_368, %masked_sort3A_369, %masked_sort3A_370 = tpu.sort %get3A_363, %add3A_366 masked %masked_sort3A_367 : (vector<16xf32>, vector<16xi32>, vector<16xi1>) -> (vector<16xi1>, vector<16xf32>, vector<16xi32>)
        %get3A_371 = arith.index_cast %scan3A_102 : i32 to index
        %get3A_372 = arith.constant 432 : index
        %get3A_373 = tpu.vector_load %arg6[%get3A_371, %get3A_372] {strides = array<i32>} : memref<32x512xf32, #tpu.memory_space<vmem>>, vector<16xf32>,
        %add3A_374 = arith.constant 432 : i32
        %add3A_375 = vector.broadcast %add3A_374 : i32 to vector<16xi32>
        %add3A_376 = arith.addi %iota3A, %add3A_375 : vector<16xi32>
        %masked_sort3A_377 = arith.constant dense<true> : vector<16xi1>
        %masked_sort3A_378, %masked_sort3A_379, %masked_sort3A_380 = tpu.sort %get3A_373, %add3A_376 masked %masked_sort3A_377 {descending = true} : (vector<16xf32>, vector<16xi32>, vector<16xi1>) -> (vector<16xi1>, vector<16xf32>, vector<16xi32>)
        %get3A_381 = arith.index_cast %scan3A_102 : i32 to index
        %get3A_382 = arith.constant 448 : index
        %get3A_383 = tpu.vector_load %arg6[%get3A_381, %get3A_382] {strides = array<i32>} : memref<32x512xf32, #tpu.memory_space<vmem>>, vector<16xf32>,
        %add3A_384 = arith.constant 448 : i32
        %add3A_385 = vector.broadcast %add3A_384 : i32 to vector<16xi32>
        %add3A_386 = arith.addi %iota3A, %add3A_385 : vector<16xi32>
        %masked_sort3A_387 = arith.constant dense<true> : vector<16xi1>
        %masked_sort3A_388, %masked_sort3A_389, %masked_sort3A_390 = tpu.sort %get3A_383, %add3A_386 masked %masked_sort3A_387 : (vector<16xf32>, vector<16xi32>, vector<16xi1>) -> (vector<16xi1>, vector<16xf32>, vector<16xi32>)
        %get3A_391 = arith.index_cast %scan3A_102 : i32 to index
        %get3A_392 = arith.constant 464 : index
        %get3A_393 = tpu.vector_load %arg6[%get3A_391, %get3A_392] {strides = array<i32>} : memref<32x512xf32, #tpu.memory_space<vmem>>, vector<16xf32>,
        %add3A_394 = arith.constant 464 : i32
        %add3A_395 = vector.broadcast %add3A_394 : i32 to vector<16xi32>
        %add3A_396 = arith.addi %iota3A, %add3A_395 : vector<16xi32>
        %masked_sort3A_397 = arith.constant dense<true> : vector<16xi1>
        %masked_sort3A_398, %masked_sort3A_399, %masked_sort3A_400 = tpu.sort %get3A_393, %add3A_396 masked %masked_sort3A_397 {descending = true} : (vector<16xf32>, vector<16xi32>, vector<16xi1>) -> (vector<16xi1>, vector<16xf32>, vector<16xi32>)
        %get3A_401 = arith.index_cast %scan3A_102 : i32 to index
        %get3A_402 = arith.constant 480 : index
        %get3A_403 = tpu.vector_load %arg6[%get3A_401, %get3A_402] {strides = array<i32>} : memref<32x512xf32, #tpu.memory_space<vmem>>, vector<16xf32>,
        %add3A_404 = arith.constant 480 : i32
        %add3A_405 = vector.broadcast %add3A_404 : i32 to vector<16xi32>
        %add3A_406 = arith.addi %iota3A, %add3A_405 : vector<16xi32>
        %masked_sort3A_407 = arith.constant dense<true> : vector<16xi1>
        %masked_sort3A_408, %masked_sort3A_409, %masked_sort3A_410 = tpu.sort %get3A_403, %add3A_406 masked %masked_sort3A_407 : (vector<16xf32>, vector<16xi32>, vector<16xi1>) -> (vector<16xi1>, vector<16xf32>, vector<16xi32>)
        %get3A_411 = arith.index_cast %scan3A_102 : i32 to index
        %get3A_412 = arith.constant 496 : index
        %get3A_413 = tpu.vector_load %arg6[%get3A_411, %get3A_412] {strides = array<i32>} : memref<32x512xf32, #tpu.memory_space<vmem>>, vector<16xf32>,
        %add3A_414 = arith.constant 496 : i32
        %add3A_415 = vector.broadcast %add3A_414 : i32 to vector<16xi32>
        %add3A_416 = arith.addi %iota3A, %add3A_415 : vector<16xi32>
        %masked_sort3A_417 = arith.constant dense<true> : vector<16xi1>
        %masked_sort3A_418, %masked_sort3A_419, %masked_sort3A_420 = tpu.sort %get3A_413, %add3A_416 masked %masked_sort3A_417 {descending = true} : (vector<16xf32>, vector<16xi32>, vector<16xi1>) -> (vector<16xi1>, vector<16xf32>, vector<16xi32>)
        %ge3A_421 = arith.cmpf oge, %masked_sort3A_109, %masked_sort3A_119 : vector<16xf32>
        %select_n3A = arith.select %ge3A_421, %masked_sort3A_109, %masked_sort3A_119 : vector<16xi1>, vector<16xf32>
        %select_n3A_422 = arith.select %ge3A_421, %masked_sort3A_110, %masked_sort3A_120 : vector<16xi1>, vector<16xi32>
        %masked_sort3A_423 = arith.constant dense<true> : vector<16xi1>
        %masked_sort3A_424, %masked_sort3A_425, %masked_sort3A_426 = tpu.sort %select_n3A, %select_n3A_422 masked %masked_sort3A_423 : (vector<16xf32>, vector<16xi32>, vector<16xi1>) -> (vector<16xi1>, vector<16xf32>, vector<16xi32>)
        %ge3A_427 = arith.cmpf oge, %masked_sort3A_129, %masked_sort3A_139 : vector<16xf32>
        %select_n3A_428 = arith.select %ge3A_427, %masked_sort3A_129, %masked_sort3A_139 : vector<16xi1>, vector<16xf32>
        %select_n3A_429 = arith.select %ge3A_427, %masked_sort3A_130, %masked_sort3A_140 : vector<16xi1>, vector<16xi32>
        %masked_sort3A_430 = arith.constant dense<true> : vector<16xi1>
        %masked_sort3A_431, %masked_sort3A_432, %masked_sort3A_433 = tpu.sort %select_n3A_428, %select_n3A_429 masked %masked_sort3A_430 {descending = true} : (vector<16xf32>, vector<16xi32>, vector<16xi1>) -> (vector<16xi1>, vector<16xf32>, vector<16xi32>)
        %ge3A_434 = arith.cmpf oge, %masked_sort3A_149, %masked_sort3A_159 : vector<16xf32>
        %select_n3A_435 = arith.select %ge3A_434, %masked_sort3A_149, %masked_sort3A_159 : vector<16xi1>, vector<16xf32>
        %select_n3A_436 = arith.select %ge3A_434, %masked_sort3A_150, %masked_sort3A_160 : vector<16xi1>, vector<16xi32>
        %masked_sort3A_437 = arith.constant dense<true> : vector<16xi1>
        %masked_sort3A_438, %masked_sort3A_439, %masked_sort3A_440 = tpu.sort %select_n3A_435, %select_n3A_436 masked %masked_sort3A_437 : (vector<16xf32>, vector<16xi32>, vector<16xi1>) -> (vector<16xi1>, vector<16xf32>, vector<16xi32>)
        %ge3A_441 = arith.cmpf oge, %masked_sort3A_169, %masked_sort3A_179 : vector<16xf32>
        %select_n3A_442 = arith.select %ge3A_441, %masked_sort3A_169, %masked_sort3A_179 : vector<16xi1>, vector<16xf32>
        %select_n3A_443 = arith.select %ge3A_441, %masked_sort3A_170, %masked_sort3A_180 : vector<16xi1>, vector<16xi32>
        %masked_sort3A_444 = arith.constant dense<true> : vector<16xi1>
        %masked_sort3A_445, %masked_sort3A_446, %masked_sort3A_447 = tpu.sort %select_n3A_442, %select_n3A_443 masked %masked_sort3A_444 {descending = true} : (vector<16xf32>, vector<16xi32>, vector<16xi1>) -> (vector<16xi1>, vector<16xf32>, vector<16xi32>)
        %ge3A_448 = arith.cmpf oge, %masked_sort3A_189, %masked_sort3A_199 : vector<16xf32>
        %select_n3A_449 = arith.select %ge3A_448, %masked_sort3A_189, %masked_sort3A_199 : vector<16xi1>, vector<16xf32>
        %select_n3A_450 = arith.select %ge3A_448, %masked_sort3A_190, %masked_sort3A_200 : vector<16xi1>, vector<16xi32>
        %masked_sort3A_451 = arith.constant dense<true> : vector<16xi1>
        %masked_sort3A_452, %masked_sort3A_453, %masked_sort3A_454 = tpu.sort %select_n3A_449, %select_n3A_450 masked %masked_sort3A_451 : (vector<16xf32>, vector<16xi32>, vector<16xi1>) -> (vector<16xi1>, vector<16xf32>, vector<16xi32>)
        %ge3A_455 = arith.cmpf oge, %masked_sort3A_209, %masked_sort3A_219 : vector<16xf32>
        %select_n3A_456 = arith.select %ge3A_455, %masked_sort3A_209, %masked_sort3A_219 : vector<16xi1>, vector<16xf32>
        %select_n3A_457 = arith.select %ge3A_455, %masked_sort3A_210, %masked_sort3A_220 : vector<16xi1>, vector<16xi32>
        %masked_sort3A_458 = arith.constant dense<true> : vector<16xi1>
        %masked_sort3A_459, %masked_sort3A_460, %masked_sort3A_461 = tpu.sort %select_n3A_456, %select_n3A_457 masked %masked_sort3A_458 {descending = true} : (vector<16xf32>, vector<16xi32>, vector<16xi1>) -> (vector<16xi1>, vector<16xf32>, vector<16xi32>)
        %ge3A_462 = arith.cmpf oge, %masked_sort3A_229, %masked_sort3A_239 : vector<16xf32>
        %select_n3A_463 = arith.select %ge3A_462, %masked_sort3A_229, %masked_sort3A_239 : vector<16xi1>, vector<16xf32>
        %select_n3A_464 = arith.select %ge3A_462, %masked_sort3A_230, %masked_sort3A_240 : vector<16xi1>, vector<16xi32>
        %masked_sort3A_465 = arith.constant dense<true> : vector<16xi1>
        %masked_sort3A_466, %masked_sort3A_467, %masked_sort3A_468 = tpu.sort %select_n3A_463, %select_n3A_464 masked %masked_sort3A_465 : (vector<16xf32>, vector<16xi32>, vector<16xi1>) -> (vector<16xi1>, vector<16xf32>, vector<16xi32>)
        %ge3A_469 = arith.cmpf oge, %masked_sort3A_249, %masked_sort3A_259 : vector<16xf32>
        %select_n3A_470 = arith.select %ge3A_469, %masked_sort3A_249, %masked_sort3A_259 : vector<16xi1>, vector<16xf32>
        %select_n3A_471 = arith.select %ge3A_469, %masked_sort3A_250, %masked_sort3A_260 : vector<16xi1>, vector<16xi32>
        %masked_sort3A_472 = arith.constant dense<true> : vector<16xi1>
        %masked_sort3A_473, %masked_sort3A_474, %masked_sort3A_475 = tpu.sort %select_n3A_470, %select_n3A_471 masked %masked_sort3A_472 {descending = true} : (vector<16xf32>, vector<16xi32>, vector<16xi1>) -> (vector<16xi1>, vector<16xf32>, vector<16xi32>)
        %ge3A_476 = arith.cmpf oge, %masked_sort3A_269, %masked_sort3A_279 : vector<16xf32>
        %select_n3A_477 = arith.select %ge3A_476, %masked_sort3A_269, %masked_sort3A_279 : vector<16xi1>, vector<16xf32>
        %select_n3A_478 = arith.select %ge3A_476, %masked_sort3A_270, %masked_sort3A_280 : vector<16xi1>, vector<16xi32>
        %masked_sort3A_479 = arith.constant dense<true> : vector<16xi1>
        %masked_sort3A_480, %masked_sort3A_481, %masked_sort3A_482 = tpu.sort %select_n3A_477, %select_n3A_478 masked %masked_sort3A_479 : (vector<16xf32>, vector<16xi32>, vector<16xi1>) -> (vector<16xi1>, vector<16xf32>, vector<16xi32>)
        %ge3A_483 = arith.cmpf oge, %masked_sort3A_289, %masked_sort3A_299 : vector<16xf32>
        %select_n3A_484 = arith.select %ge3A_483, %masked_sort3A_289, %masked_sort3A_299 : vector<16xi1>, vector<16xf32>
        %select_n3A_485 = arith.select %ge3A_483, %masked_sort3A_290, %masked_sort3A_300 : vector<16xi1>, vector<16xi32>
        %masked_sort3A_486 = arith.constant dense<true> : vector<16xi1>
        %masked_sort3A_487, %masked_sort3A_488, %masked_sort3A_489 = tpu.sort %select_n3A_484, %select_n3A_485 masked %masked_sort3A_486 {descending = true} : (vector<16xf32>, vector<16xi32>, vector<16xi1>) -> (vector<16xi1>, vector<16xf32>, vector<16xi32>)
        %ge3A_490 = arith.cmpf oge, %masked_sort3A_309, %masked_sort3A_319 : vector<16xf32>
        %select_n3A_491 = arith.select %ge3A_490, %masked_sort3A_309, %masked_sort3A_319 : vector<16xi1>, vector<16xf32>
        %select_n3A_492 = arith.select %ge3A_490, %masked_sort3A_310, %masked_sort3A_320 : vector<16xi1>, vector<16xi32>
        %masked_sort3A_493 = arith.constant dense<true> : vector<16xi1>
        %masked_sort3A_494, %masked_sort3A_495, %masked_sort3A_496 = tpu.sort %select_n3A_491, %select_n3A_492 masked %masked_sort3A_493 : (vector<16xf32>, vector<16xi32>, vector<16xi1>) -> (vector<16xi1>, vector<16xf32>, vector<16xi32>)
        %ge3A_497 = arith.cmpf oge, %masked_sort3A_329, %masked_sort3A_339 : vector<16xf32>
        %select_n3A_498 = arith.select %ge3A_497, %masked_sort3A_329, %masked_sort3A_339 : vector<16xi1>, vector<16xf32>
        %select_n3A_499 = arith.select %ge3A_497, %masked_sort3A_330, %masked_sort3A_340 : vector<16xi1>, vector<16xi32>
        %masked_sort3A_500 = arith.constant dense<true> : vector<16xi1>
        %masked_sort3A_501, %masked_sort3A_502, %masked_sort3A_503 = tpu.sort %select_n3A_498, %select_n3A_499 masked %masked_sort3A_500 {descending = true} : (vector<16xf32>, vector<16xi32>, vector<16xi1>) -> (vector<16xi1>, vector<16xf32>, vector<16xi32>)
        %ge3A_504 = arith.cmpf oge, %masked_sort3A_349, %masked_sort3A_359 : vector<16xf32>
        %select_n3A_505 = arith.select %ge3A_504, %masked_sort3A_349, %masked_sort3A_359 : vector<16xi1>, vector<16xf32>
        %select_n3A_506 = arith.select %ge3A_504, %masked_sort3A_350, %masked_sort3A_360 : vector<16xi1>, vector<16xi32>
        %masked_sort3A_507 = arith.constant dense<true> : vector<16xi1>
        %masked_sort3A_508, %masked_sort3A_509, %masked_sort3A_510 = tpu.sort %select_n3A_505, %select_n3A_506 masked %masked_sort3A_507 : (vector<16xf32>, vector<16xi32>, vector<16xi1>) -> (vector<16xi1>, vector<16xf32>, vector<16xi32>)
        %ge3A_511 = arith.cmpf oge, %masked_sort3A_369, %masked_sort3A_379 : vector<16xf32>
        %select_n3A_512 = arith.select %ge3A_511, %masked_sort3A_369, %masked_sort3A_379 : vector<16xi1>, vector<16xf32>
        %select_n3A_513 = arith.select %ge3A_511, %masked_sort3A_370, %masked_sort3A_380 : vector<16xi1>, vector<16xi32>
        %masked_sort3A_514 = arith.constant dense<true> : vector<16xi1>
        %masked_sort3A_515, %masked_sort3A_516, %masked_sort3A_517 = tpu.sort %select_n3A_512, %select_n3A_513 masked %masked_sort3A_514 {descending = true} : (vector<16xf32>, vector<16xi32>, vector<16xi1>) -> (vector<16xi1>, vector<16xf32>, vector<16xi32>)
        %ge3A_518 = arith.cmpf oge, %masked_sort3A_389, %masked_sort3A_399 : vector<16xf32>
        %select_n3A_519 = arith.select %ge3A_518, %masked_sort3A_389, %masked_sort3A_399 : vector<16xi1>, vector<16xf32>
        %select_n3A_520 = arith.select %ge3A_518, %masked_sort3A_390, %masked_sort3A_400 : vector<16xi1>, vector<16xi32>
        %masked_sort3A_521 = arith.constant dense<true> : vector<16xi1>
        %masked_sort3A_522, %masked_sort3A_523, %masked_sort3A_524 = tpu.sort %select_n3A_519, %select_n3A_520 masked %masked_sort3A_521 : (vector<16xf32>, vector<16xi32>, vector<16xi1>) -> (vector<16xi1>, vector<16xf32>, vector<16xi32>)
        %ge3A_525 = arith.cmpf oge, %masked_sort3A_409, %masked_sort3A_419 : vector<16xf32>
        %select_n3A_526 = arith.select %ge3A_525, %masked_sort3A_409, %masked_sort3A_419 : vector<16xi1>, vector<16xf32>
        %select_n3A_527 = arith.select %ge3A_525, %masked_sort3A_410, %masked_sort3A_420 : vector<16xi1>, vector<16xi32>
        %masked_sort3A_528 = arith.constant dense<true> : vector<16xi1>
        %masked_sort3A_529, %masked_sort3A_530, %masked_sort3A_531 = tpu.sort %select_n3A_526, %select_n3A_527 masked %masked_sort3A_528 {descending = true} : (vector<16xf32>, vector<16xi32>, vector<16xi1>) -> (vector<16xi1>, vector<16xf32>, vector<16xi32>)
        %ge3A_532 = arith.cmpf oge, %masked_sort3A_425, %masked_sort3A_432 : vector<16xf32>
        %select_n3A_533 = arith.select %ge3A_532, %masked_sort3A_425, %masked_sort3A_432 : vector<16xi1>, vector<16xf32>
        %select_n3A_534 = arith.select %ge3A_532, %masked_sort3A_426, %masked_sort3A_433 : vector<16xi1>, vector<16xi32>
        %masked_sort3A_535 = arith.constant dense<true> : vector<16xi1>
        %masked_sort3A_536, %masked_sort3A_537, %masked_sort3A_538 = tpu.sort %select_n3A_533, %select_n3A_534 masked %masked_sort3A_535 : (vector<16xf32>, vector<16xi32>, vector<16xi1>) -> (vector<16xi1>, vector<16xf32>, vector<16xi32>)
        %ge3A_539 = arith.cmpf oge, %masked_sort3A_439, %masked_sort3A_446 : vector<16xf32>
        %select_n3A_540 = arith.select %ge3A_539, %masked_sort3A_439, %masked_sort3A_446 : vector<16xi1>, vector<16xf32>
        %select_n3A_541 = arith.select %ge3A_539, %masked_sort3A_440, %masked_sort3A_447 : vector<16xi1>, vector<16xi32>
        %masked_sort3A_542 = arith.constant dense<true> : vector<16xi1>
        %masked_sort3A_543, %masked_sort3A_544, %masked_sort3A_545 = tpu.sort %select_n3A_540, %select_n3A_541 masked %masked_sort3A_542 {descending = true} : (vector<16xf32>, vector<16xi32>, vector<16xi1>) -> (vector<16xi1>, vector<16xf32>, vector<16xi32>)
        %ge3A_546 = arith.cmpf oge, %masked_sort3A_453, %masked_sort3A_460 : vector<16xf32>
        %select_n3A_547 = arith.select %ge3A_546, %masked_sort3A_453, %masked_sort3A_460 : vector<16xi1>, vector<16xf32>
        %select_n3A_548 = arith.select %ge3A_546, %masked_sort3A_454, %masked_sort3A_461 : vector<16xi1>, vector<16xi32>
        %masked_sort3A_549 = arith.constant dense<true> : vector<16xi1>
        %masked_sort3A_550, %masked_sort3A_551, %masked_sort3A_552 = tpu.sort %select_n3A_547, %select_n3A_548 masked %masked_sort3A_549 : (vector<16xf32>, vector<16xi32>, vector<16xi1>) -> (vector<16xi1>, vector<16xf32>, vector<16xi32>)
        %ge3A_553 = arith.cmpf oge, %masked_sort3A_467, %masked_sort3A_474 : vector<16xf32>
        %select_n3A_554 = arith.select %ge3A_553, %masked_sort3A_467, %masked_sort3A_474 : vector<16xi1>, vector<16xf32>
        %select_n3A_555 = arith.select %ge3A_553, %masked_sort3A_468, %masked_sort3A_475 : vector<16xi1>, vector<16xi32>
        %masked_sort3A_556 = arith.constant dense<true> : vector<16xi1>
        %masked_sort3A_557, %masked_sort3A_558, %masked_sort3A_559 = tpu.sort %select_n3A_554, %select_n3A_555 masked %masked_sort3A_556 {descending = true} : (vector<16xf32>, vector<16xi32>, vector<16xi1>) -> (vector<16xi1>, vector<16xf32>, vector<16xi32>)
        %ge3A_560 = arith.cmpf oge, %masked_sort3A_481, %masked_sort3A_488 : vector<16xf32>
        %select_n3A_561 = arith.select %ge3A_560, %masked_sort3A_481, %masked_sort3A_488 : vector<16xi1>, vector<16xf32>
        %select_n3A_562 = arith.select %ge3A_560, %masked_sort3A_482, %masked_sort3A_489 : vector<16xi1>, vector<16xi32>
        %masked_sort3A_563 = arith.constant dense<true> : vector<16xi1>
        %masked_sort3A_564, %masked_sort3A_565, %masked_sort3A_566 = tpu.sort %select_n3A_561, %select_n3A_562 masked %masked_sort3A_563 : (vector<16xf32>, vector<16xi32>, vector<16xi1>) -> (vector<16xi1>, vector<16xf32>, vector<16xi32>)
        %ge3A_567 = arith.cmpf oge, %masked_sort3A_495, %masked_sort3A_502 : vector<16xf32>
        %select_n3A_568 = arith.select %ge3A_567, %masked_sort3A_495, %masked_sort3A_502 : vector<16xi1>, vector<16xf32>
        %select_n3A_569 = arith.select %ge3A_567, %masked_sort3A_496, %masked_sort3A_503 : vector<16xi1>, vector<16xi32>
        %masked_sort3A_570 = arith.constant dense<true> : vector<16xi1>
        %masked_sort3A_571, %masked_sort3A_572, %masked_sort3A_573 = tpu.sort %select_n3A_568, %select_n3A_569 masked %masked_sort3A_570 {descending = true} : (vector<16xf32>, vector<16xi32>, vector<16xi1>) -> (vector<16xi1>, vector<16xf32>, vector<16xi32>)
        %ge3A_574 = arith.cmpf oge, %masked_sort3A_509, %masked_sort3A_516 : vector<16xf32>
        %select_n3A_575 = arith.select %ge3A_574, %masked_sort3A_509, %masked_sort3A_516 : vector<16xi1>, vector<16xf32>
        %select_n3A_576 = arith.select %ge3A_574, %masked_sort3A_510, %masked_sort3A_517 : vector<16xi1>, vector<16xi32>
        %masked_sort3A_577 = arith.constant dense<true> : vector<16xi1>
        %masked_sort3A_578, %masked_sort3A_579, %masked_sort3A_580 = tpu.sort %select_n3A_575, %select_n3A_576 masked %masked_sort3A_577 : (vector<16xf32>, vector<16xi32>, vector<16xi1>) -> (vector<16xi1>, vector<16xf32>, vector<16xi32>)
        %ge3A_581 = arith.cmpf oge, %masked_sort3A_523, %masked_sort3A_530 : vector<16xf32>
        %select_n3A_582 = arith.select %ge3A_581, %masked_sort3A_523, %masked_sort3A_530 : vector<16xi1>, vector<16xf32>
        %select_n3A_583 = arith.select %ge3A_581, %masked_sort3A_524, %masked_sort3A_531 : vector<16xi1>, vector<16xi32>
        %masked_sort3A_584 = arith.constant dense<true> : vector<16xi1>
        %masked_sort3A_585, %masked_sort3A_586, %masked_sort3A_587 = tpu.sort %select_n3A_582, %select_n3A_583 masked %masked_sort3A_584 {descending = true} : (vector<16xf32>, vector<16xi32>, vector<16xi1>) -> (vector<16xi1>, vector<16xf32>, vector<16xi32>)
        %ge3A_588 = arith.cmpf oge, %masked_sort3A_537, %masked_sort3A_544 : vector<16xf32>
        %select_n3A_589 = arith.select %ge3A_588, %masked_sort3A_537, %masked_sort3A_544 : vector<16xi1>, vector<16xf32>
        %select_n3A_590 = arith.select %ge3A_588, %masked_sort3A_538, %masked_sort3A_545 : vector<16xi1>, vector<16xi32>
        %masked_sort3A_591 = arith.constant dense<true> : vector<16xi1>
        %masked_sort3A_592, %masked_sort3A_593, %masked_sort3A_594 = tpu.sort %select_n3A_589, %select_n3A_590 masked %masked_sort3A_591 : (vector<16xf32>, vector<16xi32>, vector<16xi1>) -> (vector<16xi1>, vector<16xf32>, vector<16xi32>)
        %ge3A_595 = arith.cmpf oge, %masked_sort3A_551, %masked_sort3A_558 : vector<16xf32>
        %select_n3A_596 = arith.select %ge3A_595, %masked_sort3A_551, %masked_sort3A_558 : vector<16xi1>, vector<16xf32>
        %select_n3A_597 = arith.select %ge3A_595, %masked_sort3A_552, %masked_sort3A_559 : vector<16xi1>, vector<16xi32>
        %masked_sort3A_598 = arith.constant dense<true> : vector<16xi1>
        %masked_sort3A_599, %masked_sort3A_600, %masked_sort3A_601 = tpu.sort %select_n3A_596, %select_n3A_597 masked %masked_sort3A_598 {descending = true} : (vector<16xf32>, vector<16xi32>, vector<16xi1>) -> (vector<16xi1>, vector<16xf32>, vector<16xi32>)
        %ge3A_602 = arith.cmpf oge, %masked_sort3A_565, %masked_sort3A_572 : vector<16xf32>
        %select_n3A_603 = arith.select %ge3A_602, %masked_sort3A_565, %masked_sort3A_572 : vector<16xi1>, vector<16xf32>
        %select_n3A_604 = arith.select %ge3A_602, %masked_sort3A_566, %masked_sort3A_573 : vector<16xi1>, vector<16xi32>
        %masked_sort3A_605 = arith.constant dense<true> : vector<16xi1>
        %masked_sort3A_606, %masked_sort3A_607, %masked_sort3A_608 = tpu.sort %select_n3A_603, %select_n3A_604 masked %masked_sort3A_605 : (vector<16xf32>, vector<16xi32>, vector<16xi1>) -> (vector<16xi1>, vector<16xf32>, vector<16xi32>)
        %ge3A_609 = arith.cmpf oge, %masked_sort3A_579, %masked_sort3A_586 : vector<16xf32>
        %select_n3A_610 = arith.select %ge3A_609, %masked_sort3A_579, %masked_sort3A_586 : vector<16xi1>, vector<16xf32>
        %select_n3A_611 = arith.select %ge3A_609, %masked_sort3A_580, %masked_sort3A_587 : vector<16xi1>, vector<16xi32>
        %masked_sort3A_612 = arith.constant dense<true> : vector<16xi1>
        %masked_sort3A_613, %masked_sort3A_614, %masked_sort3A_615 = tpu.sort %select_n3A_610, %select_n3A_611 masked %masked_sort3A_612 {descending = true} : (vector<16xf32>, vector<16xi32>, vector<16xi1>) -> (vector<16xi1>, vector<16xf32>, vector<16xi32>)
        %ge3A_616 = arith.cmpf oge, %masked_sort3A_593, %masked_sort3A_600 : vector<16xf32>
        %select_n3A_617 = arith.select %ge3A_616, %masked_sort3A_593, %masked_sort3A_600 : vector<16xi1>, vector<16xf32>
        %select_n3A_618 = arith.select %ge3A_616, %masked_sort3A_594, %masked_sort3A_601 : vector<16xi1>, vector<16xi32>
        %masked_sort3A_619 = arith.constant dense<true> : vector<16xi1>
        %masked_sort3A_620, %masked_sort3A_621, %masked_sort3A_622 = tpu.sort %select_n3A_617, %select_n3A_618 masked %masked_sort3A_619 : (vector<16xf32>, vector<16xi32>, vector<16xi1>) -> (vector<16xi1>, vector<16xf32>, vector<16xi32>)
        %ge3A_623 = arith.cmpf oge, %masked_sort3A_607, %masked_sort3A_614 : vector<16xf32>
        %select_n3A_624 = arith.select %ge3A_623, %masked_sort3A_607, %masked_sort3A_614 : vector<16xi1>, vector<16xf32>
        %select_n3A_625 = arith.select %ge3A_623, %masked_sort3A_608, %masked_sort3A_615 : vector<16xi1>, vector<16xi32>
        %masked_sort3A_626 = arith.constant dense<true> : vector<16xi1>
        %masked_sort3A_627, %masked_sort3A_628, %masked_sort3A_629 = tpu.sort %select_n3A_624, %select_n3A_625 masked %masked_sort3A_626 {descending = true} : (vector<16xf32>, vector<16xi32>, vector<16xi1>) -> (vector<16xi1>, vector<16xf32>, vector<16xi32>)
        %ge3A_630 = arith.cmpf oge, %masked_sort3A_621, %masked_sort3A_628 : vector<16xf32>
        %select_n3A_631 = arith.select %ge3A_630, %masked_sort3A_621, %masked_sort3A_628 : vector<16xi1>, vector<16xf32>
        %select_n3A_632 = arith.select %ge3A_630, %masked_sort3A_622, %masked_sort3A_629 : vector<16xi1>, vector<16xi32>
        %masked_sort3A_633 = arith.constant dense<true> : vector<16xi1>
        %masked_sort3A_634, %masked_sort3A_635, %masked_sort3A_636 = tpu.sort %select_n3A_631, %select_n3A_632 masked %masked_sort3A_633 {descending = true} : (vector<16xf32>, vector<16xi32>, vector<16xi1>) -> (vector<16xi1>, vector<16xf32>, vector<16xi32>)
        %slice3A = vector.extract_strided_slice %masked_sort3A_635 {offsets = [0], sizes = [1], strides = [1]} : vector<16xf32> to vector<1xf32>
        %squeeze3A = vector.extract %slice3A[0] : f32 from vector<1xf32>
        %sub3A = vector.broadcast %squeeze3A : f32 to vector<16xf32>
        %sub3A_637 = arith.subf %masked_sort3A_635, %sub3A : vector<16xf32>
        %exp3A = math.exp %sub3A_637 : vector<16xf32>
        %jit3A = arith.constant 0.000000e+00 : f32
        %broadcast_in_dim3A = vector.broadcast %jit3A : f32 to vector<16xf32>
        %select_n3A_638 = arith.select %lt3A_4, %exp3A, %broadcast_in_dim3A : vector<16xi1>, vector<16xf32>
        %reduce_sum3A = arith.constant true
        %reduce_sum3A_639 = vector.broadcast %reduce_sum3A : i1 to vector<16xi1>
        %reduce_sum3A_640 = tpu.scan <sum>, %select_n3A_638 masked %reduce_sum3A_639 : vector<16xf32>, vector<16xi1> -> vector<16xf32>
        %reduce_sum3A_641 = vector.extract %reduce_sum3A_640[15] : f32 from vector<16xf32>
        %div3A = vector.broadcast %reduce_sum3A_641 : f32 to vector<16xf32>
        %div3A_642 = arith.divf %select_n3A_638, %div3A : vector<16xf32>
        %mul3A_643 = arith.constant 128 : i32
        %mul3A_644 = arith.muli %scan3A_102, %mul3A_643 : i32
        %swap3A = arith.index_cast %mul3A_644 : i32 to index
        %swap3A_645 = tpu.vector_load %arg8[%swap3A] {strides = array<i32>} : memref<4096xi32, #tpu.memory_space<vmem>>, vector<16xi32>,
        tpu.vector_store %arg8[%swap3A], %masked_sort3A_636 {strides = array<i32>} : memref<4096xi32, #tpu.memory_space<vmem>>, vector<16xi32>,
        %swap3A_646 = arith.index_cast %mul3A_644 : i32 to index
        %swap3A_647 = tpu.vector_load %arg10[%swap3A_646] {strides = array<i32>} : memref<4096xf32, #tpu.memory_space<vmem>>, vector<16xf32>,
        tpu.vector_store %arg10[%swap3A_646], %div3A_642 {strides = array<i32>} : memref<4096xf32, #tpu.memory_space<vmem>>, vector<16xf32>,
        %scan3A_648 = arith.constant 1 : i32
        %scan3A_649 = arith.addi %scan3A_102, %scan3A_648 : i32
        %get3A_650 = arith.index_cast %scan3A_649 : i32 to index
        %get3A_651 = arith.constant 0 : index
        %get3A_652 = tpu.vector_load %arg6[%get3A_650, %get3A_651] {strides = array<i32>} : memref<32x512xf32, #tpu.memory_space<vmem>>, vector<16xf32>,
        %add3A_653 = arith.constant 0 : i32
        %add3A_654 = vector.broadcast %add3A_653 : i32 to vector<16xi32>
        %add3A_655 = arith.addi %iota3A, %add3A_654 : vector<16xi32>
        %masked_sort3A_656 = arith.constant dense<true> : vector<16xi1>
        %masked_sort3A_657, %masked_sort3A_658, %masked_sort3A_659 = tpu.sort %get3A_652, %add3A_655 masked %masked_sort3A_656 : (vector<16xf32>, vector<16xi32>, vector<16xi1>) -> (vector<16xi1>, vector<16xf32>, vector<16xi32>)
        %get3A_660 = arith.index_cast %scan3A_649 : i32 to index
        %get3A_661 = arith.constant 16 : index
        %get3A_662 = tpu.vector_load %arg6[%get3A_660, %get3A_661] {strides = array<i32>} : memref<32x512xf32, #tpu.memory_space<vmem>>, vector<16xf32>,
        %add3A_663 = arith.constant 16 : i32
        %add3A_664 = vector.broadcast %add3A_663 : i32 to vector<16xi32>
        %add3A_665 = arith.addi %iota3A, %add3A_664 : vector<16xi32>
        %masked_sort3A_666 = arith.constant dense<true> : vector<16xi1>
        %masked_sort3A_667, %masked_sort3A_668, %masked_sort3A_669 = tpu.sort %get3A_662, %add3A_665 masked %masked_sort3A_666 {descending = true} : (vector<16xf32>, vector<16xi32>, vector<16xi1>) -> (vector<16xi1>, vector<16xf32>, vector<16xi32>)
        %get3A_670 = arith.index_cast %scan3A_649 : i32 to index
        %get3A_671 = arith.constant 32 : index
        %get3A_672 = tpu.vector_load %arg6[%get3A_670, %get3A_671] {strides = array<i32>} : memref<32x512xf32, #tpu.memory_space<vmem>>, vector<16xf32>,
        %add3A_673 = arith.constant 32 : i32
        %add3A_674 = vector.broadcast %add3A_673 : i32 to vector<16xi32>
        %add3A_675 = arith.addi %iota3A, %add3A_674 : vector<16xi32>
        %masked_sort3A_676 = arith.constant dense<true> : vector<16xi1>
        %masked_sort3A_677, %masked_sort3A_678, %masked_sort3A_679 = tpu.sort %get3A_672, %add3A_675 masked %masked_sort3A_676 : (vector<16xf32>, vector<16xi32>, vector<16xi1>) -> (vector<16xi1>, vector<16xf32>, vector<16xi32>)
        %get3A_680 = arith.index_cast %scan3A_649 : i32 to index
        %get3A_681 = arith.constant 48 : index
        %get3A_682 = tpu.vector_load %arg6[%get3A_680, %get3A_681] {strides = array<i32>} : memref<32x512xf32, #tpu.memory_space<vmem>>, vector<16xf32>,
        %add3A_683 = arith.constant 48 : i32
        %add3A_684 = vector.broadcast %add3A_683 : i32 to vector<16xi32>
        %add3A_685 = arith.addi %iota3A, %add3A_684 : vector<16xi32>
        %masked_sort3A_686 = arith.constant dense<true> : vector<16xi1>
        %masked_sort3A_687, %masked_sort3A_688, %masked_sort3A_689 = tpu.sort %get3A_682, %add3A_685 masked %masked_sort3A_686 {descending = true} : (vector<16xf32>, vector<16xi32>, vector<16xi1>) -> (vector<16xi1>, vector<16xf32>, vector<16xi32>)
        %get3A_690 = arith.index_cast %scan3A_649 : i32 to index
        %get3A_691 = arith.constant 64 : index
        %get3A_692 = tpu.vector_load %arg6[%get3A_690, %get3A_691] {strides = array<i32>} : memref<32x512xf32, #tpu.memory_space<vmem>>, vector<16xf32>,
        %add3A_693 = arith.constant 64 : i32
        %add3A_694 = vector.broadcast %add3A_693 : i32 to vector<16xi32>
        %add3A_695 = arith.addi %iota3A, %add3A_694 : vector<16xi32>
        %masked_sort3A_696 = arith.constant dense<true> : vector<16xi1>
        %masked_sort3A_697, %masked_sort3A_698, %masked_sort3A_699 = tpu.sort %get3A_692, %add3A_695 masked %masked_sort3A_696 : (vector<16xf32>, vector<16xi32>, vector<16xi1>) -> (vector<16xi1>, vector<16xf32>, vector<16xi32>)
        %get3A_700 = arith.index_cast %scan3A_649 : i32 to index
        %get3A_701 = arith.constant 80 : index
        %get3A_702 = tpu.vector_load %arg6[%get3A_700, %get3A_701] {strides = array<i32>} : memref<32x512xf32, #tpu.memory_space<vmem>>, vector<16xf32>,
        %add3A_703 = arith.constant 80 : i32
        %add3A_704 = vector.broadcast %add3A_703 : i32 to vector<16xi32>
        %add3A_705 = arith.addi %iota3A, %add3A_704 : vector<16xi32>
        %masked_sort3A_706 = arith.constant dense<true> : vector<16xi1>
        %masked_sort3A_707, %masked_sort3A_708, %masked_sort3A_709 = tpu.sort %get3A_702, %add3A_705 masked %masked_sort3A_706 {descending = true} : (vector<16xf32>, vector<16xi32>, vector<16xi1>) -> (vector<16xi1>, vector<16xf32>, vector<16xi32>)
        %get3A_710 = arith.index_cast %scan3A_649 : i32 to index
        %get3A_711 = arith.constant 96 : index
        %get3A_712 = tpu.vector_load %arg6[%get3A_710, %get3A_711] {strides = array<i32>} : memref<32x512xf32, #tpu.memory_space<vmem>>, vector<16xf32>,
        %add3A_713 = arith.constant 96 : i32
        %add3A_714 = vector.broadcast %add3A_713 : i32 to vector<16xi32>
        %add3A_715 = arith.addi %iota3A, %add3A_714 : vector<16xi32>
        %masked_sort3A_716 = arith.constant dense<true> : vector<16xi1>
        %masked_sort3A_717, %masked_sort3A_718, %masked_sort3A_719 = tpu.sort %get3A_712, %add3A_715 masked %masked_sort3A_716 : (vector<16xf32>, vector<16xi32>, vector<16xi1>) -> (vector<16xi1>, vector<16xf32>, vector<16xi32>)
        %get3A_720 = arith.index_cast %scan3A_649 : i32 to index
        %get3A_721 = arith.constant 112 : index
        %get3A_722 = tpu.vector_load %arg6[%get3A_720, %get3A_721] {strides = array<i32>} : memref<32x512xf32, #tpu.memory_space<vmem>>, vector<16xf32>,
        %add3A_723 = arith.constant 112 : i32
        %add3A_724 = vector.broadcast %add3A_723 : i32 to vector<16xi32>
        %add3A_725 = arith.addi %iota3A, %add3A_724 : vector<16xi32>
        %masked_sort3A_726 = arith.constant dense<true> : vector<16xi1>
        %masked_sort3A_727, %masked_sort3A_728, %masked_sort3A_729 = tpu.sort %get3A_722, %add3A_725 masked %masked_sort3A_726 {descending = true} : (vector<16xf32>, vector<16xi32>, vector<16xi1>) -> (vector<16xi1>, vector<16xf32>, vector<16xi32>)
        %get3A_730 = arith.index_cast %scan3A_649 : i32 to index
        %get3A_731 = arith.constant 128 : index
        %get3A_732 = tpu.vector_load %arg6[%get3A_730, %get3A_731] {strides = array<i32>} : memref<32x512xf32, #tpu.memory_space<vmem>>, vector<16xf32>,
        %add3A_733 = arith.constant 128 : i32
        %add3A_734 = vector.broadcast %add3A_733 : i32 to vector<16xi32>
        %add3A_735 = arith.addi %iota3A, %add3A_734 : vector<16xi32>
        %masked_sort3A_736 = arith.constant dense<true> : vector<16xi1>
        %masked_sort3A_737, %masked_sort3A_738, %masked_sort3A_739 = tpu.sort %get3A_732, %add3A_735 masked %masked_sort3A_736 : (vector<16xf32>, vector<16xi32>, vector<16xi1>) -> (vector<16xi1>, vector<16xf32>, vector<16xi32>)
        %get3A_740 = arith.index_cast %scan3A_649 : i32 to index
        %get3A_741 = arith.constant 144 : index
        %get3A_742 = tpu.vector_load %arg6[%get3A_740, %get3A_741] {strides = array<i32>} : memref<32x512xf32, #tpu.memory_space<vmem>>, vector<16xf32>,
        %add3A_743 = arith.constant 144 : i32
        %add3A_744 = vector.broadcast %add3A_743 : i32 to vector<16xi32>
        %add3A_745 = arith.addi %iota3A, %add3A_744 : vector<16xi32>
        %masked_sort3A_746 = arith.constant dense<true> : vector<16xi1>
        %masked_sort3A_747, %masked_sort3A_748, %masked_sort3A_749 = tpu.sort %get3A_742, %add3A_745 masked %masked_sort3A_746 {descending = true} : (vector<16xf32>, vector<16xi32>, vector<16xi1>) -> (vector<16xi1>, vector<16xf32>, vector<16xi32>)
        %get3A_750 = arith.index_cast %scan3A_649 : i32 to index
        %get3A_751 = arith.constant 160 : index
        %get3A_752 = tpu.vector_load %arg6[%get3A_750, %get3A_751] {strides = array<i32>} : memref<32x512xf32, #tpu.memory_space<vmem>>, vector<16xf32>,
        %add3A_753 = arith.constant 160 : i32
        %add3A_754 = vector.broadcast %add3A_753 : i32 to vector<16xi32>
        %add3A_755 = arith.addi %iota3A, %add3A_754 : vector<16xi32>
        %masked_sort3A_756 = arith.constant dense<true> : vector<16xi1>
        %masked_sort3A_757, %masked_sort3A_758, %masked_sort3A_759 = tpu.sort %get3A_752, %add3A_755 masked %masked_sort3A_756 : (vector<16xf32>, vector<16xi32>, vector<16xi1>) -> (vector<16xi1>, vector<16xf32>, vector<16xi32>)
        %get3A_760 = arith.index_cast %scan3A_649 : i32 to index
        %get3A_761 = arith.constant 176 : index
        %get3A_762 = tpu.vector_load %arg6[%get3A_760, %get3A_761] {strides = array<i32>} : memref<32x512xf32, #tpu.memory_space<vmem>>, vector<16xf32>,
        %add3A_763 = arith.constant 176 : i32
        %add3A_764 = vector.broadcast %add3A_763 : i32 to vector<16xi32>
        %add3A_765 = arith.addi %iota3A, %add3A_764 : vector<16xi32>
        %masked_sort3A_766 = arith.constant dense<true> : vector<16xi1>
        %masked_sort3A_767, %masked_sort3A_768, %masked_sort3A_769 = tpu.sort %get3A_762, %add3A_765 masked %masked_sort3A_766 {descending = true} : (vector<16xf32>, vector<16xi32>, vector<16xi1>) -> (vector<16xi1>, vector<16xf32>, vector<16xi32>)
        %get3A_770 = arith.index_cast %scan3A_649 : i32 to index
        %get3A_771 = arith.constant 192 : index
        %get3A_772 = tpu.vector_load %arg6[%get3A_770, %get3A_771] {strides = array<i32>} : memref<32x512xf32, #tpu.memory_space<vmem>>, vector<16xf32>,
        %add3A_773 = arith.constant 192 : i32
        %add3A_774 = vector.broadcast %add3A_773 : i32 to vector<16xi32>
        %add3A_775 = arith.addi %iota3A, %add3A_774 : vector<16xi32>
        %masked_sort3A_776 = arith.constant dense<true> : vector<16xi1>
        %masked_sort3A_777, %masked_sort3A_778, %masked_sort3A_779 = tpu.sort %get3A_772, %add3A_775 masked %masked_sort3A_776 : (vector<16xf32>, vector<16xi32>, vector<16xi1>) -> (vector<16xi1>, vector<16xf32>, vector<16xi32>)
        %get3A_780 = arith.index_cast %scan3A_649 : i32 to index
        %get3A_781 = arith.constant 208 : index
        %get3A_782 = tpu.vector_load %arg6[%get3A_780, %get3A_781] {strides = array<i32>} : memref<32x512xf32, #tpu.memory_space<vmem>>, vector<16xf32>,
        %add3A_783 = arith.constant 208 : i32
        %add3A_784 = vector.broadcast %add3A_783 : i32 to vector<16xi32>
        %add3A_785 = arith.addi %iota3A, %add3A_784 : vector<16xi32>
        %masked_sort3A_786 = arith.constant dense<true> : vector<16xi1>
        %masked_sort3A_787, %masked_sort3A_788, %masked_sort3A_789 = tpu.sort %get3A_782, %add3A_785 masked %masked_sort3A_786 {descending = true} : (vector<16xf32>, vector<16xi32>, vector<16xi1>) -> (vector<16xi1>, vector<16xf32>, vector<16xi32>)
        %get3A_790 = arith.index_cast %scan3A_649 : i32 to index
        %get3A_791 = arith.constant 224 : index
        %get3A_792 = tpu.vector_load %arg6[%get3A_790, %get3A_791] {strides = array<i32>} : memref<32x512xf32, #tpu.memory_space<vmem>>, vector<16xf32>,
        %add3A_793 = arith.constant 224 : i32
        %add3A_794 = vector.broadcast %add3A_793 : i32 to vector<16xi32>
        %add3A_795 = arith.addi %iota3A, %add3A_794 : vector<16xi32>
        %masked_sort3A_796 = arith.constant dense<true> : vector<16xi1>
        %masked_sort3A_797, %masked_sort3A_798, %masked_sort3A_799 = tpu.sort %get3A_792, %add3A_795 masked %masked_sort3A_796 : (vector<16xf32>, vector<16xi32>, vector<16xi1>) -> (vector<16xi1>, vector<16xf32>, vector<16xi32>)
        %get3A_800 = arith.index_cast %scan3A_649 : i32 to index
        %get3A_801 = arith.constant 240 : index
        %get3A_802 = tpu.vector_load %arg6[%get3A_800, %get3A_801] {strides = array<i32>} : memref<32x512xf32, #tpu.memory_space<vmem>>, vector<16xf32>,
        %add3A_803 = arith.constant 240 : i32
        %add3A_804 = vector.broadcast %add3A_803 : i32 to vector<16xi32>
        %add3A_805 = arith.addi %iota3A, %add3A_804 : vector<16xi32>
        %masked_sort3A_806 = arith.constant dense<true> : vector<16xi1>
        %masked_sort3A_807, %masked_sort3A_808, %masked_sort3A_809 = tpu.sort %get3A_802, %add3A_805 masked %masked_sort3A_806 {descending = true} : (vector<16xf32>, vector<16xi32>, vector<16xi1>) -> (vector<16xi1>, vector<16xf32>, vector<16xi32>)
        %get3A_810 = arith.index_cast %scan3A_649 : i32 to index
        %get3A_811 = arith.constant 256 : index
        %get3A_812 = tpu.vector_load %arg6[%get3A_810, %get3A_811] {strides = array<i32>} : memref<32x512xf32, #tpu.memory_space<vmem>>, vector<16xf32>,
        %add3A_813 = arith.constant 256 : i32
        %add3A_814 = vector.broadcast %add3A_813 : i32 to vector<16xi32>
        %add3A_815 = arith.addi %iota3A, %add3A_814 : vector<16xi32>
        %masked_sort3A_816 = arith.constant dense<true> : vector<16xi1>
        %masked_sort3A_817, %masked_sort3A_818, %masked_sort3A_819 = tpu.sort %get3A_812, %add3A_815 masked %masked_sort3A_816 : (vector<16xf32>, vector<16xi32>, vector<16xi1>) -> (vector<16xi1>, vector<16xf32>, vector<16xi32>)
        %get3A_820 = arith.index_cast %scan3A_649 : i32 to index
        %get3A_821 = arith.constant 272 : index
        %get3A_822 = tpu.vector_load %arg6[%get3A_820, %get3A_821] {strides = array<i32>} : memref<32x512xf32, #tpu.memory_space<vmem>>, vector<16xf32>,
        %add3A_823 = arith.constant 272 : i32
        %add3A_824 = vector.broadcast %add3A_823 : i32 to vector<16xi32>
        %add3A_825 = arith.addi %iota3A, %add3A_824 : vector<16xi32>
        %masked_sort3A_826 = arith.constant dense<true> : vector<16xi1>
        %masked_sort3A_827, %masked_sort3A_828, %masked_sort3A_829 = tpu.sort %get3A_822, %add3A_825 masked %masked_sort3A_826 {descending = true} : (vector<16xf32>, vector<16xi32>, vector<16xi1>) -> (vector<16xi1>, vector<16xf32>, vector<16xi32>)
        %get3A_830 = arith.index_cast %scan3A_649 : i32 to index
        %get3A_831 = arith.constant 288 : index
        %get3A_832 = tpu.vector_load %arg6[%get3A_830, %get3A_831] {strides = array<i32>} : memref<32x512xf32, #tpu.memory_space<vmem>>, vector<16xf32>,
        %add3A_833 = arith.constant 288 : i32
        %add3A_834 = vector.broadcast %add3A_833 : i32 to vector<16xi32>
        %add3A_835 = arith.addi %iota3A, %add3A_834 : vector<16xi32>
        %masked_sort3A_836 = arith.constant dense<true> : vector<16xi1>
        %masked_sort3A_837, %masked_sort3A_838, %masked_sort3A_839 = tpu.sort %get3A_832, %add3A_835 masked %masked_sort3A_836 : (vector<16xf32>, vector<16xi32>, vector<16xi1>) -> (vector<16xi1>, vector<16xf32>, vector<16xi32>)
        %get3A_840 = arith.index_cast %scan3A_649 : i32 to index
        %get3A_841 = arith.constant 304 : index
        %get3A_842 = tpu.vector_load %arg6[%get3A_840, %get3A_841] {strides = array<i32>} : memref<32x512xf32, #tpu.memory_space<vmem>>, vector<16xf32>,
        %add3A_843 = arith.constant 304 : i32
        %add3A_844 = vector.broadcast %add3A_843 : i32 to vector<16xi32>
        %add3A_845 = arith.addi %iota3A, %add3A_844 : vector<16xi32>
        %masked_sort3A_846 = arith.constant dense<true> : vector<16xi1>
        %masked_sort3A_847, %masked_sort3A_848, %masked_sort3A_849 = tpu.sort %get3A_842, %add3A_845 masked %masked_sort3A_846 {descending = true} : (vector<16xf32>, vector<16xi32>, vector<16xi1>) -> (vector<16xi1>, vector<16xf32>, vector<16xi32>)
        %get3A_850 = arith.index_cast %scan3A_649 : i32 to index
        %get3A_851 = arith.constant 320 : index
        %get3A_852 = tpu.vector_load %arg6[%get3A_850, %get3A_851] {strides = array<i32>} : memref<32x512xf32, #tpu.memory_space<vmem>>, vector<16xf32>,
        %add3A_853 = arith.constant 320 : i32
        %add3A_854 = vector.broadcast %add3A_853 : i32 to vector<16xi32>
        %add3A_855 = arith.addi %iota3A, %add3A_854 : vector<16xi32>
        %masked_sort3A_856 = arith.constant dense<true> : vector<16xi1>
        %masked_sort3A_857, %masked_sort3A_858, %masked_sort3A_859 = tpu.sort %get3A_852, %add3A_855 masked %masked_sort3A_856 : (vector<16xf32>, vector<16xi32>, vector<16xi1>) -> (vector<16xi1>, vector<16xf32>, vector<16xi32>)
        %get3A_860 = arith.index_cast %scan3A_649 : i32 to index
        %get3A_861 = arith.constant 336 : index
        %get3A_862 = tpu.vector_load %arg6[%get3A_860, %get3A_861] {strides = array<i32>} : memref<32x512xf32, #tpu.memory_space<vmem>>, vector<16xf32>,
        %add3A_863 = arith.constant 336 : i32
        %add3A_864 = vector.broadcast %add3A_863 : i32 to vector<16xi32>
        %add3A_865 = arith.addi %iota3A, %add3A_864 : vector<16xi32>
        %masked_sort3A_866 = arith.constant dense<true> : vector<16xi1>
        %masked_sort3A_867, %masked_sort3A_868, %masked_sort3A_869 = tpu.sort %get3A_862, %add3A_865 masked %masked_sort3A_866 {descending = true} : (vector<16xf32>, vector<16xi32>, vector<16xi1>) -> (vector<16xi1>, vector<16xf32>, vector<16xi32>)
        %get3A_870 = arith.index_cast %scan3A_649 : i32 to index
        %get3A_871 = arith.constant 352 : index
        %get3A_872 = tpu.vector_load %arg6[%get3A_870, %get3A_871] {strides = array<i32>} : memref<32x512xf32, #tpu.memory_space<vmem>>, vector<16xf32>,
        %add3A_873 = arith.constant 352 : i32
        %add3A_874 = vector.broadcast %add3A_873 : i32 to vector<16xi32>
        %add3A_875 = arith.addi %iota3A, %add3A_874 : vector<16xi32>
        %masked_sort3A_876 = arith.constant dense<true> : vector<16xi1>
        %masked_sort3A_877, %masked_sort3A_878, %masked_sort3A_879 = tpu.sort %get3A_872, %add3A_875 masked %masked_sort3A_876 : (vector<16xf32>, vector<16xi32>, vector<16xi1>) -> (vector<16xi1>, vector<16xf32>, vector<16xi32>)
        %get3A_880 = arith.index_cast %scan3A_649 : i32 to index
        %get3A_881 = arith.constant 368 : index
        %get3A_882 = tpu.vector_load %arg6[%get3A_880, %get3A_881] {strides = array<i32>} : memref<32x512xf32, #tpu.memory_space<vmem>>, vector<16xf32>,
        %add3A_883 = arith.constant 368 : i32
        %add3A_884 = vector.broadcast %add3A_883 : i32 to vector<16xi32>
        %add3A_885 = arith.addi %iota3A, %add3A_884 : vector<16xi32>
        %masked_sort3A_886 = arith.constant dense<true> : vector<16xi1>
        %masked_sort3A_887, %masked_sort3A_888, %masked_sort3A_889 = tpu.sort %get3A_882, %add3A_885 masked %masked_sort3A_886 {descending = true} : (vector<16xf32>, vector<16xi32>, vector<16xi1>) -> (vector<16xi1>, vector<16xf32>, vector<16xi32>)
        %get3A_890 = arith.index_cast %scan3A_649 : i32 to index
        %get3A_891 = arith.constant 384 : index
        %get3A_892 = tpu.vector_load %arg6[%get3A_890, %get3A_891] {strides = array<i32>} : memref<32x512xf32, #tpu.memory_space<vmem>>, vector<16xf32>,
        %add3A_893 = arith.constant 384 : i32
        %add3A_894 = vector.broadcast %add3A_893 : i32 to vector<16xi32>
        %add3A_895 = arith.addi %iota3A, %add3A_894 : vector<16xi32>
        %masked_sort3A_896 = arith.constant dense<true> : vector<16xi1>
        %masked_sort3A_897, %masked_sort3A_898, %masked_sort3A_899 = tpu.sort %get3A_892, %add3A_895 masked %masked_sort3A_896 : (vector<16xf32>, vector<16xi32>, vector<16xi1>) -> (vector<16xi1>, vector<16xf32>, vector<16xi32>)
        %get3A_900 = arith.index_cast %scan3A_649 : i32 to index
        %get3A_901 = arith.constant 400 : index
        %get3A_902 = tpu.vector_load %arg6[%get3A_900, %get3A_901] {strides = array<i32>} : memref<32x512xf32, #tpu.memory_space<vmem>>, vector<16xf32>,
        %add3A_903 = arith.constant 400 : i32
        %add3A_904 = vector.broadcast %add3A_903 : i32 to vector<16xi32>
        %add3A_905 = arith.addi %iota3A, %add3A_904 : vector<16xi32>
        %masked_sort3A_906 = arith.constant dense<true> : vector<16xi1>
        %masked_sort3A_907, %masked_sort3A_908, %masked_sort3A_909 = tpu.sort %get3A_902, %add3A_905 masked %masked_sort3A_906 {descending = true} : (vector<16xf32>, vector<16xi32>, vector<16xi1>) -> (vector<16xi1>, vector<16xf32>, vector<16xi32>)
        %get3A_910 = arith.index_cast %scan3A_649 : i32 to index
        %get3A_911 = arith.constant 416 : index
        %get3A_912 = tpu.vector_load %arg6[%get3A_910, %get3A_911] {strides = array<i32>} : memref<32x512xf32, #tpu.memory_space<vmem>>, vector<16xf32>,
        %add3A_913 = arith.constant 416 : i32
        %add3A_914 = vector.broadcast %add3A_913 : i32 to vector<16xi32>
        %add3A_915 = arith.addi %iota3A, %add3A_914 : vector<16xi32>
        %masked_sort3A_916 = arith.constant dense<true> : vector<16xi1>
        %masked_sort3A_917, %masked_sort3A_918, %masked_sort3A_919 = tpu.sort %get3A_912, %add3A_915 masked %masked_sort3A_916 : (vector<16xf32>, vector<16xi32>, vector<16xi1>) -> (vector<16xi1>, vector<16xf32>, vector<16xi32>)
        %get3A_920 = arith.index_cast %scan3A_649 : i32 to index
        %get3A_921 = arith.constant 432 : index
        %get3A_922 = tpu.vector_load %arg6[%get3A_920, %get3A_921] {strides = array<i32>} : memref<32x512xf32, #tpu.memory_space<vmem>>, vector<16xf32>,
        %add3A_923 = arith.constant 432 : i32
        %add3A_924 = vector.broadcast %add3A_923 : i32 to vector<16xi32>
        %add3A_925 = arith.addi %iota3A, %add3A_924 : vector<16xi32>
        %masked_sort3A_926 = arith.constant dense<true> : vector<16xi1>
        %masked_sort3A_927, %masked_sort3A_928, %masked_sort3A_929 = tpu.sort %get3A_922, %add3A_925 masked %masked_sort3A_926 {descending = true} : (vector<16xf32>, vector<16xi32>, vector<16xi1>) -> (vector<16xi1>, vector<16xf32>, vector<16xi32>)
        %get3A_930 = arith.index_cast %scan3A_649 : i32 to index
        %get3A_931 = arith.constant 448 : index
        %get3A_932 = tpu.vector_load %arg6[%get3A_930, %get3A_931] {strides = array<i32>} : memref<32x512xf32, #tpu.memory_space<vmem>>, vector<16xf32>,
        %add3A_933 = arith.constant 448 : i32
        %add3A_934 = vector.broadcast %add3A_933 : i32 to vector<16xi32>
        %add3A_935 = arith.addi %iota3A, %add3A_934 : vector<16xi32>
        %masked_sort3A_936 = arith.constant dense<true> : vector<16xi1>
        %masked_sort3A_937, %masked_sort3A_938, %masked_sort3A_939 = tpu.sort %get3A_932, %add3A_935 masked %masked_sort3A_936 : (vector<16xf32>, vector<16xi32>, vector<16xi1>) -> (vector<16xi1>, vector<16xf32>, vector<16xi32>)
        %get3A_940 = arith.index_cast %scan3A_649 : i32 to index
        %get3A_941 = arith.constant 464 : index
        %get3A_942 = tpu.vector_load %arg6[%get3A_940, %get3A_941] {strides = array<i32>} : memref<32x512xf32, #tpu.memory_space<vmem>>, vector<16xf32>,
        %add3A_943 = arith.constant 464 : i32
        %add3A_944 = vector.broadcast %add3A_943 : i32 to vector<16xi32>
        %add3A_945 = arith.addi %iota3A, %add3A_944 : vector<16xi32>
        %masked_sort3A_946 = arith.constant dense<true> : vector<16xi1>
        %masked_sort3A_947, %masked_sort3A_948, %masked_sort3A_949 = tpu.sort %get3A_942, %add3A_945 masked %masked_sort3A_946 {descending = true} : (vector<16xf32>, vector<16xi32>, vector<16xi1>) -> (vector<16xi1>, vector<16xf32>, vector<16xi32>)
        %get3A_950 = arith.index_cast %scan3A_649 : i32 to index
        %get3A_951 = arith.constant 480 : index
        %get3A_952 = tpu.vector_load %arg6[%get3A_950, %get3A_951] {strides = array<i32>} : memref<32x512xf32, #tpu.memory_space<vmem>>, vector<16xf32>,
        %add3A_953 = arith.constant 480 : i32
        %add3A_954 = vector.broadcast %add3A_953 : i32 to vector<16xi32>
        %add3A_955 = arith.addi %iota3A, %add3A_954 : vector<16xi32>
        %masked_sort3A_956 = arith.constant dense<true> : vector<16xi1>
        %masked_sort3A_957, %masked_sort3A_958, %masked_sort3A_959 = tpu.sort %get3A_952, %add3A_955 masked %masked_sort3A_956 : (vector<16xf32>, vector<16xi32>, vector<16xi1>) -> (vector<16xi1>, vector<16xf32>, vector<16xi32>)
        %get3A_960 = arith.index_cast %scan3A_649 : i32 to index
        %get3A_961 = arith.constant 496 : index
        %get3A_962 = tpu.vector_load %arg6[%get3A_960, %get3A_961] {strides = array<i32>} : memref<32x512xf32, #tpu.memory_space<vmem>>, vector<16xf32>,
        %add3A_963 = arith.constant 496 : i32
        %add3A_964 = vector.broadcast %add3A_963 : i32 to vector<16xi32>
        %add3A_965 = arith.addi %iota3A, %add3A_964 : vector<16xi32>
        %masked_sort3A_966 = arith.constant dense<true> : vector<16xi1>
        %masked_sort3A_967, %masked_sort3A_968, %masked_sort3A_969 = tpu.sort %get3A_962, %add3A_965 masked %masked_sort3A_966 {descending = true} : (vector<16xf32>, vector<16xi32>, vector<16xi1>) -> (vector<16xi1>, vector<16xf32>, vector<16xi32>)
        %ge3A_970 = arith.cmpf oge, %masked_sort3A_658, %masked_sort3A_668 : vector<16xf32>
        %select_n3A_971 = arith.select %ge3A_970, %masked_sort3A_658, %masked_sort3A_668 : vector<16xi1>, vector<16xf32>
        %select_n3A_972 = arith.select %ge3A_970, %masked_sort3A_659, %masked_sort3A_669 : vector<16xi1>, vector<16xi32>
        %masked_sort3A_973 = arith.constant dense<true> : vector<16xi1>
        %masked_sort3A_974, %masked_sort3A_975, %masked_sort3A_976 = tpu.sort %select_n3A_971, %select_n3A_972 masked %masked_sort3A_973 : (vector<16xf32>, vector<16xi32>, vector<16xi1>) -> (vector<16xi1>, vector<16xf32>, vector<16xi32>)
        %ge3A_977 = arith.cmpf oge, %masked_sort3A_678, %masked_sort3A_688 : vector<16xf32>
        %select_n3A_978 = arith.select %ge3A_977, %masked_sort3A_678, %masked_sort3A_688 : vector<16xi1>, vector<16xf32>
        %select_n3A_979 = arith.select %ge3A_977, %masked_sort3A_679, %masked_sort3A_689 : vector<16xi1>, vector<16xi32>
        %masked_sort3A_980 = arith.constant dense<true> : vector<16xi1>
        %masked_sort3A_981, %masked_sort3A_982, %masked_sort3A_983 = tpu.sort %select_n3A_978, %select_n3A_979 masked %masked_sort3A_980 {descending = true} : (vector<16xf32>, vector<16xi32>, vector<16xi1>) -> (vector<16xi1>, vector<16xf32>, vector<16xi32>)
        %ge3A_984 = arith.cmpf oge, %masked_sort3A_698, %masked_sort3A_708 : vector<16xf32>
        %select_n3A_985 = arith.select %ge3A_984, %masked_sort3A_698, %masked_sort3A_708 : vector<16xi1>, vector<16xf32>
        %select_n3A_986 = arith.select %ge3A_984, %masked_sort3A_699, %masked_sort3A_709 : vector<16xi1>, vector<16xi32>
        %masked_sort3A_987 = arith.constant dense<true> : vector<16xi1>
        %masked_sort3A_988, %masked_sort3A_989, %masked_sort3A_990 = tpu.sort %select_n3A_985, %select_n3A_986 masked %masked_sort3A_987 : (vector<16xf32>, vector<16xi32>, vector<16xi1>) -> (vector<16xi1>, vector<16xf32>, vector<16xi32>)
        %ge3A_991 = arith.cmpf oge, %masked_sort3A_718, %masked_sort3A_728 : vector<16xf32>
        %select_n3A_992 = arith.select %ge3A_991, %masked_sort3A_718, %masked_sort3A_728 : vector<16xi1>, vector<16xf32>
        %select_n3A_993 = arith.select %ge3A_991, %masked_sort3A_719, %masked_sort3A_729 : vector<16xi1>, vector<16xi32>
        %masked_sort3A_994 = arith.constant dense<true> : vector<16xi1>
        %masked_sort3A_995, %masked_sort3A_996, %masked_sort3A_997 = tpu.sort %select_n3A_992, %select_n3A_993 masked %masked_sort3A_994 {descending = true} : (vector<16xf32>, vector<16xi32>, vector<16xi1>) -> (vector<16xi1>, vector<16xf32>, vector<16xi32>)
        %ge3A_998 = arith.cmpf oge, %masked_sort3A_738, %masked_sort3A_748 : vector<16xf32>
        %select_n3A_999 = arith.select %ge3A_998, %masked_sort3A_738, %masked_sort3A_748 : vector<16xi1>, vector<16xf32>
        %select_n3A_1000 = arith.select %ge3A_998, %masked_sort3A_739, %masked_sort3A_749 : vector<16xi1>, vector<16xi32>
        %masked_sort3A_1001 = arith.constant dense<true> : vector<16xi1>
        %masked_sort3A_1002, %masked_sort3A_1003, %masked_sort3A_1004 = tpu.sort %select_n3A_999, %select_n3A_1000 masked %masked_sort3A_1001 : (vector<16xf32>, vector<16xi32>, vector<16xi1>) -> (vector<16xi1>, vector<16xf32>, vector<16xi32>)
        %ge3A_1005 = arith.cmpf oge, %masked_sort3A_758, %masked_sort3A_768 : vector<16xf32>
        %select_n3A_1006 = arith.select %ge3A_1005, %masked_sort3A_758, %masked_sort3A_768 : vector<16xi1>, vector<16xf32>
        %select_n3A_1007 = arith.select %ge3A_1005, %masked_sort3A_759, %masked_sort3A_769 : vector<16xi1>, vector<16xi32>
        %masked_sort3A_1008 = arith.constant dense<true> : vector<16xi1>
        %masked_sort3A_1009, %masked_sort3A_1010, %masked_sort3A_1011 = tpu.sort %select_n3A_1006, %select_n3A_1007 masked %masked_sort3A_1008 {descending = true} : (vector<16xf32>, vector<16xi32>, vector<16xi1>) -> (vector<16xi1>, vector<16xf32>, vector<16xi32>)
        %ge3A_1012 = arith.cmpf oge, %masked_sort3A_778, %masked_sort3A_788 : vector<16xf32>
        %select_n3A_1013 = arith.select %ge3A_1012, %masked_sort3A_778, %masked_sort3A_788 : vector<16xi1>, vector<16xf32>
        %select_n3A_1014 = arith.select %ge3A_1012, %masked_sort3A_779, %masked_sort3A_789 : vector<16xi1>, vector<16xi32>
        %masked_sort3A_1015 = arith.constant dense<true> : vector<16xi1>
        %masked_sort3A_1016, %masked_sort3A_1017, %masked_sort3A_1018 = tpu.sort %select_n3A_1013, %select_n3A_1014 masked %masked_sort3A_1015 : (vector<16xf32>, vector<16xi32>, vector<16xi1>) -> (vector<16xi1>, vector<16xf32>, vector<16xi32>)
        %ge3A_1019 = arith.cmpf oge, %masked_sort3A_798, %masked_sort3A_808 : vector<16xf32>
        %select_n3A_1020 = arith.select %ge3A_1019, %masked_sort3A_798, %masked_sort3A_808 : vector<16xi1>, vector<16xf32>
        %select_n3A_1021 = arith.select %ge3A_1019, %masked_sort3A_799, %masked_sort3A_809 : vector<16xi1>, vector<16xi32>
        %masked_sort3A_1022 = arith.constant dense<true> : vector<16xi1>
        %masked_sort3A_1023, %masked_sort3A_1024, %masked_sort3A_1025 = tpu.sort %select_n3A_1020, %select_n3A_1021 masked %masked_sort3A_1022 {descending = true} : (vector<16xf32>, vector<16xi32>, vector<16xi1>) -> (vector<16xi1>, vector<16xf32>, vector<16xi32>)
        %ge3A_1026 = arith.cmpf oge, %masked_sort3A_818, %masked_sort3A_828 : vector<16xf32>
        %select_n3A_1027 = arith.select %ge3A_1026, %masked_sort3A_818, %masked_sort3A_828 : vector<16xi1>, vector<16xf32>
        %select_n3A_1028 = arith.select %ge3A_1026, %masked_sort3A_819, %masked_sort3A_829 : vector<16xi1>, vector<16xi32>
        %masked_sort3A_1029 = arith.constant dense<true> : vector<16xi1>
        %masked_sort3A_1030, %masked_sort3A_1031, %masked_sort3A_1032 = tpu.sort %select_n3A_1027, %select_n3A_1028 masked %masked_sort3A_1029 : (vector<16xf32>, vector<16xi32>, vector<16xi1>) -> (vector<16xi1>, vector<16xf32>, vector<16xi32>)
        %ge3A_1033 = arith.cmpf oge, %masked_sort3A_838, %masked_sort3A_848 : vector<16xf32>
        %select_n3A_1034 = arith.select %ge3A_1033, %masked_sort3A_838, %masked_sort3A_848 : vector<16xi1>, vector<16xf32>
        %select_n3A_1035 = arith.select %ge3A_1033, %masked_sort3A_839, %masked_sort3A_849 : vector<16xi1>, vector<16xi32>
        %masked_sort3A_1036 = arith.constant dense<true> : vector<16xi1>
        %masked_sort3A_1037, %masked_sort3A_1038, %masked_sort3A_1039 = tpu.sort %select_n3A_1034, %select_n3A_1035 masked %masked_sort3A_1036 {descending = true} : (vector<16xf32>, vector<16xi32>, vector<16xi1>) -> (vector<16xi1>, vector<16xf32>, vector<16xi32>)
        %ge3A_1040 = arith.cmpf oge, %masked_sort3A_858, %masked_sort3A_868 : vector<16xf32>
        %select_n3A_1041 = arith.select %ge3A_1040, %masked_sort3A_858, %masked_sort3A_868 : vector<16xi1>, vector<16xf32>
        %select_n3A_1042 = arith.select %ge3A_1040, %masked_sort3A_859, %masked_sort3A_869 : vector<16xi1>, vector<16xi32>
        %masked_sort3A_1043 = arith.constant dense<true> : vector<16xi1>
        %masked_sort3A_1044, %masked_sort3A_1045, %masked_sort3A_1046 = tpu.sort %select_n3A_1041, %select_n3A_1042 masked %masked_sort3A_1043 : (vector<16xf32>, vector<16xi32>, vector<16xi1>) -> (vector<16xi1>, vector<16xf32>, vector<16xi32>)
        %ge3A_1047 = arith.cmpf oge, %masked_sort3A_878, %masked_sort3A_888 : vector<16xf32>
        %select_n3A_1048 = arith.select %ge3A_1047, %masked_sort3A_878, %masked_sort3A_888 : vector<16xi1>, vector<16xf32>
        %select_n3A_1049 = arith.select %ge3A_1047, %masked_sort3A_879, %masked_sort3A_889 : vector<16xi1>, vector<16xi32>
        %masked_sort3A_1050 = arith.constant dense<true> : vector<16xi1>
        %masked_sort3A_1051, %masked_sort3A_1052, %masked_sort3A_1053 = tpu.sort %select_n3A_1048, %select_n3A_1049 masked %masked_sort3A_1050 {descending = true} : (vector<16xf32>, vector<16xi32>, vector<16xi1>) -> (vector<16xi1>, vector<16xf32>, vector<16xi32>)
        %ge3A_1054 = arith.cmpf oge, %masked_sort3A_898, %masked_sort3A_908 : vector<16xf32>
        %select_n3A_1055 = arith.select %ge3A_1054, %masked_sort3A_898, %masked_sort3A_908 : vector<16xi1>, vector<16xf32>
        %select_n3A_1056 = arith.select %ge3A_1054, %masked_sort3A_899, %masked_sort3A_909 : vector<16xi1>, vector<16xi32>
        %masked_sort3A_1057 = arith.constant dense<true> : vector<16xi1>
        %masked_sort3A_1058, %masked_sort3A_1059, %masked_sort3A_1060 = tpu.sort %select_n3A_1055, %select_n3A_1056 masked %masked_sort3A_1057 : (vector<16xf32>, vector<16xi32>, vector<16xi1>) -> (vector<16xi1>, vector<16xf32>, vector<16xi32>)
        %ge3A_1061 = arith.cmpf oge, %masked_sort3A_918, %masked_sort3A_928 : vector<16xf32>
        %select_n3A_1062 = arith.select %ge3A_1061, %masked_sort3A_918, %masked_sort3A_928 : vector<16xi1>, vector<16xf32>
        %select_n3A_1063 = arith.select %ge3A_1061, %masked_sort3A_919, %masked_sort3A_929 : vector<16xi1>, vector<16xi32>
        %masked_sort3A_1064 = arith.constant dense<true> : vector<16xi1>
        %masked_sort3A_1065, %masked_sort3A_1066, %masked_sort3A_1067 = tpu.sort %select_n3A_1062, %select_n3A_1063 masked %masked_sort3A_1064 {descending = true} : (vector<16xf32>, vector<16xi32>, vector<16xi1>) -> (vector<16xi1>, vector<16xf32>, vector<16xi32>)
        %ge3A_1068 = arith.cmpf oge, %masked_sort3A_938, %masked_sort3A_948 : vector<16xf32>
        %select_n3A_1069 = arith.select %ge3A_1068, %masked_sort3A_938, %masked_sort3A_948 : vector<16xi1>, vector<16xf32>
        %select_n3A_1070 = arith.select %ge3A_1068, %masked_sort3A_939, %masked_sort3A_949 : vector<16xi1>, vector<16xi32>
        %masked_sort3A_1071 = arith.constant dense<true> : vector<16xi1>
        %masked_sort3A_1072, %masked_sort3A_1073, %masked_sort3A_1074 = tpu.sort %select_n3A_1069, %select_n3A_1070 masked %masked_sort3A_1071 : (vector<16xf32>, vector<16xi32>, vector<16xi1>) -> (vector<16xi1>, vector<16xf32>, vector<16xi32>)
        %ge3A_1075 = arith.cmpf oge, %masked_sort3A_958, %masked_sort3A_968 : vector<16xf32>
        %select_n3A_1076 = arith.select %ge3A_1075, %masked_sort3A_958, %masked_sort3A_968 : vector<16xi1>, vector<16xf32>
        %select_n3A_1077 = arith.select %ge3A_1075, %masked_sort3A_959, %masked_sort3A_969 : vector<16xi1>, vector<16xi32>
        %masked_sort3A_1078 = arith.constant dense<true> : vector<16xi1>
        %masked_sort3A_1079, %masked_sort3A_1080, %masked_sort3A_1081 = tpu.sort %select_n3A_1076, %select_n3A_1077 masked %masked_sort3A_1078 {descending = true} : (vector<16xf32>, vector<16xi32>, vector<16xi1>) -> (vector<16xi1>, vector<16xf32>, vector<16xi32>)
        %ge3A_1082 = arith.cmpf oge, %masked_sort3A_975, %masked_sort3A_982 : vector<16xf32>
        %select_n3A_1083 = arith.select %ge3A_1082, %masked_sort3A_975, %masked_sort3A_982 : vector<16xi1>, vector<16xf32>
        %select_n3A_1084 = arith.select %ge3A_1082, %masked_sort3A_976, %masked_sort3A_983 : vector<16xi1>, vector<16xi32>
        %masked_sort3A_1085 = arith.constant dense<true> : vector<16xi1>
        %masked_sort3A_1086, %masked_sort3A_1087, %masked_sort3A_1088 = tpu.sort %select_n3A_1083, %select_n3A_1084 masked %masked_sort3A_1085 : (vector<16xf32>, vector<16xi32>, vector<16xi1>) -> (vector<16xi1>, vector<16xf32>, vector<16xi32>)
        %ge3A_1089 = arith.cmpf oge, %masked_sort3A_989, %masked_sort3A_996 : vector<16xf32>
        %select_n3A_1090 = arith.select %ge3A_1089, %masked_sort3A_989, %masked_sort3A_996 : vector<16xi1>, vector<16xf32>
        %select_n3A_1091 = arith.select %ge3A_1089, %masked_sort3A_990, %masked_sort3A_997 : vector<16xi1>, vector<16xi32>
        %masked_sort3A_1092 = arith.constant dense<true> : vector<16xi1>
        %masked_sort3A_1093, %masked_sort3A_1094, %masked_sort3A_1095 = tpu.sort %select_n3A_1090, %select_n3A_1091 masked %masked_sort3A_1092 {descending = true} : (vector<16xf32>, vector<16xi32>, vector<16xi1>) -> (vector<16xi1>, vector<16xf32>, vector<16xi32>)
        %ge3A_1096 = arith.cmpf oge, %masked_sort3A_1003, %masked_sort3A_1010 : vector<16xf32>
        %select_n3A_1097 = arith.select %ge3A_1096, %masked_sort3A_1003, %masked_sort3A_1010 : vector<16xi1>, vector<16xf32>
        %select_n3A_1098 = arith.select %ge3A_1096, %masked_sort3A_1004, %masked_sort3A_1011 : vector<16xi1>, vector<16xi32>
        %masked_sort3A_1099 = arith.constant dense<true> : vector<16xi1>
        %masked_sort3A_1100, %masked_sort3A_1101, %masked_sort3A_1102 = tpu.sort %select_n3A_1097, %select_n3A_1098 masked %masked_sort3A_1099 : (vector<16xf32>, vector<16xi32>, vector<16xi1>) -> (vector<16xi1>, vector<16xf32>, vector<16xi32>)
        %ge3A_1103 = arith.cmpf oge, %masked_sort3A_1017, %masked_sort3A_1024 : vector<16xf32>
        %select_n3A_1104 = arith.select %ge3A_1103, %masked_sort3A_1017, %masked_sort3A_1024 : vector<16xi1>, vector<16xf32>
        %select_n3A_1105 = arith.select %ge3A_1103, %masked_sort3A_1018, %masked_sort3A_1025 : vector<16xi1>, vector<16xi32>
        %masked_sort3A_1106 = arith.constant dense<true> : vector<16xi1>
        %masked_sort3A_1107, %masked_sort3A_1108, %masked_sort3A_1109 = tpu.sort %select_n3A_1104, %select_n3A_1105 masked %masked_sort3A_1106 {descending = true} : (vector<16xf32>, vector<16xi32>, vector<16xi1>) -> (vector<16xi1>, vector<16xf32>, vector<16xi32>)
        %ge3A_1110 = arith.cmpf oge, %masked_sort3A_1031, %masked_sort3A_1038 : vector<16xf32>
        %select_n3A_1111 = arith.select %ge3A_1110, %masked_sort3A_1031, %masked_sort3A_1038 : vector<16xi1>, vector<16xf32>
        %select_n3A_1112 = arith.select %ge3A_1110, %masked_sort3A_1032, %masked_sort3A_1039 : vector<16xi1>, vector<16xi32>
        %masked_sort3A_1113 = arith.constant dense<true> : vector<16xi1>
        %masked_sort3A_1114, %masked_sort3A_1115, %masked_sort3A_1116 = tpu.sort %select_n3A_1111, %select_n3A_1112 masked %masked_sort3A_1113 : (vector<16xf32>, vector<16xi32>, vector<16xi1>) -> (vector<16xi1>, vector<16xf32>, vector<16xi32>)
        %ge3A_1117 = arith.cmpf oge, %masked_sort3A_1045, %masked_sort3A_1052 : vector<16xf32>
        %select_n3A_1118 = arith.select %ge3A_1117, %masked_sort3A_1045, %masked_sort3A_1052 : vector<16xi1>, vector<16xf32>
        %select_n3A_1119 = arith.select %ge3A_1117, %masked_sort3A_1046, %masked_sort3A_1053 : vector<16xi1>, vector<16xi32>
        %masked_sort3A_1120 = arith.constant dense<true> : vector<16xi1>
        %masked_sort3A_1121, %masked_sort3A_1122, %masked_sort3A_1123 = tpu.sort %select_n3A_1118, %select_n3A_1119 masked %masked_sort3A_1120 {descending = true} : (vector<16xf32>, vector<16xi32>, vector<16xi1>) -> (vector<16xi1>, vector<16xf32>, vector<16xi32>)
        %ge3A_1124 = arith.cmpf oge, %masked_sort3A_1059, %masked_sort3A_1066 : vector<16xf32>
        %select_n3A_1125 = arith.select %ge3A_1124, %masked_sort3A_1059, %masked_sort3A_1066 : vector<16xi1>, vector<16xf32>
        %select_n3A_1126 = arith.select %ge3A_1124, %masked_sort3A_1060, %masked_sort3A_1067 : vector<16xi1>, vector<16xi32>
        %masked_sort3A_1127 = arith.constant dense<true> : vector<16xi1>
        %masked_sort3A_1128, %masked_sort3A_1129, %masked_sort3A_1130 = tpu.sort %select_n3A_1125, %select_n3A_1126 masked %masked_sort3A_1127 : (vector<16xf32>, vector<16xi32>, vector<16xi1>) -> (vector<16xi1>, vector<16xf32>, vector<16xi32>)
        %ge3A_1131 = arith.cmpf oge, %masked_sort3A_1073, %masked_sort3A_1080 : vector<16xf32>
        %select_n3A_1132 = arith.select %ge3A_1131, %masked_sort3A_1073, %masked_sort3A_1080 : vector<16xi1>, vector<16xf32>
        %select_n3A_1133 = arith.select %ge3A_1131, %masked_sort3A_1074, %masked_sort3A_1081 : vector<16xi1>, vector<16xi32>
        %masked_sort3A_1134 = arith.constant dense<true> : vector<16xi1>
        %masked_sort3A_1135, %masked_sort3A_1136, %masked_sort3A_1137 = tpu.sort %select_n3A_1132, %select_n3A_1133 masked %masked_sort3A_1134 {descending = true} : (vector<16xf32>, vector<16xi32>, vector<16xi1>) -> (vector<16xi1>, vector<16xf32>, vector<16xi32>)
        %ge3A_1138 = arith.cmpf oge, %masked_sort3A_1087, %masked_sort3A_1094 : vector<16xf32>
        %select_n3A_1139 = arith.select %ge3A_1138, %masked_sort3A_1087, %masked_sort3A_1094 : vector<16xi1>, vector<16xf32>
        %select_n3A_1140 = arith.select %ge3A_1138, %masked_sort3A_1088, %masked_sort3A_1095 : vector<16xi1>, vector<16xi32>
        %masked_sort3A_1141 = arith.constant dense<true> : vector<16xi1>
        %masked_sort3A_1142, %masked_sort3A_1143, %masked_sort3A_1144 = tpu.sort %select_n3A_1139, %select_n3A_1140 masked %masked_sort3A_1141 : (vector<16xf32>, vector<16xi32>, vector<16xi1>) -> (vector<16xi1>, vector<16xf32>, vector<16xi32>)
        %ge3A_1145 = arith.cmpf oge, %masked_sort3A_1101, %masked_sort3A_1108 : vector<16xf32>
        %select_n3A_1146 = arith.select %ge3A_1145, %masked_sort3A_1101, %masked_sort3A_1108 : vector<16xi1>, vector<16xf32>
        %select_n3A_1147 = arith.select %ge3A_1145, %masked_sort3A_1102, %masked_sort3A_1109 : vector<16xi1>, vector<16xi32>
        %masked_sort3A_1148 = arith.constant dense<true> : vector<16xi1>
        %masked_sort3A_1149, %masked_sort3A_1150, %masked_sort3A_1151 = tpu.sort %select_n3A_1146, %select_n3A_1147 masked %masked_sort3A_1148 {descending = true} : (vector<16xf32>, vector<16xi32>, vector<16xi1>) -> (vector<16xi1>, vector<16xf32>, vector<16xi32>)
        %ge3A_1152 = arith.cmpf oge, %masked_sort3A_1115, %masked_sort3A_1122 : vector<16xf32>
        %select_n3A_1153 = arith.select %ge3A_1152, %masked_sort3A_1115, %masked_sort3A_1122 : vector<16xi1>, vector<16xf32>
        %select_n3A_1154 = arith.select %ge3A_1152, %masked_sort3A_1116, %masked_sort3A_1123 : vector<16xi1>, vector<16xi32>
        %masked_sort3A_1155 = arith.constant dense<true> : vector<16xi1>
        %masked_sort3A_1156, %masked_sort3A_1157, %masked_sort3A_1158 = tpu.sort %select_n3A_1153, %select_n3A_1154 masked %masked_sort3A_1155 : (vector<16xf32>, vector<16xi32>, vector<16xi1>) -> (vector<16xi1>, vector<16xf32>, vector<16xi32>)
        %ge3A_1159 = arith.cmpf oge, %masked_sort3A_1129, %masked_sort3A_1136 : vector<16xf32>
        %select_n3A_1160 = arith.select %ge3A_1159, %masked_sort3A_1129, %masked_sort3A_1136 : vector<16xi1>, vector<16xf32>
        %select_n3A_1161 = arith.select %ge3A_1159, %masked_sort3A_1130, %masked_sort3A_1137 : vector<16xi1>, vector<16xi32>
        %masked_sort3A_1162 = arith.constant dense<true> : vector<16xi1>
        %masked_sort3A_1163, %masked_sort3A_1164, %masked_sort3A_1165 = tpu.sort %select_n3A_1160, %select_n3A_1161 masked %masked_sort3A_1162 {descending = true} : (vector<16xf32>, vector<16xi32>, vector<16xi1>) -> (vector<16xi1>, vector<16xf32>, vector<16xi32>)
        %ge3A_1166 = arith.cmpf oge, %masked_sort3A_1143, %masked_sort3A_1150 : vector<16xf32>
        %select_n3A_1167 = arith.select %ge3A_1166, %masked_sort3A_1143, %masked_sort3A_1150 : vector<16xi1>, vector<16xf32>
        %select_n3A_1168 = arith.select %ge3A_1166, %masked_sort3A_1144, %masked_sort3A_1151 : vector<16xi1>, vector<16xi32>
        %masked_sort3A_1169 = arith.constant dense<true> : vector<16xi1>
        %masked_sort3A_1170, %masked_sort3A_1171, %masked_sort3A_1172 = tpu.sort %select_n3A_1167, %select_n3A_1168 masked %masked_sort3A_1169 : (vector<16xf32>, vector<16xi32>, vector<16xi1>) -> (vector<16xi1>, vector<16xf32>, vector<16xi32>)
        %ge3A_1173 = arith.cmpf oge, %masked_sort3A_1157, %masked_sort3A_1164 : vector<16xf32>
        %select_n3A_1174 = arith.select %ge3A_1173, %masked_sort3A_1157, %masked_sort3A_1164 : vector<16xi1>, vector<16xf32>
        %select_n3A_1175 = arith.select %ge3A_1173, %masked_sort3A_1158, %masked_sort3A_1165 : vector<16xi1>, vector<16xi32>
        %masked_sort3A_1176 = arith.constant dense<true> : vector<16xi1>
        %masked_sort3A_1177, %masked_sort3A_1178, %masked_sort3A_1179 = tpu.sort %select_n3A_1174, %select_n3A_1175 masked %masked_sort3A_1176 {descending = true} : (vector<16xf32>, vector<16xi32>, vector<16xi1>) -> (vector<16xi1>, vector<16xf32>, vector<16xi32>)
        %ge3A_1180 = arith.cmpf oge, %masked_sort3A_1171, %masked_sort3A_1178 : vector<16xf32>
        %select_n3A_1181 = arith.select %ge3A_1180, %masked_sort3A_1171, %masked_sort3A_1178 : vector<16xi1>, vector<16xf32>
        %select_n3A_1182 = arith.select %ge3A_1180, %masked_sort3A_1172, %masked_sort3A_1179 : vector<16xi1>, vector<16xi32>
        %masked_sort3A_1183 = arith.constant dense<true> : vector<16xi1>
        %masked_sort3A_1184, %masked_sort3A_1185, %masked_sort3A_1186 = tpu.sort %select_n3A_1181, %select_n3A_1182 masked %masked_sort3A_1183 {descending = true} : (vector<16xf32>, vector<16xi32>, vector<16xi1>) -> (vector<16xi1>, vector<16xf32>, vector<16xi32>)
        %slice3A_1187 = vector.extract_strided_slice %masked_sort3A_1185 {offsets = [0], sizes = [1], strides = [1]} : vector<16xf32> to vector<1xf32>
        %squeeze3A_1188 = vector.extract %slice3A_1187[0] : f32 from vector<1xf32>
        %sub3A_1189 = vector.broadcast %squeeze3A_1188 : f32 to vector<16xf32>
        %sub3A_1190 = arith.subf %masked_sort3A_1185, %sub3A_1189 : vector<16xf32>
        %exp3A_1191 = math.exp %sub3A_1190 : vector<16xf32>
        %jit3A_1192 = arith.constant 0.000000e+00 : f32
        %broadcast_in_dim3A_1193 = vector.broadcast %jit3A_1192 : f32 to vector<16xf32>
        %select_n3A_1194 = arith.select %lt3A_4, %exp3A_1191, %broadcast_in_dim3A_1193 : vector<16xi1>, vector<16xf32>
        %reduce_sum3A_1195 = arith.constant true
        %reduce_sum3A_1196 = vector.broadcast %reduce_sum3A_1195 : i1 to vector<16xi1>
        %reduce_sum3A_1197 = tpu.scan <sum>, %select_n3A_1194 masked %reduce_sum3A_1196 : vector<16xf32>, vector<16xi1> -> vector<16xf32>
        %reduce_sum3A_1198 = vector.extract %reduce_sum3A_1197[15] : f32 from vector<16xf32>
        %div3A_1199 = vector.broadcast %reduce_sum3A_1198 : f32 to vector<16xf32>
        %div3A_1200 = arith.divf %select_n3A_1194, %div3A_1199 : vector<16xf32>
        %mul3A_1201 = arith.constant 128 : i32
        %mul3A_1202 = arith.muli %scan3A_649, %mul3A_1201 : i32
        %swap3A_1203 = arith.index_cast %mul3A_1202 : i32 to index
        %swap3A_1204 = tpu.vector_load %arg8[%swap3A_1203] {strides = array<i32>} : memref<4096xi32, #tpu.memory_space<vmem>>, vector<16xi32>,
        tpu.vector_store %arg8[%swap3A_1203], %masked_sort3A_1186 {strides = array<i32>} : memref<4096xi32, #tpu.memory_space<vmem>>, vector<16xi32>,
        %swap3A_1205 = arith.index_cast %mul3A_1202 : i32 to index
        %swap3A_1206 = tpu.vector_load %arg10[%swap3A_1205] {strides = array<i32>} : memref<4096xf32, #tpu.memory_space<vmem>>, vector<16xf32>,
        tpu.vector_store %arg10[%swap3A_1205], %div3A_1200 {strides = array<i32>} : memref<4096xf32, #tpu.memory_space<vmem>>, vector<16xf32>,
      }
      %scan3A_95 = arith.constant 32 : i32
      %mul3A_96 = arith.constant 128 : i32
      %mul3A_97 = arith.muli %add3A_89, %mul3A_96 : i32
      %dma_start3A_98 = tpu.memref_slice %arg3[%mul3A_97] : memref<1572864xi32, #tpu.memory_space<hbm>> -> memref<4096xi32, #tpu.memory_space<hbm>>
      %dma_start3A_99 = tpu.memref_slice %arg3[%mul3A_97] : memref<1572864xi32, #tpu.memory_space<hbm>> -> memref<4096xi32, #tpu.memory_space<hbm>>
      tpu.enqueue_dma source(%arg8 : memref<4096xi32, #tpu.memory_space<vmem>>) target(%dma_start3A_99 : memref<4096xi32, #tpu.memory_space<hbm>>) target_semaphore(%arg14 : memref<!tpu.dma_semaphore, #tpu.memory_space<semaphore_mem>>)
      %dma_start3A_100 = tpu.memref_slice %arg4[%mul3A_97] : memref<1572864xf32, #tpu.memory_space<hbm>> -> memref<4096xf32, #tpu.memory_space<hbm>>
      %dma_start3A_101 = tpu.memref_slice %arg4[%mul3A_97] : memref<1572864xf32, #tpu.memory_space<hbm>> -> memref<4096xf32, #tpu.memory_space<hbm>>
      tpu.enqueue_dma source(%arg10 : memref<4096xf32, #tpu.memory_space<vmem>>) target(%dma_start3A_101 : memref<4096xf32, #tpu.memory_space<hbm>>) target_semaphore(%arg14 : memref<!tpu.dma_semaphore, #tpu.memory_space<semaphore_mem>>)
    }
    %scan3A_12 = arith.constant 6 : i32
    %mul3A_13 = arith.constant 128 : i32
    %mul3A_14 = arith.muli %mul3A_2, %mul3A_13 : i32
    %dma_wait3A = tpu.memref_slice %arg3[%mul3A_14] : memref<1572864xi32, #tpu.memory_space<hbm>> -> memref<4096xi32, #tpu.memory_space<hbm>>
    %dma_wait3A_15 = tpu.memref_slice %arg3[%mul3A_14] : memref<1572864xi32, #tpu.memory_space<hbm>> -> memref<4096xi32, #tpu.memory_space<hbm>>
    tpu.wait_dma2 semaphore(%arg13 : memref<!tpu.dma_semaphore, #tpu.memory_space<semaphore_mem>>) src(%arg7 : memref<4096xi32, #tpu.memory_space<vmem>>) dst(%dma_wait3A_15 : memref<4096xi32, #tpu.memory_space<hbm>>)
    %mul3A_16 = arith.constant 128 : i32
    %mul3A_17 = arith.muli %mul3A_2, %mul3A_16 : i32
    %dma_wait3A_18 = tpu.memref_slice %arg4[%mul3A_17] : memref<1572864xf32, #tpu.memory_space<hbm>> -> memref<4096xf32, #tpu.memory_space<hbm>>
    %dma_wait3A_19 = tpu.memref_slice %arg4[%mul3A_17] : memref<1572864xf32, #tpu.memory_space<hbm>> -> memref<4096xf32, #tpu.memory_space<hbm>>
    tpu.wait_dma2 semaphore(%arg13 : memref<!tpu.dma_semaphore, #tpu.memory_space<semaphore_mem>>) src(%arg9 : memref<4096xf32, #tpu.memory_space<vmem>>) dst(%dma_wait3A_19 : memref<4096xf32, #tpu.memory_space<hbm>>)
    %mul3A_20 = arith.constant 128 : i32
    %mul3A_21 = arith.muli %mul3A_2, %mul3A_20 : i32
    %dma_wait3A_22 = tpu.memref_slice %arg3[%mul3A_21] : memref<1572864xi32, #tpu.memory_space<hbm>> -> memref<4096xi32, #tpu.memory_space<hbm>>
    %dma_wait3A_23 = tpu.memref_slice %arg3[%mul3A_21] : memref<1572864xi32, #tpu.memory_space<hbm>> -> memref<4096xi32, #tpu.memory_space<hbm>>
    tpu.wait_dma2 semaphore(%arg14 : memref<!tpu.dma_semaphore, #tpu.memory_space<semaphore_mem>>) src(%arg8 : memref<4096xi32, #tpu.memory_space<vmem>>) dst(%dma_wait3A_23 : memref<4096xi32, #tpu.memory_space<hbm>>)
    %mul3A_24 = arith.constant 128 : i32
    %mul3A_25 = arith.muli %mul3A_2, %mul3A_24 : i32
    %dma_wait3A_26 = tpu.memref_slice %arg4[%mul3A_25] : memref<1572864xf32, #tpu.memory_space<hbm>> -> memref<4096xf32, #tpu.memory_space<hbm>>
    %dma_wait3A_27 = tpu.memref_slice %arg4[%mul3A_25] : memref<1572864xf32, #tpu.memory_space<hbm>> -> memref<4096xf32, #tpu.memory_space<hbm>>
    tpu.wait_dma2 semaphore(%arg14 : memref<!tpu.dma_semaphore, #tpu.memory_space<semaphore_mem>>) src(%arg10 : memref<4096xf32, #tpu.memory_space<vmem>>) dst(%dma_wait3A_27 : memref<4096xf32, #tpu.memory_space<hbm>>)
    return
  }
}

#map = affine_map<(d0, d1) -> (0, 0)>
#map1 = affine_map<(d0, d1) -> (0)>
module attributes {stable_mosaic.version = 14 : i64} {
  func.func @_topk_body(%arg0: i32, %arg1: i32, %arg2: memref<20480x512xf32, #tpu.memory_space<hbm>>, %arg3: memref<2621440xi32, #tpu.memory_space<hbm>>, %arg4: memref<2621440xf32, #tpu.memory_space<hbm>>, %arg5: memref<32x512xf32, #tpu.memory_space<vmem>>, %arg6: memref<32x512xf32, #tpu.memory_space<vmem>>, %arg7: memref<4096xi32, #tpu.memory_space<vmem>>, %arg8: memref<4096xi32, #tpu.memory_space<vmem>>, %arg9: memref<4096xf32, #tpu.memory_space<vmem>>, %arg10: memref<4096xf32, #tpu.memory_space<vmem>>, %arg11: memref<!tpu.dma_semaphore, #tpu.memory_space<semaphore_mem>>, %arg12: memref<!tpu.dma_semaphore, #tpu.memory_space<semaphore_mem>>, %arg13: memref<!tpu.dma_semaphore, #tpu.memory_space<semaphore_mem>>, %arg14: memref<!tpu.dma_semaphore, #tpu.memory_space<semaphore_mem>>) attributes {dimension_semantics = [#tpu.dimension_semantics<core_parallel>, #tpu.dimension_semantics<subcore_parallel>], iteration_bounds = array<i64: 2, 16>, scalar_prefetch = 0 : i64, scratch_operands = 10 : i64, tpu.core_type = #tpu.core_type<sc_vector_subcore>, window_params = [{transform_indices = #map}, {transform_indices = #map1}, {transform_indices = #map1}]} {
    %mul3A = arith.constant 2 : i32
    %mul3A_0 = arith.muli %arg1, %mul3A : i32
    %add3A = arith.addi %mul3A_0, %arg0 : i32
    %mul3A_1 = arith.constant 640 : i32
    %mul3A_2 = arith.muli %add3A, %mul3A_1 : i32
    %iota3A = tpu.iota {dimensions = array<i32: 0>} : vector<16xi32>
    %lt3A = arith.constant 10 : i32
    %lt3A_3 = vector.broadcast %lt3A : i32 to vector<16xi32>
    %lt3A_4 = arith.cmpi slt, %iota3A, %lt3A_3 : vector<16xi32>
    %dma_start3A = arith.constant 0 : i32
    %dma_start3A_5 = tpu.memref_slice %arg2[%mul3A_2, %dma_start3A] : memref<20480x512xf32, #tpu.memory_space<hbm>> -> memref<32x512xf32, #tpu.memory_space<hbm>>
    %dma_start3A_6 = arith.constant 0 : i32
    %dma_start3A_7 = tpu.memref_slice %arg2[%mul3A_2, %dma_start3A_6] : memref<20480x512xf32, #tpu.memory_space<hbm>> -> memref<32x512xf32, #tpu.memory_space<hbm>>
    tpu.enqueue_dma source(%dma_start3A_7 : memref<32x512xf32, #tpu.memory_space<hbm>>) target(%arg5 : memref<32x512xf32, #tpu.memory_space<vmem>>) target_semaphore(%arg11 : memref<!tpu.dma_semaphore, #tpu.memory_space<semaphore_mem>>)
    %scan3A = arith.constant 0 : i32
    %scan3A_8 = arith.constant 0 : i32
    %scan3A_9 = arith.constant 10 : i32
    %scan3A_10 = arith.addi %scan3A_8, %scan3A_9 : i32
    %scan3A_11 = arith.constant 1 : i32
    scf.for %scan3A_28 = %scan3A_8 to %scan3A_10 step %scan3A_11  : i32 {
      %mul3A_29 = arith.constant 2 : i32
      %mul3A_30 = arith.muli %mul3A_29, %scan3A_28 : i32
      %add3A_31 = arith.constant 0 : i32
      %add3A_32 = arith.addi %mul3A_30, %add3A_31 : i32
      %add3A_33 = arith.constant 1 : i32
      %add3A_34 = arith.addi %add3A_32, %add3A_33 : i32
      %lt3A_35 = arith.constant 20 : i32
      %lt3A_36 = arith.cmpi slt, %add3A_34, %lt3A_35 : i32
      %convert_element_type3A = arith.extui %lt3A_36 : i1 to i32
      %cond3A = arith.constant 0 : i32
      %cond3A_37 = arith.cmpi ne, %convert_element_type3A, %cond3A : i32
      scf.if %cond3A_37 {
        %add3A_102 = arith.constant 1 : i32
        %add3A_103 = arith.addi %add3A_32, %add3A_102 : i32
        %mul3A_104 = arith.constant 32 : i32
        %mul3A_105 = arith.muli %add3A_103, %mul3A_104 : i32
        %add3A_106 = arith.addi %mul3A_2, %mul3A_105 : i32
        %dma_start3A_107 = arith.constant 0 : i32
        %dma_start3A_108 = tpu.memref_slice %arg2[%add3A_106, %dma_start3A_107] : memref<20480x512xf32, #tpu.memory_space<hbm>> -> memref<32x512xf32, #tpu.memory_space<hbm>>
        %dma_start3A_109 = arith.constant 0 : i32
        %dma_start3A_110 = tpu.memref_slice %arg2[%add3A_106, %dma_start3A_109] : memref<20480x512xf32, #tpu.memory_space<hbm>> -> memref<32x512xf32, #tpu.memory_space<hbm>>
        tpu.enqueue_dma source(%dma_start3A_110 : memref<32x512xf32, #tpu.memory_space<hbm>>) target(%arg6 : memref<32x512xf32, #tpu.memory_space<vmem>>) target_semaphore(%arg12 : memref<!tpu.dma_semaphore, #tpu.memory_space<semaphore_mem>>)
      } else {
      }
      %mul3A_38 = arith.constant 32 : i32
      %mul3A_39 = arith.muli %add3A_32, %mul3A_38 : i32
      %add3A_40 = arith.addi %mul3A_2, %mul3A_39 : i32
      %dma_wait3A_41 = arith.constant 0 : i32
      %dma_wait3A_42 = tpu.memref_slice %arg2[%add3A_40, %dma_wait3A_41] : memref<20480x512xf32, #tpu.memory_space<hbm>> -> memref<32x512xf32, #tpu.memory_space<hbm>>
      %dma_wait3A_43 = arith.constant 0 : i32
      %dma_wait3A_44 = tpu.memref_slice %arg2[%add3A_40, %dma_wait3A_43] : memref<20480x512xf32, #tpu.memory_space<hbm>> -> memref<32x512xf32, #tpu.memory_space<hbm>>
      tpu.wait_dma2 semaphore(%arg11 : memref<!tpu.dma_semaphore, #tpu.memory_space<semaphore_mem>>) src(%dma_wait3A_44 : memref<32x512xf32, #tpu.memory_space<hbm>>) dst(%arg5 : memref<32x512xf32, #tpu.memory_space<vmem>>)
      %ge3A = arith.constant 2 : i32
      %ge3A_45 = arith.cmpi sge, %add3A_32, %ge3A : i32
      %convert_element_type3A_46 = arith.extui %ge3A_45 : i1 to i32
      %cond3A_47 = arith.constant 0 : i32
      %cond3A_48 = arith.cmpi ne, %convert_element_type3A_46, %cond3A_47 : i32
      scf.if %cond3A_48 {
        %mul3A_102 = arith.constant 128 : i32
        %mul3A_103 = arith.muli %mul3A_2, %mul3A_102 : i32
        %dma_wait3A_104 = tpu.memref_slice %arg3[%mul3A_103] : memref<2621440xi32, #tpu.memory_space<hbm>> -> memref<4096xi32, #tpu.memory_space<hbm>>
        %dma_wait3A_105 = tpu.memref_slice %arg3[%mul3A_103] : memref<2621440xi32, #tpu.memory_space<hbm>> -> memref<4096xi32, #tpu.memory_space<hbm>>
        tpu.wait_dma2 semaphore(%arg13 : memref<!tpu.dma_semaphore, #tpu.memory_space<semaphore_mem>>) src(%arg7 : memref<4096xi32, #tpu.memory_space<vmem>>) dst(%dma_wait3A_105 : memref<4096xi32, #tpu.memory_space<hbm>>)
        %mul3A_106 = arith.constant 128 : i32
        %mul3A_107 = arith.muli %mul3A_2, %mul3A_106 : i32
        %dma_wait3A_108 = tpu.memref_slice %arg4[%mul3A_107] : memref<2621440xf32, #tpu.memory_space<hbm>> -> memref<4096xf32, #tpu.memory_space<hbm>>
        %dma_wait3A_109 = tpu.memref_slice %arg4[%mul3A_107] : memref<2621440xf32, #tpu.memory_space<hbm>> -> memref<4096xf32, #tpu.memory_space<hbm>>
        tpu.wait_dma2 semaphore(%arg13 : memref<!tpu.dma_semaphore, #tpu.memory_space<semaphore_mem>>) src(%arg9 : memref<4096xf32, #tpu.memory_space<vmem>>) dst(%dma_wait3A_109 : memref<4096xf32, #tpu.memory_space<hbm>>)
      } else {
      }
      %mul3A_49 = arith.constant 32 : i32
      %mul3A_50 = arith.muli %add3A_32, %mul3A_49 : i32
      %add3A_51 = arith.addi %mul3A_2, %mul3A_50 : i32
      %scan3A_52 = arith.constant 0 : i32
      %scan3A_53 = arith.constant 0 : i32
      %scan3A_54 = arith.constant 32 : i32
      %scan3A_55 = arith.addi %scan3A_53, %scan3A_54 : i32
      %scan3A_56 = arith.constant 2 : i32
      scf.for %scan3A_102 = %scan3A_53 to %scan3A_55 step %scan3A_56  : i32 {
        %get3A = arith.index_cast %scan3A_102 : i32 to index
        %get3A_103 = arith.constant 0 : index
        %get3A_104 = tpu.vector_load %arg5[%get3A, %get3A_103] {strides = array<i32>} : memref<32x512xf32, #tpu.memory_space<vmem>>, vector<16xf32>,
        %add3A_105 = arith.constant 0 : i32
        %add3A_106 = vector.broadcast %add3A_105 : i32 to vector<16xi32>
        %add3A_107 = arith.addi %iota3A, %add3A_106 : vector<16xi32>
        %masked_sort3A = arith.constant dense<true> : vector<16xi1>
        %masked_sort3A_108, %masked_sort3A_109, %masked_sort3A_110 = tpu.sort %get3A_104, %add3A_107 masked %masked_sort3A : (vector<16xf32>, vector<16xi32>, vector<16xi1>) -> (vector<16xi1>, vector<16xf32>, vector<16xi32>)
        %get3A_111 = arith.index_cast %scan3A_102 : i32 to index
        %get3A_112 = arith.constant 16 : index
        %get3A_113 = tpu.vector_load %arg5[%get3A_111, %get3A_112] {strides = array<i32>} : memref<32x512xf32, #tpu.memory_space<vmem>>, vector<16xf32>,
        %add3A_114 = arith.constant 16 : i32
        %add3A_115 = vector.broadcast %add3A_114 : i32 to vector<16xi32>
        %add3A_116 = arith.addi %iota3A, %add3A_115 : vector<16xi32>
        %masked_sort3A_117 = arith.constant dense<true> : vector<16xi1>
        %masked_sort3A_118, %masked_sort3A_119, %masked_sort3A_120 = tpu.sort %get3A_113, %add3A_116 masked %masked_sort3A_117 {descending = true} : (vector<16xf32>, vector<16xi32>, vector<16xi1>) -> (vector<16xi1>, vector<16xf32>, vector<16xi32>)
        %get3A_121 = arith.index_cast %scan3A_102 : i32 to index
        %get3A_122 = arith.constant 32 : index
        %get3A_123 = tpu.vector_load %arg5[%get3A_121, %get3A_122] {strides = array<i32>} : memref<32x512xf32, #tpu.memory_space<vmem>>, vector<16xf32>,
        %add3A_124 = arith.constant 32 : i32
        %add3A_125 = vector.broadcast %add3A_124 : i32 to vector<16xi32>
        %add3A_126 = arith.addi %iota3A, %add3A_125 : vector<16xi32>
        %masked_sort3A_127 = arith.constant dense<true> : vector<16xi1>
        %masked_sort3A_128, %masked_sort3A_129, %masked_sort3A_130 = tpu.sort %get3A_123, %add3A_126 masked %masked_sort3A_127 : (vector<16xf32>, vector<16xi32>, vector<16xi1>) -> (vector<16xi1>, vector<16xf32>, vector<16xi32>)
        %get3A_131 = arith.index_cast %scan3A_102 : i32 to index
        %get3A_132 = arith.constant 48 : index
        %get3A_133 = tpu.vector_load %arg5[%get3A_131, %get3A_132] {strides = array<i32>} : memref<32x512xf32, #tpu.memory_space<vmem>>, vector<16xf32>,
        %add3A_134 = arith.constant 48 : i32
        %add3A_135 = vector.broadcast %add3A_134 : i32 to vector<16xi32>
        %add3A_136 = arith.addi %iota3A, %add3A_135 : vector<16xi32>
        %masked_sort3A_137 = arith.constant dense<true> : vector<16xi1>
        %masked_sort3A_138, %masked_sort3A_139, %masked_sort3A_140 = tpu.sort %get3A_133, %add3A_136 masked %masked_sort3A_137 {descending = true} : (vector<16xf32>, vector<16xi32>, vector<16xi1>) -> (vector<16xi1>, vector<16xf32>, vector<16xi32>)
        %get3A_141 = arith.index_cast %scan3A_102 : i32 to index
        %get3A_142 = arith.constant 64 : index
        %get3A_143 = tpu.vector_load %arg5[%get3A_141, %get3A_142] {strides = array<i32>} : memref<32x512xf32, #tpu.memory_space<vmem>>, vector<16xf32>,
        %add3A_144 = arith.constant 64 : i32
        %add3A_145 = vector.broadcast %add3A_144 : i32 to vector<16xi32>
        %add3A_146 = arith.addi %iota3A, %add3A_145 : vector<16xi32>
        %masked_sort3A_147 = arith.constant dense<true> : vector<16xi1>
        %masked_sort3A_148, %masked_sort3A_149, %masked_sort3A_150 = tpu.sort %get3A_143, %add3A_146 masked %masked_sort3A_147 : (vector<16xf32>, vector<16xi32>, vector<16xi1>) -> (vector<16xi1>, vector<16xf32>, vector<16xi32>)
        %get3A_151 = arith.index_cast %scan3A_102 : i32 to index
        %get3A_152 = arith.constant 80 : index
        %get3A_153 = tpu.vector_load %arg5[%get3A_151, %get3A_152] {strides = array<i32>} : memref<32x512xf32, #tpu.memory_space<vmem>>, vector<16xf32>,
        %add3A_154 = arith.constant 80 : i32
        %add3A_155 = vector.broadcast %add3A_154 : i32 to vector<16xi32>
        %add3A_156 = arith.addi %iota3A, %add3A_155 : vector<16xi32>
        %masked_sort3A_157 = arith.constant dense<true> : vector<16xi1>
        %masked_sort3A_158, %masked_sort3A_159, %masked_sort3A_160 = tpu.sort %get3A_153, %add3A_156 masked %masked_sort3A_157 {descending = true} : (vector<16xf32>, vector<16xi32>, vector<16xi1>) -> (vector<16xi1>, vector<16xf32>, vector<16xi32>)
        %get3A_161 = arith.index_cast %scan3A_102 : i32 to index
        %get3A_162 = arith.constant 96 : index
        %get3A_163 = tpu.vector_load %arg5[%get3A_161, %get3A_162] {strides = array<i32>} : memref<32x512xf32, #tpu.memory_space<vmem>>, vector<16xf32>,
        %add3A_164 = arith.constant 96 : i32
        %add3A_165 = vector.broadcast %add3A_164 : i32 to vector<16xi32>
        %add3A_166 = arith.addi %iota3A, %add3A_165 : vector<16xi32>
        %masked_sort3A_167 = arith.constant dense<true> : vector<16xi1>
        %masked_sort3A_168, %masked_sort3A_169, %masked_sort3A_170 = tpu.sort %get3A_163, %add3A_166 masked %masked_sort3A_167 : (vector<16xf32>, vector<16xi32>, vector<16xi1>) -> (vector<16xi1>, vector<16xf32>, vector<16xi32>)
        %get3A_171 = arith.index_cast %scan3A_102 : i32 to index
        %get3A_172 = arith.constant 112 : index
        %get3A_173 = tpu.vector_load %arg5[%get3A_171, %get3A_172] {strides = array<i32>} : memref<32x512xf32, #tpu.memory_space<vmem>>, vector<16xf32>,
        %add3A_174 = arith.constant 112 : i32
        %add3A_175 = vector.broadcast %add3A_174 : i32 to vector<16xi32>
        %add3A_176 = arith.addi %iota3A, %add3A_175 : vector<16xi32>
        %masked_sort3A_177 = arith.constant dense<true> : vector<16xi1>
        %masked_sort3A_178, %masked_sort3A_179, %masked_sort3A_180 = tpu.sort %get3A_173, %add3A_176 masked %masked_sort3A_177 {descending = true} : (vector<16xf32>, vector<16xi32>, vector<16xi1>) -> (vector<16xi1>, vector<16xf32>, vector<16xi32>)
        %get3A_181 = arith.index_cast %scan3A_102 : i32 to index
        %get3A_182 = arith.constant 128 : index
        %get3A_183 = tpu.vector_load %arg5[%get3A_181, %get3A_182] {strides = array<i32>} : memref<32x512xf32, #tpu.memory_space<vmem>>, vector<16xf32>,
        %add3A_184 = arith.constant 128 : i32
        %add3A_185 = vector.broadcast %add3A_184 : i32 to vector<16xi32>
        %add3A_186 = arith.addi %iota3A, %add3A_185 : vector<16xi32>
        %masked_sort3A_187 = arith.constant dense<true> : vector<16xi1>
        %masked_sort3A_188, %masked_sort3A_189, %masked_sort3A_190 = tpu.sort %get3A_183, %add3A_186 masked %masked_sort3A_187 : (vector<16xf32>, vector<16xi32>, vector<16xi1>) -> (vector<16xi1>, vector<16xf32>, vector<16xi32>)
        %get3A_191 = arith.index_cast %scan3A_102 : i32 to index
        %get3A_192 = arith.constant 144 : index
        %get3A_193 = tpu.vector_load %arg5[%get3A_191, %get3A_192] {strides = array<i32>} : memref<32x512xf32, #tpu.memory_space<vmem>>, vector<16xf32>,
        %add3A_194 = arith.constant 144 : i32
        %add3A_195 = vector.broadcast %add3A_194 : i32 to vector<16xi32>
        %add3A_196 = arith.addi %iota3A, %add3A_195 : vector<16xi32>
        %masked_sort3A_197 = arith.constant dense<true> : vector<16xi1>
        %masked_sort3A_198, %masked_sort3A_199, %masked_sort3A_200 = tpu.sort %get3A_193, %add3A_196 masked %masked_sort3A_197 {descending = true} : (vector<16xf32>, vector<16xi32>, vector<16xi1>) -> (vector<16xi1>, vector<16xf32>, vector<16xi32>)
        %get3A_201 = arith.index_cast %scan3A_102 : i32 to index
        %get3A_202 = arith.constant 160 : index
        %get3A_203 = tpu.vector_load %arg5[%get3A_201, %get3A_202] {strides = array<i32>} : memref<32x512xf32, #tpu.memory_space<vmem>>, vector<16xf32>,
        %add3A_204 = arith.constant 160 : i32
        %add3A_205 = vector.broadcast %add3A_204 : i32 to vector<16xi32>
        %add3A_206 = arith.addi %iota3A, %add3A_205 : vector<16xi32>
        %masked_sort3A_207 = arith.constant dense<true> : vector<16xi1>
        %masked_sort3A_208, %masked_sort3A_209, %masked_sort3A_210 = tpu.sort %get3A_203, %add3A_206 masked %masked_sort3A_207 : (vector<16xf32>, vector<16xi32>, vector<16xi1>) -> (vector<16xi1>, vector<16xf32>, vector<16xi32>)
        %get3A_211 = arith.index_cast %scan3A_102 : i32 to index
        %get3A_212 = arith.constant 176 : index
        %get3A_213 = tpu.vector_load %arg5[%get3A_211, %get3A_212] {strides = array<i32>} : memref<32x512xf32, #tpu.memory_space<vmem>>, vector<16xf32>,
        %add3A_214 = arith.constant 176 : i32
        %add3A_215 = vector.broadcast %add3A_214 : i32 to vector<16xi32>
        %add3A_216 = arith.addi %iota3A, %add3A_215 : vector<16xi32>
        %masked_sort3A_217 = arith.constant dense<true> : vector<16xi1>
        %masked_sort3A_218, %masked_sort3A_219, %masked_sort3A_220 = tpu.sort %get3A_213, %add3A_216 masked %masked_sort3A_217 {descending = true} : (vector<16xf32>, vector<16xi32>, vector<16xi1>) -> (vector<16xi1>, vector<16xf32>, vector<16xi32>)
        %get3A_221 = arith.index_cast %scan3A_102 : i32 to index
        %get3A_222 = arith.constant 192 : index
        %get3A_223 = tpu.vector_load %arg5[%get3A_221, %get3A_222] {strides = array<i32>} : memref<32x512xf32, #tpu.memory_space<vmem>>, vector<16xf32>,
        %add3A_224 = arith.constant 192 : i32
        %add3A_225 = vector.broadcast %add3A_224 : i32 to vector<16xi32>
        %add3A_226 = arith.addi %iota3A, %add3A_225 : vector<16xi32>
        %masked_sort3A_227 = arith.constant dense<true> : vector<16xi1>
        %masked_sort3A_228, %masked_sort3A_229, %masked_sort3A_230 = tpu.sort %get3A_223, %add3A_226 masked %masked_sort3A_227 : (vector<16xf32>, vector<16xi32>, vector<16xi1>) -> (vector<16xi1>, vector<16xf32>, vector<16xi32>)
        %get3A_231 = arith.index_cast %scan3A_102 : i32 to index
        %get3A_232 = arith.constant 208 : index
        %get3A_233 = tpu.vector_load %arg5[%get3A_231, %get3A_232] {strides = array<i32>} : memref<32x512xf32, #tpu.memory_space<vmem>>, vector<16xf32>,
        %add3A_234 = arith.constant 208 : i32
        %add3A_235 = vector.broadcast %add3A_234 : i32 to vector<16xi32>
        %add3A_236 = arith.addi %iota3A, %add3A_235 : vector<16xi32>
        %masked_sort3A_237 = arith.constant dense<true> : vector<16xi1>
        %masked_sort3A_238, %masked_sort3A_239, %masked_sort3A_240 = tpu.sort %get3A_233, %add3A_236 masked %masked_sort3A_237 {descending = true} : (vector<16xf32>, vector<16xi32>, vector<16xi1>) -> (vector<16xi1>, vector<16xf32>, vector<16xi32>)
        %get3A_241 = arith.index_cast %scan3A_102 : i32 to index
        %get3A_242 = arith.constant 224 : index
        %get3A_243 = tpu.vector_load %arg5[%get3A_241, %get3A_242] {strides = array<i32>} : memref<32x512xf32, #tpu.memory_space<vmem>>, vector<16xf32>,
        %add3A_244 = arith.constant 224 : i32
        %add3A_245 = vector.broadcast %add3A_244 : i32 to vector<16xi32>
        %add3A_246 = arith.addi %iota3A, %add3A_245 : vector<16xi32>
        %masked_sort3A_247 = arith.constant dense<true> : vector<16xi1>
        %masked_sort3A_248, %masked_sort3A_249, %masked_sort3A_250 = tpu.sort %get3A_243, %add3A_246 masked %masked_sort3A_247 : (vector<16xf32>, vector<16xi32>, vector<16xi1>) -> (vector<16xi1>, vector<16xf32>, vector<16xi32>)
        %get3A_251 = arith.index_cast %scan3A_102 : i32 to index
        %get3A_252 = arith.constant 240 : index
        %get3A_253 = tpu.vector_load %arg5[%get3A_251, %get3A_252] {strides = array<i32>} : memref<32x512xf32, #tpu.memory_space<vmem>>, vector<16xf32>,
        %add3A_254 = arith.constant 240 : i32
        %add3A_255 = vector.broadcast %add3A_254 : i32 to vector<16xi32>
        %add3A_256 = arith.addi %iota3A, %add3A_255 : vector<16xi32>
        %masked_sort3A_257 = arith.constant dense<true> : vector<16xi1>
        %masked_sort3A_258, %masked_sort3A_259, %masked_sort3A_260 = tpu.sort %get3A_253, %add3A_256 masked %masked_sort3A_257 {descending = true} : (vector<16xf32>, vector<16xi32>, vector<16xi1>) -> (vector<16xi1>, vector<16xf32>, vector<16xi32>)
        %get3A_261 = arith.index_cast %scan3A_102 : i32 to index
        %get3A_262 = arith.constant 256 : index
        %get3A_263 = tpu.vector_load %arg5[%get3A_261, %get3A_262] {strides = array<i32>} : memref<32x512xf32, #tpu.memory_space<vmem>>, vector<16xf32>,
        %add3A_264 = arith.constant 256 : i32
        %add3A_265 = vector.broadcast %add3A_264 : i32 to vector<16xi32>
        %add3A_266 = arith.addi %iota3A, %add3A_265 : vector<16xi32>
        %masked_sort3A_267 = arith.constant dense<true> : vector<16xi1>
        %masked_sort3A_268, %masked_sort3A_269, %masked_sort3A_270 = tpu.sort %get3A_263, %add3A_266 masked %masked_sort3A_267 : (vector<16xf32>, vector<16xi32>, vector<16xi1>) -> (vector<16xi1>, vector<16xf32>, vector<16xi32>)
        %get3A_271 = arith.index_cast %scan3A_102 : i32 to index
        %get3A_272 = arith.constant 272 : index
        %get3A_273 = tpu.vector_load %arg5[%get3A_271, %get3A_272] {strides = array<i32>} : memref<32x512xf32, #tpu.memory_space<vmem>>, vector<16xf32>,
        %add3A_274 = arith.constant 272 : i32
        %add3A_275 = vector.broadcast %add3A_274 : i32 to vector<16xi32>
        %add3A_276 = arith.addi %iota3A, %add3A_275 : vector<16xi32>
        %masked_sort3A_277 = arith.constant dense<true> : vector<16xi1>
        %masked_sort3A_278, %masked_sort3A_279, %masked_sort3A_280 = tpu.sort %get3A_273, %add3A_276 masked %masked_sort3A_277 {descending = true} : (vector<16xf32>, vector<16xi32>, vector<16xi1>) -> (vector<16xi1>, vector<16xf32>, vector<16xi32>)
        %get3A_281 = arith.index_cast %scan3A_102 : i32 to index
        %get3A_282 = arith.constant 288 : index
        %get3A_283 = tpu.vector_load %arg5[%get3A_281, %get3A_282] {strides = array<i32>} : memref<32x512xf32, #tpu.memory_space<vmem>>, vector<16xf32>,
        %add3A_284 = arith.constant 288 : i32
        %add3A_285 = vector.broadcast %add3A_284 : i32 to vector<16xi32>
        %add3A_286 = arith.addi %iota3A, %add3A_285 : vector<16xi32>
        %masked_sort3A_287 = arith.constant dense<true> : vector<16xi1>
        %masked_sort3A_288, %masked_sort3A_289, %masked_sort3A_290 = tpu.sort %get3A_283, %add3A_286 masked %masked_sort3A_287 : (vector<16xf32>, vector<16xi32>, vector<16xi1>) -> (vector<16xi1>, vector<16xf32>, vector<16xi32>)
        %get3A_291 = arith.index_cast %scan3A_102 : i32 to index
        %get3A_292 = arith.constant 304 : index
        %get3A_293 = tpu.vector_load %arg5[%get3A_291, %get3A_292] {strides = array<i32>} : memref<32x512xf32, #tpu.memory_space<vmem>>, vector<16xf32>,
        %add3A_294 = arith.constant 304 : i32
        %add3A_295 = vector.broadcast %add3A_294 : i32 to vector<16xi32>
        %add3A_296 = arith.addi %iota3A, %add3A_295 : vector<16xi32>
        %masked_sort3A_297 = arith.constant dense<true> : vector<16xi1>
        %masked_sort3A_298, %masked_sort3A_299, %masked_sort3A_300 = tpu.sort %get3A_293, %add3A_296 masked %masked_sort3A_297 {descending = true} : (vector<16xf32>, vector<16xi32>, vector<16xi1>) -> (vector<16xi1>, vector<16xf32>, vector<16xi32>)
        %get3A_301 = arith.index_cast %scan3A_102 : i32 to index
        %get3A_302 = arith.constant 320 : index
        %get3A_303 = tpu.vector_load %arg5[%get3A_301, %get3A_302] {strides = array<i32>} : memref<32x512xf32, #tpu.memory_space<vmem>>, vector<16xf32>,
        %add3A_304 = arith.constant 320 : i32
        %add3A_305 = vector.broadcast %add3A_304 : i32 to vector<16xi32>
        %add3A_306 = arith.addi %iota3A, %add3A_305 : vector<16xi32>
        %masked_sort3A_307 = arith.constant dense<true> : vector<16xi1>
        %masked_sort3A_308, %masked_sort3A_309, %masked_sort3A_310 = tpu.sort %get3A_303, %add3A_306 masked %masked_sort3A_307 : (vector<16xf32>, vector<16xi32>, vector<16xi1>) -> (vector<16xi1>, vector<16xf32>, vector<16xi32>)
        %get3A_311 = arith.index_cast %scan3A_102 : i32 to index
        %get3A_312 = arith.constant 336 : index
        %get3A_313 = tpu.vector_load %arg5[%get3A_311, %get3A_312] {strides = array<i32>} : memref<32x512xf32, #tpu.memory_space<vmem>>, vector<16xf32>,
        %add3A_314 = arith.constant 336 : i32
        %add3A_315 = vector.broadcast %add3A_314 : i32 to vector<16xi32>
        %add3A_316 = arith.addi %iota3A, %add3A_315 : vector<16xi32>
        %masked_sort3A_317 = arith.constant dense<true> : vector<16xi1>
        %masked_sort3A_318, %masked_sort3A_319, %masked_sort3A_320 = tpu.sort %get3A_313, %add3A_316 masked %masked_sort3A_317 {descending = true} : (vector<16xf32>, vector<16xi32>, vector<16xi1>) -> (vector<16xi1>, vector<16xf32>, vector<16xi32>)
        %get3A_321 = arith.index_cast %scan3A_102 : i32 to index
        %get3A_322 = arith.constant 352 : index
        %get3A_323 = tpu.vector_load %arg5[%get3A_321, %get3A_322] {strides = array<i32>} : memref<32x512xf32, #tpu.memory_space<vmem>>, vector<16xf32>,
        %add3A_324 = arith.constant 352 : i32
        %add3A_325 = vector.broadcast %add3A_324 : i32 to vector<16xi32>
        %add3A_326 = arith.addi %iota3A, %add3A_325 : vector<16xi32>
        %masked_sort3A_327 = arith.constant dense<true> : vector<16xi1>
        %masked_sort3A_328, %masked_sort3A_329, %masked_sort3A_330 = tpu.sort %get3A_323, %add3A_326 masked %masked_sort3A_327 : (vector<16xf32>, vector<16xi32>, vector<16xi1>) -> (vector<16xi1>, vector<16xf32>, vector<16xi32>)
        %get3A_331 = arith.index_cast %scan3A_102 : i32 to index
        %get3A_332 = arith.constant 368 : index
        %get3A_333 = tpu.vector_load %arg5[%get3A_331, %get3A_332] {strides = array<i32>} : memref<32x512xf32, #tpu.memory_space<vmem>>, vector<16xf32>,
        %add3A_334 = arith.constant 368 : i32
        %add3A_335 = vector.broadcast %add3A_334 : i32 to vector<16xi32>
        %add3A_336 = arith.addi %iota3A, %add3A_335 : vector<16xi32>
        %masked_sort3A_337 = arith.constant dense<true> : vector<16xi1>
        %masked_sort3A_338, %masked_sort3A_339, %masked_sort3A_340 = tpu.sort %get3A_333, %add3A_336 masked %masked_sort3A_337 {descending = true} : (vector<16xf32>, vector<16xi32>, vector<16xi1>) -> (vector<16xi1>, vector<16xf32>, vector<16xi32>)
        %get3A_341 = arith.index_cast %scan3A_102 : i32 to index
        %get3A_342 = arith.constant 384 : index
        %get3A_343 = tpu.vector_load %arg5[%get3A_341, %get3A_342] {strides = array<i32>} : memref<32x512xf32, #tpu.memory_space<vmem>>, vector<16xf32>,
        %add3A_344 = arith.constant 384 : i32
        %add3A_345 = vector.broadcast %add3A_344 : i32 to vector<16xi32>
        %add3A_346 = arith.addi %iota3A, %add3A_345 : vector<16xi32>
        %masked_sort3A_347 = arith.constant dense<true> : vector<16xi1>
        %masked_sort3A_348, %masked_sort3A_349, %masked_sort3A_350 = tpu.sort %get3A_343, %add3A_346 masked %masked_sort3A_347 : (vector<16xf32>, vector<16xi32>, vector<16xi1>) -> (vector<16xi1>, vector<16xf32>, vector<16xi32>)
        %get3A_351 = arith.index_cast %scan3A_102 : i32 to index
        %get3A_352 = arith.constant 400 : index
        %get3A_353 = tpu.vector_load %arg5[%get3A_351, %get3A_352] {strides = array<i32>} : memref<32x512xf32, #tpu.memory_space<vmem>>, vector<16xf32>,
        %add3A_354 = arith.constant 400 : i32
        %add3A_355 = vector.broadcast %add3A_354 : i32 to vector<16xi32>
        %add3A_356 = arith.addi %iota3A, %add3A_355 : vector<16xi32>
        %masked_sort3A_357 = arith.constant dense<true> : vector<16xi1>
        %masked_sort3A_358, %masked_sort3A_359, %masked_sort3A_360 = tpu.sort %get3A_353, %add3A_356 masked %masked_sort3A_357 {descending = true} : (vector<16xf32>, vector<16xi32>, vector<16xi1>) -> (vector<16xi1>, vector<16xf32>, vector<16xi32>)
        %get3A_361 = arith.index_cast %scan3A_102 : i32 to index
        %get3A_362 = arith.constant 416 : index
        %get3A_363 = tpu.vector_load %arg5[%get3A_361, %get3A_362] {strides = array<i32>} : memref<32x512xf32, #tpu.memory_space<vmem>>, vector<16xf32>,
        %add3A_364 = arith.constant 416 : i32
        %add3A_365 = vector.broadcast %add3A_364 : i32 to vector<16xi32>
        %add3A_366 = arith.addi %iota3A, %add3A_365 : vector<16xi32>
        %masked_sort3A_367 = arith.constant dense<true> : vector<16xi1>
        %masked_sort3A_368, %masked_sort3A_369, %masked_sort3A_370 = tpu.sort %get3A_363, %add3A_366 masked %masked_sort3A_367 : (vector<16xf32>, vector<16xi32>, vector<16xi1>) -> (vector<16xi1>, vector<16xf32>, vector<16xi32>)
        %get3A_371 = arith.index_cast %scan3A_102 : i32 to index
        %get3A_372 = arith.constant 432 : index
        %get3A_373 = tpu.vector_load %arg5[%get3A_371, %get3A_372] {strides = array<i32>} : memref<32x512xf32, #tpu.memory_space<vmem>>, vector<16xf32>,
        %add3A_374 = arith.constant 432 : i32
        %add3A_375 = vector.broadcast %add3A_374 : i32 to vector<16xi32>
        %add3A_376 = arith.addi %iota3A, %add3A_375 : vector<16xi32>
        %masked_sort3A_377 = arith.constant dense<true> : vector<16xi1>
        %masked_sort3A_378, %masked_sort3A_379, %masked_sort3A_380 = tpu.sort %get3A_373, %add3A_376 masked %masked_sort3A_377 {descending = true} : (vector<16xf32>, vector<16xi32>, vector<16xi1>) -> (vector<16xi1>, vector<16xf32>, vector<16xi32>)
        %get3A_381 = arith.index_cast %scan3A_102 : i32 to index
        %get3A_382 = arith.constant 448 : index
        %get3A_383 = tpu.vector_load %arg5[%get3A_381, %get3A_382] {strides = array<i32>} : memref<32x512xf32, #tpu.memory_space<vmem>>, vector<16xf32>,
        %add3A_384 = arith.constant 448 : i32
        %add3A_385 = vector.broadcast %add3A_384 : i32 to vector<16xi32>
        %add3A_386 = arith.addi %iota3A, %add3A_385 : vector<16xi32>
        %masked_sort3A_387 = arith.constant dense<true> : vector<16xi1>
        %masked_sort3A_388, %masked_sort3A_389, %masked_sort3A_390 = tpu.sort %get3A_383, %add3A_386 masked %masked_sort3A_387 : (vector<16xf32>, vector<16xi32>, vector<16xi1>) -> (vector<16xi1>, vector<16xf32>, vector<16xi32>)
        %get3A_391 = arith.index_cast %scan3A_102 : i32 to index
        %get3A_392 = arith.constant 464 : index
        %get3A_393 = tpu.vector_load %arg5[%get3A_391, %get3A_392] {strides = array<i32>} : memref<32x512xf32, #tpu.memory_space<vmem>>, vector<16xf32>,
        %add3A_394 = arith.constant 464 : i32
        %add3A_395 = vector.broadcast %add3A_394 : i32 to vector<16xi32>
        %add3A_396 = arith.addi %iota3A, %add3A_395 : vector<16xi32>
        %masked_sort3A_397 = arith.constant dense<true> : vector<16xi1>
        %masked_sort3A_398, %masked_sort3A_399, %masked_sort3A_400 = tpu.sort %get3A_393, %add3A_396 masked %masked_sort3A_397 {descending = true} : (vector<16xf32>, vector<16xi32>, vector<16xi1>) -> (vector<16xi1>, vector<16xf32>, vector<16xi32>)
        %get3A_401 = arith.index_cast %scan3A_102 : i32 to index
        %get3A_402 = arith.constant 480 : index
        %get3A_403 = tpu.vector_load %arg5[%get3A_401, %get3A_402] {strides = array<i32>} : memref<32x512xf32, #tpu.memory_space<vmem>>, vector<16xf32>,
        %add3A_404 = arith.constant 480 : i32
        %add3A_405 = vector.broadcast %add3A_404 : i32 to vector<16xi32>
        %add3A_406 = arith.addi %iota3A, %add3A_405 : vector<16xi32>
        %masked_sort3A_407 = arith.constant dense<true> : vector<16xi1>
        %masked_sort3A_408, %masked_sort3A_409, %masked_sort3A_410 = tpu.sort %get3A_403, %add3A_406 masked %masked_sort3A_407 : (vector<16xf32>, vector<16xi32>, vector<16xi1>) -> (vector<16xi1>, vector<16xf32>, vector<16xi32>)
        %get3A_411 = arith.index_cast %scan3A_102 : i32 to index
        %get3A_412 = arith.constant 496 : index
        %get3A_413 = tpu.vector_load %arg5[%get3A_411, %get3A_412] {strides = array<i32>} : memref<32x512xf32, #tpu.memory_space<vmem>>, vector<16xf32>,
        %add3A_414 = arith.constant 496 : i32
        %add3A_415 = vector.broadcast %add3A_414 : i32 to vector<16xi32>
        %add3A_416 = arith.addi %iota3A, %add3A_415 : vector<16xi32>
        %masked_sort3A_417 = arith.constant dense<true> : vector<16xi1>
        %masked_sort3A_418, %masked_sort3A_419, %masked_sort3A_420 = tpu.sort %get3A_413, %add3A_416 masked %masked_sort3A_417 {descending = true} : (vector<16xf32>, vector<16xi32>, vector<16xi1>) -> (vector<16xi1>, vector<16xf32>, vector<16xi32>)
        %ge3A_421 = arith.cmpf oge, %masked_sort3A_109, %masked_sort3A_119 : vector<16xf32>
        %select_n3A = arith.select %ge3A_421, %masked_sort3A_109, %masked_sort3A_119 : vector<16xi1>, vector<16xf32>
        %select_n3A_422 = arith.select %ge3A_421, %masked_sort3A_110, %masked_sort3A_120 : vector<16xi1>, vector<16xi32>
        %masked_sort3A_423 = arith.constant dense<true> : vector<16xi1>
        %masked_sort3A_424, %masked_sort3A_425, %masked_sort3A_426 = tpu.sort %select_n3A, %select_n3A_422 masked %masked_sort3A_423 : (vector<16xf32>, vector<16xi32>, vector<16xi1>) -> (vector<16xi1>, vector<16xf32>, vector<16xi32>)
        %ge3A_427 = arith.cmpf oge, %masked_sort3A_129, %masked_sort3A_139 : vector<16xf32>
        %select_n3A_428 = arith.select %ge3A_427, %masked_sort3A_129, %masked_sort3A_139 : vector<16xi1>, vector<16xf32>
        %select_n3A_429 = arith.select %ge3A_427, %masked_sort3A_130, %masked_sort3A_140 : vector<16xi1>, vector<16xi32>
        %masked_sort3A_430 = arith.constant dense<true> : vector<16xi1>
        %masked_sort3A_431, %masked_sort3A_432, %masked_sort3A_433 = tpu.sort %select_n3A_428, %select_n3A_429 masked %masked_sort3A_430 {descending = true} : (vector<16xf32>, vector<16xi32>, vector<16xi1>) -> (vector<16xi1>, vector<16xf32>, vector<16xi32>)
        %ge3A_434 = arith.cmpf oge, %masked_sort3A_149, %masked_sort3A_159 : vector<16xf32>
        %select_n3A_435 = arith.select %ge3A_434, %masked_sort3A_149, %masked_sort3A_159 : vector<16xi1>, vector<16xf32>
        %select_n3A_436 = arith.select %ge3A_434, %masked_sort3A_150, %masked_sort3A_160 : vector<16xi1>, vector<16xi32>
        %masked_sort3A_437 = arith.constant dense<true> : vector<16xi1>
        %masked_sort3A_438, %masked_sort3A_439, %masked_sort3A_440 = tpu.sort %select_n3A_435, %select_n3A_436 masked %masked_sort3A_437 : (vector<16xf32>, vector<16xi32>, vector<16xi1>) -> (vector<16xi1>, vector<16xf32>, vector<16xi32>)
        %ge3A_441 = arith.cmpf oge, %masked_sort3A_169, %masked_sort3A_179 : vector<16xf32>
        %select_n3A_442 = arith.select %ge3A_441, %masked_sort3A_169, %masked_sort3A_179 : vector<16xi1>, vector<16xf32>
        %select_n3A_443 = arith.select %ge3A_441, %masked_sort3A_170, %masked_sort3A_180 : vector<16xi1>, vector<16xi32>
        %masked_sort3A_444 = arith.constant dense<true> : vector<16xi1>
        %masked_sort3A_445, %masked_sort3A_446, %masked_sort3A_447 = tpu.sort %select_n3A_442, %select_n3A_443 masked %masked_sort3A_444 {descending = true} : (vector<16xf32>, vector<16xi32>, vector<16xi1>) -> (vector<16xi1>, vector<16xf32>, vector<16xi32>)
        %ge3A_448 = arith.cmpf oge, %masked_sort3A_189, %masked_sort3A_199 : vector<16xf32>
        %select_n3A_449 = arith.select %ge3A_448, %masked_sort3A_189, %masked_sort3A_199 : vector<16xi1>, vector<16xf32>
        %select_n3A_450 = arith.select %ge3A_448, %masked_sort3A_190, %masked_sort3A_200 : vector<16xi1>, vector<16xi32>
        %masked_sort3A_451 = arith.constant dense<true> : vector<16xi1>
        %masked_sort3A_452, %masked_sort3A_453, %masked_sort3A_454 = tpu.sort %select_n3A_449, %select_n3A_450 masked %masked_sort3A_451 : (vector<16xf32>, vector<16xi32>, vector<16xi1>) -> (vector<16xi1>, vector<16xf32>, vector<16xi32>)
        %ge3A_455 = arith.cmpf oge, %masked_sort3A_209, %masked_sort3A_219 : vector<16xf32>
        %select_n3A_456 = arith.select %ge3A_455, %masked_sort3A_209, %masked_sort3A_219 : vector<16xi1>, vector<16xf32>
        %select_n3A_457 = arith.select %ge3A_455, %masked_sort3A_210, %masked_sort3A_220 : vector<16xi1>, vector<16xi32>
        %masked_sort3A_458 = arith.constant dense<true> : vector<16xi1>
        %masked_sort3A_459, %masked_sort3A_460, %masked_sort3A_461 = tpu.sort %select_n3A_456, %select_n3A_457 masked %masked_sort3A_458 {descending = true} : (vector<16xf32>, vector<16xi32>, vector<16xi1>) -> (vector<16xi1>, vector<16xf32>, vector<16xi32>)
        %ge3A_462 = arith.cmpf oge, %masked_sort3A_229, %masked_sort3A_239 : vector<16xf32>
        %select_n3A_463 = arith.select %ge3A_462, %masked_sort3A_229, %masked_sort3A_239 : vector<16xi1>, vector<16xf32>
        %select_n3A_464 = arith.select %ge3A_462, %masked_sort3A_230, %masked_sort3A_240 : vector<16xi1>, vector<16xi32>
        %masked_sort3A_465 = arith.constant dense<true> : vector<16xi1>
        %masked_sort3A_466, %masked_sort3A_467, %masked_sort3A_468 = tpu.sort %select_n3A_463, %select_n3A_464 masked %masked_sort3A_465 : (vector<16xf32>, vector<16xi32>, vector<16xi1>) -> (vector<16xi1>, vector<16xf32>, vector<16xi32>)
        %ge3A_469 = arith.cmpf oge, %masked_sort3A_249, %masked_sort3A_259 : vector<16xf32>
        %select_n3A_470 = arith.select %ge3A_469, %masked_sort3A_249, %masked_sort3A_259 : vector<16xi1>, vector<16xf32>
        %select_n3A_471 = arith.select %ge3A_469, %masked_sort3A_250, %masked_sort3A_260 : vector<16xi1>, vector<16xi32>
        %masked_sort3A_472 = arith.constant dense<true> : vector<16xi1>
        %masked_sort3A_473, %masked_sort3A_474, %masked_sort3A_475 = tpu.sort %select_n3A_470, %select_n3A_471 masked %masked_sort3A_472 {descending = true} : (vector<16xf32>, vector<16xi32>, vector<16xi1>) -> (vector<16xi1>, vector<16xf32>, vector<16xi32>)
        %ge3A_476 = arith.cmpf oge, %masked_sort3A_269, %masked_sort3A_279 : vector<16xf32>
        %select_n3A_477 = arith.select %ge3A_476, %masked_sort3A_269, %masked_sort3A_279 : vector<16xi1>, vector<16xf32>
        %select_n3A_478 = arith.select %ge3A_476, %masked_sort3A_270, %masked_sort3A_280 : vector<16xi1>, vector<16xi32>
        %masked_sort3A_479 = arith.constant dense<true> : vector<16xi1>
        %masked_sort3A_480, %masked_sort3A_481, %masked_sort3A_482 = tpu.sort %select_n3A_477, %select_n3A_478 masked %masked_sort3A_479 : (vector<16xf32>, vector<16xi32>, vector<16xi1>) -> (vector<16xi1>, vector<16xf32>, vector<16xi32>)
        %ge3A_483 = arith.cmpf oge, %masked_sort3A_289, %masked_sort3A_299 : vector<16xf32>
        %select_n3A_484 = arith.select %ge3A_483, %masked_sort3A_289, %masked_sort3A_299 : vector<16xi1>, vector<16xf32>
        %select_n3A_485 = arith.select %ge3A_483, %masked_sort3A_290, %masked_sort3A_300 : vector<16xi1>, vector<16xi32>
        %masked_sort3A_486 = arith.constant dense<true> : vector<16xi1>
        %masked_sort3A_487, %masked_sort3A_488, %masked_sort3A_489 = tpu.sort %select_n3A_484, %select_n3A_485 masked %masked_sort3A_486 {descending = true} : (vector<16xf32>, vector<16xi32>, vector<16xi1>) -> (vector<16xi1>, vector<16xf32>, vector<16xi32>)
        %ge3A_490 = arith.cmpf oge, %masked_sort3A_309, %masked_sort3A_319 : vector<16xf32>
        %select_n3A_491 = arith.select %ge3A_490, %masked_sort3A_309, %masked_sort3A_319 : vector<16xi1>, vector<16xf32>
        %select_n3A_492 = arith.select %ge3A_490, %masked_sort3A_310, %masked_sort3A_320 : vector<16xi1>, vector<16xi32>
        %masked_sort3A_493 = arith.constant dense<true> : vector<16xi1>
        %masked_sort3A_494, %masked_sort3A_495, %masked_sort3A_496 = tpu.sort %select_n3A_491, %select_n3A_492 masked %masked_sort3A_493 : (vector<16xf32>, vector<16xi32>, vector<16xi1>) -> (vector<16xi1>, vector<16xf32>, vector<16xi32>)
        %ge3A_497 = arith.cmpf oge, %masked_sort3A_329, %masked_sort3A_339 : vector<16xf32>
        %select_n3A_498 = arith.select %ge3A_497, %masked_sort3A_329, %masked_sort3A_339 : vector<16xi1>, vector<16xf32>
        %select_n3A_499 = arith.select %ge3A_497, %masked_sort3A_330, %masked_sort3A_340 : vector<16xi1>, vector<16xi32>
        %masked_sort3A_500 = arith.constant dense<true> : vector<16xi1>
        %masked_sort3A_501, %masked_sort3A_502, %masked_sort3A_503 = tpu.sort %select_n3A_498, %select_n3A_499 masked %masked_sort3A_500 {descending = true} : (vector<16xf32>, vector<16xi32>, vector<16xi1>) -> (vector<16xi1>, vector<16xf32>, vector<16xi32>)
        %ge3A_504 = arith.cmpf oge, %masked_sort3A_349, %masked_sort3A_359 : vector<16xf32>
        %select_n3A_505 = arith.select %ge3A_504, %masked_sort3A_349, %masked_sort3A_359 : vector<16xi1>, vector<16xf32>
        %select_n3A_506 = arith.select %ge3A_504, %masked_sort3A_350, %masked_sort3A_360 : vector<16xi1>, vector<16xi32>
        %masked_sort3A_507 = arith.constant dense<true> : vector<16xi1>
        %masked_sort3A_508, %masked_sort3A_509, %masked_sort3A_510 = tpu.sort %select_n3A_505, %select_n3A_506 masked %masked_sort3A_507 : (vector<16xf32>, vector<16xi32>, vector<16xi1>) -> (vector<16xi1>, vector<16xf32>, vector<16xi32>)
        %ge3A_511 = arith.cmpf oge, %masked_sort3A_369, %masked_sort3A_379 : vector<16xf32>
        %select_n3A_512 = arith.select %ge3A_511, %masked_sort3A_369, %masked_sort3A_379 : vector<16xi1>, vector<16xf32>
        %select_n3A_513 = arith.select %ge3A_511, %masked_sort3A_370, %masked_sort3A_380 : vector<16xi1>, vector<16xi32>
        %masked_sort3A_514 = arith.constant dense<true> : vector<16xi1>
        %masked_sort3A_515, %masked_sort3A_516, %masked_sort3A_517 = tpu.sort %select_n3A_512, %select_n3A_513 masked %masked_sort3A_514 {descending = true} : (vector<16xf32>, vector<16xi32>, vector<16xi1>) -> (vector<16xi1>, vector<16xf32>, vector<16xi32>)
        %ge3A_518 = arith.cmpf oge, %masked_sort3A_389, %masked_sort3A_399 : vector<16xf32>
        %select_n3A_519 = arith.select %ge3A_518, %masked_sort3A_389, %masked_sort3A_399 : vector<16xi1>, vector<16xf32>
        %select_n3A_520 = arith.select %ge3A_518, %masked_sort3A_390, %masked_sort3A_400 : vector<16xi1>, vector<16xi32>
        %masked_sort3A_521 = arith.constant dense<true> : vector<16xi1>
        %masked_sort3A_522, %masked_sort3A_523, %masked_sort3A_524 = tpu.sort %select_n3A_519, %select_n3A_520 masked %masked_sort3A_521 : (vector<16xf32>, vector<16xi32>, vector<16xi1>) -> (vector<16xi1>, vector<16xf32>, vector<16xi32>)
        %ge3A_525 = arith.cmpf oge, %masked_sort3A_409, %masked_sort3A_419 : vector<16xf32>
        %select_n3A_526 = arith.select %ge3A_525, %masked_sort3A_409, %masked_sort3A_419 : vector<16xi1>, vector<16xf32>
        %select_n3A_527 = arith.select %ge3A_525, %masked_sort3A_410, %masked_sort3A_420 : vector<16xi1>, vector<16xi32>
        %masked_sort3A_528 = arith.constant dense<true> : vector<16xi1>
        %masked_sort3A_529, %masked_sort3A_530, %masked_sort3A_531 = tpu.sort %select_n3A_526, %select_n3A_527 masked %masked_sort3A_528 {descending = true} : (vector<16xf32>, vector<16xi32>, vector<16xi1>) -> (vector<16xi1>, vector<16xf32>, vector<16xi32>)
        %ge3A_532 = arith.cmpf oge, %masked_sort3A_425, %masked_sort3A_432 : vector<16xf32>
        %select_n3A_533 = arith.select %ge3A_532, %masked_sort3A_425, %masked_sort3A_432 : vector<16xi1>, vector<16xf32>
        %select_n3A_534 = arith.select %ge3A_532, %masked_sort3A_426, %masked_sort3A_433 : vector<16xi1>, vector<16xi32>
        %masked_sort3A_535 = arith.constant dense<true> : vector<16xi1>
        %masked_sort3A_536, %masked_sort3A_537, %masked_sort3A_538 = tpu.sort %select_n3A_533, %select_n3A_534 masked %masked_sort3A_535 : (vector<16xf32>, vector<16xi32>, vector<16xi1>) -> (vector<16xi1>, vector<16xf32>, vector<16xi32>)
        %ge3A_539 = arith.cmpf oge, %masked_sort3A_439, %masked_sort3A_446 : vector<16xf32>
        %select_n3A_540 = arith.select %ge3A_539, %masked_sort3A_439, %masked_sort3A_446 : vector<16xi1>, vector<16xf32>
        %select_n3A_541 = arith.select %ge3A_539, %masked_sort3A_440, %masked_sort3A_447 : vector<16xi1>, vector<16xi32>
        %masked_sort3A_542 = arith.constant dense<true> : vector<16xi1>
        %masked_sort3A_543, %masked_sort3A_544, %masked_sort3A_545 = tpu.sort %select_n3A_540, %select_n3A_541 masked %masked_sort3A_542 {descending = true} : (vector<16xf32>, vector<16xi32>, vector<16xi1>) -> (vector<16xi1>, vector<16xf32>, vector<16xi32>)
        %ge3A_546 = arith.cmpf oge, %masked_sort3A_453, %masked_sort3A_460 : vector<16xf32>
        %select_n3A_547 = arith.select %ge3A_546, %masked_sort3A_453, %masked_sort3A_460 : vector<16xi1>, vector<16xf32>
        %select_n3A_548 = arith.select %ge3A_546, %masked_sort3A_454, %masked_sort3A_461 : vector<16xi1>, vector<16xi32>
        %masked_sort3A_549 = arith.constant dense<true> : vector<16xi1>
        %masked_sort3A_550, %masked_sort3A_551, %masked_sort3A_552 = tpu.sort %select_n3A_547, %select_n3A_548 masked %masked_sort3A_549 : (vector<16xf32>, vector<16xi32>, vector<16xi1>) -> (vector<16xi1>, vector<16xf32>, vector<16xi32>)
        %ge3A_553 = arith.cmpf oge, %masked_sort3A_467, %masked_sort3A_474 : vector<16xf32>
        %select_n3A_554 = arith.select %ge3A_553, %masked_sort3A_467, %masked_sort3A_474 : vector<16xi1>, vector<16xf32>
        %select_n3A_555 = arith.select %ge3A_553, %masked_sort3A_468, %masked_sort3A_475 : vector<16xi1>, vector<16xi32>
        %masked_sort3A_556 = arith.constant dense<true> : vector<16xi1>
        %masked_sort3A_557, %masked_sort3A_558, %masked_sort3A_559 = tpu.sort %select_n3A_554, %select_n3A_555 masked %masked_sort3A_556 {descending = true} : (vector<16xf32>, vector<16xi32>, vector<16xi1>) -> (vector<16xi1>, vector<16xf32>, vector<16xi32>)
        %ge3A_560 = arith.cmpf oge, %masked_sort3A_481, %masked_sort3A_488 : vector<16xf32>
        %select_n3A_561 = arith.select %ge3A_560, %masked_sort3A_481, %masked_sort3A_488 : vector<16xi1>, vector<16xf32>
        %select_n3A_562 = arith.select %ge3A_560, %masked_sort3A_482, %masked_sort3A_489 : vector<16xi1>, vector<16xi32>
        %masked_sort3A_563 = arith.constant dense<true> : vector<16xi1>
        %masked_sort3A_564, %masked_sort3A_565, %masked_sort3A_566 = tpu.sort %select_n3A_561, %select_n3A_562 masked %masked_sort3A_563 : (vector<16xf32>, vector<16xi32>, vector<16xi1>) -> (vector<16xi1>, vector<16xf32>, vector<16xi32>)
        %ge3A_567 = arith.cmpf oge, %masked_sort3A_495, %masked_sort3A_502 : vector<16xf32>
        %select_n3A_568 = arith.select %ge3A_567, %masked_sort3A_495, %masked_sort3A_502 : vector<16xi1>, vector<16xf32>
        %select_n3A_569 = arith.select %ge3A_567, %masked_sort3A_496, %masked_sort3A_503 : vector<16xi1>, vector<16xi32>
        %masked_sort3A_570 = arith.constant dense<true> : vector<16xi1>
        %masked_sort3A_571, %masked_sort3A_572, %masked_sort3A_573 = tpu.sort %select_n3A_568, %select_n3A_569 masked %masked_sort3A_570 {descending = true} : (vector<16xf32>, vector<16xi32>, vector<16xi1>) -> (vector<16xi1>, vector<16xf32>, vector<16xi32>)
        %ge3A_574 = arith.cmpf oge, %masked_sort3A_509, %masked_sort3A_516 : vector<16xf32>
        %select_n3A_575 = arith.select %ge3A_574, %masked_sort3A_509, %masked_sort3A_516 : vector<16xi1>, vector<16xf32>
        %select_n3A_576 = arith.select %ge3A_574, %masked_sort3A_510, %masked_sort3A_517 : vector<16xi1>, vector<16xi32>
        %masked_sort3A_577 = arith.constant dense<true> : vector<16xi1>
        %masked_sort3A_578, %masked_sort3A_579, %masked_sort3A_580 = tpu.sort %select_n3A_575, %select_n3A_576 masked %masked_sort3A_577 : (vector<16xf32>, vector<16xi32>, vector<16xi1>) -> (vector<16xi1>, vector<16xf32>, vector<16xi32>)
        %ge3A_581 = arith.cmpf oge, %masked_sort3A_523, %masked_sort3A_530 : vector<16xf32>
        %select_n3A_582 = arith.select %ge3A_581, %masked_sort3A_523, %masked_sort3A_530 : vector<16xi1>, vector<16xf32>
        %select_n3A_583 = arith.select %ge3A_581, %masked_sort3A_524, %masked_sort3A_531 : vector<16xi1>, vector<16xi32>
        %masked_sort3A_584 = arith.constant dense<true> : vector<16xi1>
        %masked_sort3A_585, %masked_sort3A_586, %masked_sort3A_587 = tpu.sort %select_n3A_582, %select_n3A_583 masked %masked_sort3A_584 {descending = true} : (vector<16xf32>, vector<16xi32>, vector<16xi1>) -> (vector<16xi1>, vector<16xf32>, vector<16xi32>)
        %ge3A_588 = arith.cmpf oge, %masked_sort3A_537, %masked_sort3A_544 : vector<16xf32>
        %select_n3A_589 = arith.select %ge3A_588, %masked_sort3A_537, %masked_sort3A_544 : vector<16xi1>, vector<16xf32>
        %select_n3A_590 = arith.select %ge3A_588, %masked_sort3A_538, %masked_sort3A_545 : vector<16xi1>, vector<16xi32>
        %masked_sort3A_591 = arith.constant dense<true> : vector<16xi1>
        %masked_sort3A_592, %masked_sort3A_593, %masked_sort3A_594 = tpu.sort %select_n3A_589, %select_n3A_590 masked %masked_sort3A_591 : (vector<16xf32>, vector<16xi32>, vector<16xi1>) -> (vector<16xi1>, vector<16xf32>, vector<16xi32>)
        %ge3A_595 = arith.cmpf oge, %masked_sort3A_551, %masked_sort3A_558 : vector<16xf32>
        %select_n3A_596 = arith.select %ge3A_595, %masked_sort3A_551, %masked_sort3A_558 : vector<16xi1>, vector<16xf32>
        %select_n3A_597 = arith.select %ge3A_595, %masked_sort3A_552, %masked_sort3A_559 : vector<16xi1>, vector<16xi32>
        %masked_sort3A_598 = arith.constant dense<true> : vector<16xi1>
        %masked_sort3A_599, %masked_sort3A_600, %masked_sort3A_601 = tpu.sort %select_n3A_596, %select_n3A_597 masked %masked_sort3A_598 {descending = true} : (vector<16xf32>, vector<16xi32>, vector<16xi1>) -> (vector<16xi1>, vector<16xf32>, vector<16xi32>)
        %ge3A_602 = arith.cmpf oge, %masked_sort3A_565, %masked_sort3A_572 : vector<16xf32>
        %select_n3A_603 = arith.select %ge3A_602, %masked_sort3A_565, %masked_sort3A_572 : vector<16xi1>, vector<16xf32>
        %select_n3A_604 = arith.select %ge3A_602, %masked_sort3A_566, %masked_sort3A_573 : vector<16xi1>, vector<16xi32>
        %masked_sort3A_605 = arith.constant dense<true> : vector<16xi1>
        %masked_sort3A_606, %masked_sort3A_607, %masked_sort3A_608 = tpu.sort %select_n3A_603, %select_n3A_604 masked %masked_sort3A_605 : (vector<16xf32>, vector<16xi32>, vector<16xi1>) -> (vector<16xi1>, vector<16xf32>, vector<16xi32>)
        %ge3A_609 = arith.cmpf oge, %masked_sort3A_579, %masked_sort3A_586 : vector<16xf32>
        %select_n3A_610 = arith.select %ge3A_609, %masked_sort3A_579, %masked_sort3A_586 : vector<16xi1>, vector<16xf32>
        %select_n3A_611 = arith.select %ge3A_609, %masked_sort3A_580, %masked_sort3A_587 : vector<16xi1>, vector<16xi32>
        %masked_sort3A_612 = arith.constant dense<true> : vector<16xi1>
        %masked_sort3A_613, %masked_sort3A_614, %masked_sort3A_615 = tpu.sort %select_n3A_610, %select_n3A_611 masked %masked_sort3A_612 {descending = true} : (vector<16xf32>, vector<16xi32>, vector<16xi1>) -> (vector<16xi1>, vector<16xf32>, vector<16xi32>)
        %ge3A_616 = arith.cmpf oge, %masked_sort3A_593, %masked_sort3A_600 : vector<16xf32>
        %select_n3A_617 = arith.select %ge3A_616, %masked_sort3A_593, %masked_sort3A_600 : vector<16xi1>, vector<16xf32>
        %select_n3A_618 = arith.select %ge3A_616, %masked_sort3A_594, %masked_sort3A_601 : vector<16xi1>, vector<16xi32>
        %masked_sort3A_619 = arith.constant dense<true> : vector<16xi1>
        %masked_sort3A_620, %masked_sort3A_621, %masked_sort3A_622 = tpu.sort %select_n3A_617, %select_n3A_618 masked %masked_sort3A_619 : (vector<16xf32>, vector<16xi32>, vector<16xi1>) -> (vector<16xi1>, vector<16xf32>, vector<16xi32>)
        %ge3A_623 = arith.cmpf oge, %masked_sort3A_607, %masked_sort3A_614 : vector<16xf32>
        %select_n3A_624 = arith.select %ge3A_623, %masked_sort3A_607, %masked_sort3A_614 : vector<16xi1>, vector<16xf32>
        %select_n3A_625 = arith.select %ge3A_623, %masked_sort3A_608, %masked_sort3A_615 : vector<16xi1>, vector<16xi32>
        %masked_sort3A_626 = arith.constant dense<true> : vector<16xi1>
        %masked_sort3A_627, %masked_sort3A_628, %masked_sort3A_629 = tpu.sort %select_n3A_624, %select_n3A_625 masked %masked_sort3A_626 {descending = true} : (vector<16xf32>, vector<16xi32>, vector<16xi1>) -> (vector<16xi1>, vector<16xf32>, vector<16xi32>)
        %ge3A_630 = arith.cmpf oge, %masked_sort3A_621, %masked_sort3A_628 : vector<16xf32>
        %select_n3A_631 = arith.select %ge3A_630, %masked_sort3A_621, %masked_sort3A_628 : vector<16xi1>, vector<16xf32>
        %select_n3A_632 = arith.select %ge3A_630, %masked_sort3A_622, %masked_sort3A_629 : vector<16xi1>, vector<16xi32>
        %masked_sort3A_633 = arith.constant dense<true> : vector<16xi1>
        %masked_sort3A_634, %masked_sort3A_635, %masked_sort3A_636 = tpu.sort %select_n3A_631, %select_n3A_632 masked %masked_sort3A_633 {descending = true} : (vector<16xf32>, vector<16xi32>, vector<16xi1>) -> (vector<16xi1>, vector<16xf32>, vector<16xi32>)
        %slice3A = vector.extract_strided_slice %masked_sort3A_635 {offsets = [0], sizes = [1], strides = [1]} : vector<16xf32> to vector<1xf32>
        %squeeze3A = vector.extract %slice3A[0] : f32 from vector<1xf32>
        %sub3A = vector.broadcast %squeeze3A : f32 to vector<16xf32>
        %sub3A_637 = arith.subf %masked_sort3A_635, %sub3A : vector<16xf32>
        %exp3A = math.exp %sub3A_637 : vector<16xf32>
        %jit3A = arith.constant 0.000000e+00 : f32
        %broadcast_in_dim3A = vector.broadcast %jit3A : f32 to vector<16xf32>
        %select_n3A_638 = arith.select %lt3A_4, %exp3A, %broadcast_in_dim3A : vector<16xi1>, vector<16xf32>
        %reduce_sum3A = arith.constant true
        %reduce_sum3A_639 = vector.broadcast %reduce_sum3A : i1 to vector<16xi1>
        %reduce_sum3A_640 = tpu.scan <sum>, %select_n3A_638 masked %reduce_sum3A_639 : vector<16xf32>, vector<16xi1> -> vector<16xf32>
        %reduce_sum3A_641 = vector.extract %reduce_sum3A_640[15] : f32 from vector<16xf32>
        %div3A = vector.broadcast %reduce_sum3A_641 : f32 to vector<16xf32>
        %div3A_642 = arith.divf %select_n3A_638, %div3A : vector<16xf32>
        %mul3A_643 = arith.constant 128 : i32
        %mul3A_644 = arith.muli %scan3A_102, %mul3A_643 : i32
        %swap3A = arith.index_cast %mul3A_644 : i32 to index
        %swap3A_645 = tpu.vector_load %arg7[%swap3A] {strides = array<i32>} : memref<4096xi32, #tpu.memory_space<vmem>>, vector<16xi32>,
        tpu.vector_store %arg7[%swap3A], %masked_sort3A_636 {strides = array<i32>} : memref<4096xi32, #tpu.memory_space<vmem>>, vector<16xi32>,
        %swap3A_646 = arith.index_cast %mul3A_644 : i32 to index
        %swap3A_647 = tpu.vector_load %arg9[%swap3A_646] {strides = array<i32>} : memref<4096xf32, #tpu.memory_space<vmem>>, vector<16xf32>,
        tpu.vector_store %arg9[%swap3A_646], %div3A_642 {strides = array<i32>} : memref<4096xf32, #tpu.memory_space<vmem>>, vector<16xf32>,
        %scan3A_648 = arith.constant 1 : i32
        %scan3A_649 = arith.addi %scan3A_102, %scan3A_648 : i32
        %get3A_650 = arith.index_cast %scan3A_649 : i32 to index
        %get3A_651 = arith.constant 0 : index
        %get3A_652 = tpu.vector_load %arg5[%get3A_650, %get3A_651] {strides = array<i32>} : memref<32x512xf32, #tpu.memory_space<vmem>>, vector<16xf32>,
        %add3A_653 = arith.constant 0 : i32
        %add3A_654 = vector.broadcast %add3A_653 : i32 to vector<16xi32>
        %add3A_655 = arith.addi %iota3A, %add3A_654 : vector<16xi32>
        %masked_sort3A_656 = arith.constant dense<true> : vector<16xi1>
        %masked_sort3A_657, %masked_sort3A_658, %masked_sort3A_659 = tpu.sort %get3A_652, %add3A_655 masked %masked_sort3A_656 : (vector<16xf32>, vector<16xi32>, vector<16xi1>) -> (vector<16xi1>, vector<16xf32>, vector<16xi32>)
        %get3A_660 = arith.index_cast %scan3A_649 : i32 to index
        %get3A_661 = arith.constant 16 : index
        %get3A_662 = tpu.vector_load %arg5[%get3A_660, %get3A_661] {strides = array<i32>} : memref<32x512xf32, #tpu.memory_space<vmem>>, vector<16xf32>,
        %add3A_663 = arith.constant 16 : i32
        %add3A_664 = vector.broadcast %add3A_663 : i32 to vector<16xi32>
        %add3A_665 = arith.addi %iota3A, %add3A_664 : vector<16xi32>
        %masked_sort3A_666 = arith.constant dense<true> : vector<16xi1>
        %masked_sort3A_667, %masked_sort3A_668, %masked_sort3A_669 = tpu.sort %get3A_662, %add3A_665 masked %masked_sort3A_666 {descending = true} : (vector<16xf32>, vector<16xi32>, vector<16xi1>) -> (vector<16xi1>, vector<16xf32>, vector<16xi32>)
        %get3A_670 = arith.index_cast %scan3A_649 : i32 to index
        %get3A_671 = arith.constant 32 : index
        %get3A_672 = tpu.vector_load %arg5[%get3A_670, %get3A_671] {strides = array<i32>} : memref<32x512xf32, #tpu.memory_space<vmem>>, vector<16xf32>,
        %add3A_673 = arith.constant 32 : i32
        %add3A_674 = vector.broadcast %add3A_673 : i32 to vector<16xi32>
        %add3A_675 = arith.addi %iota3A, %add3A_674 : vector<16xi32>
        %masked_sort3A_676 = arith.constant dense<true> : vector<16xi1>
        %masked_sort3A_677, %masked_sort3A_678, %masked_sort3A_679 = tpu.sort %get3A_672, %add3A_675 masked %masked_sort3A_676 : (vector<16xf32>, vector<16xi32>, vector<16xi1>) -> (vector<16xi1>, vector<16xf32>, vector<16xi32>)
        %get3A_680 = arith.index_cast %scan3A_649 : i32 to index
        %get3A_681 = arith.constant 48 : index
        %get3A_682 = tpu.vector_load %arg5[%get3A_680, %get3A_681] {strides = array<i32>} : memref<32x512xf32, #tpu.memory_space<vmem>>, vector<16xf32>,
        %add3A_683 = arith.constant 48 : i32
        %add3A_684 = vector.broadcast %add3A_683 : i32 to vector<16xi32>
        %add3A_685 = arith.addi %iota3A, %add3A_684 : vector<16xi32>
        %masked_sort3A_686 = arith.constant dense<true> : vector<16xi1>
        %masked_sort3A_687, %masked_sort3A_688, %masked_sort3A_689 = tpu.sort %get3A_682, %add3A_685 masked %masked_sort3A_686 {descending = true} : (vector<16xf32>, vector<16xi32>, vector<16xi1>) -> (vector<16xi1>, vector<16xf32>, vector<16xi32>)
        %get3A_690 = arith.index_cast %scan3A_649 : i32 to index
        %get3A_691 = arith.constant 64 : index
        %get3A_692 = tpu.vector_load %arg5[%get3A_690, %get3A_691] {strides = array<i32>} : memref<32x512xf32, #tpu.memory_space<vmem>>, vector<16xf32>,
        %add3A_693 = arith.constant 64 : i32
        %add3A_694 = vector.broadcast %add3A_693 : i32 to vector<16xi32>
        %add3A_695 = arith.addi %iota3A, %add3A_694 : vector<16xi32>
        %masked_sort3A_696 = arith.constant dense<true> : vector<16xi1>
        %masked_sort3A_697, %masked_sort3A_698, %masked_sort3A_699 = tpu.sort %get3A_692, %add3A_695 masked %masked_sort3A_696 : (vector<16xf32>, vector<16xi32>, vector<16xi1>) -> (vector<16xi1>, vector<16xf32>, vector<16xi32>)
        %get3A_700 = arith.index_cast %scan3A_649 : i32 to index
        %get3A_701 = arith.constant 80 : index
        %get3A_702 = tpu.vector_load %arg5[%get3A_700, %get3A_701] {strides = array<i32>} : memref<32x512xf32, #tpu.memory_space<vmem>>, vector<16xf32>,
        %add3A_703 = arith.constant 80 : i32
        %add3A_704 = vector.broadcast %add3A_703 : i32 to vector<16xi32>
        %add3A_705 = arith.addi %iota3A, %add3A_704 : vector<16xi32>
        %masked_sort3A_706 = arith.constant dense<true> : vector<16xi1>
        %masked_sort3A_707, %masked_sort3A_708, %masked_sort3A_709 = tpu.sort %get3A_702, %add3A_705 masked %masked_sort3A_706 {descending = true} : (vector<16xf32>, vector<16xi32>, vector<16xi1>) -> (vector<16xi1>, vector<16xf32>, vector<16xi32>)
        %get3A_710 = arith.index_cast %scan3A_649 : i32 to index
        %get3A_711 = arith.constant 96 : index
        %get3A_712 = tpu.vector_load %arg5[%get3A_710, %get3A_711] {strides = array<i32>} : memref<32x512xf32, #tpu.memory_space<vmem>>, vector<16xf32>,
        %add3A_713 = arith.constant 96 : i32
        %add3A_714 = vector.broadcast %add3A_713 : i32 to vector<16xi32>
        %add3A_715 = arith.addi %iota3A, %add3A_714 : vector<16xi32>
        %masked_sort3A_716 = arith.constant dense<true> : vector<16xi1>
        %masked_sort3A_717, %masked_sort3A_718, %masked_sort3A_719 = tpu.sort %get3A_712, %add3A_715 masked %masked_sort3A_716 : (vector<16xf32>, vector<16xi32>, vector<16xi1>) -> (vector<16xi1>, vector<16xf32>, vector<16xi32>)
        %get3A_720 = arith.index_cast %scan3A_649 : i32 to index
        %get3A_721 = arith.constant 112 : index
        %get3A_722 = tpu.vector_load %arg5[%get3A_720, %get3A_721] {strides = array<i32>} : memref<32x512xf32, #tpu.memory_space<vmem>>, vector<16xf32>,
        %add3A_723 = arith.constant 112 : i32
        %add3A_724 = vector.broadcast %add3A_723 : i32 to vector<16xi32>
        %add3A_725 = arith.addi %iota3A, %add3A_724 : vector<16xi32>
        %masked_sort3A_726 = arith.constant dense<true> : vector<16xi1>
        %masked_sort3A_727, %masked_sort3A_728, %masked_sort3A_729 = tpu.sort %get3A_722, %add3A_725 masked %masked_sort3A_726 {descending = true} : (vector<16xf32>, vector<16xi32>, vector<16xi1>) -> (vector<16xi1>, vector<16xf32>, vector<16xi32>)
        %get3A_730 = arith.index_cast %scan3A_649 : i32 to index
        %get3A_731 = arith.constant 128 : index
        %get3A_732 = tpu.vector_load %arg5[%get3A_730, %get3A_731] {strides = array<i32>} : memref<32x512xf32, #tpu.memory_space<vmem>>, vector<16xf32>,
        %add3A_733 = arith.constant 128 : i32
        %add3A_734 = vector.broadcast %add3A_733 : i32 to vector<16xi32>
        %add3A_735 = arith.addi %iota3A, %add3A_734 : vector<16xi32>
        %masked_sort3A_736 = arith.constant dense<true> : vector<16xi1>
        %masked_sort3A_737, %masked_sort3A_738, %masked_sort3A_739 = tpu.sort %get3A_732, %add3A_735 masked %masked_sort3A_736 : (vector<16xf32>, vector<16xi32>, vector<16xi1>) -> (vector<16xi1>, vector<16xf32>, vector<16xi32>)
        %get3A_740 = arith.index_cast %scan3A_649 : i32 to index
        %get3A_741 = arith.constant 144 : index
        %get3A_742 = tpu.vector_load %arg5[%get3A_740, %get3A_741] {strides = array<i32>} : memref<32x512xf32, #tpu.memory_space<vmem>>, vector<16xf32>,
        %add3A_743 = arith.constant 144 : i32
        %add3A_744 = vector.broadcast %add3A_743 : i32 to vector<16xi32>
        %add3A_745 = arith.addi %iota3A, %add3A_744 : vector<16xi32>
        %masked_sort3A_746 = arith.constant dense<true> : vector<16xi1>
        %masked_sort3A_747, %masked_sort3A_748, %masked_sort3A_749 = tpu.sort %get3A_742, %add3A_745 masked %masked_sort3A_746 {descending = true} : (vector<16xf32>, vector<16xi32>, vector<16xi1>) -> (vector<16xi1>, vector<16xf32>, vector<16xi32>)
        %get3A_750 = arith.index_cast %scan3A_649 : i32 to index
        %get3A_751 = arith.constant 160 : index
        %get3A_752 = tpu.vector_load %arg5[%get3A_750, %get3A_751] {strides = array<i32>} : memref<32x512xf32, #tpu.memory_space<vmem>>, vector<16xf32>,
        %add3A_753 = arith.constant 160 : i32
        %add3A_754 = vector.broadcast %add3A_753 : i32 to vector<16xi32>
        %add3A_755 = arith.addi %iota3A, %add3A_754 : vector<16xi32>
        %masked_sort3A_756 = arith.constant dense<true> : vector<16xi1>
        %masked_sort3A_757, %masked_sort3A_758, %masked_sort3A_759 = tpu.sort %get3A_752, %add3A_755 masked %masked_sort3A_756 : (vector<16xf32>, vector<16xi32>, vector<16xi1>) -> (vector<16xi1>, vector<16xf32>, vector<16xi32>)
        %get3A_760 = arith.index_cast %scan3A_649 : i32 to index
        %get3A_761 = arith.constant 176 : index
        %get3A_762 = tpu.vector_load %arg5[%get3A_760, %get3A_761] {strides = array<i32>} : memref<32x512xf32, #tpu.memory_space<vmem>>, vector<16xf32>,
        %add3A_763 = arith.constant 176 : i32
        %add3A_764 = vector.broadcast %add3A_763 : i32 to vector<16xi32>
        %add3A_765 = arith.addi %iota3A, %add3A_764 : vector<16xi32>
        %masked_sort3A_766 = arith.constant dense<true> : vector<16xi1>
        %masked_sort3A_767, %masked_sort3A_768, %masked_sort3A_769 = tpu.sort %get3A_762, %add3A_765 masked %masked_sort3A_766 {descending = true} : (vector<16xf32>, vector<16xi32>, vector<16xi1>) -> (vector<16xi1>, vector<16xf32>, vector<16xi32>)
        %get3A_770 = arith.index_cast %scan3A_649 : i32 to index
        %get3A_771 = arith.constant 192 : index
        %get3A_772 = tpu.vector_load %arg5[%get3A_770, %get3A_771] {strides = array<i32>} : memref<32x512xf32, #tpu.memory_space<vmem>>, vector<16xf32>,
        %add3A_773 = arith.constant 192 : i32
        %add3A_774 = vector.broadcast %add3A_773 : i32 to vector<16xi32>
        %add3A_775 = arith.addi %iota3A, %add3A_774 : vector<16xi32>
        %masked_sort3A_776 = arith.constant dense<true> : vector<16xi1>
        %masked_sort3A_777, %masked_sort3A_778, %masked_sort3A_779 = tpu.sort %get3A_772, %add3A_775 masked %masked_sort3A_776 : (vector<16xf32>, vector<16xi32>, vector<16xi1>) -> (vector<16xi1>, vector<16xf32>, vector<16xi32>)
        %get3A_780 = arith.index_cast %scan3A_649 : i32 to index
        %get3A_781 = arith.constant 208 : index
        %get3A_782 = tpu.vector_load %arg5[%get3A_780, %get3A_781] {strides = array<i32>} : memref<32x512xf32, #tpu.memory_space<vmem>>, vector<16xf32>,
        %add3A_783 = arith.constant 208 : i32
        %add3A_784 = vector.broadcast %add3A_783 : i32 to vector<16xi32>
        %add3A_785 = arith.addi %iota3A, %add3A_784 : vector<16xi32>
        %masked_sort3A_786 = arith.constant dense<true> : vector<16xi1>
        %masked_sort3A_787, %masked_sort3A_788, %masked_sort3A_789 = tpu.sort %get3A_782, %add3A_785 masked %masked_sort3A_786 {descending = true} : (vector<16xf32>, vector<16xi32>, vector<16xi1>) -> (vector<16xi1>, vector<16xf32>, vector<16xi32>)
        %get3A_790 = arith.index_cast %scan3A_649 : i32 to index
        %get3A_791 = arith.constant 224 : index
        %get3A_792 = tpu.vector_load %arg5[%get3A_790, %get3A_791] {strides = array<i32>} : memref<32x512xf32, #tpu.memory_space<vmem>>, vector<16xf32>,
        %add3A_793 = arith.constant 224 : i32
        %add3A_794 = vector.broadcast %add3A_793 : i32 to vector<16xi32>
        %add3A_795 = arith.addi %iota3A, %add3A_794 : vector<16xi32>
        %masked_sort3A_796 = arith.constant dense<true> : vector<16xi1>
        %masked_sort3A_797, %masked_sort3A_798, %masked_sort3A_799 = tpu.sort %get3A_792, %add3A_795 masked %masked_sort3A_796 : (vector<16xf32>, vector<16xi32>, vector<16xi1>) -> (vector<16xi1>, vector<16xf32>, vector<16xi32>)
        %get3A_800 = arith.index_cast %scan3A_649 : i32 to index
        %get3A_801 = arith.constant 240 : index
        %get3A_802 = tpu.vector_load %arg5[%get3A_800, %get3A_801] {strides = array<i32>} : memref<32x512xf32, #tpu.memory_space<vmem>>, vector<16xf32>,
        %add3A_803 = arith.constant 240 : i32
        %add3A_804 = vector.broadcast %add3A_803 : i32 to vector<16xi32>
        %add3A_805 = arith.addi %iota3A, %add3A_804 : vector<16xi32>
        %masked_sort3A_806 = arith.constant dense<true> : vector<16xi1>
        %masked_sort3A_807, %masked_sort3A_808, %masked_sort3A_809 = tpu.sort %get3A_802, %add3A_805 masked %masked_sort3A_806 {descending = true} : (vector<16xf32>, vector<16xi32>, vector<16xi1>) -> (vector<16xi1>, vector<16xf32>, vector<16xi32>)
        %get3A_810 = arith.index_cast %scan3A_649 : i32 to index
        %get3A_811 = arith.constant 256 : index
        %get3A_812 = tpu.vector_load %arg5[%get3A_810, %get3A_811] {strides = array<i32>} : memref<32x512xf32, #tpu.memory_space<vmem>>, vector<16xf32>,
        %add3A_813 = arith.constant 256 : i32
        %add3A_814 = vector.broadcast %add3A_813 : i32 to vector<16xi32>
        %add3A_815 = arith.addi %iota3A, %add3A_814 : vector<16xi32>
        %masked_sort3A_816 = arith.constant dense<true> : vector<16xi1>
        %masked_sort3A_817, %masked_sort3A_818, %masked_sort3A_819 = tpu.sort %get3A_812, %add3A_815 masked %masked_sort3A_816 : (vector<16xf32>, vector<16xi32>, vector<16xi1>) -> (vector<16xi1>, vector<16xf32>, vector<16xi32>)
        %get3A_820 = arith.index_cast %scan3A_649 : i32 to index
        %get3A_821 = arith.constant 272 : index
        %get3A_822 = tpu.vector_load %arg5[%get3A_820, %get3A_821] {strides = array<i32>} : memref<32x512xf32, #tpu.memory_space<vmem>>, vector<16xf32>,
        %add3A_823 = arith.constant 272 : i32
        %add3A_824 = vector.broadcast %add3A_823 : i32 to vector<16xi32>
        %add3A_825 = arith.addi %iota3A, %add3A_824 : vector<16xi32>
        %masked_sort3A_826 = arith.constant dense<true> : vector<16xi1>
        %masked_sort3A_827, %masked_sort3A_828, %masked_sort3A_829 = tpu.sort %get3A_822, %add3A_825 masked %masked_sort3A_826 {descending = true} : (vector<16xf32>, vector<16xi32>, vector<16xi1>) -> (vector<16xi1>, vector<16xf32>, vector<16xi32>)
        %get3A_830 = arith.index_cast %scan3A_649 : i32 to index
        %get3A_831 = arith.constant 288 : index
        %get3A_832 = tpu.vector_load %arg5[%get3A_830, %get3A_831] {strides = array<i32>} : memref<32x512xf32, #tpu.memory_space<vmem>>, vector<16xf32>,
        %add3A_833 = arith.constant 288 : i32
        %add3A_834 = vector.broadcast %add3A_833 : i32 to vector<16xi32>
        %add3A_835 = arith.addi %iota3A, %add3A_834 : vector<16xi32>
        %masked_sort3A_836 = arith.constant dense<true> : vector<16xi1>
        %masked_sort3A_837, %masked_sort3A_838, %masked_sort3A_839 = tpu.sort %get3A_832, %add3A_835 masked %masked_sort3A_836 : (vector<16xf32>, vector<16xi32>, vector<16xi1>) -> (vector<16xi1>, vector<16xf32>, vector<16xi32>)
        %get3A_840 = arith.index_cast %scan3A_649 : i32 to index
        %get3A_841 = arith.constant 304 : index
        %get3A_842 = tpu.vector_load %arg5[%get3A_840, %get3A_841] {strides = array<i32>} : memref<32x512xf32, #tpu.memory_space<vmem>>, vector<16xf32>,
        %add3A_843 = arith.constant 304 : i32
        %add3A_844 = vector.broadcast %add3A_843 : i32 to vector<16xi32>
        %add3A_845 = arith.addi %iota3A, %add3A_844 : vector<16xi32>
        %masked_sort3A_846 = arith.constant dense<true> : vector<16xi1>
        %masked_sort3A_847, %masked_sort3A_848, %masked_sort3A_849 = tpu.sort %get3A_842, %add3A_845 masked %masked_sort3A_846 {descending = true} : (vector<16xf32>, vector<16xi32>, vector<16xi1>) -> (vector<16xi1>, vector<16xf32>, vector<16xi32>)
        %get3A_850 = arith.index_cast %scan3A_649 : i32 to index
        %get3A_851 = arith.constant 320 : index
        %get3A_852 = tpu.vector_load %arg5[%get3A_850, %get3A_851] {strides = array<i32>} : memref<32x512xf32, #tpu.memory_space<vmem>>, vector<16xf32>,
        %add3A_853 = arith.constant 320 : i32
        %add3A_854 = vector.broadcast %add3A_853 : i32 to vector<16xi32>
        %add3A_855 = arith.addi %iota3A, %add3A_854 : vector<16xi32>
        %masked_sort3A_856 = arith.constant dense<true> : vector<16xi1>
        %masked_sort3A_857, %masked_sort3A_858, %masked_sort3A_859 = tpu.sort %get3A_852, %add3A_855 masked %masked_sort3A_856 : (vector<16xf32>, vector<16xi32>, vector<16xi1>) -> (vector<16xi1>, vector<16xf32>, vector<16xi32>)
        %get3A_860 = arith.index_cast %scan3A_649 : i32 to index
        %get3A_861 = arith.constant 336 : index
        %get3A_862 = tpu.vector_load %arg5[%get3A_860, %get3A_861] {strides = array<i32>} : memref<32x512xf32, #tpu.memory_space<vmem>>, vector<16xf32>,
        %add3A_863 = arith.constant 336 : i32
        %add3A_864 = vector.broadcast %add3A_863 : i32 to vector<16xi32>
        %add3A_865 = arith.addi %iota3A, %add3A_864 : vector<16xi32>
        %masked_sort3A_866 = arith.constant dense<true> : vector<16xi1>
        %masked_sort3A_867, %masked_sort3A_868, %masked_sort3A_869 = tpu.sort %get3A_862, %add3A_865 masked %masked_sort3A_866 {descending = true} : (vector<16xf32>, vector<16xi32>, vector<16xi1>) -> (vector<16xi1>, vector<16xf32>, vector<16xi32>)
        %get3A_870 = arith.index_cast %scan3A_649 : i32 to index
        %get3A_871 = arith.constant 352 : index
        %get3A_872 = tpu.vector_load %arg5[%get3A_870, %get3A_871] {strides = array<i32>} : memref<32x512xf32, #tpu.memory_space<vmem>>, vector<16xf32>,
        %add3A_873 = arith.constant 352 : i32
        %add3A_874 = vector.broadcast %add3A_873 : i32 to vector<16xi32>
        %add3A_875 = arith.addi %iota3A, %add3A_874 : vector<16xi32>
        %masked_sort3A_876 = arith.constant dense<true> : vector<16xi1>
        %masked_sort3A_877, %masked_sort3A_878, %masked_sort3A_879 = tpu.sort %get3A_872, %add3A_875 masked %masked_sort3A_876 : (vector<16xf32>, vector<16xi32>, vector<16xi1>) -> (vector<16xi1>, vector<16xf32>, vector<16xi32>)
        %get3A_880 = arith.index_cast %scan3A_649 : i32 to index
        %get3A_881 = arith.constant 368 : index
        %get3A_882 = tpu.vector_load %arg5[%get3A_880, %get3A_881] {strides = array<i32>} : memref<32x512xf32, #tpu.memory_space<vmem>>, vector<16xf32>,
        %add3A_883 = arith.constant 368 : i32
        %add3A_884 = vector.broadcast %add3A_883 : i32 to vector<16xi32>
        %add3A_885 = arith.addi %iota3A, %add3A_884 : vector<16xi32>
        %masked_sort3A_886 = arith.constant dense<true> : vector<16xi1>
        %masked_sort3A_887, %masked_sort3A_888, %masked_sort3A_889 = tpu.sort %get3A_882, %add3A_885 masked %masked_sort3A_886 {descending = true} : (vector<16xf32>, vector<16xi32>, vector<16xi1>) -> (vector<16xi1>, vector<16xf32>, vector<16xi32>)
        %get3A_890 = arith.index_cast %scan3A_649 : i32 to index
        %get3A_891 = arith.constant 384 : index
        %get3A_892 = tpu.vector_load %arg5[%get3A_890, %get3A_891] {strides = array<i32>} : memref<32x512xf32, #tpu.memory_space<vmem>>, vector<16xf32>,
        %add3A_893 = arith.constant 384 : i32
        %add3A_894 = vector.broadcast %add3A_893 : i32 to vector<16xi32>
        %add3A_895 = arith.addi %iota3A, %add3A_894 : vector<16xi32>
        %masked_sort3A_896 = arith.constant dense<true> : vector<16xi1>
        %masked_sort3A_897, %masked_sort3A_898, %masked_sort3A_899 = tpu.sort %get3A_892, %add3A_895 masked %masked_sort3A_896 : (vector<16xf32>, vector<16xi32>, vector<16xi1>) -> (vector<16xi1>, vector<16xf32>, vector<16xi32>)
        %get3A_900 = arith.index_cast %scan3A_649 : i32 to index
        %get3A_901 = arith.constant 400 : index
        %get3A_902 = tpu.vector_load %arg5[%get3A_900, %get3A_901] {strides = array<i32>} : memref<32x512xf32, #tpu.memory_space<vmem>>, vector<16xf32>,
        %add3A_903 = arith.constant 400 : i32
        %add3A_904 = vector.broadcast %add3A_903 : i32 to vector<16xi32>
        %add3A_905 = arith.addi %iota3A, %add3A_904 : vector<16xi32>
        %masked_sort3A_906 = arith.constant dense<true> : vector<16xi1>
        %masked_sort3A_907, %masked_sort3A_908, %masked_sort3A_909 = tpu.sort %get3A_902, %add3A_905 masked %masked_sort3A_906 {descending = true} : (vector<16xf32>, vector<16xi32>, vector<16xi1>) -> (vector<16xi1>, vector<16xf32>, vector<16xi32>)
        %get3A_910 = arith.index_cast %scan3A_649 : i32 to index
        %get3A_911 = arith.constant 416 : index
        %get3A_912 = tpu.vector_load %arg5[%get3A_910, %get3A_911] {strides = array<i32>} : memref<32x512xf32, #tpu.memory_space<vmem>>, vector<16xf32>,
        %add3A_913 = arith.constant 416 : i32
        %add3A_914 = vector.broadcast %add3A_913 : i32 to vector<16xi32>
        %add3A_915 = arith.addi %iota3A, %add3A_914 : vector<16xi32>
        %masked_sort3A_916 = arith.constant dense<true> : vector<16xi1>
        %masked_sort3A_917, %masked_sort3A_918, %masked_sort3A_919 = tpu.sort %get3A_912, %add3A_915 masked %masked_sort3A_916 : (vector<16xf32>, vector<16xi32>, vector<16xi1>) -> (vector<16xi1>, vector<16xf32>, vector<16xi32>)
        %get3A_920 = arith.index_cast %scan3A_649 : i32 to index
        %get3A_921 = arith.constant 432 : index
        %get3A_922 = tpu.vector_load %arg5[%get3A_920, %get3A_921] {strides = array<i32>} : memref<32x512xf32, #tpu.memory_space<vmem>>, vector<16xf32>,
        %add3A_923 = arith.constant 432 : i32
        %add3A_924 = vector.broadcast %add3A_923 : i32 to vector<16xi32>
        %add3A_925 = arith.addi %iota3A, %add3A_924 : vector<16xi32>
        %masked_sort3A_926 = arith.constant dense<true> : vector<16xi1>
        %masked_sort3A_927, %masked_sort3A_928, %masked_sort3A_929 = tpu.sort %get3A_922, %add3A_925 masked %masked_sort3A_926 {descending = true} : (vector<16xf32>, vector<16xi32>, vector<16xi1>) -> (vector<16xi1>, vector<16xf32>, vector<16xi32>)
        %get3A_930 = arith.index_cast %scan3A_649 : i32 to index
        %get3A_931 = arith.constant 448 : index
        %get3A_932 = tpu.vector_load %arg5[%get3A_930, %get3A_931] {strides = array<i32>} : memref<32x512xf32, #tpu.memory_space<vmem>>, vector<16xf32>,
        %add3A_933 = arith.constant 448 : i32
        %add3A_934 = vector.broadcast %add3A_933 : i32 to vector<16xi32>
        %add3A_935 = arith.addi %iota3A, %add3A_934 : vector<16xi32>
        %masked_sort3A_936 = arith.constant dense<true> : vector<16xi1>
        %masked_sort3A_937, %masked_sort3A_938, %masked_sort3A_939 = tpu.sort %get3A_932, %add3A_935 masked %masked_sort3A_936 : (vector<16xf32>, vector<16xi32>, vector<16xi1>) -> (vector<16xi1>, vector<16xf32>, vector<16xi32>)
        %get3A_940 = arith.index_cast %scan3A_649 : i32 to index
        %get3A_941 = arith.constant 464 : index
        %get3A_942 = tpu.vector_load %arg5[%get3A_940, %get3A_941] {strides = array<i32>} : memref<32x512xf32, #tpu.memory_space<vmem>>, vector<16xf32>,
        %add3A_943 = arith.constant 464 : i32
        %add3A_944 = vector.broadcast %add3A_943 : i32 to vector<16xi32>
        %add3A_945 = arith.addi %iota3A, %add3A_944 : vector<16xi32>
        %masked_sort3A_946 = arith.constant dense<true> : vector<16xi1>
        %masked_sort3A_947, %masked_sort3A_948, %masked_sort3A_949 = tpu.sort %get3A_942, %add3A_945 masked %masked_sort3A_946 {descending = true} : (vector<16xf32>, vector<16xi32>, vector<16xi1>) -> (vector<16xi1>, vector<16xf32>, vector<16xi32>)
        %get3A_950 = arith.index_cast %scan3A_649 : i32 to index
        %get3A_951 = arith.constant 480 : index
        %get3A_952 = tpu.vector_load %arg5[%get3A_950, %get3A_951] {strides = array<i32>} : memref<32x512xf32, #tpu.memory_space<vmem>>, vector<16xf32>,
        %add3A_953 = arith.constant 480 : i32
        %add3A_954 = vector.broadcast %add3A_953 : i32 to vector<16xi32>
        %add3A_955 = arith.addi %iota3A, %add3A_954 : vector<16xi32>
        %masked_sort3A_956 = arith.constant dense<true> : vector<16xi1>
        %masked_sort3A_957, %masked_sort3A_958, %masked_sort3A_959 = tpu.sort %get3A_952, %add3A_955 masked %masked_sort3A_956 : (vector<16xf32>, vector<16xi32>, vector<16xi1>) -> (vector<16xi1>, vector<16xf32>, vector<16xi32>)
        %get3A_960 = arith.index_cast %scan3A_649 : i32 to index
        %get3A_961 = arith.constant 496 : index
        %get3A_962 = tpu.vector_load %arg5[%get3A_960, %get3A_961] {strides = array<i32>} : memref<32x512xf32, #tpu.memory_space<vmem>>, vector<16xf32>,
        %add3A_963 = arith.constant 496 : i32
        %add3A_964 = vector.broadcast %add3A_963 : i32 to vector<16xi32>
        %add3A_965 = arith.addi %iota3A, %add3A_964 : vector<16xi32>
        %masked_sort3A_966 = arith.constant dense<true> : vector<16xi1>
        %masked_sort3A_967, %masked_sort3A_968, %masked_sort3A_969 = tpu.sort %get3A_962, %add3A_965 masked %masked_sort3A_966 {descending = true} : (vector<16xf32>, vector<16xi32>, vector<16xi1>) -> (vector<16xi1>, vector<16xf32>, vector<16xi32>)
        %ge3A_970 = arith.cmpf oge, %masked_sort3A_658, %masked_sort3A_668 : vector<16xf32>
        %select_n3A_971 = arith.select %ge3A_970, %masked_sort3A_658, %masked_sort3A_668 : vector<16xi1>, vector<16xf32>
        %select_n3A_972 = arith.select %ge3A_970, %masked_sort3A_659, %masked_sort3A_669 : vector<16xi1>, vector<16xi32>
        %masked_sort3A_973 = arith.constant dense<true> : vector<16xi1>
        %masked_sort3A_974, %masked_sort3A_975, %masked_sort3A_976 = tpu.sort %select_n3A_971, %select_n3A_972 masked %masked_sort3A_973 : (vector<16xf32>, vector<16xi32>, vector<16xi1>) -> (vector<16xi1>, vector<16xf32>, vector<16xi32>)
        %ge3A_977 = arith.cmpf oge, %masked_sort3A_678, %masked_sort3A_688 : vector<16xf32>
        %select_n3A_978 = arith.select %ge3A_977, %masked_sort3A_678, %masked_sort3A_688 : vector<16xi1>, vector<16xf32>
        %select_n3A_979 = arith.select %ge3A_977, %masked_sort3A_679, %masked_sort3A_689 : vector<16xi1>, vector<16xi32>
        %masked_sort3A_980 = arith.constant dense<true> : vector<16xi1>
        %masked_sort3A_981, %masked_sort3A_982, %masked_sort3A_983 = tpu.sort %select_n3A_978, %select_n3A_979 masked %masked_sort3A_980 {descending = true} : (vector<16xf32>, vector<16xi32>, vector<16xi1>) -> (vector<16xi1>, vector<16xf32>, vector<16xi32>)
        %ge3A_984 = arith.cmpf oge, %masked_sort3A_698, %masked_sort3A_708 : vector<16xf32>
        %select_n3A_985 = arith.select %ge3A_984, %masked_sort3A_698, %masked_sort3A_708 : vector<16xi1>, vector<16xf32>
        %select_n3A_986 = arith.select %ge3A_984, %masked_sort3A_699, %masked_sort3A_709 : vector<16xi1>, vector<16xi32>
        %masked_sort3A_987 = arith.constant dense<true> : vector<16xi1>
        %masked_sort3A_988, %masked_sort3A_989, %masked_sort3A_990 = tpu.sort %select_n3A_985, %select_n3A_986 masked %masked_sort3A_987 : (vector<16xf32>, vector<16xi32>, vector<16xi1>) -> (vector<16xi1>, vector<16xf32>, vector<16xi32>)
        %ge3A_991 = arith.cmpf oge, %masked_sort3A_718, %masked_sort3A_728 : vector<16xf32>
        %select_n3A_992 = arith.select %ge3A_991, %masked_sort3A_718, %masked_sort3A_728 : vector<16xi1>, vector<16xf32>
        %select_n3A_993 = arith.select %ge3A_991, %masked_sort3A_719, %masked_sort3A_729 : vector<16xi1>, vector<16xi32>
        %masked_sort3A_994 = arith.constant dense<true> : vector<16xi1>
        %masked_sort3A_995, %masked_sort3A_996, %masked_sort3A_997 = tpu.sort %select_n3A_992, %select_n3A_993 masked %masked_sort3A_994 {descending = true} : (vector<16xf32>, vector<16xi32>, vector<16xi1>) -> (vector<16xi1>, vector<16xf32>, vector<16xi32>)
        %ge3A_998 = arith.cmpf oge, %masked_sort3A_738, %masked_sort3A_748 : vector<16xf32>
        %select_n3A_999 = arith.select %ge3A_998, %masked_sort3A_738, %masked_sort3A_748 : vector<16xi1>, vector<16xf32>
        %select_n3A_1000 = arith.select %ge3A_998, %masked_sort3A_739, %masked_sort3A_749 : vector<16xi1>, vector<16xi32>
        %masked_sort3A_1001 = arith.constant dense<true> : vector<16xi1>
        %masked_sort3A_1002, %masked_sort3A_1003, %masked_sort3A_1004 = tpu.sort %select_n3A_999, %select_n3A_1000 masked %masked_sort3A_1001 : (vector<16xf32>, vector<16xi32>, vector<16xi1>) -> (vector<16xi1>, vector<16xf32>, vector<16xi32>)
        %ge3A_1005 = arith.cmpf oge, %masked_sort3A_758, %masked_sort3A_768 : vector<16xf32>
        %select_n3A_1006 = arith.select %ge3A_1005, %masked_sort3A_758, %masked_sort3A_768 : vector<16xi1>, vector<16xf32>
        %select_n3A_1007 = arith.select %ge3A_1005, %masked_sort3A_759, %masked_sort3A_769 : vector<16xi1>, vector<16xi32>
        %masked_sort3A_1008 = arith.constant dense<true> : vector<16xi1>
        %masked_sort3A_1009, %masked_sort3A_1010, %masked_sort3A_1011 = tpu.sort %select_n3A_1006, %select_n3A_1007 masked %masked_sort3A_1008 {descending = true} : (vector<16xf32>, vector<16xi32>, vector<16xi1>) -> (vector<16xi1>, vector<16xf32>, vector<16xi32>)
        %ge3A_1012 = arith.cmpf oge, %masked_sort3A_778, %masked_sort3A_788 : vector<16xf32>
        %select_n3A_1013 = arith.select %ge3A_1012, %masked_sort3A_778, %masked_sort3A_788 : vector<16xi1>, vector<16xf32>
        %select_n3A_1014 = arith.select %ge3A_1012, %masked_sort3A_779, %masked_sort3A_789 : vector<16xi1>, vector<16xi32>
        %masked_sort3A_1015 = arith.constant dense<true> : vector<16xi1>
        %masked_sort3A_1016, %masked_sort3A_1017, %masked_sort3A_1018 = tpu.sort %select_n3A_1013, %select_n3A_1014 masked %masked_sort3A_1015 : (vector<16xf32>, vector<16xi32>, vector<16xi1>) -> (vector<16xi1>, vector<16xf32>, vector<16xi32>)
        %ge3A_1019 = arith.cmpf oge, %masked_sort3A_798, %masked_sort3A_808 : vector<16xf32>
        %select_n3A_1020 = arith.select %ge3A_1019, %masked_sort3A_798, %masked_sort3A_808 : vector<16xi1>, vector<16xf32>
        %select_n3A_1021 = arith.select %ge3A_1019, %masked_sort3A_799, %masked_sort3A_809 : vector<16xi1>, vector<16xi32>
        %masked_sort3A_1022 = arith.constant dense<true> : vector<16xi1>
        %masked_sort3A_1023, %masked_sort3A_1024, %masked_sort3A_1025 = tpu.sort %select_n3A_1020, %select_n3A_1021 masked %masked_sort3A_1022 {descending = true} : (vector<16xf32>, vector<16xi32>, vector<16xi1>) -> (vector<16xi1>, vector<16xf32>, vector<16xi32>)
        %ge3A_1026 = arith.cmpf oge, %masked_sort3A_818, %masked_sort3A_828 : vector<16xf32>
        %select_n3A_1027 = arith.select %ge3A_1026, %masked_sort3A_818, %masked_sort3A_828 : vector<16xi1>, vector<16xf32>
        %select_n3A_1028 = arith.select %ge3A_1026, %masked_sort3A_819, %masked_sort3A_829 : vector<16xi1>, vector<16xi32>
        %masked_sort3A_1029 = arith.constant dense<true> : vector<16xi1>
        %masked_sort3A_1030, %masked_sort3A_1031, %masked_sort3A_1032 = tpu.sort %select_n3A_1027, %select_n3A_1028 masked %masked_sort3A_1029 : (vector<16xf32>, vector<16xi32>, vector<16xi1>) -> (vector<16xi1>, vector<16xf32>, vector<16xi32>)
        %ge3A_1033 = arith.cmpf oge, %masked_sort3A_838, %masked_sort3A_848 : vector<16xf32>
        %select_n3A_1034 = arith.select %ge3A_1033, %masked_sort3A_838, %masked_sort3A_848 : vector<16xi1>, vector<16xf32>
        %select_n3A_1035 = arith.select %ge3A_1033, %masked_sort3A_839, %masked_sort3A_849 : vector<16xi1>, vector<16xi32>
        %masked_sort3A_1036 = arith.constant dense<true> : vector<16xi1>
        %masked_sort3A_1037, %masked_sort3A_1038, %masked_sort3A_1039 = tpu.sort %select_n3A_1034, %select_n3A_1035 masked %masked_sort3A_1036 {descending = true} : (vector<16xf32>, vector<16xi32>, vector<16xi1>) -> (vector<16xi1>, vector<16xf32>, vector<16xi32>)
        %ge3A_1040 = arith.cmpf oge, %masked_sort3A_858, %masked_sort3A_868 : vector<16xf32>
        %select_n3A_1041 = arith.select %ge3A_1040, %masked_sort3A_858, %masked_sort3A_868 : vector<16xi1>, vector<16xf32>
        %select_n3A_1042 = arith.select %ge3A_1040, %masked_sort3A_859, %masked_sort3A_869 : vector<16xi1>, vector<16xi32>
        %masked_sort3A_1043 = arith.constant dense<true> : vector<16xi1>
        %masked_sort3A_1044, %masked_sort3A_1045, %masked_sort3A_1046 = tpu.sort %select_n3A_1041, %select_n3A_1042 masked %masked_sort3A_1043 : (vector<16xf32>, vector<16xi32>, vector<16xi1>) -> (vector<16xi1>, vector<16xf32>, vector<16xi32>)
        %ge3A_1047 = arith.cmpf oge, %masked_sort3A_878, %masked_sort3A_888 : vector<16xf32>
        %select_n3A_1048 = arith.select %ge3A_1047, %masked_sort3A_878, %masked_sort3A_888 : vector<16xi1>, vector<16xf32>
        %select_n3A_1049 = arith.select %ge3A_1047, %masked_sort3A_879, %masked_sort3A_889 : vector<16xi1>, vector<16xi32>
        %masked_sort3A_1050 = arith.constant dense<true> : vector<16xi1>
        %masked_sort3A_1051, %masked_sort3A_1052, %masked_sort3A_1053 = tpu.sort %select_n3A_1048, %select_n3A_1049 masked %masked_sort3A_1050 {descending = true} : (vector<16xf32>, vector<16xi32>, vector<16xi1>) -> (vector<16xi1>, vector<16xf32>, vector<16xi32>)
        %ge3A_1054 = arith.cmpf oge, %masked_sort3A_898, %masked_sort3A_908 : vector<16xf32>
        %select_n3A_1055 = arith.select %ge3A_1054, %masked_sort3A_898, %masked_sort3A_908 : vector<16xi1>, vector<16xf32>
        %select_n3A_1056 = arith.select %ge3A_1054, %masked_sort3A_899, %masked_sort3A_909 : vector<16xi1>, vector<16xi32>
        %masked_sort3A_1057 = arith.constant dense<true> : vector<16xi1>
        %masked_sort3A_1058, %masked_sort3A_1059, %masked_sort3A_1060 = tpu.sort %select_n3A_1055, %select_n3A_1056 masked %masked_sort3A_1057 : (vector<16xf32>, vector<16xi32>, vector<16xi1>) -> (vector<16xi1>, vector<16xf32>, vector<16xi32>)
        %ge3A_1061 = arith.cmpf oge, %masked_sort3A_918, %masked_sort3A_928 : vector<16xf32>
        %select_n3A_1062 = arith.select %ge3A_1061, %masked_sort3A_918, %masked_sort3A_928 : vector<16xi1>, vector<16xf32>
        %select_n3A_1063 = arith.select %ge3A_1061, %masked_sort3A_919, %masked_sort3A_929 : vector<16xi1>, vector<16xi32>
        %masked_sort3A_1064 = arith.constant dense<true> : vector<16xi1>
        %masked_sort3A_1065, %masked_sort3A_1066, %masked_sort3A_1067 = tpu.sort %select_n3A_1062, %select_n3A_1063 masked %masked_sort3A_1064 {descending = true} : (vector<16xf32>, vector<16xi32>, vector<16xi1>) -> (vector<16xi1>, vector<16xf32>, vector<16xi32>)
        %ge3A_1068 = arith.cmpf oge, %masked_sort3A_938, %masked_sort3A_948 : vector<16xf32>
        %select_n3A_1069 = arith.select %ge3A_1068, %masked_sort3A_938, %masked_sort3A_948 : vector<16xi1>, vector<16xf32>
        %select_n3A_1070 = arith.select %ge3A_1068, %masked_sort3A_939, %masked_sort3A_949 : vector<16xi1>, vector<16xi32>
        %masked_sort3A_1071 = arith.constant dense<true> : vector<16xi1>
        %masked_sort3A_1072, %masked_sort3A_1073, %masked_sort3A_1074 = tpu.sort %select_n3A_1069, %select_n3A_1070 masked %masked_sort3A_1071 : (vector<16xf32>, vector<16xi32>, vector<16xi1>) -> (vector<16xi1>, vector<16xf32>, vector<16xi32>)
        %ge3A_1075 = arith.cmpf oge, %masked_sort3A_958, %masked_sort3A_968 : vector<16xf32>
        %select_n3A_1076 = arith.select %ge3A_1075, %masked_sort3A_958, %masked_sort3A_968 : vector<16xi1>, vector<16xf32>
        %select_n3A_1077 = arith.select %ge3A_1075, %masked_sort3A_959, %masked_sort3A_969 : vector<16xi1>, vector<16xi32>
        %masked_sort3A_1078 = arith.constant dense<true> : vector<16xi1>
        %masked_sort3A_1079, %masked_sort3A_1080, %masked_sort3A_1081 = tpu.sort %select_n3A_1076, %select_n3A_1077 masked %masked_sort3A_1078 {descending = true} : (vector<16xf32>, vector<16xi32>, vector<16xi1>) -> (vector<16xi1>, vector<16xf32>, vector<16xi32>)
        %ge3A_1082 = arith.cmpf oge, %masked_sort3A_975, %masked_sort3A_982 : vector<16xf32>
        %select_n3A_1083 = arith.select %ge3A_1082, %masked_sort3A_975, %masked_sort3A_982 : vector<16xi1>, vector<16xf32>
        %select_n3A_1084 = arith.select %ge3A_1082, %masked_sort3A_976, %masked_sort3A_983 : vector<16xi1>, vector<16xi32>
        %masked_sort3A_1085 = arith.constant dense<true> : vector<16xi1>
        %masked_sort3A_1086, %masked_sort3A_1087, %masked_sort3A_1088 = tpu.sort %select_n3A_1083, %select_n3A_1084 masked %masked_sort3A_1085 : (vector<16xf32>, vector<16xi32>, vector<16xi1>) -> (vector<16xi1>, vector<16xf32>, vector<16xi32>)
        %ge3A_1089 = arith.cmpf oge, %masked_sort3A_989, %masked_sort3A_996 : vector<16xf32>
        %select_n3A_1090 = arith.select %ge3A_1089, %masked_sort3A_989, %masked_sort3A_996 : vector<16xi1>, vector<16xf32>
        %select_n3A_1091 = arith.select %ge3A_1089, %masked_sort3A_990, %masked_sort3A_997 : vector<16xi1>, vector<16xi32>
        %masked_sort3A_1092 = arith.constant dense<true> : vector<16xi1>
        %masked_sort3A_1093, %masked_sort3A_1094, %masked_sort3A_1095 = tpu.sort %select_n3A_1090, %select_n3A_1091 masked %masked_sort3A_1092 {descending = true} : (vector<16xf32>, vector<16xi32>, vector<16xi1>) -> (vector<16xi1>, vector<16xf32>, vector<16xi32>)
        %ge3A_1096 = arith.cmpf oge, %masked_sort3A_1003, %masked_sort3A_1010 : vector<16xf32>
        %select_n3A_1097 = arith.select %ge3A_1096, %masked_sort3A_1003, %masked_sort3A_1010 : vector<16xi1>, vector<16xf32>
        %select_n3A_1098 = arith.select %ge3A_1096, %masked_sort3A_1004, %masked_sort3A_1011 : vector<16xi1>, vector<16xi32>
        %masked_sort3A_1099 = arith.constant dense<true> : vector<16xi1>
        %masked_sort3A_1100, %masked_sort3A_1101, %masked_sort3A_1102 = tpu.sort %select_n3A_1097, %select_n3A_1098 masked %masked_sort3A_1099 : (vector<16xf32>, vector<16xi32>, vector<16xi1>) -> (vector<16xi1>, vector<16xf32>, vector<16xi32>)
        %ge3A_1103 = arith.cmpf oge, %masked_sort3A_1017, %masked_sort3A_1024 : vector<16xf32>
        %select_n3A_1104 = arith.select %ge3A_1103, %masked_sort3A_1017, %masked_sort3A_1024 : vector<16xi1>, vector<16xf32>
        %select_n3A_1105 = arith.select %ge3A_1103, %masked_sort3A_1018, %masked_sort3A_1025 : vector<16xi1>, vector<16xi32>
        %masked_sort3A_1106 = arith.constant dense<true> : vector<16xi1>
        %masked_sort3A_1107, %masked_sort3A_1108, %masked_sort3A_1109 = tpu.sort %select_n3A_1104, %select_n3A_1105 masked %masked_sort3A_1106 {descending = true} : (vector<16xf32>, vector<16xi32>, vector<16xi1>) -> (vector<16xi1>, vector<16xf32>, vector<16xi32>)
        %ge3A_1110 = arith.cmpf oge, %masked_sort3A_1031, %masked_sort3A_1038 : vector<16xf32>
        %select_n3A_1111 = arith.select %ge3A_1110, %masked_sort3A_1031, %masked_sort3A_1038 : vector<16xi1>, vector<16xf32>
        %select_n3A_1112 = arith.select %ge3A_1110, %masked_sort3A_1032, %masked_sort3A_1039 : vector<16xi1>, vector<16xi32>
        %masked_sort3A_1113 = arith.constant dense<true> : vector<16xi1>
        %masked_sort3A_1114, %masked_sort3A_1115, %masked_sort3A_1116 = tpu.sort %select_n3A_1111, %select_n3A_1112 masked %masked_sort3A_1113 : (vector<16xf32>, vector<16xi32>, vector<16xi1>) -> (vector<16xi1>, vector<16xf32>, vector<16xi32>)
        %ge3A_1117 = arith.cmpf oge, %masked_sort3A_1045, %masked_sort3A_1052 : vector<16xf32>
        %select_n3A_1118 = arith.select %ge3A_1117, %masked_sort3A_1045, %masked_sort3A_1052 : vector<16xi1>, vector<16xf32>
        %select_n3A_1119 = arith.select %ge3A_1117, %masked_sort3A_1046, %masked_sort3A_1053 : vector<16xi1>, vector<16xi32>
        %masked_sort3A_1120 = arith.constant dense<true> : vector<16xi1>
        %masked_sort3A_1121, %masked_sort3A_1122, %masked_sort3A_1123 = tpu.sort %select_n3A_1118, %select_n3A_1119 masked %masked_sort3A_1120 {descending = true} : (vector<16xf32>, vector<16xi32>, vector<16xi1>) -> (vector<16xi1>, vector<16xf32>, vector<16xi32>)
        %ge3A_1124 = arith.cmpf oge, %masked_sort3A_1059, %masked_sort3A_1066 : vector<16xf32>
        %select_n3A_1125 = arith.select %ge3A_1124, %masked_sort3A_1059, %masked_sort3A_1066 : vector<16xi1>, vector<16xf32>
        %select_n3A_1126 = arith.select %ge3A_1124, %masked_sort3A_1060, %masked_sort3A_1067 : vector<16xi1>, vector<16xi32>
        %masked_sort3A_1127 = arith.constant dense<true> : vector<16xi1>
        %masked_sort3A_1128, %masked_sort3A_1129, %masked_sort3A_1130 = tpu.sort %select_n3A_1125, %select_n3A_1126 masked %masked_sort3A_1127 : (vector<16xf32>, vector<16xi32>, vector<16xi1>) -> (vector<16xi1>, vector<16xf32>, vector<16xi32>)
        %ge3A_1131 = arith.cmpf oge, %masked_sort3A_1073, %masked_sort3A_1080 : vector<16xf32>
        %select_n3A_1132 = arith.select %ge3A_1131, %masked_sort3A_1073, %masked_sort3A_1080 : vector<16xi1>, vector<16xf32>
        %select_n3A_1133 = arith.select %ge3A_1131, %masked_sort3A_1074, %masked_sort3A_1081 : vector<16xi1>, vector<16xi32>
        %masked_sort3A_1134 = arith.constant dense<true> : vector<16xi1>
        %masked_sort3A_1135, %masked_sort3A_1136, %masked_sort3A_1137 = tpu.sort %select_n3A_1132, %select_n3A_1133 masked %masked_sort3A_1134 {descending = true} : (vector<16xf32>, vector<16xi32>, vector<16xi1>) -> (vector<16xi1>, vector<16xf32>, vector<16xi32>)
        %ge3A_1138 = arith.cmpf oge, %masked_sort3A_1087, %masked_sort3A_1094 : vector<16xf32>
        %select_n3A_1139 = arith.select %ge3A_1138, %masked_sort3A_1087, %masked_sort3A_1094 : vector<16xi1>, vector<16xf32>
        %select_n3A_1140 = arith.select %ge3A_1138, %masked_sort3A_1088, %masked_sort3A_1095 : vector<16xi1>, vector<16xi32>
        %masked_sort3A_1141 = arith.constant dense<true> : vector<16xi1>
        %masked_sort3A_1142, %masked_sort3A_1143, %masked_sort3A_1144 = tpu.sort %select_n3A_1139, %select_n3A_1140 masked %masked_sort3A_1141 : (vector<16xf32>, vector<16xi32>, vector<16xi1>) -> (vector<16xi1>, vector<16xf32>, vector<16xi32>)
        %ge3A_1145 = arith.cmpf oge, %masked_sort3A_1101, %masked_sort3A_1108 : vector<16xf32>
        %select_n3A_1146 = arith.select %ge3A_1145, %masked_sort3A_1101, %masked_sort3A_1108 : vector<16xi1>, vector<16xf32>
        %select_n3A_1147 = arith.select %ge3A_1145, %masked_sort3A_1102, %masked_sort3A_1109 : vector<16xi1>, vector<16xi32>
        %masked_sort3A_1148 = arith.constant dense<true> : vector<16xi1>
        %masked_sort3A_1149, %masked_sort3A_1150, %masked_sort3A_1151 = tpu.sort %select_n3A_1146, %select_n3A_1147 masked %masked_sort3A_1148 {descending = true} : (vector<16xf32>, vector<16xi32>, vector<16xi1>) -> (vector<16xi1>, vector<16xf32>, vector<16xi32>)
        %ge3A_1152 = arith.cmpf oge, %masked_sort3A_1115, %masked_sort3A_1122 : vector<16xf32>
        %select_n3A_1153 = arith.select %ge3A_1152, %masked_sort3A_1115, %masked_sort3A_1122 : vector<16xi1>, vector<16xf32>
        %select_n3A_1154 = arith.select %ge3A_1152, %masked_sort3A_1116, %masked_sort3A_1123 : vector<16xi1>, vector<16xi32>
        %masked_sort3A_1155 = arith.constant dense<true> : vector<16xi1>
        %masked_sort3A_1156, %masked_sort3A_1157, %masked_sort3A_1158 = tpu.sort %select_n3A_1153, %select_n3A_1154 masked %masked_sort3A_1155 : (vector<16xf32>, vector<16xi32>, vector<16xi1>) -> (vector<16xi1>, vector<16xf32>, vector<16xi32>)
        %ge3A_1159 = arith.cmpf oge, %masked_sort3A_1129, %masked_sort3A_1136 : vector<16xf32>
        %select_n3A_1160 = arith.select %ge3A_1159, %masked_sort3A_1129, %masked_sort3A_1136 : vector<16xi1>, vector<16xf32>
        %select_n3A_1161 = arith.select %ge3A_1159, %masked_sort3A_1130, %masked_sort3A_1137 : vector<16xi1>, vector<16xi32>
        %masked_sort3A_1162 = arith.constant dense<true> : vector<16xi1>
        %masked_sort3A_1163, %masked_sort3A_1164, %masked_sort3A_1165 = tpu.sort %select_n3A_1160, %select_n3A_1161 masked %masked_sort3A_1162 {descending = true} : (vector<16xf32>, vector<16xi32>, vector<16xi1>) -> (vector<16xi1>, vector<16xf32>, vector<16xi32>)
        %ge3A_1166 = arith.cmpf oge, %masked_sort3A_1143, %masked_sort3A_1150 : vector<16xf32>
        %select_n3A_1167 = arith.select %ge3A_1166, %masked_sort3A_1143, %masked_sort3A_1150 : vector<16xi1>, vector<16xf32>
        %select_n3A_1168 = arith.select %ge3A_1166, %masked_sort3A_1144, %masked_sort3A_1151 : vector<16xi1>, vector<16xi32>
        %masked_sort3A_1169 = arith.constant dense<true> : vector<16xi1>
        %masked_sort3A_1170, %masked_sort3A_1171, %masked_sort3A_1172 = tpu.sort %select_n3A_1167, %select_n3A_1168 masked %masked_sort3A_1169 : (vector<16xf32>, vector<16xi32>, vector<16xi1>) -> (vector<16xi1>, vector<16xf32>, vector<16xi32>)
        %ge3A_1173 = arith.cmpf oge, %masked_sort3A_1157, %masked_sort3A_1164 : vector<16xf32>
        %select_n3A_1174 = arith.select %ge3A_1173, %masked_sort3A_1157, %masked_sort3A_1164 : vector<16xi1>, vector<16xf32>
        %select_n3A_1175 = arith.select %ge3A_1173, %masked_sort3A_1158, %masked_sort3A_1165 : vector<16xi1>, vector<16xi32>
        %masked_sort3A_1176 = arith.constant dense<true> : vector<16xi1>
        %masked_sort3A_1177, %masked_sort3A_1178, %masked_sort3A_1179 = tpu.sort %select_n3A_1174, %select_n3A_1175 masked %masked_sort3A_1176 {descending = true} : (vector<16xf32>, vector<16xi32>, vector<16xi1>) -> (vector<16xi1>, vector<16xf32>, vector<16xi32>)
        %ge3A_1180 = arith.cmpf oge, %masked_sort3A_1171, %masked_sort3A_1178 : vector<16xf32>
        %select_n3A_1181 = arith.select %ge3A_1180, %masked_sort3A_1171, %masked_sort3A_1178 : vector<16xi1>, vector<16xf32>
        %select_n3A_1182 = arith.select %ge3A_1180, %masked_sort3A_1172, %masked_sort3A_1179 : vector<16xi1>, vector<16xi32>
        %masked_sort3A_1183 = arith.constant dense<true> : vector<16xi1>
        %masked_sort3A_1184, %masked_sort3A_1185, %masked_sort3A_1186 = tpu.sort %select_n3A_1181, %select_n3A_1182 masked %masked_sort3A_1183 {descending = true} : (vector<16xf32>, vector<16xi32>, vector<16xi1>) -> (vector<16xi1>, vector<16xf32>, vector<16xi32>)
        %slice3A_1187 = vector.extract_strided_slice %masked_sort3A_1185 {offsets = [0], sizes = [1], strides = [1]} : vector<16xf32> to vector<1xf32>
        %squeeze3A_1188 = vector.extract %slice3A_1187[0] : f32 from vector<1xf32>
        %sub3A_1189 = vector.broadcast %squeeze3A_1188 : f32 to vector<16xf32>
        %sub3A_1190 = arith.subf %masked_sort3A_1185, %sub3A_1189 : vector<16xf32>
        %exp3A_1191 = math.exp %sub3A_1190 : vector<16xf32>
        %jit3A_1192 = arith.constant 0.000000e+00 : f32
        %broadcast_in_dim3A_1193 = vector.broadcast %jit3A_1192 : f32 to vector<16xf32>
        %select_n3A_1194 = arith.select %lt3A_4, %exp3A_1191, %broadcast_in_dim3A_1193 : vector<16xi1>, vector<16xf32>
        %reduce_sum3A_1195 = arith.constant true
        %reduce_sum3A_1196 = vector.broadcast %reduce_sum3A_1195 : i1 to vector<16xi1>
        %reduce_sum3A_1197 = tpu.scan <sum>, %select_n3A_1194 masked %reduce_sum3A_1196 : vector<16xf32>, vector<16xi1> -> vector<16xf32>
        %reduce_sum3A_1198 = vector.extract %reduce_sum3A_1197[15] : f32 from vector<16xf32>
        %div3A_1199 = vector.broadcast %reduce_sum3A_1198 : f32 to vector<16xf32>
        %div3A_1200 = arith.divf %select_n3A_1194, %div3A_1199 : vector<16xf32>
        %mul3A_1201 = arith.constant 128 : i32
        %mul3A_1202 = arith.muli %scan3A_649, %mul3A_1201 : i32
        %swap3A_1203 = arith.index_cast %mul3A_1202 : i32 to index
        %swap3A_1204 = tpu.vector_load %arg7[%swap3A_1203] {strides = array<i32>} : memref<4096xi32, #tpu.memory_space<vmem>>, vector<16xi32>,
        tpu.vector_store %arg7[%swap3A_1203], %masked_sort3A_1186 {strides = array<i32>} : memref<4096xi32, #tpu.memory_space<vmem>>, vector<16xi32>,
        %swap3A_1205 = arith.index_cast %mul3A_1202 : i32 to index
        %swap3A_1206 = tpu.vector_load %arg9[%swap3A_1205] {strides = array<i32>} : memref<4096xf32, #tpu.memory_space<vmem>>, vector<16xf32>,
        tpu.vector_store %arg9[%swap3A_1205], %div3A_1200 {strides = array<i32>} : memref<4096xf32, #tpu.memory_space<vmem>>, vector<16xf32>,
      }
      %scan3A_57 = arith.constant 32 : i32
      %mul3A_58 = arith.constant 128 : i32
      %mul3A_59 = arith.muli %add3A_51, %mul3A_58 : i32
      %dma_start3A_60 = tpu.memref_slice %arg3[%mul3A_59] : memref<2621440xi32, #tpu.memory_space<hbm>> -> memref<4096xi32, #tpu.memory_space<hbm>>
      %dma_start3A_61 = tpu.memref_slice %arg3[%mul3A_59] : memref<2621440xi32, #tpu.memory_space<hbm>> -> memref<4096xi32, #tpu.memory_space<hbm>>
      tpu.enqueue_dma source(%arg7 : memref<4096xi32, #tpu.memory_space<vmem>>) target(%dma_start3A_61 : memref<4096xi32, #tpu.memory_space<hbm>>) target_semaphore(%arg13 : memref<!tpu.dma_semaphore, #tpu.memory_space<semaphore_mem>>)
      %dma_start3A_62 = tpu.memref_slice %arg4[%mul3A_59] : memref<2621440xf32, #tpu.memory_space<hbm>> -> memref<4096xf32, #tpu.memory_space<hbm>>
      %dma_start3A_63 = tpu.memref_slice %arg4[%mul3A_59] : memref<2621440xf32, #tpu.memory_space<hbm>> -> memref<4096xf32, #tpu.memory_space<hbm>>
      tpu.enqueue_dma source(%arg9 : memref<4096xf32, #tpu.memory_space<vmem>>) target(%dma_start3A_63 : memref<4096xf32, #tpu.memory_space<hbm>>) target_semaphore(%arg13 : memref<!tpu.dma_semaphore, #tpu.memory_space<semaphore_mem>>)
      %mul3A_64 = arith.constant 2 : i32
      %mul3A_65 = arith.muli %mul3A_64, %scan3A_28 : i32
      %add3A_66 = arith.constant 1 : i32
      %add3A_67 = arith.addi %mul3A_65, %add3A_66 : i32
      %add3A_68 = arith.constant 1 : i32
      %add3A_69 = arith.addi %add3A_67, %add3A_68 : i32
      %lt3A_70 = arith.constant 20 : i32
      %lt3A_71 = arith.cmpi slt, %add3A_69, %lt3A_70 : i32
      %convert_element_type3A_72 = arith.extui %lt3A_71 : i1 to i32
      %cond3A_73 = arith.constant 0 : i32
      %cond3A_74 = arith.cmpi ne, %convert_element_type3A_72, %cond3A_73 : i32
      scf.if %cond3A_74 {
        %add3A_102 = arith.constant 1 : i32
        %add3A_103 = arith.addi %add3A_67, %add3A_102 : i32
        %mul3A_104 = arith.constant 32 : i32
        %mul3A_105 = arith.muli %add3A_103, %mul3A_104 : i32
        %add3A_106 = arith.addi %mul3A_2, %mul3A_105 : i32
        %dma_start3A_107 = arith.constant 0 : i32
        %dma_start3A_108 = tpu.memref_slice %arg2[%add3A_106, %dma_start3A_107] : memref<20480x512xf32, #tpu.memory_space<hbm>> -> memref<32x512xf32, #tpu.memory_space<hbm>>
        %dma_start3A_109 = arith.constant 0 : i32
        %dma_start3A_110 = tpu.memref_slice %arg2[%add3A_106, %dma_start3A_109] : memref<20480x512xf32, #tpu.memory_space<hbm>> -> memref<32x512xf32, #tpu.memory_space<hbm>>
        tpu.enqueue_dma source(%dma_start3A_110 : memref<32x512xf32, #tpu.memory_space<hbm>>) target(%arg5 : memref<32x512xf32, #tpu.memory_space<vmem>>) target_semaphore(%arg11 : memref<!tpu.dma_semaphore, #tpu.memory_space<semaphore_mem>>)
      } else {
      }
      %mul3A_75 = arith.constant 32 : i32
      %mul3A_76 = arith.muli %add3A_67, %mul3A_75 : i32
      %add3A_77 = arith.addi %mul3A_2, %mul3A_76 : i32
      %dma_wait3A_78 = arith.constant 0 : i32
      %dma_wait3A_79 = tpu.memref_slice %arg2[%add3A_77, %dma_wait3A_78] : memref<20480x512xf32, #tpu.memory_space<hbm>> -> memref<32x512xf32, #tpu.memory_space<hbm>>
      %dma_wait3A_80 = arith.constant 0 : i32
      %dma_wait3A_81 = tpu.memref_slice %arg2[%add3A_77, %dma_wait3A_80] : memref<20480x512xf32, #tpu.memory_space<hbm>> -> memref<32x512xf32, #tpu.memory_space<hbm>>
      tpu.wait_dma2 semaphore(%arg12 : memref<!tpu.dma_semaphore, #tpu.memory_space<semaphore_mem>>) src(%dma_wait3A_81 : memref<32x512xf32, #tpu.memory_space<hbm>>) dst(%arg6 : memref<32x512xf32, #tpu.memory_space<vmem>>)
      %ge3A_82 = arith.constant 2 : i32
      %ge3A_83 = arith.cmpi sge, %add3A_67, %ge3A_82 : i32
      %convert_element_type3A_84 = arith.extui %ge3A_83 : i1 to i32
      %cond3A_85 = arith.constant 0 : i32
      %cond3A_86 = arith.cmpi ne, %convert_element_type3A_84, %cond3A_85 : i32
      scf.if %cond3A_86 {
        %mul3A_102 = arith.constant 128 : i32
        %mul3A_103 = arith.muli %mul3A_2, %mul3A_102 : i32
        %dma_wait3A_104 = tpu.memref_slice %arg3[%mul3A_103] : memref<2621440xi32, #tpu.memory_space<hbm>> -> memref<4096xi32, #tpu.memory_space<hbm>>
        %dma_wait3A_105 = tpu.memref_slice %arg3[%mul3A_103] : memref<2621440xi32, #tpu.memory_space<hbm>> -> memref<4096xi32, #tpu.memory_space<hbm>>
        tpu.wait_dma2 semaphore(%arg14 : memref<!tpu.dma_semaphore, #tpu.memory_space<semaphore_mem>>) src(%arg8 : memref<4096xi32, #tpu.memory_space<vmem>>) dst(%dma_wait3A_105 : memref<4096xi32, #tpu.memory_space<hbm>>)
        %mul3A_106 = arith.constant 128 : i32
        %mul3A_107 = arith.muli %mul3A_2, %mul3A_106 : i32
        %dma_wait3A_108 = tpu.memref_slice %arg4[%mul3A_107] : memref<2621440xf32, #tpu.memory_space<hbm>> -> memref<4096xf32, #tpu.memory_space<hbm>>
        %dma_wait3A_109 = tpu.memref_slice %arg4[%mul3A_107] : memref<2621440xf32, #tpu.memory_space<hbm>> -> memref<4096xf32, #tpu.memory_space<hbm>>
        tpu.wait_dma2 semaphore(%arg14 : memref<!tpu.dma_semaphore, #tpu.memory_space<semaphore_mem>>) src(%arg10 : memref<4096xf32, #tpu.memory_space<vmem>>) dst(%dma_wait3A_109 : memref<4096xf32, #tpu.memory_space<hbm>>)
      } else {
      }
      %mul3A_87 = arith.constant 32 : i32
      %mul3A_88 = arith.muli %add3A_67, %mul3A_87 : i32
      %add3A_89 = arith.addi %mul3A_2, %mul3A_88 : i32
      %scan3A_90 = arith.constant 0 : i32
      %scan3A_91 = arith.constant 0 : i32
      %scan3A_92 = arith.constant 32 : i32
      %scan3A_93 = arith.addi %scan3A_91, %scan3A_92 : i32
      %scan3A_94 = arith.constant 2 : i32
      scf.for %scan3A_102 = %scan3A_91 to %scan3A_93 step %scan3A_94  : i32 {
        %get3A = arith.index_cast %scan3A_102 : i32 to index
        %get3A_103 = arith.constant 0 : index
        %get3A_104 = tpu.vector_load %arg6[%get3A, %get3A_103] {strides = array<i32>} : memref<32x512xf32, #tpu.memory_space<vmem>>, vector<16xf32>,
        %add3A_105 = arith.constant 0 : i32
        %add3A_106 = vector.broadcast %add3A_105 : i32 to vector<16xi32>
        %add3A_107 = arith.addi %iota3A, %add3A_106 : vector<16xi32>
        %masked_sort3A = arith.constant dense<true> : vector<16xi1>
        %masked_sort3A_108, %masked_sort3A_109, %masked_sort3A_110 = tpu.sort %get3A_104, %add3A_107 masked %masked_sort3A : (vector<16xf32>, vector<16xi32>, vector<16xi1>) -> (vector<16xi1>, vector<16xf32>, vector<16xi32>)
        %get3A_111 = arith.index_cast %scan3A_102 : i32 to index
        %get3A_112 = arith.constant 16 : index
        %get3A_113 = tpu.vector_load %arg6[%get3A_111, %get3A_112] {strides = array<i32>} : memref<32x512xf32, #tpu.memory_space<vmem>>, vector<16xf32>,
        %add3A_114 = arith.constant 16 : i32
        %add3A_115 = vector.broadcast %add3A_114 : i32 to vector<16xi32>
        %add3A_116 = arith.addi %iota3A, %add3A_115 : vector<16xi32>
        %masked_sort3A_117 = arith.constant dense<true> : vector<16xi1>
        %masked_sort3A_118, %masked_sort3A_119, %masked_sort3A_120 = tpu.sort %get3A_113, %add3A_116 masked %masked_sort3A_117 {descending = true} : (vector<16xf32>, vector<16xi32>, vector<16xi1>) -> (vector<16xi1>, vector<16xf32>, vector<16xi32>)
        %get3A_121 = arith.index_cast %scan3A_102 : i32 to index
        %get3A_122 = arith.constant 32 : index
        %get3A_123 = tpu.vector_load %arg6[%get3A_121, %get3A_122] {strides = array<i32>} : memref<32x512xf32, #tpu.memory_space<vmem>>, vector<16xf32>,
        %add3A_124 = arith.constant 32 : i32
        %add3A_125 = vector.broadcast %add3A_124 : i32 to vector<16xi32>
        %add3A_126 = arith.addi %iota3A, %add3A_125 : vector<16xi32>
        %masked_sort3A_127 = arith.constant dense<true> : vector<16xi1>
        %masked_sort3A_128, %masked_sort3A_129, %masked_sort3A_130 = tpu.sort %get3A_123, %add3A_126 masked %masked_sort3A_127 : (vector<16xf32>, vector<16xi32>, vector<16xi1>) -> (vector<16xi1>, vector<16xf32>, vector<16xi32>)
        %get3A_131 = arith.index_cast %scan3A_102 : i32 to index
        %get3A_132 = arith.constant 48 : index
        %get3A_133 = tpu.vector_load %arg6[%get3A_131, %get3A_132] {strides = array<i32>} : memref<32x512xf32, #tpu.memory_space<vmem>>, vector<16xf32>,
        %add3A_134 = arith.constant 48 : i32
        %add3A_135 = vector.broadcast %add3A_134 : i32 to vector<16xi32>
        %add3A_136 = arith.addi %iota3A, %add3A_135 : vector<16xi32>
        %masked_sort3A_137 = arith.constant dense<true> : vector<16xi1>
        %masked_sort3A_138, %masked_sort3A_139, %masked_sort3A_140 = tpu.sort %get3A_133, %add3A_136 masked %masked_sort3A_137 {descending = true} : (vector<16xf32>, vector<16xi32>, vector<16xi1>) -> (vector<16xi1>, vector<16xf32>, vector<16xi32>)
        %get3A_141 = arith.index_cast %scan3A_102 : i32 to index
        %get3A_142 = arith.constant 64 : index
        %get3A_143 = tpu.vector_load %arg6[%get3A_141, %get3A_142] {strides = array<i32>} : memref<32x512xf32, #tpu.memory_space<vmem>>, vector<16xf32>,
        %add3A_144 = arith.constant 64 : i32
        %add3A_145 = vector.broadcast %add3A_144 : i32 to vector<16xi32>
        %add3A_146 = arith.addi %iota3A, %add3A_145 : vector<16xi32>
        %masked_sort3A_147 = arith.constant dense<true> : vector<16xi1>
        %masked_sort3A_148, %masked_sort3A_149, %masked_sort3A_150 = tpu.sort %get3A_143, %add3A_146 masked %masked_sort3A_147 : (vector<16xf32>, vector<16xi32>, vector<16xi1>) -> (vector<16xi1>, vector<16xf32>, vector<16xi32>)
        %get3A_151 = arith.index_cast %scan3A_102 : i32 to index
        %get3A_152 = arith.constant 80 : index
        %get3A_153 = tpu.vector_load %arg6[%get3A_151, %get3A_152] {strides = array<i32>} : memref<32x512xf32, #tpu.memory_space<vmem>>, vector<16xf32>,
        %add3A_154 = arith.constant 80 : i32
        %add3A_155 = vector.broadcast %add3A_154 : i32 to vector<16xi32>
        %add3A_156 = arith.addi %iota3A, %add3A_155 : vector<16xi32>
        %masked_sort3A_157 = arith.constant dense<true> : vector<16xi1>
        %masked_sort3A_158, %masked_sort3A_159, %masked_sort3A_160 = tpu.sort %get3A_153, %add3A_156 masked %masked_sort3A_157 {descending = true} : (vector<16xf32>, vector<16xi32>, vector<16xi1>) -> (vector<16xi1>, vector<16xf32>, vector<16xi32>)
        %get3A_161 = arith.index_cast %scan3A_102 : i32 to index
        %get3A_162 = arith.constant 96 : index
        %get3A_163 = tpu.vector_load %arg6[%get3A_161, %get3A_162] {strides = array<i32>} : memref<32x512xf32, #tpu.memory_space<vmem>>, vector<16xf32>,
        %add3A_164 = arith.constant 96 : i32
        %add3A_165 = vector.broadcast %add3A_164 : i32 to vector<16xi32>
        %add3A_166 = arith.addi %iota3A, %add3A_165 : vector<16xi32>
        %masked_sort3A_167 = arith.constant dense<true> : vector<16xi1>
        %masked_sort3A_168, %masked_sort3A_169, %masked_sort3A_170 = tpu.sort %get3A_163, %add3A_166 masked %masked_sort3A_167 : (vector<16xf32>, vector<16xi32>, vector<16xi1>) -> (vector<16xi1>, vector<16xf32>, vector<16xi32>)
        %get3A_171 = arith.index_cast %scan3A_102 : i32 to index
        %get3A_172 = arith.constant 112 : index
        %get3A_173 = tpu.vector_load %arg6[%get3A_171, %get3A_172] {strides = array<i32>} : memref<32x512xf32, #tpu.memory_space<vmem>>, vector<16xf32>,
        %add3A_174 = arith.constant 112 : i32
        %add3A_175 = vector.broadcast %add3A_174 : i32 to vector<16xi32>
        %add3A_176 = arith.addi %iota3A, %add3A_175 : vector<16xi32>
        %masked_sort3A_177 = arith.constant dense<true> : vector<16xi1>
        %masked_sort3A_178, %masked_sort3A_179, %masked_sort3A_180 = tpu.sort %get3A_173, %add3A_176 masked %masked_sort3A_177 {descending = true} : (vector<16xf32>, vector<16xi32>, vector<16xi1>) -> (vector<16xi1>, vector<16xf32>, vector<16xi32>)
        %get3A_181 = arith.index_cast %scan3A_102 : i32 to index
        %get3A_182 = arith.constant 128 : index
        %get3A_183 = tpu.vector_load %arg6[%get3A_181, %get3A_182] {strides = array<i32>} : memref<32x512xf32, #tpu.memory_space<vmem>>, vector<16xf32>,
        %add3A_184 = arith.constant 128 : i32
        %add3A_185 = vector.broadcast %add3A_184 : i32 to vector<16xi32>
        %add3A_186 = arith.addi %iota3A, %add3A_185 : vector<16xi32>
        %masked_sort3A_187 = arith.constant dense<true> : vector<16xi1>
        %masked_sort3A_188, %masked_sort3A_189, %masked_sort3A_190 = tpu.sort %get3A_183, %add3A_186 masked %masked_sort3A_187 : (vector<16xf32>, vector<16xi32>, vector<16xi1>) -> (vector<16xi1>, vector<16xf32>, vector<16xi32>)
        %get3A_191 = arith.index_cast %scan3A_102 : i32 to index
        %get3A_192 = arith.constant 144 : index
        %get3A_193 = tpu.vector_load %arg6[%get3A_191, %get3A_192] {strides = array<i32>} : memref<32x512xf32, #tpu.memory_space<vmem>>, vector<16xf32>,
        %add3A_194 = arith.constant 144 : i32
        %add3A_195 = vector.broadcast %add3A_194 : i32 to vector<16xi32>
        %add3A_196 = arith.addi %iota3A, %add3A_195 : vector<16xi32>
        %masked_sort3A_197 = arith.constant dense<true> : vector<16xi1>
        %masked_sort3A_198, %masked_sort3A_199, %masked_sort3A_200 = tpu.sort %get3A_193, %add3A_196 masked %masked_sort3A_197 {descending = true} : (vector<16xf32>, vector<16xi32>, vector<16xi1>) -> (vector<16xi1>, vector<16xf32>, vector<16xi32>)
        %get3A_201 = arith.index_cast %scan3A_102 : i32 to index
        %get3A_202 = arith.constant 160 : index
        %get3A_203 = tpu.vector_load %arg6[%get3A_201, %get3A_202] {strides = array<i32>} : memref<32x512xf32, #tpu.memory_space<vmem>>, vector<16xf32>,
        %add3A_204 = arith.constant 160 : i32
        %add3A_205 = vector.broadcast %add3A_204 : i32 to vector<16xi32>
        %add3A_206 = arith.addi %iota3A, %add3A_205 : vector<16xi32>
        %masked_sort3A_207 = arith.constant dense<true> : vector<16xi1>
        %masked_sort3A_208, %masked_sort3A_209, %masked_sort3A_210 = tpu.sort %get3A_203, %add3A_206 masked %masked_sort3A_207 : (vector<16xf32>, vector<16xi32>, vector<16xi1>) -> (vector<16xi1>, vector<16xf32>, vector<16xi32>)
        %get3A_211 = arith.index_cast %scan3A_102 : i32 to index
        %get3A_212 = arith.constant 176 : index
        %get3A_213 = tpu.vector_load %arg6[%get3A_211, %get3A_212] {strides = array<i32>} : memref<32x512xf32, #tpu.memory_space<vmem>>, vector<16xf32>,
        %add3A_214 = arith.constant 176 : i32
        %add3A_215 = vector.broadcast %add3A_214 : i32 to vector<16xi32>
        %add3A_216 = arith.addi %iota3A, %add3A_215 : vector<16xi32>
        %masked_sort3A_217 = arith.constant dense<true> : vector<16xi1>
        %masked_sort3A_218, %masked_sort3A_219, %masked_sort3A_220 = tpu.sort %get3A_213, %add3A_216 masked %masked_sort3A_217 {descending = true} : (vector<16xf32>, vector<16xi32>, vector<16xi1>) -> (vector<16xi1>, vector<16xf32>, vector<16xi32>)
        %get3A_221 = arith.index_cast %scan3A_102 : i32 to index
        %get3A_222 = arith.constant 192 : index
        %get3A_223 = tpu.vector_load %arg6[%get3A_221, %get3A_222] {strides = array<i32>} : memref<32x512xf32, #tpu.memory_space<vmem>>, vector<16xf32>,
        %add3A_224 = arith.constant 192 : i32
        %add3A_225 = vector.broadcast %add3A_224 : i32 to vector<16xi32>
        %add3A_226 = arith.addi %iota3A, %add3A_225 : vector<16xi32>
        %masked_sort3A_227 = arith.constant dense<true> : vector<16xi1>
        %masked_sort3A_228, %masked_sort3A_229, %masked_sort3A_230 = tpu.sort %get3A_223, %add3A_226 masked %masked_sort3A_227 : (vector<16xf32>, vector<16xi32>, vector<16xi1>) -> (vector<16xi1>, vector<16xf32>, vector<16xi32>)
        %get3A_231 = arith.index_cast %scan3A_102 : i32 to index
        %get3A_232 = arith.constant 208 : index
        %get3A_233 = tpu.vector_load %arg6[%get3A_231, %get3A_232] {strides = array<i32>} : memref<32x512xf32, #tpu.memory_space<vmem>>, vector<16xf32>,
        %add3A_234 = arith.constant 208 : i32
        %add3A_235 = vector.broadcast %add3A_234 : i32 to vector<16xi32>
        %add3A_236 = arith.addi %iota3A, %add3A_235 : vector<16xi32>
        %masked_sort3A_237 = arith.constant dense<true> : vector<16xi1>
        %masked_sort3A_238, %masked_sort3A_239, %masked_sort3A_240 = tpu.sort %get3A_233, %add3A_236 masked %masked_sort3A_237 {descending = true} : (vector<16xf32>, vector<16xi32>, vector<16xi1>) -> (vector<16xi1>, vector<16xf32>, vector<16xi32>)
        %get3A_241 = arith.index_cast %scan3A_102 : i32 to index
        %get3A_242 = arith.constant 224 : index
        %get3A_243 = tpu.vector_load %arg6[%get3A_241, %get3A_242] {strides = array<i32>} : memref<32x512xf32, #tpu.memory_space<vmem>>, vector<16xf32>,
        %add3A_244 = arith.constant 224 : i32
        %add3A_245 = vector.broadcast %add3A_244 : i32 to vector<16xi32>
        %add3A_246 = arith.addi %iota3A, %add3A_245 : vector<16xi32>
        %masked_sort3A_247 = arith.constant dense<true> : vector<16xi1>
        %masked_sort3A_248, %masked_sort3A_249, %masked_sort3A_250 = tpu.sort %get3A_243, %add3A_246 masked %masked_sort3A_247 : (vector<16xf32>, vector<16xi32>, vector<16xi1>) -> (vector<16xi1>, vector<16xf32>, vector<16xi32>)
        %get3A_251 = arith.index_cast %scan3A_102 : i32 to index
        %get3A_252 = arith.constant 240 : index
        %get3A_253 = tpu.vector_load %arg6[%get3A_251, %get3A_252] {strides = array<i32>} : memref<32x512xf32, #tpu.memory_space<vmem>>, vector<16xf32>,
        %add3A_254 = arith.constant 240 : i32
        %add3A_255 = vector.broadcast %add3A_254 : i32 to vector<16xi32>
        %add3A_256 = arith.addi %iota3A, %add3A_255 : vector<16xi32>
        %masked_sort3A_257 = arith.constant dense<true> : vector<16xi1>
        %masked_sort3A_258, %masked_sort3A_259, %masked_sort3A_260 = tpu.sort %get3A_253, %add3A_256 masked %masked_sort3A_257 {descending = true} : (vector<16xf32>, vector<16xi32>, vector<16xi1>) -> (vector<16xi1>, vector<16xf32>, vector<16xi32>)
        %get3A_261 = arith.index_cast %scan3A_102 : i32 to index
        %get3A_262 = arith.constant 256 : index
        %get3A_263 = tpu.vector_load %arg6[%get3A_261, %get3A_262] {strides = array<i32>} : memref<32x512xf32, #tpu.memory_space<vmem>>, vector<16xf32>,
        %add3A_264 = arith.constant 256 : i32
        %add3A_265 = vector.broadcast %add3A_264 : i32 to vector<16xi32>
        %add3A_266 = arith.addi %iota3A, %add3A_265 : vector<16xi32>
        %masked_sort3A_267 = arith.constant dense<true> : vector<16xi1>
        %masked_sort3A_268, %masked_sort3A_269, %masked_sort3A_270 = tpu.sort %get3A_263, %add3A_266 masked %masked_sort3A_267 : (vector<16xf32>, vector<16xi32>, vector<16xi1>) -> (vector<16xi1>, vector<16xf32>, vector<16xi32>)
        %get3A_271 = arith.index_cast %scan3A_102 : i32 to index
        %get3A_272 = arith.constant 272 : index
        %get3A_273 = tpu.vector_load %arg6[%get3A_271, %get3A_272] {strides = array<i32>} : memref<32x512xf32, #tpu.memory_space<vmem>>, vector<16xf32>,
        %add3A_274 = arith.constant 272 : i32
        %add3A_275 = vector.broadcast %add3A_274 : i32 to vector<16xi32>
        %add3A_276 = arith.addi %iota3A, %add3A_275 : vector<16xi32>
        %masked_sort3A_277 = arith.constant dense<true> : vector<16xi1>
        %masked_sort3A_278, %masked_sort3A_279, %masked_sort3A_280 = tpu.sort %get3A_273, %add3A_276 masked %masked_sort3A_277 {descending = true} : (vector<16xf32>, vector<16xi32>, vector<16xi1>) -> (vector<16xi1>, vector<16xf32>, vector<16xi32>)
        %get3A_281 = arith.index_cast %scan3A_102 : i32 to index
        %get3A_282 = arith.constant 288 : index
        %get3A_283 = tpu.vector_load %arg6[%get3A_281, %get3A_282] {strides = array<i32>} : memref<32x512xf32, #tpu.memory_space<vmem>>, vector<16xf32>,
        %add3A_284 = arith.constant 288 : i32
        %add3A_285 = vector.broadcast %add3A_284 : i32 to vector<16xi32>
        %add3A_286 = arith.addi %iota3A, %add3A_285 : vector<16xi32>
        %masked_sort3A_287 = arith.constant dense<true> : vector<16xi1>
        %masked_sort3A_288, %masked_sort3A_289, %masked_sort3A_290 = tpu.sort %get3A_283, %add3A_286 masked %masked_sort3A_287 : (vector<16xf32>, vector<16xi32>, vector<16xi1>) -> (vector<16xi1>, vector<16xf32>, vector<16xi32>)
        %get3A_291 = arith.index_cast %scan3A_102 : i32 to index
        %get3A_292 = arith.constant 304 : index
        %get3A_293 = tpu.vector_load %arg6[%get3A_291, %get3A_292] {strides = array<i32>} : memref<32x512xf32, #tpu.memory_space<vmem>>, vector<16xf32>,
        %add3A_294 = arith.constant 304 : i32
        %add3A_295 = vector.broadcast %add3A_294 : i32 to vector<16xi32>
        %add3A_296 = arith.addi %iota3A, %add3A_295 : vector<16xi32>
        %masked_sort3A_297 = arith.constant dense<true> : vector<16xi1>
        %masked_sort3A_298, %masked_sort3A_299, %masked_sort3A_300 = tpu.sort %get3A_293, %add3A_296 masked %masked_sort3A_297 {descending = true} : (vector<16xf32>, vector<16xi32>, vector<16xi1>) -> (vector<16xi1>, vector<16xf32>, vector<16xi32>)
        %get3A_301 = arith.index_cast %scan3A_102 : i32 to index
        %get3A_302 = arith.constant 320 : index
        %get3A_303 = tpu.vector_load %arg6[%get3A_301, %get3A_302] {strides = array<i32>} : memref<32x512xf32, #tpu.memory_space<vmem>>, vector<16xf32>,
        %add3A_304 = arith.constant 320 : i32
        %add3A_305 = vector.broadcast %add3A_304 : i32 to vector<16xi32>
        %add3A_306 = arith.addi %iota3A, %add3A_305 : vector<16xi32>
        %masked_sort3A_307 = arith.constant dense<true> : vector<16xi1>
        %masked_sort3A_308, %masked_sort3A_309, %masked_sort3A_310 = tpu.sort %get3A_303, %add3A_306 masked %masked_sort3A_307 : (vector<16xf32>, vector<16xi32>, vector<16xi1>) -> (vector<16xi1>, vector<16xf32>, vector<16xi32>)
        %get3A_311 = arith.index_cast %scan3A_102 : i32 to index
        %get3A_312 = arith.constant 336 : index
        %get3A_313 = tpu.vector_load %arg6[%get3A_311, %get3A_312] {strides = array<i32>} : memref<32x512xf32, #tpu.memory_space<vmem>>, vector<16xf32>,
        %add3A_314 = arith.constant 336 : i32
        %add3A_315 = vector.broadcast %add3A_314 : i32 to vector<16xi32>
        %add3A_316 = arith.addi %iota3A, %add3A_315 : vector<16xi32>
        %masked_sort3A_317 = arith.constant dense<true> : vector<16xi1>
        %masked_sort3A_318, %masked_sort3A_319, %masked_sort3A_320 = tpu.sort %get3A_313, %add3A_316 masked %masked_sort3A_317 {descending = true} : (vector<16xf32>, vector<16xi32>, vector<16xi1>) -> (vector<16xi1>, vector<16xf32>, vector<16xi32>)
        %get3A_321 = arith.index_cast %scan3A_102 : i32 to index
        %get3A_322 = arith.constant 352 : index
        %get3A_323 = tpu.vector_load %arg6[%get3A_321, %get3A_322] {strides = array<i32>} : memref<32x512xf32, #tpu.memory_space<vmem>>, vector<16xf32>,
        %add3A_324 = arith.constant 352 : i32
        %add3A_325 = vector.broadcast %add3A_324 : i32 to vector<16xi32>
        %add3A_326 = arith.addi %iota3A, %add3A_325 : vector<16xi32>
        %masked_sort3A_327 = arith.constant dense<true> : vector<16xi1>
        %masked_sort3A_328, %masked_sort3A_329, %masked_sort3A_330 = tpu.sort %get3A_323, %add3A_326 masked %masked_sort3A_327 : (vector<16xf32>, vector<16xi32>, vector<16xi1>) -> (vector<16xi1>, vector<16xf32>, vector<16xi32>)
        %get3A_331 = arith.index_cast %scan3A_102 : i32 to index
        %get3A_332 = arith.constant 368 : index
        %get3A_333 = tpu.vector_load %arg6[%get3A_331, %get3A_332] {strides = array<i32>} : memref<32x512xf32, #tpu.memory_space<vmem>>, vector<16xf32>,
        %add3A_334 = arith.constant 368 : i32
        %add3A_335 = vector.broadcast %add3A_334 : i32 to vector<16xi32>
        %add3A_336 = arith.addi %iota3A, %add3A_335 : vector<16xi32>
        %masked_sort3A_337 = arith.constant dense<true> : vector<16xi1>
        %masked_sort3A_338, %masked_sort3A_339, %masked_sort3A_340 = tpu.sort %get3A_333, %add3A_336 masked %masked_sort3A_337 {descending = true} : (vector<16xf32>, vector<16xi32>, vector<16xi1>) -> (vector<16xi1>, vector<16xf32>, vector<16xi32>)
        %get3A_341 = arith.index_cast %scan3A_102 : i32 to index
        %get3A_342 = arith.constant 384 : index
        %get3A_343 = tpu.vector_load %arg6[%get3A_341, %get3A_342] {strides = array<i32>} : memref<32x512xf32, #tpu.memory_space<vmem>>, vector<16xf32>,
        %add3A_344 = arith.constant 384 : i32
        %add3A_345 = vector.broadcast %add3A_344 : i32 to vector<16xi32>
        %add3A_346 = arith.addi %iota3A, %add3A_345 : vector<16xi32>
        %masked_sort3A_347 = arith.constant dense<true> : vector<16xi1>
        %masked_sort3A_348, %masked_sort3A_349, %masked_sort3A_350 = tpu.sort %get3A_343, %add3A_346 masked %masked_sort3A_347 : (vector<16xf32>, vector<16xi32>, vector<16xi1>) -> (vector<16xi1>, vector<16xf32>, vector<16xi32>)
        %get3A_351 = arith.index_cast %scan3A_102 : i32 to index
        %get3A_352 = arith.constant 400 : index
        %get3A_353 = tpu.vector_load %arg6[%get3A_351, %get3A_352] {strides = array<i32>} : memref<32x512xf32, #tpu.memory_space<vmem>>, vector<16xf32>,
        %add3A_354 = arith.constant 400 : i32
        %add3A_355 = vector.broadcast %add3A_354 : i32 to vector<16xi32>
        %add3A_356 = arith.addi %iota3A, %add3A_355 : vector<16xi32>
        %masked_sort3A_357 = arith.constant dense<true> : vector<16xi1>
        %masked_sort3A_358, %masked_sort3A_359, %masked_sort3A_360 = tpu.sort %get3A_353, %add3A_356 masked %masked_sort3A_357 {descending = true} : (vector<16xf32>, vector<16xi32>, vector<16xi1>) -> (vector<16xi1>, vector<16xf32>, vector<16xi32>)
        %get3A_361 = arith.index_cast %scan3A_102 : i32 to index
        %get3A_362 = arith.constant 416 : index
        %get3A_363 = tpu.vector_load %arg6[%get3A_361, %get3A_362] {strides = array<i32>} : memref<32x512xf32, #tpu.memory_space<vmem>>, vector<16xf32>,
        %add3A_364 = arith.constant 416 : i32
        %add3A_365 = vector.broadcast %add3A_364 : i32 to vector<16xi32>
        %add3A_366 = arith.addi %iota3A, %add3A_365 : vector<16xi32>
        %masked_sort3A_367 = arith.constant dense<true> : vector<16xi1>
        %masked_sort3A_368, %masked_sort3A_369, %masked_sort3A_370 = tpu.sort %get3A_363, %add3A_366 masked %masked_sort3A_367 : (vector<16xf32>, vector<16xi32>, vector<16xi1>) -> (vector<16xi1>, vector<16xf32>, vector<16xi32>)
        %get3A_371 = arith.index_cast %scan3A_102 : i32 to index
        %get3A_372 = arith.constant 432 : index
        %get3A_373 = tpu.vector_load %arg6[%get3A_371, %get3A_372] {strides = array<i32>} : memref<32x512xf32, #tpu.memory_space<vmem>>, vector<16xf32>,
        %add3A_374 = arith.constant 432 : i32
        %add3A_375 = vector.broadcast %add3A_374 : i32 to vector<16xi32>
        %add3A_376 = arith.addi %iota3A, %add3A_375 : vector<16xi32>
        %masked_sort3A_377 = arith.constant dense<true> : vector<16xi1>
        %masked_sort3A_378, %masked_sort3A_379, %masked_sort3A_380 = tpu.sort %get3A_373, %add3A_376 masked %masked_sort3A_377 {descending = true} : (vector<16xf32>, vector<16xi32>, vector<16xi1>) -> (vector<16xi1>, vector<16xf32>, vector<16xi32>)
        %get3A_381 = arith.index_cast %scan3A_102 : i32 to index
        %get3A_382 = arith.constant 448 : index
        %get3A_383 = tpu.vector_load %arg6[%get3A_381, %get3A_382] {strides = array<i32>} : memref<32x512xf32, #tpu.memory_space<vmem>>, vector<16xf32>,
        %add3A_384 = arith.constant 448 : i32
        %add3A_385 = vector.broadcast %add3A_384 : i32 to vector<16xi32>
        %add3A_386 = arith.addi %iota3A, %add3A_385 : vector<16xi32>
        %masked_sort3A_387 = arith.constant dense<true> : vector<16xi1>
        %masked_sort3A_388, %masked_sort3A_389, %masked_sort3A_390 = tpu.sort %get3A_383, %add3A_386 masked %masked_sort3A_387 : (vector<16xf32>, vector<16xi32>, vector<16xi1>) -> (vector<16xi1>, vector<16xf32>, vector<16xi32>)
        %get3A_391 = arith.index_cast %scan3A_102 : i32 to index
        %get3A_392 = arith.constant 464 : index
        %get3A_393 = tpu.vector_load %arg6[%get3A_391, %get3A_392] {strides = array<i32>} : memref<32x512xf32, #tpu.memory_space<vmem>>, vector<16xf32>,
        %add3A_394 = arith.constant 464 : i32
        %add3A_395 = vector.broadcast %add3A_394 : i32 to vector<16xi32>
        %add3A_396 = arith.addi %iota3A, %add3A_395 : vector<16xi32>
        %masked_sort3A_397 = arith.constant dense<true> : vector<16xi1>
        %masked_sort3A_398, %masked_sort3A_399, %masked_sort3A_400 = tpu.sort %get3A_393, %add3A_396 masked %masked_sort3A_397 {descending = true} : (vector<16xf32>, vector<16xi32>, vector<16xi1>) -> (vector<16xi1>, vector<16xf32>, vector<16xi32>)
        %get3A_401 = arith.index_cast %scan3A_102 : i32 to index
        %get3A_402 = arith.constant 480 : index
        %get3A_403 = tpu.vector_load %arg6[%get3A_401, %get3A_402] {strides = array<i32>} : memref<32x512xf32, #tpu.memory_space<vmem>>, vector<16xf32>,
        %add3A_404 = arith.constant 480 : i32
        %add3A_405 = vector.broadcast %add3A_404 : i32 to vector<16xi32>
        %add3A_406 = arith.addi %iota3A, %add3A_405 : vector<16xi32>
        %masked_sort3A_407 = arith.constant dense<true> : vector<16xi1>
        %masked_sort3A_408, %masked_sort3A_409, %masked_sort3A_410 = tpu.sort %get3A_403, %add3A_406 masked %masked_sort3A_407 : (vector<16xf32>, vector<16xi32>, vector<16xi1>) -> (vector<16xi1>, vector<16xf32>, vector<16xi32>)
        %get3A_411 = arith.index_cast %scan3A_102 : i32 to index
        %get3A_412 = arith.constant 496 : index
        %get3A_413 = tpu.vector_load %arg6[%get3A_411, %get3A_412] {strides = array<i32>} : memref<32x512xf32, #tpu.memory_space<vmem>>, vector<16xf32>,
        %add3A_414 = arith.constant 496 : i32
        %add3A_415 = vector.broadcast %add3A_414 : i32 to vector<16xi32>
        %add3A_416 = arith.addi %iota3A, %add3A_415 : vector<16xi32>
        %masked_sort3A_417 = arith.constant dense<true> : vector<16xi1>
        %masked_sort3A_418, %masked_sort3A_419, %masked_sort3A_420 = tpu.sort %get3A_413, %add3A_416 masked %masked_sort3A_417 {descending = true} : (vector<16xf32>, vector<16xi32>, vector<16xi1>) -> (vector<16xi1>, vector<16xf32>, vector<16xi32>)
        %ge3A_421 = arith.cmpf oge, %masked_sort3A_109, %masked_sort3A_119 : vector<16xf32>
        %select_n3A = arith.select %ge3A_421, %masked_sort3A_109, %masked_sort3A_119 : vector<16xi1>, vector<16xf32>
        %select_n3A_422 = arith.select %ge3A_421, %masked_sort3A_110, %masked_sort3A_120 : vector<16xi1>, vector<16xi32>
        %masked_sort3A_423 = arith.constant dense<true> : vector<16xi1>
        %masked_sort3A_424, %masked_sort3A_425, %masked_sort3A_426 = tpu.sort %select_n3A, %select_n3A_422 masked %masked_sort3A_423 : (vector<16xf32>, vector<16xi32>, vector<16xi1>) -> (vector<16xi1>, vector<16xf32>, vector<16xi32>)
        %ge3A_427 = arith.cmpf oge, %masked_sort3A_129, %masked_sort3A_139 : vector<16xf32>
        %select_n3A_428 = arith.select %ge3A_427, %masked_sort3A_129, %masked_sort3A_139 : vector<16xi1>, vector<16xf32>
        %select_n3A_429 = arith.select %ge3A_427, %masked_sort3A_130, %masked_sort3A_140 : vector<16xi1>, vector<16xi32>
        %masked_sort3A_430 = arith.constant dense<true> : vector<16xi1>
        %masked_sort3A_431, %masked_sort3A_432, %masked_sort3A_433 = tpu.sort %select_n3A_428, %select_n3A_429 masked %masked_sort3A_430 {descending = true} : (vector<16xf32>, vector<16xi32>, vector<16xi1>) -> (vector<16xi1>, vector<16xf32>, vector<16xi32>)
        %ge3A_434 = arith.cmpf oge, %masked_sort3A_149, %masked_sort3A_159 : vector<16xf32>
        %select_n3A_435 = arith.select %ge3A_434, %masked_sort3A_149, %masked_sort3A_159 : vector<16xi1>, vector<16xf32>
        %select_n3A_436 = arith.select %ge3A_434, %masked_sort3A_150, %masked_sort3A_160 : vector<16xi1>, vector<16xi32>
        %masked_sort3A_437 = arith.constant dense<true> : vector<16xi1>
        %masked_sort3A_438, %masked_sort3A_439, %masked_sort3A_440 = tpu.sort %select_n3A_435, %select_n3A_436 masked %masked_sort3A_437 : (vector<16xf32>, vector<16xi32>, vector<16xi1>) -> (vector<16xi1>, vector<16xf32>, vector<16xi32>)
        %ge3A_441 = arith.cmpf oge, %masked_sort3A_169, %masked_sort3A_179 : vector<16xf32>
        %select_n3A_442 = arith.select %ge3A_441, %masked_sort3A_169, %masked_sort3A_179 : vector<16xi1>, vector<16xf32>
        %select_n3A_443 = arith.select %ge3A_441, %masked_sort3A_170, %masked_sort3A_180 : vector<16xi1>, vector<16xi32>
        %masked_sort3A_444 = arith.constant dense<true> : vector<16xi1>
        %masked_sort3A_445, %masked_sort3A_446, %masked_sort3A_447 = tpu.sort %select_n3A_442, %select_n3A_443 masked %masked_sort3A_444 {descending = true} : (vector<16xf32>, vector<16xi32>, vector<16xi1>) -> (vector<16xi1>, vector<16xf32>, vector<16xi32>)
        %ge3A_448 = arith.cmpf oge, %masked_sort3A_189, %masked_sort3A_199 : vector<16xf32>
        %select_n3A_449 = arith.select %ge3A_448, %masked_sort3A_189, %masked_sort3A_199 : vector<16xi1>, vector<16xf32>
        %select_n3A_450 = arith.select %ge3A_448, %masked_sort3A_190, %masked_sort3A_200 : vector<16xi1>, vector<16xi32>
        %masked_sort3A_451 = arith.constant dense<true> : vector<16xi1>
        %masked_sort3A_452, %masked_sort3A_453, %masked_sort3A_454 = tpu.sort %select_n3A_449, %select_n3A_450 masked %masked_sort3A_451 : (vector<16xf32>, vector<16xi32>, vector<16xi1>) -> (vector<16xi1>, vector<16xf32>, vector<16xi32>)
        %ge3A_455 = arith.cmpf oge, %masked_sort3A_209, %masked_sort3A_219 : vector<16xf32>
        %select_n3A_456 = arith.select %ge3A_455, %masked_sort3A_209, %masked_sort3A_219 : vector<16xi1>, vector<16xf32>
        %select_n3A_457 = arith.select %ge3A_455, %masked_sort3A_210, %masked_sort3A_220 : vector<16xi1>, vector<16xi32>
        %masked_sort3A_458 = arith.constant dense<true> : vector<16xi1>
        %masked_sort3A_459, %masked_sort3A_460, %masked_sort3A_461 = tpu.sort %select_n3A_456, %select_n3A_457 masked %masked_sort3A_458 {descending = true} : (vector<16xf32>, vector<16xi32>, vector<16xi1>) -> (vector<16xi1>, vector<16xf32>, vector<16xi32>)
        %ge3A_462 = arith.cmpf oge, %masked_sort3A_229, %masked_sort3A_239 : vector<16xf32>
        %select_n3A_463 = arith.select %ge3A_462, %masked_sort3A_229, %masked_sort3A_239 : vector<16xi1>, vector<16xf32>
        %select_n3A_464 = arith.select %ge3A_462, %masked_sort3A_230, %masked_sort3A_240 : vector<16xi1>, vector<16xi32>
        %masked_sort3A_465 = arith.constant dense<true> : vector<16xi1>
        %masked_sort3A_466, %masked_sort3A_467, %masked_sort3A_468 = tpu.sort %select_n3A_463, %select_n3A_464 masked %masked_sort3A_465 : (vector<16xf32>, vector<16xi32>, vector<16xi1>) -> (vector<16xi1>, vector<16xf32>, vector<16xi32>)
        %ge3A_469 = arith.cmpf oge, %masked_sort3A_249, %masked_sort3A_259 : vector<16xf32>
        %select_n3A_470 = arith.select %ge3A_469, %masked_sort3A_249, %masked_sort3A_259 : vector<16xi1>, vector<16xf32>
        %select_n3A_471 = arith.select %ge3A_469, %masked_sort3A_250, %masked_sort3A_260 : vector<16xi1>, vector<16xi32>
        %masked_sort3A_472 = arith.constant dense<true> : vector<16xi1>
        %masked_sort3A_473, %masked_sort3A_474, %masked_sort3A_475 = tpu.sort %select_n3A_470, %select_n3A_471 masked %masked_sort3A_472 {descending = true} : (vector<16xf32>, vector<16xi32>, vector<16xi1>) -> (vector<16xi1>, vector<16xf32>, vector<16xi32>)
        %ge3A_476 = arith.cmpf oge, %masked_sort3A_269, %masked_sort3A_279 : vector<16xf32>
        %select_n3A_477 = arith.select %ge3A_476, %masked_sort3A_269, %masked_sort3A_279 : vector<16xi1>, vector<16xf32>
        %select_n3A_478 = arith.select %ge3A_476, %masked_sort3A_270, %masked_sort3A_280 : vector<16xi1>, vector<16xi32>
        %masked_sort3A_479 = arith.constant dense<true> : vector<16xi1>
        %masked_sort3A_480, %masked_sort3A_481, %masked_sort3A_482 = tpu.sort %select_n3A_477, %select_n3A_478 masked %masked_sort3A_479 : (vector<16xf32>, vector<16xi32>, vector<16xi1>) -> (vector<16xi1>, vector<16xf32>, vector<16xi32>)
        %ge3A_483 = arith.cmpf oge, %masked_sort3A_289, %masked_sort3A_299 : vector<16xf32>
        %select_n3A_484 = arith.select %ge3A_483, %masked_sort3A_289, %masked_sort3A_299 : vector<16xi1>, vector<16xf32>
        %select_n3A_485 = arith.select %ge3A_483, %masked_sort3A_290, %masked_sort3A_300 : vector<16xi1>, vector<16xi32>
        %masked_sort3A_486 = arith.constant dense<true> : vector<16xi1>
        %masked_sort3A_487, %masked_sort3A_488, %masked_sort3A_489 = tpu.sort %select_n3A_484, %select_n3A_485 masked %masked_sort3A_486 {descending = true} : (vector<16xf32>, vector<16xi32>, vector<16xi1>) -> (vector<16xi1>, vector<16xf32>, vector<16xi32>)
        %ge3A_490 = arith.cmpf oge, %masked_sort3A_309, %masked_sort3A_319 : vector<16xf32>
        %select_n3A_491 = arith.select %ge3A_490, %masked_sort3A_309, %masked_sort3A_319 : vector<16xi1>, vector<16xf32>
        %select_n3A_492 = arith.select %ge3A_490, %masked_sort3A_310, %masked_sort3A_320 : vector<16xi1>, vector<16xi32>
        %masked_sort3A_493 = arith.constant dense<true> : vector<16xi1>
        %masked_sort3A_494, %masked_sort3A_495, %masked_sort3A_496 = tpu.sort %select_n3A_491, %select_n3A_492 masked %masked_sort3A_493 : (vector<16xf32>, vector<16xi32>, vector<16xi1>) -> (vector<16xi1>, vector<16xf32>, vector<16xi32>)
        %ge3A_497 = arith.cmpf oge, %masked_sort3A_329, %masked_sort3A_339 : vector<16xf32>
        %select_n3A_498 = arith.select %ge3A_497, %masked_sort3A_329, %masked_sort3A_339 : vector<16xi1>, vector<16xf32>
        %select_n3A_499 = arith.select %ge3A_497, %masked_sort3A_330, %masked_sort3A_340 : vector<16xi1>, vector<16xi32>
        %masked_sort3A_500 = arith.constant dense<true> : vector<16xi1>
        %masked_sort3A_501, %masked_sort3A_502, %masked_sort3A_503 = tpu.sort %select_n3A_498, %select_n3A_499 masked %masked_sort3A_500 {descending = true} : (vector<16xf32>, vector<16xi32>, vector<16xi1>) -> (vector<16xi1>, vector<16xf32>, vector<16xi32>)
        %ge3A_504 = arith.cmpf oge, %masked_sort3A_349, %masked_sort3A_359 : vector<16xf32>
        %select_n3A_505 = arith.select %ge3A_504, %masked_sort3A_349, %masked_sort3A_359 : vector<16xi1>, vector<16xf32>
        %select_n3A_506 = arith.select %ge3A_504, %masked_sort3A_350, %masked_sort3A_360 : vector<16xi1>, vector<16xi32>
        %masked_sort3A_507 = arith.constant dense<true> : vector<16xi1>
        %masked_sort3A_508, %masked_sort3A_509, %masked_sort3A_510 = tpu.sort %select_n3A_505, %select_n3A_506 masked %masked_sort3A_507 : (vector<16xf32>, vector<16xi32>, vector<16xi1>) -> (vector<16xi1>, vector<16xf32>, vector<16xi32>)
        %ge3A_511 = arith.cmpf oge, %masked_sort3A_369, %masked_sort3A_379 : vector<16xf32>
        %select_n3A_512 = arith.select %ge3A_511, %masked_sort3A_369, %masked_sort3A_379 : vector<16xi1>, vector<16xf32>
        %select_n3A_513 = arith.select %ge3A_511, %masked_sort3A_370, %masked_sort3A_380 : vector<16xi1>, vector<16xi32>
        %masked_sort3A_514 = arith.constant dense<true> : vector<16xi1>
        %masked_sort3A_515, %masked_sort3A_516, %masked_sort3A_517 = tpu.sort %select_n3A_512, %select_n3A_513 masked %masked_sort3A_514 {descending = true} : (vector<16xf32>, vector<16xi32>, vector<16xi1>) -> (vector<16xi1>, vector<16xf32>, vector<16xi32>)
        %ge3A_518 = arith.cmpf oge, %masked_sort3A_389, %masked_sort3A_399 : vector<16xf32>
        %select_n3A_519 = arith.select %ge3A_518, %masked_sort3A_389, %masked_sort3A_399 : vector<16xi1>, vector<16xf32>
        %select_n3A_520 = arith.select %ge3A_518, %masked_sort3A_390, %masked_sort3A_400 : vector<16xi1>, vector<16xi32>
        %masked_sort3A_521 = arith.constant dense<true> : vector<16xi1>
        %masked_sort3A_522, %masked_sort3A_523, %masked_sort3A_524 = tpu.sort %select_n3A_519, %select_n3A_520 masked %masked_sort3A_521 : (vector<16xf32>, vector<16xi32>, vector<16xi1>) -> (vector<16xi1>, vector<16xf32>, vector<16xi32>)
        %ge3A_525 = arith.cmpf oge, %masked_sort3A_409, %masked_sort3A_419 : vector<16xf32>
        %select_n3A_526 = arith.select %ge3A_525, %masked_sort3A_409, %masked_sort3A_419 : vector<16xi1>, vector<16xf32>
        %select_n3A_527 = arith.select %ge3A_525, %masked_sort3A_410, %masked_sort3A_420 : vector<16xi1>, vector<16xi32>
        %masked_sort3A_528 = arith.constant dense<true> : vector<16xi1>
        %masked_sort3A_529, %masked_sort3A_530, %masked_sort3A_531 = tpu.sort %select_n3A_526, %select_n3A_527 masked %masked_sort3A_528 {descending = true} : (vector<16xf32>, vector<16xi32>, vector<16xi1>) -> (vector<16xi1>, vector<16xf32>, vector<16xi32>)
        %ge3A_532 = arith.cmpf oge, %masked_sort3A_425, %masked_sort3A_432 : vector<16xf32>
        %select_n3A_533 = arith.select %ge3A_532, %masked_sort3A_425, %masked_sort3A_432 : vector<16xi1>, vector<16xf32>
        %select_n3A_534 = arith.select %ge3A_532, %masked_sort3A_426, %masked_sort3A_433 : vector<16xi1>, vector<16xi32>
        %masked_sort3A_535 = arith.constant dense<true> : vector<16xi1>
        %masked_sort3A_536, %masked_sort3A_537, %masked_sort3A_538 = tpu.sort %select_n3A_533, %select_n3A_534 masked %masked_sort3A_535 : (vector<16xf32>, vector<16xi32>, vector<16xi1>) -> (vector<16xi1>, vector<16xf32>, vector<16xi32>)
        %ge3A_539 = arith.cmpf oge, %masked_sort3A_439, %masked_sort3A_446 : vector<16xf32>
        %select_n3A_540 = arith.select %ge3A_539, %masked_sort3A_439, %masked_sort3A_446 : vector<16xi1>, vector<16xf32>
        %select_n3A_541 = arith.select %ge3A_539, %masked_sort3A_440, %masked_sort3A_447 : vector<16xi1>, vector<16xi32>
        %masked_sort3A_542 = arith.constant dense<true> : vector<16xi1>
        %masked_sort3A_543, %masked_sort3A_544, %masked_sort3A_545 = tpu.sort %select_n3A_540, %select_n3A_541 masked %masked_sort3A_542 {descending = true} : (vector<16xf32>, vector<16xi32>, vector<16xi1>) -> (vector<16xi1>, vector<16xf32>, vector<16xi32>)
        %ge3A_546 = arith.cmpf oge, %masked_sort3A_453, %masked_sort3A_460 : vector<16xf32>
        %select_n3A_547 = arith.select %ge3A_546, %masked_sort3A_453, %masked_sort3A_460 : vector<16xi1>, vector<16xf32>
        %select_n3A_548 = arith.select %ge3A_546, %masked_sort3A_454, %masked_sort3A_461 : vector<16xi1>, vector<16xi32>
        %masked_sort3A_549 = arith.constant dense<true> : vector<16xi1>
        %masked_sort3A_550, %masked_sort3A_551, %masked_sort3A_552 = tpu.sort %select_n3A_547, %select_n3A_548 masked %masked_sort3A_549 : (vector<16xf32>, vector<16xi32>, vector<16xi1>) -> (vector<16xi1>, vector<16xf32>, vector<16xi32>)
        %ge3A_553 = arith.cmpf oge, %masked_sort3A_467, %masked_sort3A_474 : vector<16xf32>
        %select_n3A_554 = arith.select %ge3A_553, %masked_sort3A_467, %masked_sort3A_474 : vector<16xi1>, vector<16xf32>
        %select_n3A_555 = arith.select %ge3A_553, %masked_sort3A_468, %masked_sort3A_475 : vector<16xi1>, vector<16xi32>
        %masked_sort3A_556 = arith.constant dense<true> : vector<16xi1>
        %masked_sort3A_557, %masked_sort3A_558, %masked_sort3A_559 = tpu.sort %select_n3A_554, %select_n3A_555 masked %masked_sort3A_556 {descending = true} : (vector<16xf32>, vector<16xi32>, vector<16xi1>) -> (vector<16xi1>, vector<16xf32>, vector<16xi32>)
        %ge3A_560 = arith.cmpf oge, %masked_sort3A_481, %masked_sort3A_488 : vector<16xf32>
        %select_n3A_561 = arith.select %ge3A_560, %masked_sort3A_481, %masked_sort3A_488 : vector<16xi1>, vector<16xf32>
        %select_n3A_562 = arith.select %ge3A_560, %masked_sort3A_482, %masked_sort3A_489 : vector<16xi1>, vector<16xi32>
        %masked_sort3A_563 = arith.constant dense<true> : vector<16xi1>
        %masked_sort3A_564, %masked_sort3A_565, %masked_sort3A_566 = tpu.sort %select_n3A_561, %select_n3A_562 masked %masked_sort3A_563 : (vector<16xf32>, vector<16xi32>, vector<16xi1>) -> (vector<16xi1>, vector<16xf32>, vector<16xi32>)
        %ge3A_567 = arith.cmpf oge, %masked_sort3A_495, %masked_sort3A_502 : vector<16xf32>
        %select_n3A_568 = arith.select %ge3A_567, %masked_sort3A_495, %masked_sort3A_502 : vector<16xi1>, vector<16xf32>
        %select_n3A_569 = arith.select %ge3A_567, %masked_sort3A_496, %masked_sort3A_503 : vector<16xi1>, vector<16xi32>
        %masked_sort3A_570 = arith.constant dense<true> : vector<16xi1>
        %masked_sort3A_571, %masked_sort3A_572, %masked_sort3A_573 = tpu.sort %select_n3A_568, %select_n3A_569 masked %masked_sort3A_570 {descending = true} : (vector<16xf32>, vector<16xi32>, vector<16xi1>) -> (vector<16xi1>, vector<16xf32>, vector<16xi32>)
        %ge3A_574 = arith.cmpf oge, %masked_sort3A_509, %masked_sort3A_516 : vector<16xf32>
        %select_n3A_575 = arith.select %ge3A_574, %masked_sort3A_509, %masked_sort3A_516 : vector<16xi1>, vector<16xf32>
        %select_n3A_576 = arith.select %ge3A_574, %masked_sort3A_510, %masked_sort3A_517 : vector<16xi1>, vector<16xi32>
        %masked_sort3A_577 = arith.constant dense<true> : vector<16xi1>
        %masked_sort3A_578, %masked_sort3A_579, %masked_sort3A_580 = tpu.sort %select_n3A_575, %select_n3A_576 masked %masked_sort3A_577 : (vector<16xf32>, vector<16xi32>, vector<16xi1>) -> (vector<16xi1>, vector<16xf32>, vector<16xi32>)
        %ge3A_581 = arith.cmpf oge, %masked_sort3A_523, %masked_sort3A_530 : vector<16xf32>
        %select_n3A_582 = arith.select %ge3A_581, %masked_sort3A_523, %masked_sort3A_530 : vector<16xi1>, vector<16xf32>
        %select_n3A_583 = arith.select %ge3A_581, %masked_sort3A_524, %masked_sort3A_531 : vector<16xi1>, vector<16xi32>
        %masked_sort3A_584 = arith.constant dense<true> : vector<16xi1>
        %masked_sort3A_585, %masked_sort3A_586, %masked_sort3A_587 = tpu.sort %select_n3A_582, %select_n3A_583 masked %masked_sort3A_584 {descending = true} : (vector<16xf32>, vector<16xi32>, vector<16xi1>) -> (vector<16xi1>, vector<16xf32>, vector<16xi32>)
        %ge3A_588 = arith.cmpf oge, %masked_sort3A_537, %masked_sort3A_544 : vector<16xf32>
        %select_n3A_589 = arith.select %ge3A_588, %masked_sort3A_537, %masked_sort3A_544 : vector<16xi1>, vector<16xf32>
        %select_n3A_590 = arith.select %ge3A_588, %masked_sort3A_538, %masked_sort3A_545 : vector<16xi1>, vector<16xi32>
        %masked_sort3A_591 = arith.constant dense<true> : vector<16xi1>
        %masked_sort3A_592, %masked_sort3A_593, %masked_sort3A_594 = tpu.sort %select_n3A_589, %select_n3A_590 masked %masked_sort3A_591 : (vector<16xf32>, vector<16xi32>, vector<16xi1>) -> (vector<16xi1>, vector<16xf32>, vector<16xi32>)
        %ge3A_595 = arith.cmpf oge, %masked_sort3A_551, %masked_sort3A_558 : vector<16xf32>
        %select_n3A_596 = arith.select %ge3A_595, %masked_sort3A_551, %masked_sort3A_558 : vector<16xi1>, vector<16xf32>
        %select_n3A_597 = arith.select %ge3A_595, %masked_sort3A_552, %masked_sort3A_559 : vector<16xi1>, vector<16xi32>
        %masked_sort3A_598 = arith.constant dense<true> : vector<16xi1>
        %masked_sort3A_599, %masked_sort3A_600, %masked_sort3A_601 = tpu.sort %select_n3A_596, %select_n3A_597 masked %masked_sort3A_598 {descending = true} : (vector<16xf32>, vector<16xi32>, vector<16xi1>) -> (vector<16xi1>, vector<16xf32>, vector<16xi32>)
        %ge3A_602 = arith.cmpf oge, %masked_sort3A_565, %masked_sort3A_572 : vector<16xf32>
        %select_n3A_603 = arith.select %ge3A_602, %masked_sort3A_565, %masked_sort3A_572 : vector<16xi1>, vector<16xf32>
        %select_n3A_604 = arith.select %ge3A_602, %masked_sort3A_566, %masked_sort3A_573 : vector<16xi1>, vector<16xi32>
        %masked_sort3A_605 = arith.constant dense<true> : vector<16xi1>
        %masked_sort3A_606, %masked_sort3A_607, %masked_sort3A_608 = tpu.sort %select_n3A_603, %select_n3A_604 masked %masked_sort3A_605 : (vector<16xf32>, vector<16xi32>, vector<16xi1>) -> (vector<16xi1>, vector<16xf32>, vector<16xi32>)
        %ge3A_609 = arith.cmpf oge, %masked_sort3A_579, %masked_sort3A_586 : vector<16xf32>
        %select_n3A_610 = arith.select %ge3A_609, %masked_sort3A_579, %masked_sort3A_586 : vector<16xi1>, vector<16xf32>
        %select_n3A_611 = arith.select %ge3A_609, %masked_sort3A_580, %masked_sort3A_587 : vector<16xi1>, vector<16xi32>
        %masked_sort3A_612 = arith.constant dense<true> : vector<16xi1>
        %masked_sort3A_613, %masked_sort3A_614, %masked_sort3A_615 = tpu.sort %select_n3A_610, %select_n3A_611 masked %masked_sort3A_612 {descending = true} : (vector<16xf32>, vector<16xi32>, vector<16xi1>) -> (vector<16xi1>, vector<16xf32>, vector<16xi32>)
        %ge3A_616 = arith.cmpf oge, %masked_sort3A_593, %masked_sort3A_600 : vector<16xf32>
        %select_n3A_617 = arith.select %ge3A_616, %masked_sort3A_593, %masked_sort3A_600 : vector<16xi1>, vector<16xf32>
        %select_n3A_618 = arith.select %ge3A_616, %masked_sort3A_594, %masked_sort3A_601 : vector<16xi1>, vector<16xi32>
        %masked_sort3A_619 = arith.constant dense<true> : vector<16xi1>
        %masked_sort3A_620, %masked_sort3A_621, %masked_sort3A_622 = tpu.sort %select_n3A_617, %select_n3A_618 masked %masked_sort3A_619 : (vector<16xf32>, vector<16xi32>, vector<16xi1>) -> (vector<16xi1>, vector<16xf32>, vector<16xi32>)
        %ge3A_623 = arith.cmpf oge, %masked_sort3A_607, %masked_sort3A_614 : vector<16xf32>
        %select_n3A_624 = arith.select %ge3A_623, %masked_sort3A_607, %masked_sort3A_614 : vector<16xi1>, vector<16xf32>
        %select_n3A_625 = arith.select %ge3A_623, %masked_sort3A_608, %masked_sort3A_615 : vector<16xi1>, vector<16xi32>
        %masked_sort3A_626 = arith.constant dense<true> : vector<16xi1>
        %masked_sort3A_627, %masked_sort3A_628, %masked_sort3A_629 = tpu.sort %select_n3A_624, %select_n3A_625 masked %masked_sort3A_626 {descending = true} : (vector<16xf32>, vector<16xi32>, vector<16xi1>) -> (vector<16xi1>, vector<16xf32>, vector<16xi32>)
        %ge3A_630 = arith.cmpf oge, %masked_sort3A_621, %masked_sort3A_628 : vector<16xf32>
        %select_n3A_631 = arith.select %ge3A_630, %masked_sort3A_621, %masked_sort3A_628 : vector<16xi1>, vector<16xf32>
        %select_n3A_632 = arith.select %ge3A_630, %masked_sort3A_622, %masked_sort3A_629 : vector<16xi1>, vector<16xi32>
        %masked_sort3A_633 = arith.constant dense<true> : vector<16xi1>
        %masked_sort3A_634, %masked_sort3A_635, %masked_sort3A_636 = tpu.sort %select_n3A_631, %select_n3A_632 masked %masked_sort3A_633 {descending = true} : (vector<16xf32>, vector<16xi32>, vector<16xi1>) -> (vector<16xi1>, vector<16xf32>, vector<16xi32>)
        %slice3A = vector.extract_strided_slice %masked_sort3A_635 {offsets = [0], sizes = [1], strides = [1]} : vector<16xf32> to vector<1xf32>
        %squeeze3A = vector.extract %slice3A[0] : f32 from vector<1xf32>
        %sub3A = vector.broadcast %squeeze3A : f32 to vector<16xf32>
        %sub3A_637 = arith.subf %masked_sort3A_635, %sub3A : vector<16xf32>
        %exp3A = math.exp %sub3A_637 : vector<16xf32>
        %jit3A = arith.constant 0.000000e+00 : f32
        %broadcast_in_dim3A = vector.broadcast %jit3A : f32 to vector<16xf32>
        %select_n3A_638 = arith.select %lt3A_4, %exp3A, %broadcast_in_dim3A : vector<16xi1>, vector<16xf32>
        %reduce_sum3A = arith.constant true
        %reduce_sum3A_639 = vector.broadcast %reduce_sum3A : i1 to vector<16xi1>
        %reduce_sum3A_640 = tpu.scan <sum>, %select_n3A_638 masked %reduce_sum3A_639 : vector<16xf32>, vector<16xi1> -> vector<16xf32>
        %reduce_sum3A_641 = vector.extract %reduce_sum3A_640[15] : f32 from vector<16xf32>
        %div3A = vector.broadcast %reduce_sum3A_641 : f32 to vector<16xf32>
        %div3A_642 = arith.divf %select_n3A_638, %div3A : vector<16xf32>
        %mul3A_643 = arith.constant 128 : i32
        %mul3A_644 = arith.muli %scan3A_102, %mul3A_643 : i32
        %swap3A = arith.index_cast %mul3A_644 : i32 to index
        %swap3A_645 = tpu.vector_load %arg8[%swap3A] {strides = array<i32>} : memref<4096xi32, #tpu.memory_space<vmem>>, vector<16xi32>,
        tpu.vector_store %arg8[%swap3A], %masked_sort3A_636 {strides = array<i32>} : memref<4096xi32, #tpu.memory_space<vmem>>, vector<16xi32>,
        %swap3A_646 = arith.index_cast %mul3A_644 : i32 to index
        %swap3A_647 = tpu.vector_load %arg10[%swap3A_646] {strides = array<i32>} : memref<4096xf32, #tpu.memory_space<vmem>>, vector<16xf32>,
        tpu.vector_store %arg10[%swap3A_646], %div3A_642 {strides = array<i32>} : memref<4096xf32, #tpu.memory_space<vmem>>, vector<16xf32>,
        %scan3A_648 = arith.constant 1 : i32
        %scan3A_649 = arith.addi %scan3A_102, %scan3A_648 : i32
        %get3A_650 = arith.index_cast %scan3A_649 : i32 to index
        %get3A_651 = arith.constant 0 : index
        %get3A_652 = tpu.vector_load %arg6[%get3A_650, %get3A_651] {strides = array<i32>} : memref<32x512xf32, #tpu.memory_space<vmem>>, vector<16xf32>,
        %add3A_653 = arith.constant 0 : i32
        %add3A_654 = vector.broadcast %add3A_653 : i32 to vector<16xi32>
        %add3A_655 = arith.addi %iota3A, %add3A_654 : vector<16xi32>
        %masked_sort3A_656 = arith.constant dense<true> : vector<16xi1>
        %masked_sort3A_657, %masked_sort3A_658, %masked_sort3A_659 = tpu.sort %get3A_652, %add3A_655 masked %masked_sort3A_656 : (vector<16xf32>, vector<16xi32>, vector<16xi1>) -> (vector<16xi1>, vector<16xf32>, vector<16xi32>)
        %get3A_660 = arith.index_cast %scan3A_649 : i32 to index
        %get3A_661 = arith.constant 16 : index
        %get3A_662 = tpu.vector_load %arg6[%get3A_660, %get3A_661] {strides = array<i32>} : memref<32x512xf32, #tpu.memory_space<vmem>>, vector<16xf32>,
        %add3A_663 = arith.constant 16 : i32
        %add3A_664 = vector.broadcast %add3A_663 : i32 to vector<16xi32>
        %add3A_665 = arith.addi %iota3A, %add3A_664 : vector<16xi32>
        %masked_sort3A_666 = arith.constant dense<true> : vector<16xi1>
        %masked_sort3A_667, %masked_sort3A_668, %masked_sort3A_669 = tpu.sort %get3A_662, %add3A_665 masked %masked_sort3A_666 {descending = true} : (vector<16xf32>, vector<16xi32>, vector<16xi1>) -> (vector<16xi1>, vector<16xf32>, vector<16xi32>)
        %get3A_670 = arith.index_cast %scan3A_649 : i32 to index
        %get3A_671 = arith.constant 32 : index
        %get3A_672 = tpu.vector_load %arg6[%get3A_670, %get3A_671] {strides = array<i32>} : memref<32x512xf32, #tpu.memory_space<vmem>>, vector<16xf32>,
        %add3A_673 = arith.constant 32 : i32
        %add3A_674 = vector.broadcast %add3A_673 : i32 to vector<16xi32>
        %add3A_675 = arith.addi %iota3A, %add3A_674 : vector<16xi32>
        %masked_sort3A_676 = arith.constant dense<true> : vector<16xi1>
        %masked_sort3A_677, %masked_sort3A_678, %masked_sort3A_679 = tpu.sort %get3A_672, %add3A_675 masked %masked_sort3A_676 : (vector<16xf32>, vector<16xi32>, vector<16xi1>) -> (vector<16xi1>, vector<16xf32>, vector<16xi32>)
        %get3A_680 = arith.index_cast %scan3A_649 : i32 to index
        %get3A_681 = arith.constant 48 : index
        %get3A_682 = tpu.vector_load %arg6[%get3A_680, %get3A_681] {strides = array<i32>} : memref<32x512xf32, #tpu.memory_space<vmem>>, vector<16xf32>,
        %add3A_683 = arith.constant 48 : i32
        %add3A_684 = vector.broadcast %add3A_683 : i32 to vector<16xi32>
        %add3A_685 = arith.addi %iota3A, %add3A_684 : vector<16xi32>
        %masked_sort3A_686 = arith.constant dense<true> : vector<16xi1>
        %masked_sort3A_687, %masked_sort3A_688, %masked_sort3A_689 = tpu.sort %get3A_682, %add3A_685 masked %masked_sort3A_686 {descending = true} : (vector<16xf32>, vector<16xi32>, vector<16xi1>) -> (vector<16xi1>, vector<16xf32>, vector<16xi32>)
        %get3A_690 = arith.index_cast %scan3A_649 : i32 to index
        %get3A_691 = arith.constant 64 : index
        %get3A_692 = tpu.vector_load %arg6[%get3A_690, %get3A_691] {strides = array<i32>} : memref<32x512xf32, #tpu.memory_space<vmem>>, vector<16xf32>,
        %add3A_693 = arith.constant 64 : i32
        %add3A_694 = vector.broadcast %add3A_693 : i32 to vector<16xi32>
        %add3A_695 = arith.addi %iota3A, %add3A_694 : vector<16xi32>
        %masked_sort3A_696 = arith.constant dense<true> : vector<16xi1>
        %masked_sort3A_697, %masked_sort3A_698, %masked_sort3A_699 = tpu.sort %get3A_692, %add3A_695 masked %masked_sort3A_696 : (vector<16xf32>, vector<16xi32>, vector<16xi1>) -> (vector<16xi1>, vector<16xf32>, vector<16xi32>)
        %get3A_700 = arith.index_cast %scan3A_649 : i32 to index
        %get3A_701 = arith.constant 80 : index
        %get3A_702 = tpu.vector_load %arg6[%get3A_700, %get3A_701] {strides = array<i32>} : memref<32x512xf32, #tpu.memory_space<vmem>>, vector<16xf32>,
        %add3A_703 = arith.constant 80 : i32
        %add3A_704 = vector.broadcast %add3A_703 : i32 to vector<16xi32>
        %add3A_705 = arith.addi %iota3A, %add3A_704 : vector<16xi32>
        %masked_sort3A_706 = arith.constant dense<true> : vector<16xi1>
        %masked_sort3A_707, %masked_sort3A_708, %masked_sort3A_709 = tpu.sort %get3A_702, %add3A_705 masked %masked_sort3A_706 {descending = true} : (vector<16xf32>, vector<16xi32>, vector<16xi1>) -> (vector<16xi1>, vector<16xf32>, vector<16xi32>)
        %get3A_710 = arith.index_cast %scan3A_649 : i32 to index
        %get3A_711 = arith.constant 96 : index
        %get3A_712 = tpu.vector_load %arg6[%get3A_710, %get3A_711] {strides = array<i32>} : memref<32x512xf32, #tpu.memory_space<vmem>>, vector<16xf32>,
        %add3A_713 = arith.constant 96 : i32
        %add3A_714 = vector.broadcast %add3A_713 : i32 to vector<16xi32>
        %add3A_715 = arith.addi %iota3A, %add3A_714 : vector<16xi32>
        %masked_sort3A_716 = arith.constant dense<true> : vector<16xi1>
        %masked_sort3A_717, %masked_sort3A_718, %masked_sort3A_719 = tpu.sort %get3A_712, %add3A_715 masked %masked_sort3A_716 : (vector<16xf32>, vector<16xi32>, vector<16xi1>) -> (vector<16xi1>, vector<16xf32>, vector<16xi32>)
        %get3A_720 = arith.index_cast %scan3A_649 : i32 to index
        %get3A_721 = arith.constant 112 : index
        %get3A_722 = tpu.vector_load %arg6[%get3A_720, %get3A_721] {strides = array<i32>} : memref<32x512xf32, #tpu.memory_space<vmem>>, vector<16xf32>,
        %add3A_723 = arith.constant 112 : i32
        %add3A_724 = vector.broadcast %add3A_723 : i32 to vector<16xi32>
        %add3A_725 = arith.addi %iota3A, %add3A_724 : vector<16xi32>
        %masked_sort3A_726 = arith.constant dense<true> : vector<16xi1>
        %masked_sort3A_727, %masked_sort3A_728, %masked_sort3A_729 = tpu.sort %get3A_722, %add3A_725 masked %masked_sort3A_726 {descending = true} : (vector<16xf32>, vector<16xi32>, vector<16xi1>) -> (vector<16xi1>, vector<16xf32>, vector<16xi32>)
        %get3A_730 = arith.index_cast %scan3A_649 : i32 to index
        %get3A_731 = arith.constant 128 : index
        %get3A_732 = tpu.vector_load %arg6[%get3A_730, %get3A_731] {strides = array<i32>} : memref<32x512xf32, #tpu.memory_space<vmem>>, vector<16xf32>,
        %add3A_733 = arith.constant 128 : i32
        %add3A_734 = vector.broadcast %add3A_733 : i32 to vector<16xi32>
        %add3A_735 = arith.addi %iota3A, %add3A_734 : vector<16xi32>
        %masked_sort3A_736 = arith.constant dense<true> : vector<16xi1>
        %masked_sort3A_737, %masked_sort3A_738, %masked_sort3A_739 = tpu.sort %get3A_732, %add3A_735 masked %masked_sort3A_736 : (vector<16xf32>, vector<16xi32>, vector<16xi1>) -> (vector<16xi1>, vector<16xf32>, vector<16xi32>)
        %get3A_740 = arith.index_cast %scan3A_649 : i32 to index
        %get3A_741 = arith.constant 144 : index
        %get3A_742 = tpu.vector_load %arg6[%get3A_740, %get3A_741] {strides = array<i32>} : memref<32x512xf32, #tpu.memory_space<vmem>>, vector<16xf32>,
        %add3A_743 = arith.constant 144 : i32
        %add3A_744 = vector.broadcast %add3A_743 : i32 to vector<16xi32>
        %add3A_745 = arith.addi %iota3A, %add3A_744 : vector<16xi32>
        %masked_sort3A_746 = arith.constant dense<true> : vector<16xi1>
        %masked_sort3A_747, %masked_sort3A_748, %masked_sort3A_749 = tpu.sort %get3A_742, %add3A_745 masked %masked_sort3A_746 {descending = true} : (vector<16xf32>, vector<16xi32>, vector<16xi1>) -> (vector<16xi1>, vector<16xf32>, vector<16xi32>)
        %get3A_750 = arith.index_cast %scan3A_649 : i32 to index
        %get3A_751 = arith.constant 160 : index
        %get3A_752 = tpu.vector_load %arg6[%get3A_750, %get3A_751] {strides = array<i32>} : memref<32x512xf32, #tpu.memory_space<vmem>>, vector<16xf32>,
        %add3A_753 = arith.constant 160 : i32
        %add3A_754 = vector.broadcast %add3A_753 : i32 to vector<16xi32>
        %add3A_755 = arith.addi %iota3A, %add3A_754 : vector<16xi32>
        %masked_sort3A_756 = arith.constant dense<true> : vector<16xi1>
        %masked_sort3A_757, %masked_sort3A_758, %masked_sort3A_759 = tpu.sort %get3A_752, %add3A_755 masked %masked_sort3A_756 : (vector<16xf32>, vector<16xi32>, vector<16xi1>) -> (vector<16xi1>, vector<16xf32>, vector<16xi32>)
        %get3A_760 = arith.index_cast %scan3A_649 : i32 to index
        %get3A_761 = arith.constant 176 : index
        %get3A_762 = tpu.vector_load %arg6[%get3A_760, %get3A_761] {strides = array<i32>} : memref<32x512xf32, #tpu.memory_space<vmem>>, vector<16xf32>,
        %add3A_763 = arith.constant 176 : i32
        %add3A_764 = vector.broadcast %add3A_763 : i32 to vector<16xi32>
        %add3A_765 = arith.addi %iota3A, %add3A_764 : vector<16xi32>
        %masked_sort3A_766 = arith.constant dense<true> : vector<16xi1>
        %masked_sort3A_767, %masked_sort3A_768, %masked_sort3A_769 = tpu.sort %get3A_762, %add3A_765 masked %masked_sort3A_766 {descending = true} : (vector<16xf32>, vector<16xi32>, vector<16xi1>) -> (vector<16xi1>, vector<16xf32>, vector<16xi32>)
        %get3A_770 = arith.index_cast %scan3A_649 : i32 to index
        %get3A_771 = arith.constant 192 : index
        %get3A_772 = tpu.vector_load %arg6[%get3A_770, %get3A_771] {strides = array<i32>} : memref<32x512xf32, #tpu.memory_space<vmem>>, vector<16xf32>,
        %add3A_773 = arith.constant 192 : i32
        %add3A_774 = vector.broadcast %add3A_773 : i32 to vector<16xi32>
        %add3A_775 = arith.addi %iota3A, %add3A_774 : vector<16xi32>
        %masked_sort3A_776 = arith.constant dense<true> : vector<16xi1>
        %masked_sort3A_777, %masked_sort3A_778, %masked_sort3A_779 = tpu.sort %get3A_772, %add3A_775 masked %masked_sort3A_776 : (vector<16xf32>, vector<16xi32>, vector<16xi1>) -> (vector<16xi1>, vector<16xf32>, vector<16xi32>)
        %get3A_780 = arith.index_cast %scan3A_649 : i32 to index
        %get3A_781 = arith.constant 208 : index
        %get3A_782 = tpu.vector_load %arg6[%get3A_780, %get3A_781] {strides = array<i32>} : memref<32x512xf32, #tpu.memory_space<vmem>>, vector<16xf32>,
        %add3A_783 = arith.constant 208 : i32
        %add3A_784 = vector.broadcast %add3A_783 : i32 to vector<16xi32>
        %add3A_785 = arith.addi %iota3A, %add3A_784 : vector<16xi32>
        %masked_sort3A_786 = arith.constant dense<true> : vector<16xi1>
        %masked_sort3A_787, %masked_sort3A_788, %masked_sort3A_789 = tpu.sort %get3A_782, %add3A_785 masked %masked_sort3A_786 {descending = true} : (vector<16xf32>, vector<16xi32>, vector<16xi1>) -> (vector<16xi1>, vector<16xf32>, vector<16xi32>)
        %get3A_790 = arith.index_cast %scan3A_649 : i32 to index
        %get3A_791 = arith.constant 224 : index
        %get3A_792 = tpu.vector_load %arg6[%get3A_790, %get3A_791] {strides = array<i32>} : memref<32x512xf32, #tpu.memory_space<vmem>>, vector<16xf32>,
        %add3A_793 = arith.constant 224 : i32
        %add3A_794 = vector.broadcast %add3A_793 : i32 to vector<16xi32>
        %add3A_795 = arith.addi %iota3A, %add3A_794 : vector<16xi32>
        %masked_sort3A_796 = arith.constant dense<true> : vector<16xi1>
        %masked_sort3A_797, %masked_sort3A_798, %masked_sort3A_799 = tpu.sort %get3A_792, %add3A_795 masked %masked_sort3A_796 : (vector<16xf32>, vector<16xi32>, vector<16xi1>) -> (vector<16xi1>, vector<16xf32>, vector<16xi32>)
        %get3A_800 = arith.index_cast %scan3A_649 : i32 to index
        %get3A_801 = arith.constant 240 : index
        %get3A_802 = tpu.vector_load %arg6[%get3A_800, %get3A_801] {strides = array<i32>} : memref<32x512xf32, #tpu.memory_space<vmem>>, vector<16xf32>,
        %add3A_803 = arith.constant 240 : i32
        %add3A_804 = vector.broadcast %add3A_803 : i32 to vector<16xi32>
        %add3A_805 = arith.addi %iota3A, %add3A_804 : vector<16xi32>
        %masked_sort3A_806 = arith.constant dense<true> : vector<16xi1>
        %masked_sort3A_807, %masked_sort3A_808, %masked_sort3A_809 = tpu.sort %get3A_802, %add3A_805 masked %masked_sort3A_806 {descending = true} : (vector<16xf32>, vector<16xi32>, vector<16xi1>) -> (vector<16xi1>, vector<16xf32>, vector<16xi32>)
        %get3A_810 = arith.index_cast %scan3A_649 : i32 to index
        %get3A_811 = arith.constant 256 : index
        %get3A_812 = tpu.vector_load %arg6[%get3A_810, %get3A_811] {strides = array<i32>} : memref<32x512xf32, #tpu.memory_space<vmem>>, vector<16xf32>,
        %add3A_813 = arith.constant 256 : i32
        %add3A_814 = vector.broadcast %add3A_813 : i32 to vector<16xi32>
        %add3A_815 = arith.addi %iota3A, %add3A_814 : vector<16xi32>
        %masked_sort3A_816 = arith.constant dense<true> : vector<16xi1>
        %masked_sort3A_817, %masked_sort3A_818, %masked_sort3A_819 = tpu.sort %get3A_812, %add3A_815 masked %masked_sort3A_816 : (vector<16xf32>, vector<16xi32>, vector<16xi1>) -> (vector<16xi1>, vector<16xf32>, vector<16xi32>)
        %get3A_820 = arith.index_cast %scan3A_649 : i32 to index
        %get3A_821 = arith.constant 272 : index
        %get3A_822 = tpu.vector_load %arg6[%get3A_820, %get3A_821] {strides = array<i32>} : memref<32x512xf32, #tpu.memory_space<vmem>>, vector<16xf32>,
        %add3A_823 = arith.constant 272 : i32
        %add3A_824 = vector.broadcast %add3A_823 : i32 to vector<16xi32>
        %add3A_825 = arith.addi %iota3A, %add3A_824 : vector<16xi32>
        %masked_sort3A_826 = arith.constant dense<true> : vector<16xi1>
        %masked_sort3A_827, %masked_sort3A_828, %masked_sort3A_829 = tpu.sort %get3A_822, %add3A_825 masked %masked_sort3A_826 {descending = true} : (vector<16xf32>, vector<16xi32>, vector<16xi1>) -> (vector<16xi1>, vector<16xf32>, vector<16xi32>)
        %get3A_830 = arith.index_cast %scan3A_649 : i32 to index
        %get3A_831 = arith.constant 288 : index
        %get3A_832 = tpu.vector_load %arg6[%get3A_830, %get3A_831] {strides = array<i32>} : memref<32x512xf32, #tpu.memory_space<vmem>>, vector<16xf32>,
        %add3A_833 = arith.constant 288 : i32
        %add3A_834 = vector.broadcast %add3A_833 : i32 to vector<16xi32>
        %add3A_835 = arith.addi %iota3A, %add3A_834 : vector<16xi32>
        %masked_sort3A_836 = arith.constant dense<true> : vector<16xi1>
        %masked_sort3A_837, %masked_sort3A_838, %masked_sort3A_839 = tpu.sort %get3A_832, %add3A_835 masked %masked_sort3A_836 : (vector<16xf32>, vector<16xi32>, vector<16xi1>) -> (vector<16xi1>, vector<16xf32>, vector<16xi32>)
        %get3A_840 = arith.index_cast %scan3A_649 : i32 to index
        %get3A_841 = arith.constant 304 : index
        %get3A_842 = tpu.vector_load %arg6[%get3A_840, %get3A_841] {strides = array<i32>} : memref<32x512xf32, #tpu.memory_space<vmem>>, vector<16xf32>,
        %add3A_843 = arith.constant 304 : i32
        %add3A_844 = vector.broadcast %add3A_843 : i32 to vector<16xi32>
        %add3A_845 = arith.addi %iota3A, %add3A_844 : vector<16xi32>
        %masked_sort3A_846 = arith.constant dense<true> : vector<16xi1>
        %masked_sort3A_847, %masked_sort3A_848, %masked_sort3A_849 = tpu.sort %get3A_842, %add3A_845 masked %masked_sort3A_846 {descending = true} : (vector<16xf32>, vector<16xi32>, vector<16xi1>) -> (vector<16xi1>, vector<16xf32>, vector<16xi32>)
        %get3A_850 = arith.index_cast %scan3A_649 : i32 to index
        %get3A_851 = arith.constant 320 : index
        %get3A_852 = tpu.vector_load %arg6[%get3A_850, %get3A_851] {strides = array<i32>} : memref<32x512xf32, #tpu.memory_space<vmem>>, vector<16xf32>,
        %add3A_853 = arith.constant 320 : i32
        %add3A_854 = vector.broadcast %add3A_853 : i32 to vector<16xi32>
        %add3A_855 = arith.addi %iota3A, %add3A_854 : vector<16xi32>
        %masked_sort3A_856 = arith.constant dense<true> : vector<16xi1>
        %masked_sort3A_857, %masked_sort3A_858, %masked_sort3A_859 = tpu.sort %get3A_852, %add3A_855 masked %masked_sort3A_856 : (vector<16xf32>, vector<16xi32>, vector<16xi1>) -> (vector<16xi1>, vector<16xf32>, vector<16xi32>)
        %get3A_860 = arith.index_cast %scan3A_649 : i32 to index
        %get3A_861 = arith.constant 336 : index
        %get3A_862 = tpu.vector_load %arg6[%get3A_860, %get3A_861] {strides = array<i32>} : memref<32x512xf32, #tpu.memory_space<vmem>>, vector<16xf32>,
        %add3A_863 = arith.constant 336 : i32
        %add3A_864 = vector.broadcast %add3A_863 : i32 to vector<16xi32>
        %add3A_865 = arith.addi %iota3A, %add3A_864 : vector<16xi32>
        %masked_sort3A_866 = arith.constant dense<true> : vector<16xi1>
        %masked_sort3A_867, %masked_sort3A_868, %masked_sort3A_869 = tpu.sort %get3A_862, %add3A_865 masked %masked_sort3A_866 {descending = true} : (vector<16xf32>, vector<16xi32>, vector<16xi1>) -> (vector<16xi1>, vector<16xf32>, vector<16xi32>)
        %get3A_870 = arith.index_cast %scan3A_649 : i32 to index
        %get3A_871 = arith.constant 352 : index
        %get3A_872 = tpu.vector_load %arg6[%get3A_870, %get3A_871] {strides = array<i32>} : memref<32x512xf32, #tpu.memory_space<vmem>>, vector<16xf32>,
        %add3A_873 = arith.constant 352 : i32
        %add3A_874 = vector.broadcast %add3A_873 : i32 to vector<16xi32>
        %add3A_875 = arith.addi %iota3A, %add3A_874 : vector<16xi32>
        %masked_sort3A_876 = arith.constant dense<true> : vector<16xi1>
        %masked_sort3A_877, %masked_sort3A_878, %masked_sort3A_879 = tpu.sort %get3A_872, %add3A_875 masked %masked_sort3A_876 : (vector<16xf32>, vector<16xi32>, vector<16xi1>) -> (vector<16xi1>, vector<16xf32>, vector<16xi32>)
        %get3A_880 = arith.index_cast %scan3A_649 : i32 to index
        %get3A_881 = arith.constant 368 : index
        %get3A_882 = tpu.vector_load %arg6[%get3A_880, %get3A_881] {strides = array<i32>} : memref<32x512xf32, #tpu.memory_space<vmem>>, vector<16xf32>,
        %add3A_883 = arith.constant 368 : i32
        %add3A_884 = vector.broadcast %add3A_883 : i32 to vector<16xi32>
        %add3A_885 = arith.addi %iota3A, %add3A_884 : vector<16xi32>
        %masked_sort3A_886 = arith.constant dense<true> : vector<16xi1>
        %masked_sort3A_887, %masked_sort3A_888, %masked_sort3A_889 = tpu.sort %get3A_882, %add3A_885 masked %masked_sort3A_886 {descending = true} : (vector<16xf32>, vector<16xi32>, vector<16xi1>) -> (vector<16xi1>, vector<16xf32>, vector<16xi32>)
        %get3A_890 = arith.index_cast %scan3A_649 : i32 to index
        %get3A_891 = arith.constant 384 : index
        %get3A_892 = tpu.vector_load %arg6[%get3A_890, %get3A_891] {strides = array<i32>} : memref<32x512xf32, #tpu.memory_space<vmem>>, vector<16xf32>,
        %add3A_893 = arith.constant 384 : i32
        %add3A_894 = vector.broadcast %add3A_893 : i32 to vector<16xi32>
        %add3A_895 = arith.addi %iota3A, %add3A_894 : vector<16xi32>
        %masked_sort3A_896 = arith.constant dense<true> : vector<16xi1>
        %masked_sort3A_897, %masked_sort3A_898, %masked_sort3A_899 = tpu.sort %get3A_892, %add3A_895 masked %masked_sort3A_896 : (vector<16xf32>, vector<16xi32>, vector<16xi1>) -> (vector<16xi1>, vector<16xf32>, vector<16xi32>)
        %get3A_900 = arith.index_cast %scan3A_649 : i32 to index
        %get3A_901 = arith.constant 400 : index
        %get3A_902 = tpu.vector_load %arg6[%get3A_900, %get3A_901] {strides = array<i32>} : memref<32x512xf32, #tpu.memory_space<vmem>>, vector<16xf32>,
        %add3A_903 = arith.constant 400 : i32
        %add3A_904 = vector.broadcast %add3A_903 : i32 to vector<16xi32>
        %add3A_905 = arith.addi %iota3A, %add3A_904 : vector<16xi32>
        %masked_sort3A_906 = arith.constant dense<true> : vector<16xi1>
        %masked_sort3A_907, %masked_sort3A_908, %masked_sort3A_909 = tpu.sort %get3A_902, %add3A_905 masked %masked_sort3A_906 {descending = true} : (vector<16xf32>, vector<16xi32>, vector<16xi1>) -> (vector<16xi1>, vector<16xf32>, vector<16xi32>)
        %get3A_910 = arith.index_cast %scan3A_649 : i32 to index
        %get3A_911 = arith.constant 416 : index
        %get3A_912 = tpu.vector_load %arg6[%get3A_910, %get3A_911] {strides = array<i32>} : memref<32x512xf32, #tpu.memory_space<vmem>>, vector<16xf32>,
        %add3A_913 = arith.constant 416 : i32
        %add3A_914 = vector.broadcast %add3A_913 : i32 to vector<16xi32>
        %add3A_915 = arith.addi %iota3A, %add3A_914 : vector<16xi32>
        %masked_sort3A_916 = arith.constant dense<true> : vector<16xi1>
        %masked_sort3A_917, %masked_sort3A_918, %masked_sort3A_919 = tpu.sort %get3A_912, %add3A_915 masked %masked_sort3A_916 : (vector<16xf32>, vector<16xi32>, vector<16xi1>) -> (vector<16xi1>, vector<16xf32>, vector<16xi32>)
        %get3A_920 = arith.index_cast %scan3A_649 : i32 to index
        %get3A_921 = arith.constant 432 : index
        %get3A_922 = tpu.vector_load %arg6[%get3A_920, %get3A_921] {strides = array<i32>} : memref<32x512xf32, #tpu.memory_space<vmem>>, vector<16xf32>,
        %add3A_923 = arith.constant 432 : i32
        %add3A_924 = vector.broadcast %add3A_923 : i32 to vector<16xi32>
        %add3A_925 = arith.addi %iota3A, %add3A_924 : vector<16xi32>
        %masked_sort3A_926 = arith.constant dense<true> : vector<16xi1>
        %masked_sort3A_927, %masked_sort3A_928, %masked_sort3A_929 = tpu.sort %get3A_922, %add3A_925 masked %masked_sort3A_926 {descending = true} : (vector<16xf32>, vector<16xi32>, vector<16xi1>) -> (vector<16xi1>, vector<16xf32>, vector<16xi32>)
        %get3A_930 = arith.index_cast %scan3A_649 : i32 to index
        %get3A_931 = arith.constant 448 : index
        %get3A_932 = tpu.vector_load %arg6[%get3A_930, %get3A_931] {strides = array<i32>} : memref<32x512xf32, #tpu.memory_space<vmem>>, vector<16xf32>,
        %add3A_933 = arith.constant 448 : i32
        %add3A_934 = vector.broadcast %add3A_933 : i32 to vector<16xi32>
        %add3A_935 = arith.addi %iota3A, %add3A_934 : vector<16xi32>
        %masked_sort3A_936 = arith.constant dense<true> : vector<16xi1>
        %masked_sort3A_937, %masked_sort3A_938, %masked_sort3A_939 = tpu.sort %get3A_932, %add3A_935 masked %masked_sort3A_936 : (vector<16xf32>, vector<16xi32>, vector<16xi1>) -> (vector<16xi1>, vector<16xf32>, vector<16xi32>)
        %get3A_940 = arith.index_cast %scan3A_649 : i32 to index
        %get3A_941 = arith.constant 464 : index
        %get3A_942 = tpu.vector_load %arg6[%get3A_940, %get3A_941] {strides = array<i32>} : memref<32x512xf32, #tpu.memory_space<vmem>>, vector<16xf32>,
        %add3A_943 = arith.constant 464 : i32
        %add3A_944 = vector.broadcast %add3A_943 : i32 to vector<16xi32>
        %add3A_945 = arith.addi %iota3A, %add3A_944 : vector<16xi32>
        %masked_sort3A_946 = arith.constant dense<true> : vector<16xi1>
        %masked_sort3A_947, %masked_sort3A_948, %masked_sort3A_949 = tpu.sort %get3A_942, %add3A_945 masked %masked_sort3A_946 {descending = true} : (vector<16xf32>, vector<16xi32>, vector<16xi1>) -> (vector<16xi1>, vector<16xf32>, vector<16xi32>)
        %get3A_950 = arith.index_cast %scan3A_649 : i32 to index
        %get3A_951 = arith.constant 480 : index
        %get3A_952 = tpu.vector_load %arg6[%get3A_950, %get3A_951] {strides = array<i32>} : memref<32x512xf32, #tpu.memory_space<vmem>>, vector<16xf32>,
        %add3A_953 = arith.constant 480 : i32
        %add3A_954 = vector.broadcast %add3A_953 : i32 to vector<16xi32>
        %add3A_955 = arith.addi %iota3A, %add3A_954 : vector<16xi32>
        %masked_sort3A_956 = arith.constant dense<true> : vector<16xi1>
        %masked_sort3A_957, %masked_sort3A_958, %masked_sort3A_959 = tpu.sort %get3A_952, %add3A_955 masked %masked_sort3A_956 : (vector<16xf32>, vector<16xi32>, vector<16xi1>) -> (vector<16xi1>, vector<16xf32>, vector<16xi32>)
        %get3A_960 = arith.index_cast %scan3A_649 : i32 to index
        %get3A_961 = arith.constant 496 : index
        %get3A_962 = tpu.vector_load %arg6[%get3A_960, %get3A_961] {strides = array<i32>} : memref<32x512xf32, #tpu.memory_space<vmem>>, vector<16xf32>,
        %add3A_963 = arith.constant 496 : i32
        %add3A_964 = vector.broadcast %add3A_963 : i32 to vector<16xi32>
        %add3A_965 = arith.addi %iota3A, %add3A_964 : vector<16xi32>
        %masked_sort3A_966 = arith.constant dense<true> : vector<16xi1>
        %masked_sort3A_967, %masked_sort3A_968, %masked_sort3A_969 = tpu.sort %get3A_962, %add3A_965 masked %masked_sort3A_966 {descending = true} : (vector<16xf32>, vector<16xi32>, vector<16xi1>) -> (vector<16xi1>, vector<16xf32>, vector<16xi32>)
        %ge3A_970 = arith.cmpf oge, %masked_sort3A_658, %masked_sort3A_668 : vector<16xf32>
        %select_n3A_971 = arith.select %ge3A_970, %masked_sort3A_658, %masked_sort3A_668 : vector<16xi1>, vector<16xf32>
        %select_n3A_972 = arith.select %ge3A_970, %masked_sort3A_659, %masked_sort3A_669 : vector<16xi1>, vector<16xi32>
        %masked_sort3A_973 = arith.constant dense<true> : vector<16xi1>
        %masked_sort3A_974, %masked_sort3A_975, %masked_sort3A_976 = tpu.sort %select_n3A_971, %select_n3A_972 masked %masked_sort3A_973 : (vector<16xf32>, vector<16xi32>, vector<16xi1>) -> (vector<16xi1>, vector<16xf32>, vector<16xi32>)
        %ge3A_977 = arith.cmpf oge, %masked_sort3A_678, %masked_sort3A_688 : vector<16xf32>
        %select_n3A_978 = arith.select %ge3A_977, %masked_sort3A_678, %masked_sort3A_688 : vector<16xi1>, vector<16xf32>
        %select_n3A_979 = arith.select %ge3A_977, %masked_sort3A_679, %masked_sort3A_689 : vector<16xi1>, vector<16xi32>
        %masked_sort3A_980 = arith.constant dense<true> : vector<16xi1>
        %masked_sort3A_981, %masked_sort3A_982, %masked_sort3A_983 = tpu.sort %select_n3A_978, %select_n3A_979 masked %masked_sort3A_980 {descending = true} : (vector<16xf32>, vector<16xi32>, vector<16xi1>) -> (vector<16xi1>, vector<16xf32>, vector<16xi32>)
        %ge3A_984 = arith.cmpf oge, %masked_sort3A_698, %masked_sort3A_708 : vector<16xf32>
        %select_n3A_985 = arith.select %ge3A_984, %masked_sort3A_698, %masked_sort3A_708 : vector<16xi1>, vector<16xf32>
        %select_n3A_986 = arith.select %ge3A_984, %masked_sort3A_699, %masked_sort3A_709 : vector<16xi1>, vector<16xi32>
        %masked_sort3A_987 = arith.constant dense<true> : vector<16xi1>
        %masked_sort3A_988, %masked_sort3A_989, %masked_sort3A_990 = tpu.sort %select_n3A_985, %select_n3A_986 masked %masked_sort3A_987 : (vector<16xf32>, vector<16xi32>, vector<16xi1>) -> (vector<16xi1>, vector<16xf32>, vector<16xi32>)
        %ge3A_991 = arith.cmpf oge, %masked_sort3A_718, %masked_sort3A_728 : vector<16xf32>
        %select_n3A_992 = arith.select %ge3A_991, %masked_sort3A_718, %masked_sort3A_728 : vector<16xi1>, vector<16xf32>
        %select_n3A_993 = arith.select %ge3A_991, %masked_sort3A_719, %masked_sort3A_729 : vector<16xi1>, vector<16xi32>
        %masked_sort3A_994 = arith.constant dense<true> : vector<16xi1>
        %masked_sort3A_995, %masked_sort3A_996, %masked_sort3A_997 = tpu.sort %select_n3A_992, %select_n3A_993 masked %masked_sort3A_994 {descending = true} : (vector<16xf32>, vector<16xi32>, vector<16xi1>) -> (vector<16xi1>, vector<16xf32>, vector<16xi32>)
        %ge3A_998 = arith.cmpf oge, %masked_sort3A_738, %masked_sort3A_748 : vector<16xf32>
        %select_n3A_999 = arith.select %ge3A_998, %masked_sort3A_738, %masked_sort3A_748 : vector<16xi1>, vector<16xf32>
        %select_n3A_1000 = arith.select %ge3A_998, %masked_sort3A_739, %masked_sort3A_749 : vector<16xi1>, vector<16xi32>
        %masked_sort3A_1001 = arith.constant dense<true> : vector<16xi1>
        %masked_sort3A_1002, %masked_sort3A_1003, %masked_sort3A_1004 = tpu.sort %select_n3A_999, %select_n3A_1000 masked %masked_sort3A_1001 : (vector<16xf32>, vector<16xi32>, vector<16xi1>) -> (vector<16xi1>, vector<16xf32>, vector<16xi32>)
        %ge3A_1005 = arith.cmpf oge, %masked_sort3A_758, %masked_sort3A_768 : vector<16xf32>
        %select_n3A_1006 = arith.select %ge3A_1005, %masked_sort3A_758, %masked_sort3A_768 : vector<16xi1>, vector<16xf32>
        %select_n3A_1007 = arith.select %ge3A_1005, %masked_sort3A_759, %masked_sort3A_769 : vector<16xi1>, vector<16xi32>
        %masked_sort3A_1008 = arith.constant dense<true> : vector<16xi1>
        %masked_sort3A_1009, %masked_sort3A_1010, %masked_sort3A_1011 = tpu.sort %select_n3A_1006, %select_n3A_1007 masked %masked_sort3A_1008 {descending = true} : (vector<16xf32>, vector<16xi32>, vector<16xi1>) -> (vector<16xi1>, vector<16xf32>, vector<16xi32>)
        %ge3A_1012 = arith.cmpf oge, %masked_sort3A_778, %masked_sort3A_788 : vector<16xf32>
        %select_n3A_1013 = arith.select %ge3A_1012, %masked_sort3A_778, %masked_sort3A_788 : vector<16xi1>, vector<16xf32>
        %select_n3A_1014 = arith.select %ge3A_1012, %masked_sort3A_779, %masked_sort3A_789 : vector<16xi1>, vector<16xi32>
        %masked_sort3A_1015 = arith.constant dense<true> : vector<16xi1>
        %masked_sort3A_1016, %masked_sort3A_1017, %masked_sort3A_1018 = tpu.sort %select_n3A_1013, %select_n3A_1014 masked %masked_sort3A_1015 : (vector<16xf32>, vector<16xi32>, vector<16xi1>) -> (vector<16xi1>, vector<16xf32>, vector<16xi32>)
        %ge3A_1019 = arith.cmpf oge, %masked_sort3A_798, %masked_sort3A_808 : vector<16xf32>
        %select_n3A_1020 = arith.select %ge3A_1019, %masked_sort3A_798, %masked_sort3A_808 : vector<16xi1>, vector<16xf32>
        %select_n3A_1021 = arith.select %ge3A_1019, %masked_sort3A_799, %masked_sort3A_809 : vector<16xi1>, vector<16xi32>
        %masked_sort3A_1022 = arith.constant dense<true> : vector<16xi1>
        %masked_sort3A_1023, %masked_sort3A_1024, %masked_sort3A_1025 = tpu.sort %select_n3A_1020, %select_n3A_1021 masked %masked_sort3A_1022 {descending = true} : (vector<16xf32>, vector<16xi32>, vector<16xi1>) -> (vector<16xi1>, vector<16xf32>, vector<16xi32>)
        %ge3A_1026 = arith.cmpf oge, %masked_sort3A_818, %masked_sort3A_828 : vector<16xf32>
        %select_n3A_1027 = arith.select %ge3A_1026, %masked_sort3A_818, %masked_sort3A_828 : vector<16xi1>, vector<16xf32>
        %select_n3A_1028 = arith.select %ge3A_1026, %masked_sort3A_819, %masked_sort3A_829 : vector<16xi1>, vector<16xi32>
        %masked_sort3A_1029 = arith.constant dense<true> : vector<16xi1>
        %masked_sort3A_1030, %masked_sort3A_1031, %masked_sort3A_1032 = tpu.sort %select_n3A_1027, %select_n3A_1028 masked %masked_sort3A_1029 : (vector<16xf32>, vector<16xi32>, vector<16xi1>) -> (vector<16xi1>, vector<16xf32>, vector<16xi32>)
        %ge3A_1033 = arith.cmpf oge, %masked_sort3A_838, %masked_sort3A_848 : vector<16xf32>
        %select_n3A_1034 = arith.select %ge3A_1033, %masked_sort3A_838, %masked_sort3A_848 : vector<16xi1>, vector<16xf32>
        %select_n3A_1035 = arith.select %ge3A_1033, %masked_sort3A_839, %masked_sort3A_849 : vector<16xi1>, vector<16xi32>
        %masked_sort3A_1036 = arith.constant dense<true> : vector<16xi1>
        %masked_sort3A_1037, %masked_sort3A_1038, %masked_sort3A_1039 = tpu.sort %select_n3A_1034, %select_n3A_1035 masked %masked_sort3A_1036 {descending = true} : (vector<16xf32>, vector<16xi32>, vector<16xi1>) -> (vector<16xi1>, vector<16xf32>, vector<16xi32>)
        %ge3A_1040 = arith.cmpf oge, %masked_sort3A_858, %masked_sort3A_868 : vector<16xf32>
        %select_n3A_1041 = arith.select %ge3A_1040, %masked_sort3A_858, %masked_sort3A_868 : vector<16xi1>, vector<16xf32>
        %select_n3A_1042 = arith.select %ge3A_1040, %masked_sort3A_859, %masked_sort3A_869 : vector<16xi1>, vector<16xi32>
        %masked_sort3A_1043 = arith.constant dense<true> : vector<16xi1>
        %masked_sort3A_1044, %masked_sort3A_1045, %masked_sort3A_1046 = tpu.sort %select_n3A_1041, %select_n3A_1042 masked %masked_sort3A_1043 : (vector<16xf32>, vector<16xi32>, vector<16xi1>) -> (vector<16xi1>, vector<16xf32>, vector<16xi32>)
        %ge3A_1047 = arith.cmpf oge, %masked_sort3A_878, %masked_sort3A_888 : vector<16xf32>
        %select_n3A_1048 = arith.select %ge3A_1047, %masked_sort3A_878, %masked_sort3A_888 : vector<16xi1>, vector<16xf32>
        %select_n3A_1049 = arith.select %ge3A_1047, %masked_sort3A_879, %masked_sort3A_889 : vector<16xi1>, vector<16xi32>
        %masked_sort3A_1050 = arith.constant dense<true> : vector<16xi1>
        %masked_sort3A_1051, %masked_sort3A_1052, %masked_sort3A_1053 = tpu.sort %select_n3A_1048, %select_n3A_1049 masked %masked_sort3A_1050 {descending = true} : (vector<16xf32>, vector<16xi32>, vector<16xi1>) -> (vector<16xi1>, vector<16xf32>, vector<16xi32>)
        %ge3A_1054 = arith.cmpf oge, %masked_sort3A_898, %masked_sort3A_908 : vector<16xf32>
        %select_n3A_1055 = arith.select %ge3A_1054, %masked_sort3A_898, %masked_sort3A_908 : vector<16xi1>, vector<16xf32>
        %select_n3A_1056 = arith.select %ge3A_1054, %masked_sort3A_899, %masked_sort3A_909 : vector<16xi1>, vector<16xi32>
        %masked_sort3A_1057 = arith.constant dense<true> : vector<16xi1>
        %masked_sort3A_1058, %masked_sort3A_1059, %masked_sort3A_1060 = tpu.sort %select_n3A_1055, %select_n3A_1056 masked %masked_sort3A_1057 : (vector<16xf32>, vector<16xi32>, vector<16xi1>) -> (vector<16xi1>, vector<16xf32>, vector<16xi32>)
        %ge3A_1061 = arith.cmpf oge, %masked_sort3A_918, %masked_sort3A_928 : vector<16xf32>
        %select_n3A_1062 = arith.select %ge3A_1061, %masked_sort3A_918, %masked_sort3A_928 : vector<16xi1>, vector<16xf32>
        %select_n3A_1063 = arith.select %ge3A_1061, %masked_sort3A_919, %masked_sort3A_929 : vector<16xi1>, vector<16xi32>
        %masked_sort3A_1064 = arith.constant dense<true> : vector<16xi1>
        %masked_sort3A_1065, %masked_sort3A_1066, %masked_sort3A_1067 = tpu.sort %select_n3A_1062, %select_n3A_1063 masked %masked_sort3A_1064 {descending = true} : (vector<16xf32>, vector<16xi32>, vector<16xi1>) -> (vector<16xi1>, vector<16xf32>, vector<16xi32>)
        %ge3A_1068 = arith.cmpf oge, %masked_sort3A_938, %masked_sort3A_948 : vector<16xf32>
        %select_n3A_1069 = arith.select %ge3A_1068, %masked_sort3A_938, %masked_sort3A_948 : vector<16xi1>, vector<16xf32>
        %select_n3A_1070 = arith.select %ge3A_1068, %masked_sort3A_939, %masked_sort3A_949 : vector<16xi1>, vector<16xi32>
        %masked_sort3A_1071 = arith.constant dense<true> : vector<16xi1>
        %masked_sort3A_1072, %masked_sort3A_1073, %masked_sort3A_1074 = tpu.sort %select_n3A_1069, %select_n3A_1070 masked %masked_sort3A_1071 : (vector<16xf32>, vector<16xi32>, vector<16xi1>) -> (vector<16xi1>, vector<16xf32>, vector<16xi32>)
        %ge3A_1075 = arith.cmpf oge, %masked_sort3A_958, %masked_sort3A_968 : vector<16xf32>
        %select_n3A_1076 = arith.select %ge3A_1075, %masked_sort3A_958, %masked_sort3A_968 : vector<16xi1>, vector<16xf32>
        %select_n3A_1077 = arith.select %ge3A_1075, %masked_sort3A_959, %masked_sort3A_969 : vector<16xi1>, vector<16xi32>
        %masked_sort3A_1078 = arith.constant dense<true> : vector<16xi1>
        %masked_sort3A_1079, %masked_sort3A_1080, %masked_sort3A_1081 = tpu.sort %select_n3A_1076, %select_n3A_1077 masked %masked_sort3A_1078 {descending = true} : (vector<16xf32>, vector<16xi32>, vector<16xi1>) -> (vector<16xi1>, vector<16xf32>, vector<16xi32>)
        %ge3A_1082 = arith.cmpf oge, %masked_sort3A_975, %masked_sort3A_982 : vector<16xf32>
        %select_n3A_1083 = arith.select %ge3A_1082, %masked_sort3A_975, %masked_sort3A_982 : vector<16xi1>, vector<16xf32>
        %select_n3A_1084 = arith.select %ge3A_1082, %masked_sort3A_976, %masked_sort3A_983 : vector<16xi1>, vector<16xi32>
        %masked_sort3A_1085 = arith.constant dense<true> : vector<16xi1>
        %masked_sort3A_1086, %masked_sort3A_1087, %masked_sort3A_1088 = tpu.sort %select_n3A_1083, %select_n3A_1084 masked %masked_sort3A_1085 : (vector<16xf32>, vector<16xi32>, vector<16xi1>) -> (vector<16xi1>, vector<16xf32>, vector<16xi32>)
        %ge3A_1089 = arith.cmpf oge, %masked_sort3A_989, %masked_sort3A_996 : vector<16xf32>
        %select_n3A_1090 = arith.select %ge3A_1089, %masked_sort3A_989, %masked_sort3A_996 : vector<16xi1>, vector<16xf32>
        %select_n3A_1091 = arith.select %ge3A_1089, %masked_sort3A_990, %masked_sort3A_997 : vector<16xi1>, vector<16xi32>
        %masked_sort3A_1092 = arith.constant dense<true> : vector<16xi1>
        %masked_sort3A_1093, %masked_sort3A_1094, %masked_sort3A_1095 = tpu.sort %select_n3A_1090, %select_n3A_1091 masked %masked_sort3A_1092 {descending = true} : (vector<16xf32>, vector<16xi32>, vector<16xi1>) -> (vector<16xi1>, vector<16xf32>, vector<16xi32>)
        %ge3A_1096 = arith.cmpf oge, %masked_sort3A_1003, %masked_sort3A_1010 : vector<16xf32>
        %select_n3A_1097 = arith.select %ge3A_1096, %masked_sort3A_1003, %masked_sort3A_1010 : vector<16xi1>, vector<16xf32>
        %select_n3A_1098 = arith.select %ge3A_1096, %masked_sort3A_1004, %masked_sort3A_1011 : vector<16xi1>, vector<16xi32>
        %masked_sort3A_1099 = arith.constant dense<true> : vector<16xi1>
        %masked_sort3A_1100, %masked_sort3A_1101, %masked_sort3A_1102 = tpu.sort %select_n3A_1097, %select_n3A_1098 masked %masked_sort3A_1099 : (vector<16xf32>, vector<16xi32>, vector<16xi1>) -> (vector<16xi1>, vector<16xf32>, vector<16xi32>)
        %ge3A_1103 = arith.cmpf oge, %masked_sort3A_1017, %masked_sort3A_1024 : vector<16xf32>
        %select_n3A_1104 = arith.select %ge3A_1103, %masked_sort3A_1017, %masked_sort3A_1024 : vector<16xi1>, vector<16xf32>
        %select_n3A_1105 = arith.select %ge3A_1103, %masked_sort3A_1018, %masked_sort3A_1025 : vector<16xi1>, vector<16xi32>
        %masked_sort3A_1106 = arith.constant dense<true> : vector<16xi1>
        %masked_sort3A_1107, %masked_sort3A_1108, %masked_sort3A_1109 = tpu.sort %select_n3A_1104, %select_n3A_1105 masked %masked_sort3A_1106 {descending = true} : (vector<16xf32>, vector<16xi32>, vector<16xi1>) -> (vector<16xi1>, vector<16xf32>, vector<16xi32>)
        %ge3A_1110 = arith.cmpf oge, %masked_sort3A_1031, %masked_sort3A_1038 : vector<16xf32>
        %select_n3A_1111 = arith.select %ge3A_1110, %masked_sort3A_1031, %masked_sort3A_1038 : vector<16xi1>, vector<16xf32>
        %select_n3A_1112 = arith.select %ge3A_1110, %masked_sort3A_1032, %masked_sort3A_1039 : vector<16xi1>, vector<16xi32>
        %masked_sort3A_1113 = arith.constant dense<true> : vector<16xi1>
        %masked_sort3A_1114, %masked_sort3A_1115, %masked_sort3A_1116 = tpu.sort %select_n3A_1111, %select_n3A_1112 masked %masked_sort3A_1113 : (vector<16xf32>, vector<16xi32>, vector<16xi1>) -> (vector<16xi1>, vector<16xf32>, vector<16xi32>)
        %ge3A_1117 = arith.cmpf oge, %masked_sort3A_1045, %masked_sort3A_1052 : vector<16xf32>
        %select_n3A_1118 = arith.select %ge3A_1117, %masked_sort3A_1045, %masked_sort3A_1052 : vector<16xi1>, vector<16xf32>
        %select_n3A_1119 = arith.select %ge3A_1117, %masked_sort3A_1046, %masked_sort3A_1053 : vector<16xi1>, vector<16xi32>
        %masked_sort3A_1120 = arith.constant dense<true> : vector<16xi1>
        %masked_sort3A_1121, %masked_sort3A_1122, %masked_sort3A_1123 = tpu.sort %select_n3A_1118, %select_n3A_1119 masked %masked_sort3A_1120 {descending = true} : (vector<16xf32>, vector<16xi32>, vector<16xi1>) -> (vector<16xi1>, vector<16xf32>, vector<16xi32>)
        %ge3A_1124 = arith.cmpf oge, %masked_sort3A_1059, %masked_sort3A_1066 : vector<16xf32>
        %select_n3A_1125 = arith.select %ge3A_1124, %masked_sort3A_1059, %masked_sort3A_1066 : vector<16xi1>, vector<16xf32>
        %select_n3A_1126 = arith.select %ge3A_1124, %masked_sort3A_1060, %masked_sort3A_1067 : vector<16xi1>, vector<16xi32>
        %masked_sort3A_1127 = arith.constant dense<true> : vector<16xi1>
        %masked_sort3A_1128, %masked_sort3A_1129, %masked_sort3A_1130 = tpu.sort %select_n3A_1125, %select_n3A_1126 masked %masked_sort3A_1127 : (vector<16xf32>, vector<16xi32>, vector<16xi1>) -> (vector<16xi1>, vector<16xf32>, vector<16xi32>)
        %ge3A_1131 = arith.cmpf oge, %masked_sort3A_1073, %masked_sort3A_1080 : vector<16xf32>
        %select_n3A_1132 = arith.select %ge3A_1131, %masked_sort3A_1073, %masked_sort3A_1080 : vector<16xi1>, vector<16xf32>
        %select_n3A_1133 = arith.select %ge3A_1131, %masked_sort3A_1074, %masked_sort3A_1081 : vector<16xi1>, vector<16xi32>
        %masked_sort3A_1134 = arith.constant dense<true> : vector<16xi1>
        %masked_sort3A_1135, %masked_sort3A_1136, %masked_sort3A_1137 = tpu.sort %select_n3A_1132, %select_n3A_1133 masked %masked_sort3A_1134 {descending = true} : (vector<16xf32>, vector<16xi32>, vector<16xi1>) -> (vector<16xi1>, vector<16xf32>, vector<16xi32>)
        %ge3A_1138 = arith.cmpf oge, %masked_sort3A_1087, %masked_sort3A_1094 : vector<16xf32>
        %select_n3A_1139 = arith.select %ge3A_1138, %masked_sort3A_1087, %masked_sort3A_1094 : vector<16xi1>, vector<16xf32>
        %select_n3A_1140 = arith.select %ge3A_1138, %masked_sort3A_1088, %masked_sort3A_1095 : vector<16xi1>, vector<16xi32>
        %masked_sort3A_1141 = arith.constant dense<true> : vector<16xi1>
        %masked_sort3A_1142, %masked_sort3A_1143, %masked_sort3A_1144 = tpu.sort %select_n3A_1139, %select_n3A_1140 masked %masked_sort3A_1141 : (vector<16xf32>, vector<16xi32>, vector<16xi1>) -> (vector<16xi1>, vector<16xf32>, vector<16xi32>)
        %ge3A_1145 = arith.cmpf oge, %masked_sort3A_1101, %masked_sort3A_1108 : vector<16xf32>
        %select_n3A_1146 = arith.select %ge3A_1145, %masked_sort3A_1101, %masked_sort3A_1108 : vector<16xi1>, vector<16xf32>
        %select_n3A_1147 = arith.select %ge3A_1145, %masked_sort3A_1102, %masked_sort3A_1109 : vector<16xi1>, vector<16xi32>
        %masked_sort3A_1148 = arith.constant dense<true> : vector<16xi1>
        %masked_sort3A_1149, %masked_sort3A_1150, %masked_sort3A_1151 = tpu.sort %select_n3A_1146, %select_n3A_1147 masked %masked_sort3A_1148 {descending = true} : (vector<16xf32>, vector<16xi32>, vector<16xi1>) -> (vector<16xi1>, vector<16xf32>, vector<16xi32>)
        %ge3A_1152 = arith.cmpf oge, %masked_sort3A_1115, %masked_sort3A_1122 : vector<16xf32>
        %select_n3A_1153 = arith.select %ge3A_1152, %masked_sort3A_1115, %masked_sort3A_1122 : vector<16xi1>, vector<16xf32>
        %select_n3A_1154 = arith.select %ge3A_1152, %masked_sort3A_1116, %masked_sort3A_1123 : vector<16xi1>, vector<16xi32>
        %masked_sort3A_1155 = arith.constant dense<true> : vector<16xi1>
        %masked_sort3A_1156, %masked_sort3A_1157, %masked_sort3A_1158 = tpu.sort %select_n3A_1153, %select_n3A_1154 masked %masked_sort3A_1155 : (vector<16xf32>, vector<16xi32>, vector<16xi1>) -> (vector<16xi1>, vector<16xf32>, vector<16xi32>)
        %ge3A_1159 = arith.cmpf oge, %masked_sort3A_1129, %masked_sort3A_1136 : vector<16xf32>
        %select_n3A_1160 = arith.select %ge3A_1159, %masked_sort3A_1129, %masked_sort3A_1136 : vector<16xi1>, vector<16xf32>
        %select_n3A_1161 = arith.select %ge3A_1159, %masked_sort3A_1130, %masked_sort3A_1137 : vector<16xi1>, vector<16xi32>
        %masked_sort3A_1162 = arith.constant dense<true> : vector<16xi1>
        %masked_sort3A_1163, %masked_sort3A_1164, %masked_sort3A_1165 = tpu.sort %select_n3A_1160, %select_n3A_1161 masked %masked_sort3A_1162 {descending = true} : (vector<16xf32>, vector<16xi32>, vector<16xi1>) -> (vector<16xi1>, vector<16xf32>, vector<16xi32>)
        %ge3A_1166 = arith.cmpf oge, %masked_sort3A_1143, %masked_sort3A_1150 : vector<16xf32>
        %select_n3A_1167 = arith.select %ge3A_1166, %masked_sort3A_1143, %masked_sort3A_1150 : vector<16xi1>, vector<16xf32>
        %select_n3A_1168 = arith.select %ge3A_1166, %masked_sort3A_1144, %masked_sort3A_1151 : vector<16xi1>, vector<16xi32>
        %masked_sort3A_1169 = arith.constant dense<true> : vector<16xi1>
        %masked_sort3A_1170, %masked_sort3A_1171, %masked_sort3A_1172 = tpu.sort %select_n3A_1167, %select_n3A_1168 masked %masked_sort3A_1169 : (vector<16xf32>, vector<16xi32>, vector<16xi1>) -> (vector<16xi1>, vector<16xf32>, vector<16xi32>)
        %ge3A_1173 = arith.cmpf oge, %masked_sort3A_1157, %masked_sort3A_1164 : vector<16xf32>
        %select_n3A_1174 = arith.select %ge3A_1173, %masked_sort3A_1157, %masked_sort3A_1164 : vector<16xi1>, vector<16xf32>
        %select_n3A_1175 = arith.select %ge3A_1173, %masked_sort3A_1158, %masked_sort3A_1165 : vector<16xi1>, vector<16xi32>
        %masked_sort3A_1176 = arith.constant dense<true> : vector<16xi1>
        %masked_sort3A_1177, %masked_sort3A_1178, %masked_sort3A_1179 = tpu.sort %select_n3A_1174, %select_n3A_1175 masked %masked_sort3A_1176 {descending = true} : (vector<16xf32>, vector<16xi32>, vector<16xi1>) -> (vector<16xi1>, vector<16xf32>, vector<16xi32>)
        %ge3A_1180 = arith.cmpf oge, %masked_sort3A_1171, %masked_sort3A_1178 : vector<16xf32>
        %select_n3A_1181 = arith.select %ge3A_1180, %masked_sort3A_1171, %masked_sort3A_1178 : vector<16xi1>, vector<16xf32>
        %select_n3A_1182 = arith.select %ge3A_1180, %masked_sort3A_1172, %masked_sort3A_1179 : vector<16xi1>, vector<16xi32>
        %masked_sort3A_1183 = arith.constant dense<true> : vector<16xi1>
        %masked_sort3A_1184, %masked_sort3A_1185, %masked_sort3A_1186 = tpu.sort %select_n3A_1181, %select_n3A_1182 masked %masked_sort3A_1183 {descending = true} : (vector<16xf32>, vector<16xi32>, vector<16xi1>) -> (vector<16xi1>, vector<16xf32>, vector<16xi32>)
        %slice3A_1187 = vector.extract_strided_slice %masked_sort3A_1185 {offsets = [0], sizes = [1], strides = [1]} : vector<16xf32> to vector<1xf32>
        %squeeze3A_1188 = vector.extract %slice3A_1187[0] : f32 from vector<1xf32>
        %sub3A_1189 = vector.broadcast %squeeze3A_1188 : f32 to vector<16xf32>
        %sub3A_1190 = arith.subf %masked_sort3A_1185, %sub3A_1189 : vector<16xf32>
        %exp3A_1191 = math.exp %sub3A_1190 : vector<16xf32>
        %jit3A_1192 = arith.constant 0.000000e+00 : f32
        %broadcast_in_dim3A_1193 = vector.broadcast %jit3A_1192 : f32 to vector<16xf32>
        %select_n3A_1194 = arith.select %lt3A_4, %exp3A_1191, %broadcast_in_dim3A_1193 : vector<16xi1>, vector<16xf32>
        %reduce_sum3A_1195 = arith.constant true
        %reduce_sum3A_1196 = vector.broadcast %reduce_sum3A_1195 : i1 to vector<16xi1>
        %reduce_sum3A_1197 = tpu.scan <sum>, %select_n3A_1194 masked %reduce_sum3A_1196 : vector<16xf32>, vector<16xi1> -> vector<16xf32>
        %reduce_sum3A_1198 = vector.extract %reduce_sum3A_1197[15] : f32 from vector<16xf32>
        %div3A_1199 = vector.broadcast %reduce_sum3A_1198 : f32 to vector<16xf32>
        %div3A_1200 = arith.divf %select_n3A_1194, %div3A_1199 : vector<16xf32>
        %mul3A_1201 = arith.constant 128 : i32
        %mul3A_1202 = arith.muli %scan3A_649, %mul3A_1201 : i32
        %swap3A_1203 = arith.index_cast %mul3A_1202 : i32 to index
        %swap3A_1204 = tpu.vector_load %arg8[%swap3A_1203] {strides = array<i32>} : memref<4096xi32, #tpu.memory_space<vmem>>, vector<16xi32>,
        tpu.vector_store %arg8[%swap3A_1203], %masked_sort3A_1186 {strides = array<i32>} : memref<4096xi32, #tpu.memory_space<vmem>>, vector<16xi32>,
        %swap3A_1205 = arith.index_cast %mul3A_1202 : i32 to index
        %swap3A_1206 = tpu.vector_load %arg10[%swap3A_1205] {strides = array<i32>} : memref<4096xf32, #tpu.memory_space<vmem>>, vector<16xf32>,
        tpu.vector_store %arg10[%swap3A_1205], %div3A_1200 {strides = array<i32>} : memref<4096xf32, #tpu.memory_space<vmem>>, vector<16xf32>,
      }
      %scan3A_95 = arith.constant 32 : i32
      %mul3A_96 = arith.constant 128 : i32
      %mul3A_97 = arith.muli %add3A_89, %mul3A_96 : i32
      %dma_start3A_98 = tpu.memref_slice %arg3[%mul3A_97] : memref<2621440xi32, #tpu.memory_space<hbm>> -> memref<4096xi32, #tpu.memory_space<hbm>>
      %dma_start3A_99 = tpu.memref_slice %arg3[%mul3A_97] : memref<2621440xi32, #tpu.memory_space<hbm>> -> memref<4096xi32, #tpu.memory_space<hbm>>
      tpu.enqueue_dma source(%arg8 : memref<4096xi32, #tpu.memory_space<vmem>>) target(%dma_start3A_99 : memref<4096xi32, #tpu.memory_space<hbm>>) target_semaphore(%arg14 : memref<!tpu.dma_semaphore, #tpu.memory_space<semaphore_mem>>)
      %dma_start3A_100 = tpu.memref_slice %arg4[%mul3A_97] : memref<2621440xf32, #tpu.memory_space<hbm>> -> memref<4096xf32, #tpu.memory_space<hbm>>
      %dma_start3A_101 = tpu.memref_slice %arg4[%mul3A_97] : memref<2621440xf32, #tpu.memory_space<hbm>> -> memref<4096xf32, #tpu.memory_space<hbm>>
      tpu.enqueue_dma source(%arg10 : memref<4096xf32, #tpu.memory_space<vmem>>) target(%dma_start3A_101 : memref<4096xf32, #tpu.memory_space<hbm>>) target_semaphore(%arg14 : memref<!tpu.dma_semaphore, #tpu.memory_space<semaphore_mem>>)
    }
    %scan3A_12 = arith.constant 10 : i32
    %mul3A_13 = arith.constant 128 : i32
    %mul3A_14 = arith.muli %mul3A_2, %mul3A_13 : i32
    %dma_wait3A = tpu.memref_slice %arg3[%mul3A_14] : memref<2621440xi32, #tpu.memory_space<hbm>> -> memref<4096xi32, #tpu.memory_space<hbm>>
    %dma_wait3A_15 = tpu.memref_slice %arg3[%mul3A_14] : memref<2621440xi32, #tpu.memory_space<hbm>> -> memref<4096xi32, #tpu.memory_space<hbm>>
    tpu.wait_dma2 semaphore(%arg13 : memref<!tpu.dma_semaphore, #tpu.memory_space<semaphore_mem>>) src(%arg7 : memref<4096xi32, #tpu.memory_space<vmem>>) dst(%dma_wait3A_15 : memref<4096xi32, #tpu.memory_space<hbm>>)
    %mul3A_16 = arith.constant 128 : i32
    %mul3A_17 = arith.muli %mul3A_2, %mul3A_16 : i32
    %dma_wait3A_18 = tpu.memref_slice %arg4[%mul3A_17] : memref<2621440xf32, #tpu.memory_space<hbm>> -> memref<4096xf32, #tpu.memory_space<hbm>>
    %dma_wait3A_19 = tpu.memref_slice %arg4[%mul3A_17] : memref<2621440xf32, #tpu.memory_space<hbm>> -> memref<4096xf32, #tpu.memory_space<hbm>>
    tpu.wait_dma2 semaphore(%arg13 : memref<!tpu.dma_semaphore, #tpu.memory_space<semaphore_mem>>) src(%arg9 : memref<4096xf32, #tpu.memory_space<vmem>>) dst(%dma_wait3A_19 : memref<4096xf32, #tpu.memory_space<hbm>>)
    %mul3A_20 = arith.constant 128 : i32
    %mul3A_21 = arith.muli %mul3A_2, %mul3A_20 : i32
    %dma_wait3A_22 = tpu.memref_slice %arg3[%mul3A_21] : memref<2621440xi32, #tpu.memory_space<hbm>> -> memref<4096xi32, #tpu.memory_space<hbm>>
    %dma_wait3A_23 = tpu.memref_slice %arg3[%mul3A_21] : memref<2621440xi32, #tpu.memory_space<hbm>> -> memref<4096xi32, #tpu.memory_space<hbm>>
    tpu.wait_dma2 semaphore(%arg14 : memref<!tpu.dma_semaphore, #tpu.memory_space<semaphore_mem>>) src(%arg8 : memref<4096xi32, #tpu.memory_space<vmem>>) dst(%dma_wait3A_23 : memref<4096xi32, #tpu.memory_space<hbm>>)
    %mul3A_24 = arith.constant 128 : i32
    %mul3A_25 = arith.muli %mul3A_2, %mul3A_24 : i32
    %dma_wait3A_26 = tpu.memref_slice %arg4[%mul3A_25] : memref<2621440xf32, #tpu.memory_space<hbm>> -> memref<4096xf32, #tpu.memory_space<hbm>>
    %dma_wait3A_27 = tpu.memref_slice %arg4[%mul3A_25] : memref<2621440xf32, #tpu.memory_space<hbm>> -> memref<4096xf32, #tpu.memory_space<hbm>>
    tpu.wait_dma2 semaphore(%arg14 : memref<!tpu.dma_semaphore, #tpu.memory_space<semaphore_mem>>) src(%arg10 : memref<4096xf32, #tpu.memory_space<vmem>>) dst(%dma_wait3A_27 : memref<4096xf32, #tpu.memory_space<hbm>>)
    return
  }
}

module attributes {stable_mosaic.version = 14 : i64} {
  func.func @_mm_body(%arg0: i32, %arg1: memref<2048x768xf32, #tpu.memory_space<vmem>>, %arg2: memref<512x768xf32, #tpu.memory_space<vmem>>, %arg3: memref<2048x512xf32, #tpu.memory_space<vmem>>) attributes {dimension_semantics = [#tpu.dimension_semantics<arbitrary>], iteration_bounds = array<i64: 6>, scalar_prefetch = 0 : i64, scratch_operands = 0 : i64, tpu.core_type = #tpu.core_type<tc>, window_params = [{transform_indices = @transform_0, window_bounds = array<i64: 2048, 768>}, {pipeline_mode = #tpu.pipeline_mode<synchronous>, transform_indices = @transform_1, window_bounds = array<i64: 512, 768>}, {transform_indices = @transform_2, window_bounds = array<i64: 2048, 512>}]} {
    %get3A = arith.constant 0 : index
    %get3A_0 = arith.constant 0 : index
    %get3A_1 = vector.load %arg1[%get3A, %get3A_0] : memref<2048x768xf32, #tpu.memory_space<vmem>>, vector<2048x768xf32>
    %get3A_2 = arith.constant 0 : index
    %get3A_3 = arith.constant 0 : index
    %get3A_4 = vector.load %arg2[%get3A_2, %get3A_3] : memref<512x768xf32, #tpu.memory_space<vmem>>, vector<512x768xf32>
    %dot_general3A = arith.constant dense<0.000000e+00> : vector<2048x512xf32>
    %dot_general3A_5 = tpu.matmul %get3A_1, %get3A_4, %dot_general3A {dimension_numbers = #tpu.dot_dimension_numbers<[1], [1], [0], [0], [0, 0, 1, 0], [], []>, transpose_lhs_hint = false} : vector<2048x768xf32>, vector<512x768xf32>, vector<2048x512xf32> -> vector<2048x512xf32>
    %swap3A = arith.constant 0 : index
    %swap3A_6 = arith.constant 0 : index
    %swap3A_7 = vector.load %arg3[%swap3A, %swap3A_6] : memref<2048x512xf32, #tpu.memory_space<vmem>>, vector<2048x512xf32>
    tpu.vector_store %arg3[%swap3A, %swap3A_6], %dot_general3A_5 {strides = array<i32>} : memref<2048x512xf32, #tpu.memory_space<vmem>>, vector<2048x512xf32>,
    return
  }
  func.func @transform_0(%arg0: i32) -> (i32, i32) {
    %add3A = arith.constant 0 : i32
    %add3A_0 = arith.addi %add3A, %arg0 : i32
    %c0_i32 = arith.constant 0 : i32
    %c0_i32_1 = arith.constant 0 : i32
    return %add3A_0, %c0_i32 : i32, i32
  }
  func.func @transform_1(%arg0: i32) -> (i32, i32) {
    %c0_i32 = arith.constant 0 : i32
    %c0_i32_0 = arith.constant 0 : i32
    %c0_i32_1 = arith.constant 0 : i32
    return %c0_i32, %c0_i32_0 : i32, i32
  }
  func.func @transform_2(%arg0: i32) -> (i32, i32) {
    %c0_i32 = arith.constant 0 : i32
    %c0_i32_0 = arith.constant 0 : i32
    return %arg0, %c0_i32 : i32, i32
  }
}

module attributes {stable_mosaic.version = 14 : i64} {
  func.func @_mm_body(%arg0: i32, %arg1: memref<2048x768xf32, #tpu.memory_space<vmem>>, %arg2: memref<512x768xf32, #tpu.memory_space<vmem>>, %arg3: memref<2048x512xf32, #tpu.memory_space<vmem>>) attributes {dimension_semantics = [#tpu.dimension_semantics<arbitrary>], iteration_bounds = array<i64: 10>, scalar_prefetch = 0 : i64, scratch_operands = 0 : i64, tpu.core_type = #tpu.core_type<tc>, window_params = [{transform_indices = @transform_0, window_bounds = array<i64: 2048, 768>}, {pipeline_mode = #tpu.pipeline_mode<synchronous>, transform_indices = @transform_1, window_bounds = array<i64: 512, 768>}, {transform_indices = @transform_2, window_bounds = array<i64: 2048, 512>}]} {
    %get3A = arith.constant 0 : index
    %get3A_0 = arith.constant 0 : index
    %get3A_1 = vector.load %arg1[%get3A, %get3A_0] : memref<2048x768xf32, #tpu.memory_space<vmem>>, vector<2048x768xf32>
    %get3A_2 = arith.constant 0 : index
    %get3A_3 = arith.constant 0 : index
    %get3A_4 = vector.load %arg2[%get3A_2, %get3A_3] : memref<512x768xf32, #tpu.memory_space<vmem>>, vector<512x768xf32>
    %dot_general3A = arith.constant dense<0.000000e+00> : vector<2048x512xf32>
    %dot_general3A_5 = tpu.matmul %get3A_1, %get3A_4, %dot_general3A {dimension_numbers = #tpu.dot_dimension_numbers<[1], [1], [0], [0], [0, 0, 1, 0], [], []>, transpose_lhs_hint = false} : vector<2048x768xf32>, vector<512x768xf32>, vector<2048x512xf32> -> vector<2048x512xf32>
    %swap3A = arith.constant 0 : index
    %swap3A_6 = arith.constant 0 : index
    %swap3A_7 = vector.load %arg3[%swap3A, %swap3A_6] : memref<2048x512xf32, #tpu.memory_space<vmem>>, vector<2048x512xf32>
    tpu.vector_store %arg3[%swap3A, %swap3A_6], %dot_general3A_5 {strides = array<i32>} : memref<2048x512xf32, #tpu.memory_space<vmem>>, vector<2048x512xf32>,
    return
  }
  func.func @transform_0(%arg0: i32) -> (i32, i32) {
    %add3A = arith.constant 6 : i32
    %add3A_0 = arith.addi %add3A, %arg0 : i32
    %c0_i32 = arith.constant 0 : i32
    %c0_i32_1 = arith.constant 0 : i32
    return %add3A_0, %c0_i32 : i32, i32
  }
  func.func @transform_1(%arg0: i32) -> (i32, i32) {
    %c0_i32 = arith.constant 0 : i32
    %c0_i32_0 = arith.constant 0 : i32
    %c0_i32_1 = arith.constant 0 : i32
    return %c0_i32, %c0_i32_0 : i32, i32
  }
  func.func @transform_2(%arg0: i32) -> (i32, i32) {
    %c0_i32 = arith.constant 0 : i32
    %c0_i32_0 = arith.constant 0 : i32
    return %arg0, %c0_i32 : i32, i32
  }
}

module attributes {stable_mosaic.version = 14 : i64} {
  func.func @_repack_body(%arg0: i32, %arg1: memref<1024x128xi32, #tpu.memory_space<vmem>>, %arg2: memref<1024x128xf32, #tpu.memory_space<vmem>>, %arg3: memref<1024x10xi32, #tpu.memory_space<vmem>>, %arg4: memref<1024x10xf32, #tpu.memory_space<vmem>>) attributes {dimension_semantics = [#tpu.dimension_semantics<arbitrary>], iteration_bounds = array<i64: 12>, scalar_prefetch = 0 : i64, scratch_operands = 0 : i64, tpu.core_type = #tpu.core_type<tc>, window_params = [{transform_indices = @transform_0, window_bounds = array<i64: 1024, 128>}, {transform_indices = @transform_1, window_bounds = array<i64: 1024, 128>}, {transform_indices = @transform_2, window_bounds = array<i64: 1024, 10>}, {transform_indices = @transform_3, window_bounds = array<i64: 1024, 10>}]} {
    %get3A = arith.constant 0 : index
    %get3A_0 = arith.constant 0 : index
    %get3A_1 = vector.load %arg1[%get3A, %get3A_0] : memref<1024x128xi32, #tpu.memory_space<vmem>>, vector<1024x10xi32>
    %swap3A = arith.constant 0 : index
    %swap3A_2 = arith.constant 0 : index
    %swap3A_3 = vector.load %arg3[%swap3A, %swap3A_2] : memref<1024x10xi32, #tpu.memory_space<vmem>>, vector<1024x10xi32>
    tpu.vector_store %arg3[%swap3A, %swap3A_2], %get3A_1 {strides = array<i32>} : memref<1024x10xi32, #tpu.memory_space<vmem>>, vector<1024x10xi32>,
    %get3A_4 = arith.constant 0 : index
    %get3A_5 = arith.constant 0 : index
    %get3A_6 = vector.load %arg2[%get3A_4, %get3A_5] : memref<1024x128xf32, #tpu.memory_space<vmem>>, vector<1024x10xf32>
    %swap3A_7 = arith.constant 0 : index
    %swap3A_8 = arith.constant 0 : index
    %swap3A_9 = vector.load %arg4[%swap3A_7, %swap3A_8] : memref<1024x10xf32, #tpu.memory_space<vmem>>, vector<1024x10xf32>
    tpu.vector_store %arg4[%swap3A_7, %swap3A_8], %get3A_6 {strides = array<i32>} : memref<1024x10xf32, #tpu.memory_space<vmem>>, vector<1024x10xf32>,
    return
  }
  func.func @transform_0(%arg0: i32) -> (i32, i32) {
    %c0_i32 = arith.constant 0 : i32
    %c0_i32_0 = arith.constant 0 : i32
    return %arg0, %c0_i32 : i32, i32
  }
  func.func @transform_1(%arg0: i32) -> (i32, i32) {
    %c0_i32 = arith.constant 0 : i32
    %c0_i32_0 = arith.constant 0 : i32
    return %arg0, %c0_i32 : i32, i32
  }
  func.func @transform_2(%arg0: i32) -> (i32, i32) {
    %c0_i32 = arith.constant 0 : i32
    %c0_i32_0 = arith.constant 0 : i32
    return %arg0, %c0_i32 : i32, i32
  }
  func.func @transform_3(%arg0: i32) -> (i32, i32) {
    %c0_i32 = arith.constant 0 : i32
    %c0_i32_0 = arith.constant 0 : i32
    return %arg0, %c0_i32 : i32, i32
  }
}

module attributes {stable_mosaic.version = 14 : i64} {
  func.func @_repack_body(%arg0: i32, %arg1: memref<1024x128xi32, #tpu.memory_space<vmem>>, %arg2: memref<1024x128xf32, #tpu.memory_space<vmem>>, %arg3: memref<1024x10xi32, #tpu.memory_space<vmem>>, %arg4: memref<1024x10xf32, #tpu.memory_space<vmem>>) attributes {dimension_semantics = [#tpu.dimension_semantics<arbitrary>], iteration_bounds = array<i64: 20>, scalar_prefetch = 0 : i64, scratch_operands = 0 : i64, tpu.core_type = #tpu.core_type<tc>, window_params = [{transform_indices = @transform_0, window_bounds = array<i64: 1024, 128>}, {transform_indices = @transform_1, window_bounds = array<i64: 1024, 128>}, {transform_indices = @transform_2, window_bounds = array<i64: 1024, 10>}, {transform_indices = @transform_3, window_bounds = array<i64: 1024, 10>}]} {
    %get3A = arith.constant 0 : index
    %get3A_0 = arith.constant 0 : index
    %get3A_1 = vector.load %arg1[%get3A, %get3A_0] : memref<1024x128xi32, #tpu.memory_space<vmem>>, vector<1024x10xi32>
    %swap3A = arith.constant 0 : index
    %swap3A_2 = arith.constant 0 : index
    %swap3A_3 = vector.load %arg3[%swap3A, %swap3A_2] : memref<1024x10xi32, #tpu.memory_space<vmem>>, vector<1024x10xi32>
    tpu.vector_store %arg3[%swap3A, %swap3A_2], %get3A_1 {strides = array<i32>} : memref<1024x10xi32, #tpu.memory_space<vmem>>, vector<1024x10xi32>,
    %get3A_4 = arith.constant 0 : index
    %get3A_5 = arith.constant 0 : index
    %get3A_6 = vector.load %arg2[%get3A_4, %get3A_5] : memref<1024x128xf32, #tpu.memory_space<vmem>>, vector<1024x10xf32>
    %swap3A_7 = arith.constant 0 : index
    %swap3A_8 = arith.constant 0 : index
    %swap3A_9 = vector.load %arg4[%swap3A_7, %swap3A_8] : memref<1024x10xf32, #tpu.memory_space<vmem>>, vector<1024x10xf32>
    tpu.vector_store %arg4[%swap3A_7, %swap3A_8], %get3A_6 {strides = array<i32>} : memref<1024x10xf32, #tpu.memory_space<vmem>>, vector<1024x10xf32>,
    return
  }
  func.func @transform_0(%arg0: i32) -> (i32, i32) {
    %c0_i32 = arith.constant 0 : i32
    %c0_i32_0 = arith.constant 0 : i32
    return %arg0, %c0_i32 : i32, i32
  }
  func.func @transform_1(%arg0: i32) -> (i32, i32) {
    %c0_i32 = arith.constant 0 : i32
    %c0_i32_0 = arith.constant 0 : i32
    return %arg0, %c0_i32 : i32, i32
  }
  func.func @transform_2(%arg0: i32) -> (i32, i32) {
    %c0_i32 = arith.constant 0 : i32
    %c0_i32_0 = arith.constant 0 : i32
    return %arg0, %c0_i32 : i32, i32
  }
  func.func @transform_3(%arg0: i32) -> (i32, i32) {
    %c0_i32 = arith.constant 0 : i32
    %c0_i32_0 = arith.constant 0 : i32
    return %arg0, %c0_i32 : i32, i32
  }
}

</mosaic_0001>

<sc_bundles>
// kernel: kernel.11.cloned.1.call-start
scs
__scs_entry_jumppad:
0x0: {  	(pc) =	sbr.rel $0x88, $3  }
0x1: {  	(tag) =	ssettag $0x0;
	lr =	simm.s32 $0x1  }
0x2: {  	[smem:$0x3F9F] =	sst lr;
	_ =	strace $0xD0000000  }
0x3: {  	_ = 	snop  }
0x4: {  	_ = 	snop  }
0x5: {  	_ = 	snop  }
0x6: {  	_ = 	snop  }
0x7: {  	_ = 	snop  }
__scs_overlays_trampoline_lowered:
0x8: {  	[smem:$0x3FAE] =	sst s0  }
0x9: {  	[smem:$0x3FAF] =	sst s1  }
0xa: {  	[smem:$0x3FB0] =	sst s2  }
0xb: {  	[smem:$0x3FB1] =	sst s3  }
0xc: {  	[smem:$0x3FB2] =	sst s4  }
0xd: {  	[smem:$0x3FB3] =	sst s5  }
0xe: {  	[smem:$0x3FB4] =	sst s6  }
0xf: {  	[smem:$0x3FB5] =	sst s7  }
0x10: {  	[smem:$0x3FB6] =	sst s8  }
0x11: {  	[smem:$0x3FB7] =	sst s9;
	s0 =	simm.s32 @!p0 $0x0  }
0x12: {  	s1 =	sld [smem:$0x3F9D];
	s0 =	simm.s32 @p0 $0x1  }
0x13: {  	[smem:$0x3FB8] =	sst s0;
	s0 =	simm.s32 @!p1 $0x0  }
0x14: {  	s2 =	sld [smem:$0x3F9C];
	s0 =	simm.s32 @p1 $0x1  }
0x15: {  	[smem:$0x3FB9] =	sst s0;
	s0 =	simm.s32 @!p2 $0x0  }
0x16: {  	s3 =	sld [smem:$0x3FDB];
	s0 =	simm.s32 @p2 $0x1  }
0x17: {  	s4 =	simm.s32 $0x1BF5;
	[smem:$0x3FBB] =	sst s0  }
0x18: {  	s0 =	sld [smem:$0x3F9E];
	_ =	swait.ge [sflag:s4], $0x0  }
0x19: {  	s7 =	sld [smem:$0x3F9F]  }
0x1a: {  	s8 =	sadd.s32 $0xFFFFE003, lr  }
0x1b: {  	s9 =	sadd.s32 $0xFFFFFEF7, lr;
	s5 =	simm.s32 $0xFFFFFFFF;
	p2 =	slt.u32 s8, $0xFFFFF086  }
0x1c: {  	p1 =	slt.u32 s9, $0xF7A;
	s5 =	simm.s32 @!p2 $0x0  }
0x1d: {  	s5 =	simm.s32 @p1 $0x1;
	p0 =	seq.s32 s7, s2  }
0x1e: {  	s7 =	smul.u32 @!p0 $0xF7A, s2;
	p2 =	seq.s32 @!p0 s5, $0x0  }
0x1f: {  	s9 =	smul.u32 $0xF7A, s1;
	s8 =	simm.s32 @!p0 $0x1BF5;
	p2 =	por !p2, p0  }
0x20: {  	[sflag:s8] =	ssyncset.s32 @!p0 $0xFFFFF086;
	s6 =	sadd.s32 @!p0 s3, s7;
	s7 =	simm.s32 @!p0 $0x108  }
0x21: {  	s3 =	sadd.s32 s3, s9;
	s6 =	sadd.s32 @!p0 $0x88, s6;
	s7 =	simm.s32 @p2 $0x1082  }
0x22: {  	[simem:s7], [sflag:s8] =	dma.local @!p0 [hbm:s6], $0xF7A  }
0x23: {  	s9 =	sor.u32 $0xD0000000, s2;
	s6 =	simm.s32 $0x108;
	_ =	swait.ge @!p0 [sflag:s8], $0x0  }
0x24: {  	s3 =	sadd.s32 $0x88, s3;
	s6 =	simm.s32 @!p1 $0x1082;
	[sflag:s4] =	ssyncset.s32 $0xFFFFF086  }
0x25: {  	[simem:s6], [sflag:s4] =	dma.local [hbm:s3], $0xF7A  }
0x26: {  	[smem:$0x3F9F] =	sst s1;
	(tag) =	ssettag s2;
	_ =	strace s9  }
0x27: {  	s1 =	sld [smem:$0x3FAF]  }
0x28: {  	s2 =	sld [smem:$0x3FB0]  }
0x29: {  	s4 =	sld [smem:$0x3FB2]  }
0x2a: {  	p0 =	seq.s32 s5, $0x0;
	s5 =	sld [smem:$0x3FB3]  }
0x2b: {  	s6 =	sld [smem:$0x3FB4]  }
0x2c: {  	s7 =	sld [smem:$0x3FB5]  }
0x2d: {  	s3 =	simm.s32 $0x108;
	s8 =	sld [smem:$0x3FB6]  }
0x2e: {  	s3 =	simm.s32 @!p0 $0x1082;
	s9 =	sld [smem:$0x3FB7]  }
0x2f: {  	lr =	sadd.s32 s0, s3;
	s0 =	sld [smem:$0x3FAE]  }
0x30: {  	s3 =	sld [smem:$0x3FB1]  }
0x31: {  	[smem:$0x3FBA] =	sst s10  }
0x32: {  	s10 =	sld [smem:$0x3FB8];
	_ =	sdelay $0x3  }
0x33: {  	p0 =	seq.s32 s10, $0x1;
	s10 =	sld [smem:$0x3FBA];
	_ =	sdelay $0x3  }
0x34: {  	[smem:$0x3FBA] =	sst s10  }
0x35: {  	s10 =	sld [smem:$0x3FB9];
	_ =	sdelay $0x3  }
0x36: {  	p1 =	seq.s32 s10, $0x1;
	s10 =	sld [smem:$0x3FBA];
	_ =	sdelay $0x3  }
0x37: {  	[smem:$0x3FBA] =	sst s10  }
0x38: {  	s10 =	sld [smem:$0x3FBB]  }
0x39: {  	_ = 	snop;
	(pc) =	sbr.ind lr, $3  }
0x3a: {  	_ = 	snop  }
0x3b: {  	_ = 	snop  }
0x3c: {  	p2 =	seq.s32 s10, $0x1;
	s10 =	sld [smem:$0x3FBA]  }
0x3d: {  	_ =	shalt  }
0x3e: {  	_ =	shalt  }
0x3f: {  	_ =	shalt  }
0x40: {  	_ =	shalt  }
0x41: {  	_ =	shalt  }
0x42: {  	_ =	shalt  }
0x43: {  	_ =	shalt  }
0x44: {  	_ =	shalt  }
0x45: {  	_ =	shalt  }
0x46: {  	_ =	shalt  }
0x47: {  	_ =	shalt  }
0x48: {  	_ =	shalt  }
0x49: {  	_ =	shalt  }
0x4a: {  	_ =	shalt  }
0x4b: {  	_ =	shalt  }
0x4c: {  	_ =	shalt  }
0x4d: {  	_ =	shalt  }
0x4e: {  	_ =	shalt  }
0x4f: {  	_ =	shalt  }
0x50: {  	_ =	shalt  }
0x51: {  	_ =	shalt  }
0x52: {  	_ =	shalt  }
0x53: {  	_ =	shalt  }
0x54: {  	_ =	shalt  }
0x55: {  	_ =	shalt  }
0x56: {  	_ =	shalt  }
0x57: {  	_ =	shalt  }
0x58: {  	_ =	shalt  }
0x59: {  	_ =	shalt  }
0x5a: {  	_ =	shalt  }
0x5b: {  	_ =	shalt  }
0x5c: {  	_ =	shalt  }
0x5d: {  	_ =	shalt  }
0x5e: {  	_ =	shalt  }
0x5f: {  	_ =	shalt  }
0x60: {  	_ =	shalt  }
0x61: {  	_ =	shalt  }
0x62: {  	_ =	shalt  }
0x63: {  	_ =	shalt  }
0x64: {  	_ =	shalt  }
0x65: {  	_ =	shalt  }
0x66: {  	_ =	shalt  }
0x67: {  	_ =	shalt  }
0x68: {  	_ =	shalt  }
0x69: {  	_ =	shalt  }
0x6a: {  	_ =	shalt  }
0x6b: {  	_ =	shalt  }
0x6c: {  	_ =	shalt  }
0x6d: {  	_ =	shalt  }
0x6e: {  	_ =	shalt  }
0x6f: {  	_ =	shalt  }
0x70: {  	_ =	shalt  }
0x71: {  	_ =	shalt  }
0x72: {  	_ =	shalt  }
0x73: {  	_ =	shalt  }
0x74: {  	_ =	shalt  }
0x75: {  	_ =	shalt  }
0x76: {  	_ =	shalt  }
0x77: {  	_ =	shalt  }
0x78: {  	_ =	shalt  }
0x79: {  	_ =	shalt  }
0x7a: {  	_ =	shalt  }
0x7b: {  	_ =	shalt  }
0x7c: {  	_ =	shalt  }
0x7d: {  	_ =	shalt  }
0x7e: {  	_ =	shalt  }
0x7f: {  	_ =	shalt  }
0x80: {  	_ =	shalt  }
0x81: {  	_ =	shalt  }
0x82: {  	_ =	shalt  }
0x83: {  	_ =	shalt  }
0x84: {  	_ =	shalt  }
0x85: {  	_ =	shalt  }
0x86: {  	_ =	shalt  }
0x87: {  	_ =	shalt  }
.Lfunc_end0:
.L_simem_size_0:
called_computation.1_lowered:
.L_overlay_start_0:
0x88: {  	s2 =	sld [smem:$0x3FD9]  }
0x89: {  	s3 =	sld [smem:$0x3FFE];
	_ =	sdelay $0x1  }
0x8a: {  	s1 =	srdreg.scid  }
0x8b: {  	s0 =	sand.u32 $0x1, s1  }
0x8c: {  	s17 =	sshll.u32 s0, $0xA;
	s2 =	sadd.s32 s3, s2  }
0x8d: {  	s2 =	sadd.s32 s2, s17  }
0x8e: {  	[smem:$0x3FC6] =	sst s2  }
0x8f: {  	_ = 	snop  }
0x90: {  	(tm) =	ssettm $0x1  }
0x91: {  	s18 =	sld [smem:$0x3FFB];
	_ =	sdelay $0x3  }
0x92: {  	_ =	strace s18  }
0x93: {  	s2 =	sld [smem:$0x3FFC];
	_ =	sdelay $0x3  }
0x94: {  	_ =	strace s2  }
0x95: {  	s2 =	sld [smem:$0x3FFD];
	_ =	sdelay $0x3  }
0x96: {  	_ =	strace s2  }
0x97: {  	_ =	strace $0x8FFFFFFF  }
0x98: {  	s19 =	sld [smem:$0x3FDB];
	_ =	sdelay $0x1  }
0x99: {  	s20 =	simm.s32 $_scs_section_size  }
0x9a: {  	s4 =	simm.s32 $_size__tile_overlayer_lowered;
	s5 =	simm.s32 $_tile_overlayer_lowered  }
0x9b: {  	s6 =	simm.s32 $0x1BFF;
	s21 =	sshll.u32 s5, $0x1;
	s3 =	sadd.s32 s20, s19  }
0x9c: {  	s22 =	simm.s32 $0x0;
	s4 =	sshll.u32 s4, $0x1;
	s5 =	sadd.s32 s21, s3  }
0x9d: {  	[timem:s22], [sflag:s6] =	dma.local [hbm:s5], s4  }
0x9e: {  	_ =	swait.ge [sflag:s6], s4  }
0x9f: {  	s4 =	ssub.s32 $0x0, s4;
	[sflag:s6] =	ssyncset.done $0x0  }
0xa0: {  	[sflag:s6] =	ssyncadd.s32 s4;
	_ =	sdelay $0x1  }
0xa1: {  	s23 =	simm.s32 $0x1B8B  }
0xa2: {  	_ =	swait.ge [sflag:s23], $0x1  }
0xa3: {  	[sflag:s23] =	ssyncset.done $0x0  }
0xa4: {  	[sflag:s23] =	ssyncadd.s32 $0xFFFFFFFF  }
0xa5: {  	s4 =	sld [smem:$0x0]  }
0xa6: {  	s5 =	sand.u32 $0xFFFFFFFE, s1  }
0xa7: {  	p0 =	sne.s32 s1, s5  }
0xa8: {  	s5 =	sshll.u32 @p0 s5, $0xE  }
0xa9: {  	s5 =	sadd.s32 @p0 $0x11B8D, s5;
	s6 =	sshll.u32 @p0 s4, $0x11  }
0xaa: {  	s5 =	sor.u32 @p0 s6, s5  }
0xab: {  	[sflag:s5] =	ssyncadd.remote.s32 @p0 $0x1;
	_ =	sdelay $0x1  }
0xac: {  	s5 =	simm.s32 @p0 $0x1B8D  }
0xad: {  	_ =	swait.eq @p0 [sflag:s5], $0x1  }
0xae: {  	[sflag:s5] =	ssyncadd.s32 @p0 $0xFFFFFFFF  }
0xaf: {  	s6 =	sshll.u32 @!p0 s1, $0xE  }
0xb0: {  	s6 =	sor.u32 @!p0 $0x4000, s6;
	s5 =	simm.s32 @!p0 $0x1B8D  }
0xb1: {  	s4 =	sshll.u32 @!p0 s4, $0x11;
	s6 =	sadd.s32 @!p0 $0x11B8D, s6;
	_ =	swait.eq @!p0 [sflag:s5], $0x1  }
0xb2: {  	s4 =	sor.u32 @!p0 s4, s6;
	[sflag:s5] =	ssyncadd.s32 @!p0 $0xFFFFFFFF  }
0xb3: {  	s25 =	simm.s32 $0x1B8E;
	s24 =	sld [smem:$0x3FFE];
	[sflag:s4] =	ssyncadd.remote.s32 @!p0 $0x1  }
0xb4: {  	s26 =	simm.s32 $execute0_lowered;
	[smem:$0x3FD2] =	sst s25  }
0xb5: {  	s5 =	sshll.u32 s26, $0x1;
	_ =	strace $0x80000049;
	[dreg:$0x1] =	wrdreg $0xFFFFFFFF  }
0xb6: {  	s28 =	simm.s32 $_size_execute0_lowered;
	s3 =	sadd.s32 s3, s5;
	[dreg:$0x0] =	wrdreg $0x0  }
0xb7: {  	s5 =	sshll.u32 s28, $0x1;
	[dreg:$0x2] =	wrdreg s3  }
0xb8: {  	[dreg:$0x3] =	wrdreg s5  }
0xb9: {  	[dreg:$0x4] =	wrdreg $0xC0  }
0xba: {  	_ =	task [dreg:s22], $0x5FFFF  }
0xbb: {  	[dreg:$0x1] =	wrdreg $0xFFFFFFFF  }
0xbc: {  	[dreg:$0x0] =	wrdreg $0x60  }
0xbd: {  	[dreg:$0x2] =	wrdreg s24  }
0xbe: {  	[dreg:$0x3] =	wrdreg $0xA  }
0xbf: {  	_ =	task.clear_ibuf [dreg:s22], $0x4FFFF;
	_ =	strace $0x90000049  }
0xc0: {  	s29 =	simm.s32 $0xA;
	_ =	strace $0x8000004B  }
0xc1: {  	_ =	swait.ge [sflag:s29], $0x1  }
0xc2: {  	[sflag:s29] =	ssyncadd.s32 $0xFFFFFFFF  }
0xc3: {  	_ =	strace $0x9000004B  }
0xc4: {  	_ =	sfence  }
0xc5: {  	s30 =	sld [smem:$0x0];
	_ =	sdelay $0x2  }
0xc6: {  	s31 =	sshll.u32 s1, $0xD;
	s1 =	sshrl.u32 s1, $0x2  }
0xc7: {  	s4 =	sand.u32 $0x4000, s31;
	s1 =	sadd.s32 s1, s30  }
0xc8: {  	s0 =	sor.u32 s4, s0;
	s1 =	sshll.u32 s1, $0x11  }
0xc9: {  	s0 =	sor.u32 s1, s0  }
0xca: {  	s0 =	sadd.s32 $0x8F2B, s0  }
0xcb: {  	[sflag:s0] =	ssyncadd.remote.s32 $0x1  }
0xcc: {  	_ =	sfence.sel $0xFFFF  }
0xcd: {  	[dreg:$0x0] =	wrdreg $0xFFFFFFFF;
	(pc) =	sbr.abs _section_cstart, $3  }
0xce: {  	[dreg:$0x1] =	wrdreg $0xFFFFFFFF  }
0xcf: {  	_ =	task.clear_ibuf [dreg:s22], $0x2FFFF;
	_ =	strace $0x9FFFFFFF  }
0xd0: {  	(tm) =	ssettm $0x7FFFFFFF  }
0xd1: {  	_ =	shalt  }
tec
execute0_lowered:
.L_overlay_start_1:
0x0: {  	(tag) =	ssettag $0x1  }
0x1: {  	s5 =	rddreg [dreg:$0x0];
	v0 =	vlaneseq.u32  }
0x2: {  	s0 =	rddreg [dreg:$0x1];
	vm0 =	vmmov $0x3ff;
	v1 =	vor.u32 $0x10, v0  }
0x3: {  	s2 =	simm.s32 $0x0;
	s3 =	srdreg.scid;
	s1 =	stileid.u32;
	v2 =	vor.u32 $0x20, v0;
	v3 =	vor.u32 $0x30, v0;
	v4 =	vor.u32 $0x40, v0  }
0x4: {  	s11 =	simm.s32 $0x4000;
	s12 =	simm.s32 $0x1;
	s13 =	simm.s32 $0x8000;
	v5 =	vor.u32 $0x50, v0;
	v6 =	vor.u32 $0x60, v0;
	v7 =	vor.u32 $0x70, v0  }
0x5: {  	s14 =	simm.s32 $0xA000;
	s15 =	simm.s32 $0x2;
	s16 =	simm.s32 $0x4;
	v8 =	vor.u32 $0x80, v0;
	v9 =	vor.u32 $0x90, v0;
	v10 =	vor.u32 $0xA0, v0  }
0x6: {  	s17 =	simm.s32 $0x9000;
	s18 =	simm.s32 $0xB000;
	s19 =	simm.s32 $0x3;
	v11 =	vor.u32 $0xB0, v0;
	v12 =	vor.u32 $0xC0, v0;
	v13 =	vor.u32 $0xD0, v0  }
0x7: {  	s20 =	simm.s32 $0x0;
	s6 =	sand.u32 $0x1, s3;
	s4 =	sshll.u32 s1, $0x1;
	v14 =	vor.u32 $0xE0, v0;
	v15 =	vor.u32 $0xF0, v0;
	v16 =	vor.u32 $0x100, v0  }
0x8: {  	[smem:$0x7FF] =	sst s2;
	s3 =	sadd.s32 $0x123000, s5;
	v17 =	vor.u32 $0x110, v0;
	v18 =	vor.u32 $0x120, v0;
	v19 =	vor.u32 $0x130, v0;
	s8 =	sor.u32 s6, s4  }
0x9: {  	v20 =	vor.u32 $0x140, v0;
	v21 =	vor.u32 $0x150, v0;
	v22 =	vor.u32 $0x160, v0;
	_ =	strace $0x8000004A;
	s7 =	ssub.s32 $0x2, s6;
	s9 =	smul.u32 $0xA000, s8  }
0xa: {  	v23 =	vor.u32 $0x170, v0;
	v24 =	vor.u32 $0x180, v0;
	v25 =	vor.u32 $0x190, v0;
	s4 =	sadd.s32 $0x263000, s5;
	s10 =	sshrl.u32 s7, $0x1;
	s6 =	smul.u32 $0x50000, s8  }
0xb: {  	v26 =	vor.u32 $0x1A0, v0;
	v27 =	vor.u32 $0x1B0, v0;
	v28 =	vor.u32 $0x1C0, v0;
	s5 =	sadd.s32 $0x2B3000, s5;
	s8 =	smul.u32 $0x14000, s8;
	s10 =	ssub.s32 s7, s10  }
0xc: {  	v29 =	vor.u32 $0x1D0, v0;
	v30 =	vor.u32 $0x1E0, v0;
	v31 =	vor.u32 $0x1F0, v0;
	s7 =	sadd.s32 s3, s9;
	s9 =	sor.u32 $0x8000, s6;
	s10 =	smax.u32 s10, $0x1  }
.LBB2_1:
0xd: {  	[tilespmem:s2], [sflag:$0x1] =	stream.linear.gather [hbm4b:s7+s2], $0x4000, $0x38;
	[tilespmem:$0xC000] =	vst v63  }
0xe: {  	s21 =	simm.s32 $0x0  }
.LBB2_2:
0xf: {  	s22 =	sshllo.u32 s21, $0x1  }
0x10: {  	s23 =	sshll.u32 s22, $0xE  }
0x11: {  	s23 =	sadd.s32 s6, s23  }
0x12: {  	s23 =	sshrl.u32 s23, $0x3  }
0x13: {  	s23 =	sadd.s32 s3, s23  }
0x14: {  	[tilespmem:s11], [sflag:$0x2] =	stream.linear.gather [hbm4b:s23+s2], $0x4000, $0x38;
	[tilespmem:$0xC000] =	vst v63  }
0x15: {  	_ =	swait.ge [sflag:s12], $0x4000  }
0x16: {  	p0 =	seq.s32 s21, $0x0;
	[sflag:s12] =	ssyncset.done $0x0  }
0x17: {  	s23 =	simm.s32 @!p0 $0x3;
	[sflag:s12] =	ssyncadd.s32 $0xFFFFC000  }
0x18: {  	_ =	swait.ge @!p0 [sflag:s23], $0x1000  }
0x19: {  	[sflag:s23] =	ssyncset.done @!p0 $0x0  }
0x1a: {  	[sflag:s23] =	ssyncadd.s32 @!p0 $0xFFFFF000  }
0x1b: {  	s24 =	simm.s32 $0x80;
	_ =	swait.ge @!p0 [sflag:s23], $0x1000  }
0x1c: {  	s25 =	simm.s32 $0x0;
	s26 =	simm.s32 $0x0;
	[sflag:s23] =	ssyncset.done @!p0 $0x0  }
0x1d: {  	s28 =	simm.s32 $0x0;
	[sflag:s23] =	ssyncadd.s32 @!p0 $0xFFFFF000;
	s23 =	simm.s32 $0xFFFFFFFE  }
.LBB2_3:
0x1e: {  	s29 =	sadd.s32 $0xFFFFFF80, s24  }
0x1f: {  	s30 =	sand.u32 $0x3000, s28;
	s29 =	sand.u32 $0x300, s29  }
0x20: {  	s29 =	sor.u32 s29, s30  }
0x21: {  	v32 =	vld [tilespmem:s29+$0x0]  }
0x22: {  	v33 =	vld [tilespmem:s29+$0x10]  }
0x23: {  	v34 =	vld [tilespmem:s29+$0x20]  }
0x24: {  	v35 =	vld [tilespmem:s29+$0x30]  }
0x25: {  	v36 =	vld [tilespmem:s29+$0x40]  }
0x26: {  	v43 =	vld [tilespmem:s29+$0x50];
	(xrf1) =	vsort.ascd.msk.f32 $0xffff, v32, v0  }
0x27: {  	v44 =	vld [tilespmem:s29+$0x60];
	(xrf1) =	vsort.dscd.msk.f32 $0xffff, v33, v1  }
0x28: {  	v45 =	vld [tilespmem:s29+$0x70];
	(xrf1) =	vsort.ascd.msk.f32 $0xffff, v34, v2  }
0x29: {  	v46 =	vld [tilespmem:s29+$0x400];
	(xrf1) =	vsort.dscd.msk.f32 $0xffff, v35, v3  }
0x2a: {  	v47 =	vld [tilespmem:s29+$0x410];
	(xrf1) =	vsort.ascd.msk.f32 $0xffff, v36, v4  }
0x2b: {  	v48 =	vld [tilespmem:s29+$0x420];
	(xrf1) =	vsort.dscd.msk.f32 $0xffff, v43, v5  }
0x2c: {  	v49 =	vld [tilespmem:s29+$0x430];
	(xrf1) =	vsort.ascd.msk.f32 $0xffff, v44, v6  }
0x2d: {  	v50 =	vld [tilespmem:s29+$0x440];
	(xrf1) =	vsort.dscd.msk.f32 $0xffff, v45, v7  }
0x2e: {  	v51 =	vld [tilespmem:s29+$0x450];
	(xrf1) =	vsort.ascd.msk.f32 $0xffff, v46, v8  }
0x2f: {  	v52 =	vld [tilespmem:s29+$0x460];
	(xrf1) =	vsort.dscd.msk.f32 $0xffff, v47, v9  }
0x30: {  	v53 =	vld [tilespmem:s29+$0x470];
	(xrf1) =	vsort.ascd.msk.f32 $0xffff, v48, v10  }
0x31: {  	v54 =	vld [tilespmem:s29+$0x800];
	(xrf1) =	vsort.dscd.msk.f32 $0xffff, v49, v11  }
0x32: {  	v55 =	vld [tilespmem:s29+$0x810];
	(xrf1) =	vsort.ascd.msk.f32 $0xffff, v50, v12  }
0x33: {  	v56 =	vld [tilespmem:s29+$0x820];
	(xrf1) =	vsort.dscd.msk.f32 $0xffff, v51, v13  }
0x34: {  	v57 =	vld [tilespmem:s29+$0x830];
	(xrf1) =	vsort.ascd.msk.f32 $0xffff, v52, v14  }
0x35: {  	s31 =	sand.u32 $0x3, s25;
	v58 =	vld [tilespmem:s29+$0x840];
	v37, v38, _ =	vpop (xrf1);
	(xrf1) =	vsort.dscd.msk.f32 $0xffff, v53, v15  }
0x36: {  	s31 =	sshll.u32 s31, $0x8;
	v59 =	vld [tilespmem:s29+$0x850];
	v39, v40, _ =	vpop (xrf1);
	(xrf1) =	vsort.ascd.msk.f32 $0xffff, v54, v16  }
0x37: {  	s31 =	sadd.s32 s31, s28;
	v60 =	vld [tilespmem:s29+$0x860];
	v41, v42, _ =	vpop (xrf1);
	(xrf1) =	vsort.dscd.msk.f32 $0xffff, v55, v17  }
0x38: {  	v61 =	vld [tilespmem:s29+$0x870];
	s29 =	sor.u32 $0xC00, s31;
	v43, v44, _ =	vpop (xrf1);
	(xrf1) =	vsort.ascd.msk.f32 $0xffff, v56, v18  }
0x39: {  	v62 =	vld [tilespmem:s29+$0x0];
	s29 =	sor.u32 $0xC10, s31;
	v45, v46, _ =	vpop (xrf1);
	(xrf1) =	vsort.dscd.msk.f32 $0xffff, v57, v19  }
0x3a: {  	v63 =	vld [tilespmem:s29+$0x0];
	s29 =	sor.u32 $0xC20, s31;
	v47, v48, _ =	vpop (xrf1);
	(xrf1) =	vsort.ascd.msk.f32 $0xffff, v58, v20  }
0x3b: {  	v33 =	vld [tilespmem:s29+$0x0];
	s29 =	sor.u32 $0xC30, s31;
	v49, v50, _ =	vpop (xrf1);
	(xrf1) =	vsort.dscd.msk.f32 $0xffff, v59, v21  }
0x3c: {  	v34 =	vld [tilespmem:s29+$0x0];
	s29 =	sor.u32 $0xC40, s31;
	v51, v52, _ =	vpop (xrf1);
	(xrf1) =	vsort.ascd.msk.f32 $0xffff, v60, v22  }
0x3d: {  	v35 =	vld [tilespmem:s29+$0x0];
	s29 =	sor.u32 $0xC50, s31;
	v53, v54, _ =	vpop (xrf1);
	(xrf1) =	vsort.dscd.msk.f32 $0xffff, v61, v23  }
0x3e: {  	v36 =	vld [tilespmem:s29+$0x0];
	s29 =	sor.u32 $0xC60, s31;
	v55, v56, _ =	vpop (xrf1);
	(xrf1) =	vsort.ascd.msk.f32 $0xffff, v62, v24  }
0x3f: {  	s31 =	sor.u32 $0xC70, s31;
	v32 =	vld [tilespmem:s29+$0x0];
	v57, v58, _ =	vpop (xrf1);
	(xrf1) =	vsort.dscd.msk.f32 $0xffff, v63, v25  }
0x40: {  	v59, v60, _ =	vpop (xrf1);
	(xrf1) =	vsort.ascd.msk.f32 $0xffff, v33, v26;
	v33 =	vld [tilespmem:s31+$0x0]  }
0x41: {  	v61, v62, _ =	vpop (xrf1);
	(xrf1) =	vsort.dscd.msk.f32 $0xffff, v34, v27  }
0x42: {  	v34, v63, _ =	vpop (xrf1);
	(xrf1) =	vsort.ascd.msk.f32 $0xffff, v35, v28  }
0x43: {  	vm1 =	vge.f32 v37, v39;
	v35, v0, _ =	vpop (xrf1);
	(xrf1) =	vsort.dscd.msk.f32 $0xffff, v36, v29  }
0x44: {  	(xrf1) =	vsort.ascd.msk.f32 $0xffff, v32, v30;
	v32 =	vsel vm1, v37, v39  }
0x45: {  	v38 =	vsel vm1, v38, v40;
	v36, v37, _ =	vpop (xrf1);
	vm1 =	vge.f32 v41, v43;
	(xrf1) =	vsort.dscd.msk.f32 $0xffff, v33, v31  }
0x46: {  	v39, v40, _ =	vpop (xrf1);
	v44 =	vsel vm1, v42, v44;
	(xrf1) =	vsort.ascd.msk.f32 $0xffff, v32, v38;
	v38 =	vsel vm1, v41, v43  }
0x47: {  	vm1 =	vge.f32 v45, v47;
	v32, v33, _ =	vpop (xrf1);
	(xrf1) =	vsort.dscd.msk.f32 $0xffff, v38, v44  }
0x48: {  	v42 =	vsel vm1, v45, v47;
	v48 =	vsel vm1, v46, v48;
	vm1 =	vge.f32 v49, v51  }
0x49: {  	v51 =	vsel vm1, v49, v51;
	v52 =	vsel vm1, v50, v52;
	vm1 =	vge.f32 v53, v55  }
0x4a: {  	v38, v41, _ =	vpop (xrf1);
	v53 =	vsel vm1, v53, v55;
	v55 =	vsel vm1, v54, v56;
	vm1 =	vge.f32 v57, v59  }
0x4b: {  	v44, v45, _ =	vpop (xrf1);
	(xrf1) =	vsort.ascd.msk.f32 $0xffff, v42, v48;
	v59 =	vsel vm1, v57, v59  }
0x4c: {  	v60 =	vsel vm1, v58, v60;
	vm1 =	vge.f32 v61, v34;
	(xrf1) =	vsort.dscd.msk.f32 $0xffff, v51, v52  }
0x4d: {  	v34 =	vsel vm1, v61, v34;
	v61 =	vsel vm1, v62, v63;
	vm1 =	vge.f32 v35, v36  }
0x4e: {  	v42, v43, _ =	vpop (xrf1);
	(xrf1) =	vsort.ascd.msk.f32 $0xffff, v53, v55;
	v50 =	vsel vm1, v35, v36  }
0x4f: {  	v48, v56, _ =	vpop (xrf1);
	v0 =	vsel vm1, v0, v37;
	vm1 =	vge.f32 v39, v32;
	(xrf1) =	vsort.dscd.msk.f32 $0xffff, v59, v60  }
0x50: {  	v46, v47, _ =	vpop (xrf1);
	v32 =	vsel vm1, v39, v32;
	v33 =	vsel vm1, v40, v33;
	vm1 =	vge.f32 v38, v44  }
0x51: {  	v62, v63, _ =	vpop (xrf1);
	(xrf1) =	vsort.ascd.msk.f32 $0xffff, v34, v61;
	v53 =	vsel vm1, v38, v44  }
0x52: {  	v54 =	vsel vm1, v41, v45;
	vm1 =	vge.f32 v42, v48;
	(xrf1) =	vsort.dscd.msk.f32 $0xffff, v50, v0;
	v0, v34, _ =	vpop (xrf1)  }
0x53: {  	v55 =	vsel vm1, v42, v48;
	v56 =	vsel vm1, v43, v56;
	vm1 =	vge.f32 v46, v62;
	v35, v36, _ =	vpop (xrf1)  }
0x54: {  	(xrf1) =	vsort.ascd.msk.f32 $0xffff, v32, v33;
	v59 =	vsel vm1, v46, v62;
	v32, v33, _ =	vpop (xrf1)  }
0x55: {  	v60 =	vsel vm1, v47, v63;
	(xrf1) =	vsort.dscd.msk.f32 $0xffff, v53, v54;
	vm1 =	vge.f32 v0, v35;
	v57, v58, _ =	vpop (xrf1)  }
0x56: {  	(xrf1) =	vsort.ascd.msk.f32 $0xffff, v55, v56;
	v0 =	vsel vm1, v0, v35;
	v61, v62, _ =	vpop (xrf1)  }
0x57: {  	v34 =	vsel vm1, v34, v36;
	(xrf1) =	vsort.dscd.msk.f32 $0xffff, v59, v60;
	vm1 =	vge.f32 v32, v57;
	v37, v38, _ =	vpop (xrf1)  }
0x58: {  	(xrf1) =	vsort.ascd.msk.f32 $0xffff, v0, v34;
	v0 =	vsel vm1, v32, v57;
	v44 =	vsel vm1, v33, v58;
	v63, v43, _ =	vpop (xrf1)  }
0x59: {  	vm1 =	vge.f32 v61, v37;
	v46, v45, _ =	vpop (xrf1);
	(xrf1) =	vsort.dscd.msk.f32 $0xffff, v0, v44  }
0x5a: {  	v0 =	vsel vm1, v61, v37;
	v47 =	vsel vm1, v62, v38;
	vm1 =	vge.f32 v63, v46  }
0x5b: {  	v48, v49, _ =	vpop (xrf1);
	(xrf1) =	vsort.ascd.msk.f32 $0xffff, v0, v47;
	v0 =	vsel vm1, v63, v46  }
0x5c: {  	v50 =	vsel vm1, v43, v45  }
0x5d: {  	v51, v52, _ =	vpop (xrf1);
	(xrf1) =	vsort.dscd.msk.f32 $0xffff, v0, v50  }
0x5e: {  	v0, v32, _ =	vpop (xrf1)  }
0x5f: {  	v53, v54, _ =	vpop (xrf1)  }
0x60: {  	vm1 =	vge.f32 v48, v51;
	v55, v56, _ =	vpop (xrf1)  }
0x61: {  	v33 =	vsel vm1, v48, v51;
	v34 =	vsel vm1, v49, v52;
	vm1 =	vge.f32 v0, v53;
	v57, v58, _ =	vpop (xrf1)  }
0x62: {  	v32 =	vsel vm1, v32, v54;
	v60, v59, _ =	vpop (xrf1)  }
0x63: {  	(xrf1) =	vsort.ascd.msk.f32 $0xffff, v33, v34;
	v0 =	vsel vm1, v0, v53;
	v61, v62, _ =	vpop (xrf1)  }
0x64: {  	(xrf1) =	vsort.dscd.msk.f32 $0xffff, v0, v32;
	vm1 =	vge.f32 v55, v57;
	v63, v47, _ =	vpop (xrf1)  }
0x65: {  	v48 =	vsel vm1, v55, v57;
	v49 =	vsel vm1, v56, v58;
	vm1 =	vge.f32 v60, v61;
	v33, v34, _ =	vpop (xrf1)  }
0x66: {  	v52 =	vsel vm1, v60, v61;
	v53 =	vsel vm1, v59, v62;
	v0, v32, _ =	vpop (xrf1);
	vm1 =	vge.f32 v63, v33  }
0x67: {  	v50, v51, _ =	vpop (xrf1);
	v34 =	vsel vm1, v47, v34  }
0x68: {  	(xrf1) =	vsort.ascd.msk.f32 $0xffff, v48, v49;
	v33 =	vsel vm1, v63, v33;
	v54, v55, _ =	vpop (xrf1)  }
0x69: {  	(xrf1) =	vsort.dscd.msk.f32 $0xffff, v52, v53;
	vm1 =	vge.f32 v0, v50;
	v35, v36, _ =	vpop (xrf1)  }
0x6a: {  	(xrf1) =	vsort.ascd.msk.f32 $0xffff, v33, v34;
	v0 =	vsel vm1, v0, v50;
	v32 =	vsel vm1, v32, v51;
	v56, v57, _ =	vpop (xrf1)  }
0x6b: {  	(xrf1) =	vsort.dscd.msk.f32 $0xffff, v0, v32;
	vm1 =	vge.f32 v54, v35;
	v33, v34, _ =	vpop (xrf1)  }
0x6c: {  	v0 =	vsel vm1, v54, v35;
	v58 =	vsel vm1, v55, v36;
	vm1 =	vge.f32 v56, v33  }
0x6d: {  	(xrf1) =	vsort.ascd.msk.f32 $0xffff, v0, v58;
	v0 =	vsel vm1, v56, v33;
	v59 =	vsel vm1, v57, v34  }
0x6e: {  	(xrf1) =	vsort.dscd.msk.f32 $0xffff, v0, v59;
	_ =	sdelay $0x6  }
0x6f: {  	v0, v32, _ =	vpop (xrf1)  }
0x70: {  	v60, v61, _ =	vpop (xrf1)  }
0x71: {  	v62, v63, _ =	vpop (xrf1)  }
0x72: {  	v45, v46, _ =	vpop (xrf1)  }
0x73: {  	vm1 =	vge.f32 v0, v60;
	v47, v48, _ =	vpop (xrf1)  }
0x74: {  	v0 =	vsel vm1, v0, v60;
	v32 =	vsel vm1, v32, v61;
	vm1 =	vge.f32 v62, v45;
	v49, v50, _ =	vpop (xrf1)  }
0x75: {  	(xrf1) =	vsort.ascd.msk.f32 $0xffff, v0, v32;
	v0 =	vsel vm1, v62, v45;
	v53 =	vsel vm1, v63, v46;
	v51, v52, _ =	vpop (xrf1)  }
0x76: {  	(xrf1) =	vsort.dscd.msk.f32 $0xffff, v0, v53;
	vm1 =	vge.f32 v47, v49;
	v54, v55, _ =	vpop (xrf1)  }
0x77: {  	v0 =	vsel vm1, v47, v49;
	v56 =	vsel vm1, v48, v50;
	vm1 =	vge.f32 v51, v54  }
0x78: {  	(xrf1) =	vsort.ascd.msk.f32 $0xffff, v0, v56;
	v0 =	vsel vm1, v51, v54;
	v57 =	vsel vm1, v52, v55  }
0x79: {  	(xrf1) =	vsort.dscd.msk.f32 $0xffff, v0, v57;
	_ =	sdelay $0xa  }
0x7a: {  	v0, v32, _ =	vpop (xrf1)  }
0x7b: {  	v58, v59, _ =	vpop (xrf1)  }
0x7c: {  	v60, v61, _ =	vpop (xrf1)  }
0x7d: {  	vm1 =	vge.f32 v0, v58;
	v62, v63, _ =	vpop (xrf1)  }
0x7e: {  	v0 =	vsel vm1, v0, v58;
	v32 =	vsel vm1, v32, v59;
	vm1 =	vge.f32 v60, v62  }
0x7f: {  	(xrf1) =	vsort.ascd.msk.f32 $0xffff, v0, v32;
	v0 =	vsel vm1, v60, v62;
	v38 =	vsel vm1, v61, v63  }
0x80: {  	(xrf1) =	vsort.dscd.msk.f32 $0xffff, v0, v38;
	_ =	sdelay $0xc  }
0x81: {  	v0, v32, _ =	vpop (xrf1)  }
0x82: {  	v39, v40, _ =	vpop (xrf1)  }
0x83: {  	vm1 =	vge.f32 v0, v39  }
0x84: {  	v0 =	vsel vm1, v0, v39;
	v32 =	vsel vm1, v32, v40  }
0x85: {  	(xrf1) =	vsort.dscd.msk.f32 $0xffff, v0, v32;
	_ =	sdelay $0xd  }
0x86: {  	v0, v32, _ =	vpop (xrf1)  }
0x87: {  	v41 =	vbroadcast v0, $0x0;
	_ =	sdelay $0x1  }
0x88: {  	v0 =	vsub.f32 v0, v41;
	_ =	sdelay $0x1  }
0x89: {  	v0 =	vmul.f32 $1.442695020e+00, v0;
	_ =	sdelay $0x1  }
0x8a: {  	(erf) = vpow2.f32 v0;
	_ =	sdelay $0x8  }
0x8b: {  	v0 =	vpop (erf)  }
0x8c: {  	v0 =	vnsel vm0, $0x0, v0  }
0x8d: {  	(xrf2) =	vadd.scan.msk.f32 $0xffff, v0;
	_ =	sdelay $0x9  }
0x8e: {  	v42, _, _ =	vpop (xrf2)  }
0x8f: {  	v33 =	vbroadcast v42, $0xF;
	_ =	sdelay $0x1  }
0x90: {  	(erf) = vrcp.f32 v33;
	_ =	sdelay $0x8  }
0x91: {  	v33 =	vpop (erf)  }
0x92: {  	s29 =	sshra.s32 s28, $0x2;
	v0 =	vmul.f32 v33, v0  }
0x93: {  	s31 =	sand.u32 $0x380, s24;
	[tilespmem:s29+$0x8000] =	vst v32  }
0x94: {  	s30 =	sor.u32 s31, s30;
	[tilespmem:s29+$0xA000] =	vst v0  }
0x95: {  	v0 =	vld [tilespmem:s30+$0x0]  }
0x96: {  	v32 =	vld [tilespmem:s30+$0x10]  }
0x97: {  	v43 =	vld [tilespmem:s30+$0x20]  }
0x98: {  	v44 =	vld [tilespmem:s30+$0x30]  }
0x99: {  	v46 =	vlaneseq.u32;
	v45 =	vld [tilespmem:s30+$0x40]  }
0x9a: {  	(xrf1) =	vsort.ascd.msk.f32 $0xffff, v0, v46;
	v0 =	vld [tilespmem:s30+$0x50]  }
0x9b: {  	v47 =	vld [tilespmem:s30+$0x60];
	(xrf1) =	vsort.dscd.msk.f32 $0xffff, v32, v1  }
0x9c: {  	v48 =	vld [tilespmem:s30+$0x70];
	(xrf1) =	vsort.ascd.msk.f32 $0xffff, v43, v2  }
0x9d: {  	v49 =	vld [tilespmem:s30+$0x400];
	(xrf1) =	vsort.dscd.msk.f32 $0xffff, v44, v3  }
0x9e: {  	v50 =	vld [tilespmem:s30+$0x410];
	(xrf1) =	vsort.ascd.msk.f32 $0xffff, v45, v4  }
0x9f: {  	(xrf1) =	vsort.dscd.msk.f32 $0xffff, v0, v5;
	v0 =	vld [tilespmem:s30+$0x420]  }
0xa0: {  	v51 =	vld [tilespmem:s30+$0x430];
	(xrf1) =	vsort.ascd.msk.f32 $0xffff, v47, v6  }
0xa1: {  	v52 =	vld [tilespmem:s30+$0x440];
	(xrf1) =	vsort.dscd.msk.f32 $0xffff, v48, v7  }
0xa2: {  	v53 =	vld [tilespmem:s30+$0x450];
	(xrf1) =	vsort.ascd.msk.f32 $0xffff, v49, v8  }
0xa3: {  	v54 =	vld [tilespmem:s30+$0x460];
	(xrf1) =	vsort.dscd.msk.f32 $0xffff, v50, v9  }
0xa4: {  	(xrf1) =	vsort.ascd.msk.f32 $0xffff, v0, v10;
	v0 =	vld [tilespmem:s30+$0x470]  }
0xa5: {  	v55 =	vld [tilespmem:s30+$0x800];
	(xrf1) =	vsort.dscd.msk.f32 $0xffff, v51, v11  }
0xa6: {  	v56 =	vld [tilespmem:s30+$0x810];
	(xrf1) =	vsort.ascd.msk.f32 $0xffff, v52, v12  }
0xa7: {  	v57 =	vld [tilespmem:s30+$0x820];
	(xrf1) =	vsort.dscd.msk.f32 $0xffff, v53, v13  }
0xa8: {  	s31 =	sand.u32 $0x7, s26;
	v58 =	vld [tilespmem:s30+$0x830];
	(xrf1) =	vsort.ascd.msk.f32 $0xffff, v54, v14  }
0xa9: {  	s31 =	sshll.u32 s31, $0x7;
	v36, v37, _ =	vpop (xrf1);
	(xrf1) =	vsort.dscd.msk.f32 $0xffff, v0, v15;
	v0 =	vld [tilespmem:s30+$0x840]  }
0xaa: {  	s31 =	sadd.s32 s28, s31;
	v59 =	vld [tilespmem:s30+$0x850];
	v38, v39, _ =	vpop (xrf1);
	(xrf1) =	vsort.ascd.msk.f32 $0xffff, v55, v16  }
0xab: {  	s31 =	sadd.s32 $0x80, s31;
	v60 =	vld [tilespmem:s30+$0x860];
	v40, v41, _ =	vpop (xrf1);
	(xrf1) =	vsort.dscd.msk.f32 $0xffff, v56, v17  }
0xac: {  	v61 =	vld [tilespmem:s30+$0x870];
	s30 =	sor.u32 $0xC00, s31;
	v42, v43, _ =	vpop (xrf1);
	(xrf1) =	vsort.ascd.msk.f32 $0xffff, v57, v18  }
0xad: {  	v62 =	vld [tilespmem:s30+$0x0];
	s30 =	sor.u32 $0xC10, s31;
	v44, v45, _ =	vpop (xrf1);
	(xrf1) =	vsort.dscd.msk.f32 $0xffff, v58, v19  }
0xae: {  	v46, v47, _ =	vpop (xrf1);
	(xrf1) =	vsort.ascd.msk.f32 $0xffff, v0, v20;
	v0 =	vld [tilespmem:s30+$0x0];
	s30 =	sor.u32 $0xC20, s31  }
0xaf: {  	v48, v49, _ =	vpop (xrf1);
	(xrf1) =	vsort.dscd.msk.f32 $0xffff, v59, v21;
	v63 =	vld [tilespmem:s30+$0x0];
	s30 =	sor.u32 $0xC30, s31  }
0xb0: {  	v50, v51, _ =	vpop (xrf1);
	(xrf1) =	vsort.ascd.msk.f32 $0xffff, v60, v22;
	v33 =	vld [tilespmem:s30+$0x0];
	s30 =	sor.u32 $0xC40, s31  }
0xb1: {  	v52, v53, _ =	vpop (xrf1);
	(xrf1) =	vsort.dscd.msk.f32 $0xffff, v61, v23;
	v34 =	vld [tilespmem:s30+$0x0];
	s30 =	sor.u32 $0xC50, s31  }
0xb2: {  	v54, v55, _ =	vpop (xrf1);
	(xrf1) =	vsort.ascd.msk.f32 $0xffff, v62, v24;
	v35 =	vld [tilespmem:s30+$0x0];
	s30 =	sor.u32 $0xC60, s31  }
0xb3: {  	v56, v57, _ =	vpop (xrf1);
	s31 =	sor.u32 $0xC70, s31;
	(xrf1) =	vsort.dscd.msk.f32 $0xffff, v0, v25;
	v0 =	vld [tilespmem:s30+$0x0]  }
0xb4: {  	v58, v59, _ =	vpop (xrf1);
	v32 =	vld [tilespmem:s31+$0x0];
	(xrf1) =	vsort.ascd.msk.f32 $0xffff, v63, v26  }
0xb5: {  	v60, v61, _ =	vpop (xrf1);
	(xrf1) =	vsort.dscd.msk.f32 $0xffff, v33, v27  }
0xb6: {  	v33, v62, _ =	vpop (xrf1);
	(xrf1) =	vsort.ascd.msk.f32 $0xffff, v34, v28  }
0xb7: {  	v34, v63, _ =	vpop (xrf1);
	(xrf1) =	vsort.dscd.msk.f32 $0xffff, v35, v29  }
0xb8: {  	vm1 =	vge.f32 v36, v38;
	(xrf1) =	vsort.ascd.msk.f32 $0xffff, v0, v30  }
0xb9: {  	v0, v35, _ =	vpop (xrf1);
	(xrf1) =	vsort.dscd.msk.f32 $0xffff, v32, v31;
	v32 =	vsel vm1, v36, v38;
	v36 =	vsel vm1, v37, v39  }
0xba: {  	v37, v38, _ =	vpop (xrf1);
	vm1 =	vge.f32 v40, v42;
	(xrf1) =	vsort.ascd.msk.f32 $0xffff, v32, v36  }
0xbb: {  	v32 =	vsel vm1, v40, v42;
	v36 =	vsel vm1, v41, v43;
	vm1 =	vge.f32 v44, v46  }
0xbc: {  	v39, v40, _ =	vpop (xrf1);
	(xrf1) =	vsort.dscd.msk.f32 $0xffff, v32, v36;
	v46 =	vsel vm1, v44, v46;
	v47 =	vsel vm1, v45, v47  }
0xbd: {  	v41, v42, _ =	vpop (xrf1);
	vm1 =	vge.f32 v48, v50;
	(xrf1) =	vsort.ascd.msk.f32 $0xffff, v46, v47  }
0xbe: {  	v50 =	vsel vm1, v48, v50;
	v51 =	vsel vm1, v49, v51;
	vm1 =	vge.f32 v52, v54  }
0xbf: {  	v54 =	vsel vm1, v52, v54;
	v55 =	vsel vm1, v53, v55;
	vm1 =	vge.f32 v56, v58  }
0xc0: {  	v43, v44, _ =	vpop (xrf1);
	(xrf1) =	vsort.dscd.msk.f32 $0xffff, v50, v51;
	v58 =	vsel vm1, v56, v58  }
0xc1: {  	v59 =	vsel vm1, v57, v59;
	vm1 =	vge.f32 v60, v33;
	v45, v46, _ =	vpop (xrf1);
	(xrf1) =	vsort.ascd.msk.f32 $0xffff, v54, v55  }
0xc2: {  	v52 =	vsel vm1, v60, v33;
	v53 =	vsel vm1, v61, v62;
	vm1 =	vge.f32 v34, v0  }
0xc3: {  	v47, v48, _ =	vpop (xrf1);
	(xrf1) =	vsort.dscd.msk.f32 $0xffff, v58, v59;
	v0 =	vsel vm1, v34, v0  }
0xc4: {  	v55 =	vsel vm1, v63, v35;
	vm1 =	vge.f32 v37, v39;
	v54, v49, _ =	vpop (xrf1);
	(xrf1) =	vsort.ascd.msk.f32 $0xffff, v52, v53  }
0xc5: {  	v58 =	vsel vm1, v38, v40;
	v56, v57, _ =	vpop (xrf1);
	(xrf1) =	vsort.dscd.msk.f32 $0xffff, v0, v55;
	v0 =	vsel vm1, v37, v39  }
0xc6: {  	vm1 =	vge.f32 v41, v43;
	v59, v60, _ =	vpop (xrf1);
	(xrf1) =	vsort.ascd.msk.f32 $0xffff, v0, v58  }
0xc7: {  	v0 =	vsel vm1, v41, v43;
	v61 =	vsel vm1, v42, v44;
	vm1 =	vge.f32 v45, v47  }
0xc8: {  	v50 =	vsel vm1, v45, v47;
	v51 =	vsel vm1, v46, v48;
	vm1 =	vge.f32 v54, v56  }
0xc9: {  	v63, v62, _ =	vpop (xrf1);
	v34 =	vsel vm1, v49, v57  }
0xca: {  	(xrf1) =	vsort.dscd.msk.f32 $0xffff, v0, v61;
	v33 =	vsel vm1, v54, v56;
	vm1 =	vge.f32 v59, v63;
	v0, v32, _ =	vpop (xrf1)  }
0xcb: {  	v37 =	vsel vm1, v60, v62;
	v53, v52, _ =	vpop (xrf1)  }
0xcc: {  	(xrf1) =	vsort.ascd.msk.f32 $0xffff, v50, v51;
	v35 =	vsel vm1, v59, v63;
	v55, v54, _ =	vpop (xrf1)  }
0xcd: {  	(xrf1) =	vsort.dscd.msk.f32 $0xffff, v33, v34;
	vm1 =	vge.f32 v0, v53;
	v33, v34, _ =	vpop (xrf1)  }
0xce: {  	v0 =	vsel vm1, v0, v53;
	v32 =	vsel vm1, v32, v52;
	v56, v57, _ =	vpop (xrf1);
	(xrf1) =	vsort.ascd.msk.f32 $0xffff, v35, v37  }
0xcf: {  	vm1 =	vge.f32 v55, v33;
	v35, v37, _ =	vpop (xrf1);
	(xrf1) =	vsort.dscd.msk.f32 $0xffff, v0, v32  }
0xd0: {  	v0 =	vsel vm1, v55, v33;
	v58 =	vsel vm1, v54, v34;
	vm1 =	vge.f32 v56, v35  }
0xd1: {  	v59, v60, _ =	vpop (xrf1);
	(xrf1) =	vsort.ascd.msk.f32 $0xffff, v0, v58;
	v0 =	vsel vm1, v56, v35;
	_ =	sdelay $0x1  }
0xd2: {  	v61 =	vsel vm1, v57, v37;
	v63, v62, _ =	vpop (xrf1)  }
0xd3: {  	(xrf1) =	vsort.dscd.msk.f32 $0xffff, v0, v61;
	v0, v32, _ =	vpop (xrf1)  }
0xd4: {  	vm1 =	vge.f32 v59, v63;
	v49, v48, _ =	vpop (xrf1)  }
0xd5: {  	v33 =	vsel vm1, v59, v63;
	v34 =	vsel vm1, v60, v62;
	v51, v50, _ =	vpop (xrf1);
	vm1 =	vge.f32 v0, v49  }
0xd6: {  	v52, v53, _ =	vpop (xrf1);
	v32 =	vsel vm1, v32, v48  }
0xd7: {  	v0 =	vsel vm1, v0, v49;
	v55, v54, _ =	vpop (xrf1)  }
0xd8: {  	(xrf1) =	vsort.ascd.msk.f32 $0xffff, v33, v34;
	vm1 =	vge.f32 v51, v52;
	v56, v57, _ =	vpop (xrf1)  }
0xd9: {  	v58 =	vsel vm1, v51, v52;
	v59 =	vsel vm1, v50, v53;
	v33, v34, _ =	vpop (xrf1);
	vm1 =	vge.f32 v55, v56  }
0xda: {  	(xrf1) =	vsort.dscd.msk.f32 $0xffff, v0, v32;
	v0, v32, _ =	vpop (xrf1);
	v36 =	vsel vm1, v54, v57  }
0xdb: {  	v35 =	vsel vm1, v55, v56;
	vm1 =	vge.f32 v33, v0  }
0xdc: {  	v60, v61, _ =	vpop (xrf1);
	v32 =	vsel vm1, v34, v32  }
0xdd: {  	(xrf1) =	vsort.ascd.msk.f32 $0xffff, v58, v59;
	v37, v38, _ =	vpop (xrf1);
	v0 =	vsel vm1, v33, v0  }
0xde: {  	(xrf1) =	vsort.dscd.msk.f32 $0xffff, v35, v36;
	v35, v36, _ =	vpop (xrf1)  }
0xdf: {  	vm1 =	vge.f32 v60, v37;
	v62, v63, _ =	vpop (xrf1)  }
0xe0: {  	v37 =	vsel vm1, v60, v37;
	v38 =	vsel vm1, v61, v38;
	(xrf1) =	vsort.ascd.msk.f32 $0xffff, v0, v32;
	v0, v32, _ =	vpop (xrf1)  }
0xe1: {  	(xrf1) =	vsort.dscd.msk.f32 $0xffff, v37, v38;
	vm1 =	vge.f32 v35, v62;
	v44, v45, _ =	vpop (xrf1)  }
0xe2: {  	v33 =	vsel vm1, v35, v62;
	v34 =	vsel vm1, v36, v63;
	vm1 =	vge.f32 v0, v44  }
0xe3: {  	(xrf1) =	vsort.ascd.msk.f32 $0xffff, v33, v34;
	v0 =	vsel vm1, v0, v44;
	v32 =	vsel vm1, v32, v45  }
0xe4: {  	(xrf1) =	vsort.dscd.msk.f32 $0xffff, v0, v32;
	_ =	sdelay $0x5  }
0xe5: {  	v0, v32, _ =	vpop (xrf1)  }
0xe6: {  	v33, v34, _ =	vpop (xrf1)  }
0xe7: {  	v46, v47, _ =	vpop (xrf1)  }
0xe8: {  	vm1 =	vge.f32 v0, v33;
	v37, v38, _ =	vpop (xrf1)  }
0xe9: {  	v0 =	vsel vm1, v0, v33;
	v32 =	vsel vm1, v32, v34;
	vm1 =	vge.f32 v46, v37  }
0xea: {  	v48, v49, _ =	vpop (xrf1);
	(xrf1) =	vsort.ascd.msk.f32 $0xffff, v0, v32;
	v0 =	vsel vm1, v46, v37  }
0xeb: {  	v50, v51, _ =	vpop (xrf1)  }
0xec: {  	v52 =	vsel vm1, v47, v38;
	v53, v54, _ =	vpop (xrf1)  }
0xed: {  	(xrf1) =	vsort.dscd.msk.f32 $0xffff, v0, v52;
	vm1 =	vge.f32 v48, v50;
	v0, v32, _ =	vpop (xrf1)  }
0xee: {  	v33 =	vsel vm1, v48, v50;
	v34 =	vsel vm1, v49, v51;
	vm1 =	vge.f32 v53, v0  }
0xef: {  	(xrf1) =	vsort.ascd.msk.f32 $0xffff, v33, v34;
	v0 =	vsel vm1, v53, v0;
	v32 =	vsel vm1, v54, v32  }
0xf0: {  	(xrf1) =	vsort.dscd.msk.f32 $0xffff, v0, v32;
	_ =	sdelay $0xa  }
0xf1: {  	v0, v32, _ =	vpop (xrf1)  }
0xf2: {  	v33, v34, _ =	vpop (xrf1)  }
0xf3: {  	v55, v56, _ =	vpop (xrf1)  }
0xf4: {  	vm1 =	vge.f32 v0, v33;
	v57, v58, _ =	vpop (xrf1)  }
0xf5: {  	v0 =	vsel vm1, v0, v33;
	v32 =	vsel vm1, v32, v34;
	vm1 =	vge.f32 v55, v57  }
0xf6: {  	(xrf1) =	vsort.ascd.msk.f32 $0xffff, v0, v32;
	v0 =	vsel vm1, v55, v57;
	v59 =	vsel vm1, v56, v58  }
0xf7: {  	(xrf1) =	vsort.dscd.msk.f32 $0xffff, v0, v59;
	_ =	sdelay $0xc  }
0xf8: {  	v0, v32, _ =	vpop (xrf1)  }
0xf9: {  	v60, v61, _ =	vpop (xrf1)  }
0xfa: {  	vm1 =	vge.f32 v0, v60  }
0xfb: {  	v0 =	vsel vm1, v0, v60;
	v32 =	vsel vm1, v32, v61  }
0xfc: {  	(xrf1) =	vsort.dscd.msk.f32 $0xffff, v0, v32;
	_ =	sdelay $0xd  }
0xfd: {  	v0, v32, _ =	vpop (xrf1)  }
0xfe: {  	v62 =	vbroadcast v0, $0x0;
	_ =	sdelay $0x1  }
0xff: {  	v0 =	vsub.f32 v0, v62;
	_ =	sdelay $0x1  }
0x100: {  	v0 =	vmul.f32 $1.442695020e+00, v0;
	_ =	sdelay $0x1  }
0x101: {  	(erf) = vpow2.f32 v0;
	_ =	sdelay $0x8  }
0x102: {  	v0 =	vpop (erf)  }
0x103: {  	v0 =	vnsel vm0, $0x0, v0  }
0x104: {  	(xrf2) =	vadd.scan.msk.f32 $0xffff, v0;
	_ =	sdelay $0x9  }
0x105: {  	v63, _, _ =	vpop (xrf2)  }
0x106: {  	v33 =	vbroadcast v63, $0xF;
	_ =	sdelay $0x1  }
0x107: {  	(erf) = vrcp.f32 v33;
	_ =	sdelay $0x5  }
0x108: {  	s23 =	sadd.s32 $0x2, s23  }
0x109: {  	p1 =	slt.u32 s23, $0x1E  }
.Ltmp0:
0x10a: {  	_ = 	snop;
	(pc) =	sbr.rel @p1 .LBB2_3-.Ltmp0, $4  }
0x10b: {  	v33 =	vpop (erf)  }
0x10c: {  	v0 =	vmul.f32 v33, v0  }
0x10d: {  	s25 =	sadd.s32 $0x1, s25;
	[tilespmem:s29+$0x8080] =	vst v32  }
0x10e: {  	s24 =	sadd.s32 $0x100, s24;
	s26 =	sadd.s32 $0x2, s26;
	s28 =	sadd.s32 $0x400, s28;
	[tilespmem:s29+$0xA080] =	vst v0;
	v0 =	vlaneseq.u32  }
0x10f: {  	s23 =	sshll.u32 s21, $0xD  }
0x110: {  	p1 =	sne.s32 s21, $0x9;
	s23 =	sadd.s32 s8, s23  }
.Ltmp1:
0x111: {  	s23 =	sshrl.u32 s23, $0x3;
	(pc) =	sbr.rel @p1 .LBB2_6-.Ltmp1, $4  }
0x112: {  	s24 =	sadd.s32 s4, s23  }
0x113: {  	[hbm4b:s24+s2] =	stream.linear.scatter [tilespmem:s13], [sflag:$0x3], $0x1000, $0x38;
	[tilespmem:$0xC000] =	vst v63  }
0x114: {  	s23 =	sadd.s32 s5, s23  }
0x115: {  	[hbm4b:s23+s2] =	stream.linear.scatter [tilespmem:s14], [sflag:$0x3], $0x1000, $0x38;
	[tilespmem:$0xC000] =	vst v63  }
.Ltmp2:
0x116: {  	(pc) =	sbr.rel .LBB2_7-.Ltmp2, $4  }
0x117: {  	_ = 	snop  }
0x118: {  	_ =	swait.ge [sflag:s15], $0x4000  }
0x119: {  	[sflag:s15] =	ssyncset.done $0x0  }
0x11a: {  	[sflag:s15] =	ssyncadd.s32 $0xFFFFC000  }
.LBB2_6:
0x11b: {  	s23 =	sshll.u32 s21, $0xF  }
0x11c: {  	s23 =	sadd.s32 s23, s9  }
0x11d: {  	s23 =	sshrl.u32 s23, $0x3  }
.Ltmp3:
0x11e: {  	s23 =	sadd.s32 s3, s23;
	(pc) =	sbr.rel @p0 .LBB2_8-.Ltmp3, $4  }
0x11f: {  	[tilespmem:s2], [sflag:$0x1] =	stream.linear.gather [hbm4b:s23+s2], $0x4000, $0x38;
	[tilespmem:$0xC000] =	vst v63  }
0x120: {  	_ =	swait.ge [sflag:s15], $0x4000  }
0x121: {  	[sflag:s15] =	ssyncset.done $0x0  }
0x122: {  	[sflag:s15] =	ssyncadd.s32 $0xFFFFC000  }
.LBB2_7:
0x123: {  	_ =	swait.ge [sflag:s16], $0x1000  }
0x124: {  	[sflag:s16] =	ssyncset.done $0x0  }
0x125: {  	[sflag:s16] =	ssyncadd.s32 $0xFFFFF000  }
0x126: {  	_ =	swait.ge [sflag:s16], $0x1000  }
0x127: {  	[sflag:s16] =	ssyncset.done $0x0  }
0x128: {  	[sflag:s16] =	ssyncadd.s32 $0xFFFFF000  }
.LBB2_8:
0x129: {  	s23 =	simm.s32 $0xFFFFFFFE;
	s24 =	simm.s32 $0x80  }
0x12a: {  	s25 =	simm.s32 $0x0;
	s26 =	simm.s32 $0x0;
	s28 =	simm.s32 $0x0  }
.LBB2_9:
0x12b: {  	s29 =	sand.u32 $0x3000, s28;
	s30 =	sadd.s32 $0xFFFFFF80, s24  }
0x12c: {  	s31 =	sand.u32 $0x300, s30;
	s30 =	sor.u32 $0x4000, s29  }
0x12d: {  	s29 =	sor.u32 s31, s30  }
0x12e: {  	v0 =	vld [tilespmem:s29+$0x0]  }
0x12f: {  	v32 =	vld [tilespmem:s29+$0x10]  }
0x130: {  	v33 =	vld [tilespmem:s29+$0x20]  }
0x131: {  	v34 =	vld [tilespmem:s29+$0x30]  }
0x132: {  	v36 =	vlaneseq.u32;
	v35 =	vld [tilespmem:s29+$0x40]  }
0x133: {  	(xrf1) =	vsort.ascd.msk.f32 $0xffff, v0, v36;
	v0 =	vld [tilespmem:s29+$0x50]  }
0x134: {  	v47 =	vld [tilespmem:s29+$0x60];
	(xrf1) =	vsort.dscd.msk.f32 $0xffff, v32, v1  }
0x135: {  	v48 =	vld [tilespmem:s29+$0x70];
	(xrf1) =	vsort.ascd.msk.f32 $0xffff, v33, v2  }
0x136: {  	v49 =	vld [tilespmem:s29+$0x400];
	(xrf1) =	vsort.dscd.msk.f32 $0xffff, v34, v3  }
0x137: {  	v50 =	vld [tilespmem:s29+$0x410];
	(xrf1) =	vsort.ascd.msk.f32 $0xffff, v35, v4  }
0x138: {  	(xrf1) =	vsort.dscd.msk.f32 $0xffff, v0, v5;
	v0 =	vld [tilespmem:s29+$0x420]  }
0x139: {  	v51 =	vld [tilespmem:s29+$0x430];
	(xrf1) =	vsort.ascd.msk.f32 $0xffff, v47, v6  }
0x13a: {  	v52 =	vld [tilespmem:s29+$0x440];
	(xrf1) =	vsort.dscd.msk.f32 $0xffff, v48, v7  }
0x13b: {  	v53 =	vld [tilespmem:s29+$0x450];
	(xrf1) =	vsort.ascd.msk.f32 $0xffff, v49, v8  }
0x13c: {  	v54 =	vld [tilespmem:s29+$0x460];
	(xrf1) =	vsort.dscd.msk.f32 $0xffff, v50, v9  }
0x13d: {  	(xrf1) =	vsort.ascd.msk.f32 $0xffff, v0, v10;
	v0 =	vld [tilespmem:s29+$0x470]  }
0x13e: {  	v55 =	vld [tilespmem:s29+$0x800];
	(xrf1) =	vsort.dscd.msk.f32 $0xffff, v51, v11  }
0x13f: {  	v56 =	vld [tilespmem:s29+$0x810];
	(xrf1) =	vsort.ascd.msk.f32 $0xffff, v52, v12  }
0x140: {  	v57 =	vld [tilespmem:s29+$0x820];
	(xrf1) =	vsort.dscd.msk.f32 $0xffff, v53, v13  }
0x141: {  	v58 =	vld [tilespmem:s29+$0x830];
	(xrf1) =	vsort.ascd.msk.f32 $0xffff, v54, v14  }
0x142: {  	s31 =	sand.u32 $0x3, s25;
	v36, v37, _ =	vpop (xrf1);
	(xrf1) =	vsort.dscd.msk.f32 $0xffff, v0, v15;
	v0 =	vld [tilespmem:s29+$0x840]  }
0x143: {  	s31 =	sshll.u32 s31, $0x8;
	v59 =	vld [tilespmem:s29+$0x850];
	v38, v39, _ =	vpop (xrf1);
	(xrf1) =	vsort.ascd.msk.f32 $0xffff, v55, v16  }
0x144: {  	v60 =	vld [tilespmem:s29+$0x860];
	s31 =	sadd.s32 s31, s28;
	v40, v41, _ =	vpop (xrf1);
	(xrf1) =	vsort.dscd.msk.f32 $0xffff, v56, v17  }
0x145: {  	v61 =	vld [tilespmem:s29+$0x870];
	s29 =	sor.u32 $0xC00, s31;
	v42, v43, _ =	vpop (xrf1);
	(xrf1) =	vsort.ascd.msk.f32 $0xffff, v57, v18  }
0x146: {  	v62 =	vld [tilespmem:s29+$0x4000];
	s29 =	sor.u32 $0xC10, s31;
	v44, v45, _ =	vpop (xrf1);
	(xrf1) =	vsort.dscd.msk.f32 $0xffff, v58, v19  }
0x147: {  	v46, v47, _ =	vpop (xrf1);
	(xrf1) =	vsort.ascd.msk.f32 $0xffff, v0, v20;
	v0 =	vld [tilespmem:s29+$0x4000];
	s29 =	sor.u32 $0xC20, s31  }
0x148: {  	v48, v49, _ =	vpop (xrf1);
	(xrf1) =	vsort.dscd.msk.f32 $0xffff, v59, v21;
	v63 =	vld [tilespmem:s29+$0x4000];
	s29 =	sor.u32 $0xC30, s31  }
0x149: {  	v50, v51, _ =	vpop (xrf1);
	(xrf1) =	vsort.ascd.msk.f32 $0xffff, v60, v22;
	v33 =	vld [tilespmem:s29+$0x4000];
	s29 =	sor.u32 $0xC40, s31  }
0x14a: {  	v52, v53, _ =	vpop (xrf1);
	(xrf1) =	vsort.dscd.msk.f32 $0xffff, v61, v23;
	v34 =	vld [tilespmem:s29+$0x4000];
	s29 =	sor.u32 $0xC50, s31  }
0x14b: {  	v54, v55, _ =	vpop (xrf1);
	(xrf1) =	vsort.ascd.msk.f32 $0xffff, v62, v24;
	v35 =	vld [tilespmem:s29+$0x4000];
	s29 =	sor.u32 $0xC60, s31  }
0x14c: {  	v56, v57, _ =	vpop (xrf1);
	s31 =	sor.u32 $0xC70, s31;
	(xrf1) =	vsort.dscd.msk.f32 $0xffff, v0, v25;
	v0 =	vld [tilespmem:s29+$0x4000]  }
0x14d: {  	v58, v59, _ =	vpop (xrf1);
	v32 =	vld [tilespmem:s31+$0x4000];
	(xrf1) =	vsort.ascd.msk.f32 $0xffff, v63, v26  }
0x14e: {  	v60, v61, _ =	vpop (xrf1);
	(xrf1) =	vsort.dscd.msk.f32 $0xffff, v33, v27  }
0x14f: {  	v33, v62, _ =	vpop (xrf1);
	(xrf1) =	vsort.ascd.msk.f32 $0xffff, v34, v28  }
0x150: {  	vm1 =	vge.f32 v36, v38;
	v34, v63, _ =	vpop (xrf1);
	(xrf1) =	vsort.dscd.msk.f32 $0xffff, v35, v29  }
0x151: {  	(xrf1) =	vsort.ascd.msk.f32 $0xffff, v0, v30;
	v0 =	vsel vm1, v36, v38  }
0x152: {  	v37 =	vsel vm1, v37, v39;
	v35, v36, _ =	vpop (xrf1);
	vm1 =	vge.f32 v40, v42;
	(xrf1) =	vsort.dscd.msk.f32 $0xffff, v32, v31  }
0x153: {  	v38, v39, _ =	vpop (xrf1);
	(xrf1) =	vsort.ascd.msk.f32 $0xffff, v0, v37;
	v37 =	vsel vm1, v40, v42;
	v40 =	vsel vm1, v41, v43  }
0x154: {  	vm1 =	vge.f32 v44, v46;
	v0, v32, _ =	vpop (xrf1);
	(xrf1) =	vsort.dscd.msk.f32 $0xffff, v37, v40  }
0x155: {  	v41 =	vsel vm1, v44, v46;
	v42 =	vsel vm1, v45, v47;
	vm1 =	vge.f32 v48, v50  }
0x156: {  	v50 =	vsel vm1, v48, v50;
	v51 =	vsel vm1, v49, v51;
	vm1 =	vge.f32 v52, v54  }
0x157: {  	v54 =	vsel vm1, v52, v54;
	v55 =	vsel vm1, v53, v55;
	vm1 =	vge.f32 v56, v58  }
0x158: {  	v37, v40, _ =	vpop (xrf1);
	v58 =	vsel vm1, v56, v58;
	v59 =	vsel vm1, v57, v59;
	vm1 =	vge.f32 v60, v33  }
0x159: {  	v43, v44, _ =	vpop (xrf1);
	(xrf1) =	vsort.ascd.msk.f32 $0xffff, v41, v42;
	v33 =	vsel vm1, v60, v33  }
0x15a: {  	v60 =	vsel vm1, v61, v62;
	vm1 =	vge.f32 v34, v35;
	(xrf1) =	vsort.dscd.msk.f32 $0xffff, v50, v51  }
0x15b: {  	v41, v42, _ =	vpop (xrf1);
	v49 =	vsel vm1, v34, v35;
	(xrf1) =	vsort.ascd.msk.f32 $0xffff, v54, v55  }
0x15c: {  	v52 =	vsel vm1, v63, v36;
	vm1 =	vge.f32 v38, v0;
	v47, v48, _ =	vpop (xrf1);
	(xrf1) =	vsort.dscd.msk.f32 $0xffff, v58, v59  }
0x15d: {  	v0 =	vsel vm1, v38, v0;
	v45, v46, _ =	vpop (xrf1);
	(xrf1) =	vsort.ascd.msk.f32 $0xffff, v33, v60  }
0x15e: {  	v32 =	vsel vm1, v39, v32;
	vm1 =	vge.f32 v37, v43;
	v61, v62, _ =	vpop (xrf1);
	(xrf1) =	vsort.dscd.msk.f32 $0xffff, v49, v52  }
0x15f: {  	v55 =	vsel vm1, v40, v44;
	v33, v34, _ =	vpop (xrf1);
	(xrf1) =	vsort.ascd.msk.f32 $0xffff, v0, v32;
	v0 =	vsel vm1, v37, v43  }
0x160: {  	v53, v54, _ =	vpop (xrf1);
	vm1 =	vge.f32 v41, v47;
	(xrf1) =	vsort.dscd.msk.f32 $0xffff, v0, v55  }
0x161: {  	v56 =	vsel vm1, v41, v47;
	v57 =	vsel vm1, v42, v48;
	vm1 =	vge.f32 v45, v61  }
0x162: {  	v60 =	vsel vm1, v45, v61;
	v61 =	vsel vm1, v46, v62;
	vm1 =	vge.f32 v33, v53;
	v0, v32, _ =	vpop (xrf1)  }
0x163: {  	v34 =	vsel vm1, v34, v54;
	v58, v59, _ =	vpop (xrf1)  }
0x164: {  	(xrf1) =	vsort.ascd.msk.f32 $0xffff, v56, v57;
	v33 =	vsel vm1, v33, v53;
	v62, v63, _ =	vpop (xrf1)  }
0x165: {  	(xrf1) =	vsort.dscd.msk.f32 $0xffff, v60, v61;
	vm1 =	vge.f32 v0, v58;
	v37, v38, _ =	vpop (xrf1)  }
0x166: {  	(xrf1) =	vsort.ascd.msk.f32 $0xffff, v33, v34;
	v0 =	vsel vm1, v0, v58;
	v32 =	vsel vm1, v32, v59;
	v45, v46, _ =	vpop (xrf1)  }
0x167: {  	vm1 =	vge.f32 v62, v37;
	v33, v34, _ =	vpop (xrf1);
	(xrf1) =	vsort.dscd.msk.f32 $0xffff, v0, v32  }
0x168: {  	v0 =	vsel vm1, v62, v37;
	v47 =	vsel vm1, v63, v38;
	vm1 =	vge.f32 v45, v33  }
0x169: {  	v48, v49, _ =	vpop (xrf1);
	(xrf1) =	vsort.ascd.msk.f32 $0xffff, v0, v47;
	v0 =	vsel vm1, v45, v33  }
0x16a: {  	v50 =	vsel vm1, v46, v34  }
0x16b: {  	v51, v52, _ =	vpop (xrf1);
	(xrf1) =	vsort.dscd.msk.f32 $0xffff, v0, v50  }
0x16c: {  	v0, v32, _ =	vpop (xrf1)  }
0x16d: {  	v53, v54, _ =	vpop (xrf1)  }
0x16e: {  	vm1 =	vge.f32 v48, v51;
	v55, v56, _ =	vpop (xrf1)  }
0x16f: {  	v33 =	vsel vm1, v48, v51;
	v34 =	vsel vm1, v49, v52;
	vm1 =	vge.f32 v0, v53;
	v57, v58, _ =	vpop (xrf1)  }
0x170: {  	v32 =	vsel vm1, v32, v54;
	v59, v60, _ =	vpop (xrf1)  }
0x171: {  	(xrf1) =	vsort.ascd.msk.f32 $0xffff, v33, v34;
	v0 =	vsel vm1, v0, v53;
	v61, v62, _ =	vpop (xrf1)  }
0x172: {  	(xrf1) =	vsort.dscd.msk.f32 $0xffff, v0, v32;
	vm1 =	vge.f32 v55, v57;
	v63, v47, _ =	vpop (xrf1)  }
0x173: {  	v48 =	vsel vm1, v55, v57;
	v49 =	vsel vm1, v56, v58;
	vm1 =	vge.f32 v59, v61;
	v33, v34, _ =	vpop (xrf1)  }
0x174: {  	v52 =	vsel vm1, v59, v61;
	v53 =	vsel vm1, v60, v62;
	v0, v32, _ =	vpop (xrf1);
	vm1 =	vge.f32 v63, v33  }
0x175: {  	v50, v51, _ =	vpop (xrf1);
	v34 =	vsel vm1, v47, v34  }
0x176: {  	(xrf1) =	vsort.ascd.msk.f32 $0xffff, v48, v49;
	v33 =	vsel vm1, v63, v33;
	v54, v55, _ =	vpop (xrf1)  }
0x177: {  	(xrf1) =	vsort.dscd.msk.f32 $0xffff, v52, v53;
	vm1 =	vge.f32 v0, v50;
	v35, v36, _ =	vpop (xrf1)  }
0x178: {  	(xrf1) =	vsort.ascd.msk.f32 $0xffff, v33, v34;
	v0 =	vsel vm1, v0, v50;
	v32 =	vsel vm1, v32, v51;
	v56, v57, _ =	vpop (xrf1)  }
0x179: {  	(xrf1) =	vsort.dscd.msk.f32 $0xffff, v0, v32;
	vm1 =	vge.f32 v54, v35;
	v33, v34, _ =	vpop (xrf1)  }
0x17a: {  	v0 =	vsel vm1, v54, v35;
	v58 =	vsel vm1, v55, v36;
	vm1 =	vge.f32 v56, v33  }
0x17b: {  	(xrf1) =	vsort.ascd.msk.f32 $0xffff, v0, v58;
	v0 =	vsel vm1, v56, v33;
	v59 =	vsel vm1, v57, v34  }
0x17c: {  	(xrf1) =	vsort.dscd.msk.f32 $0xffff, v0, v59;
	_ =	sdelay $0x6  }
0x17d: {  	v0, v32, _ =	vpop (xrf1)  }
0x17e: {  	v60, v61, _ =	vpop (xrf1)  }
0x17f: {  	v62, v63, _ =	vpop (xrf1)  }
0x180: {  	v45, v46, _ =	vpop (xrf1)  }
0x181: {  	vm1 =	vge.f32 v0, v60;
	v47, v48, _ =	vpop (xrf1)  }
0x182: {  	v0 =	vsel vm1, v0, v60;
	v32 =	vsel vm1, v32, v61;
	vm1 =	vge.f32 v62, v45;
	v49, v50, _ =	vpop (xrf1)  }
0x183: {  	(xrf1) =	vsort.ascd.msk.f32 $0xffff, v0, v32;
	v0 =	vsel vm1, v62, v45;
	v53 =	vsel vm1, v63, v46;
	v51, v52, _ =	vpop (xrf1)  }
0x184: {  	(xrf1) =	vsort.dscd.msk.f32 $0xffff, v0, v53;
	vm1 =	vge.f32 v47, v49;
	v54, v55, _ =	vpop (xrf1)  }
0x185: {  	v0 =	vsel vm1, v47, v49;
	v56 =	vsel vm1, v48, v50;
	vm1 =	vge.f32 v51, v54  }
0x186: {  	(xrf1) =	vsort.ascd.msk.f32 $0xffff, v0, v56;
	v0 =	vsel vm1, v51, v54;
	v57 =	vsel vm1, v52, v55  }
0x187: {  	(xrf1) =	vsort.dscd.msk.f32 $0xffff, v0, v57;
	_ =	sdelay $0xa  }
0x188: {  	v0, v32, _ =	vpop (xrf1)  }
0x189: {  	v58, v59, _ =	vpop (xrf1)  }
0x18a: {  	v60, v61, _ =	vpop (xrf1)  }
0x18b: {  	vm1 =	vge.f32 v0, v58;
	v62, v63, _ =	vpop (xrf1)  }
0x18c: {  	v0 =	vsel vm1, v0, v58;
	v32 =	vsel vm1, v32, v59;
	vm1 =	vge.f32 v60, v62  }
0x18d: {  	(xrf1) =	vsort.ascd.msk.f32 $0xffff, v0, v32;
	v0 =	vsel vm1, v60, v62;
	v38 =	vsel vm1, v61, v63  }
0x18e: {  	(xrf1) =	vsort.dscd.msk.f32 $0xffff, v0, v38;
	_ =	sdelay $0xc  }
0x18f: {  	v0, v32, _ =	vpop (xrf1)  }
0x190: {  	v39, v40, _ =	vpop (xrf1)  }
0x191: {  	vm1 =	vge.f32 v0, v39  }
0x192: {  	v0 =	vsel vm1, v0, v39;
	v32 =	vsel vm1, v32, v40  }
0x193: {  	(xrf1) =	vsort.dscd.msk.f32 $0xffff, v0, v32;
	_ =	sdelay $0xd  }
0x194: {  	v0, v32, _ =	vpop (xrf1)  }
0x195: {  	v41 =	vbroadcast v0, $0x0;
	_ =	sdelay $0x1  }
0x196: {  	v0 =	vsub.f32 v0, v41;
	_ =	sdelay $0x1  }
0x197: {  	v0 =	vmul.f32 $1.442695020e+00, v0;
	_ =	sdelay $0x1  }
0x198: {  	(erf) = vpow2.f32 v0;
	_ =	sdelay $0x8  }
0x199: {  	v0 =	vpop (erf)  }
0x19a: {  	v0 =	vnsel vm0, $0x0, v0  }
0x19b: {  	(xrf2) =	vadd.scan.msk.f32 $0xffff, v0;
	_ =	sdelay $0x9  }
0x19c: {  	v42, _, _ =	vpop (xrf2)  }
0x19d: {  	v33 =	vbroadcast v42, $0xF;
	_ =	sdelay $0x1  }
0x19e: {  	(erf) = vrcp.f32 v33;
	_ =	sdelay $0x8  }
0x19f: {  	v33 =	vpop (erf)  }
0x1a0: {  	s29 =	sshra.s32 s28, $0x2;
	v0 =	vmul.f32 v33, v0  }
0x1a1: {  	s31 =	sand.u32 $0x380, s24;
	[tilespmem:s29+$0x9000] =	vst v32  }
0x1a2: {  	s30 =	sor.u32 s31, s30;
	[tilespmem:s29+$0xB000] =	vst v0  }
0x1a3: {  	v0 =	vld [tilespmem:s30+$0x0]  }
0x1a4: {  	v32 =	vld [tilespmem:s30+$0x10]  }
0x1a5: {  	v43 =	vld [tilespmem:s30+$0x20]  }
0x1a6: {  	v44 =	vld [tilespmem:s30+$0x30]  }
0x1a7: {  	v46 =	vlaneseq.u32;
	v45 =	vld [tilespmem:s30+$0x40]  }
0x1a8: {  	(xrf1) =	vsort.ascd.msk.f32 $0xffff, v0, v46;
	v0 =	vld [tilespmem:s30+$0x50]  }
0x1a9: {  	v47 =	vld [tilespmem:s30+$0x60];
	(xrf1) =	vsort.dscd.msk.f32 $0xffff, v32, v1  }
0x1aa: {  	v48 =	vld [tilespmem:s30+$0x70];
	(xrf1) =	vsort.ascd.msk.f32 $0xffff, v43, v2  }
0x1ab: {  	v49 =	vld [tilespmem:s30+$0x400];
	(xrf1) =	vsort.dscd.msk.f32 $0xffff, v44, v3  }
0x1ac: {  	v50 =	vld [tilespmem:s30+$0x410];
	(xrf1) =	vsort.ascd.msk.f32 $0xffff, v45, v4  }
0x1ad: {  	(xrf1) =	vsort.dscd.msk.f32 $0xffff, v0, v5;
	v0 =	vld [tilespmem:s30+$0x420]  }
0x1ae: {  	v51 =	vld [tilespmem:s30+$0x430];
	(xrf1) =	vsort.ascd.msk.f32 $0xffff, v47, v6  }
0x1af: {  	v52 =	vld [tilespmem:s30+$0x440];
	(xrf1) =	vsort.dscd.msk.f32 $0xffff, v48, v7  }
0x1b0: {  	v53 =	vld [tilespmem:s30+$0x450];
	(xrf1) =	vsort.ascd.msk.f32 $0xffff, v49, v8  }
0x1b1: {  	v54 =	vld [tilespmem:s30+$0x460];
	(xrf1) =	vsort.dscd.msk.f32 $0xffff, v50, v9  }
0x1b2: {  	(xrf1) =	vsort.ascd.msk.f32 $0xffff, v0, v10;
	v0 =	vld [tilespmem:s30+$0x470]  }
0x1b3: {  	v55 =	vld [tilespmem:s30+$0x800];
	(xrf1) =	vsort.dscd.msk.f32 $0xffff, v51, v11  }
0x1b4: {  	v56 =	vld [tilespmem:s30+$0x810];
	(xrf1) =	vsort.ascd.msk.f32 $0xffff, v52, v12  }
0x1b5: {  	v57 =	vld [tilespmem:s30+$0x820];
	(xrf1) =	vsort.dscd.msk.f32 $0xffff, v53, v13  }
0x1b6: {  	s31 =	sand.u32 $0x7, s26;
	v58 =	vld [tilespmem:s30+$0x830];
	(xrf1) =	vsort.ascd.msk.f32 $0xffff, v54, v14  }
0x1b7: {  	s31 =	sshll.u32 s31, $0x7;
	v36, v37, _ =	vpop (xrf1);
	(xrf1) =	vsort.dscd.msk.f32 $0xffff, v0, v15;
	v0 =	vld [tilespmem:s30+$0x840]  }
0x1b8: {  	s31 =	sadd.s32 s28, s31;
	v59 =	vld [tilespmem:s30+$0x850];
	v38, v39, _ =	vpop (xrf1);
	(xrf1) =	vsort.ascd.msk.f32 $0xffff, v55, v16  }
0x1b9: {  	s31 =	sadd.s32 $0x80, s31;
	v60 =	vld [tilespmem:s30+$0x860];
	v40, v41, _ =	vpop (xrf1);
	(xrf1) =	vsort.dscd.msk.f32 $0xffff, v56, v17  }
0x1ba: {  	v61 =	vld [tilespmem:s30+$0x870];
	s30 =	sor.u32 $0xC00, s31;
	v42, v43, _ =	vpop (xrf1);
	(xrf1) =	vsort.ascd.msk.f32 $0xffff, v57, v18  }
0x1bb: {  	v62 =	vld [tilespmem:s30+$0x4000];
	s30 =	sor.u32 $0xC10, s31;
	v44, v45, _ =	vpop (xrf1);
	(xrf1) =	vsort.dscd.msk.f32 $0xffff, v58, v19  }
0x1bc: {  	v46, v47, _ =	vpop (xrf1);
	(xrf1) =	vsort.ascd.msk.f32 $0xffff, v0, v20;
	v0 =	vld [tilespmem:s30+$0x4000];
	s30 =	sor.u32 $0xC20, s31  }
0x1bd: {  	v48, v49, _ =	vpop (xrf1);
	(xrf1) =	vsort.dscd.msk.f32 $0xffff, v59, v21;
	v63 =	vld [tilespmem:s30+$0x4000];
	s30 =	sor.u32 $0xC30, s31  }
0x1be: {  	v50, v51, _ =	vpop (xrf1);
	(xrf1) =	vsort.ascd.msk.f32 $0xffff, v60, v22;
	v33 =	vld [tilespmem:s30+$0x4000];
	s30 =	sor.u32 $0xC40, s31  }
0x1bf: {  	v52, v53, _ =	vpop (xrf1);
	(xrf1) =	vsort.dscd.msk.f32 $0xffff, v61, v23;
	v34 =	vld [tilespmem:s30+$0x4000];
	s30 =	sor.u32 $0xC50, s31  }
0x1c0: {  	v54, v55, _ =	vpop (xrf1);
	(xrf1) =	vsort.ascd.msk.f32 $0xffff, v62, v24;
	v35 =	vld [tilespmem:s30+$0x4000];
	s30 =	sor.u32 $0xC60, s31  }
0x1c1: {  	v56, v57, _ =	vpop (xrf1);
	s31 =	sor.u32 $0xC70, s31;
	(xrf1) =	vsort.dscd.msk.f32 $0xffff, v0, v25;
	v0 =	vld [tilespmem:s30+$0x4000]  }
0x1c2: {  	v58, v59, _ =	vpop (xrf1);
	v32 =	vld [tilespmem:s31+$0x4000];
	(xrf1) =	vsort.ascd.msk.f32 $0xffff, v63, v26  }
0x1c3: {  	v60, v61, _ =	vpop (xrf1);
	(xrf1) =	vsort.dscd.msk.f32 $0xffff, v33, v27  }
0x1c4: {  	v33, v62, _ =	vpop (xrf1);
	(xrf1) =	vsort.ascd.msk.f32 $0xffff, v34, v28  }
0x1c5: {  	v34, v63, _ =	vpop (xrf1);
	(xrf1) =	vsort.dscd.msk.f32 $0xffff, v35, v29  }
0x1c6: {  	vm1 =	vge.f32 v36, v38;
	(xrf1) =	vsort.ascd.msk.f32 $0xffff, v0, v30  }
0x1c7: {  	v0, v35, _ =	vpop (xrf1);
	(xrf1) =	vsort.dscd.msk.f32 $0xffff, v32, v31;
	v32 =	vsel vm1, v36, v38;
	v36 =	vsel vm1, v37, v39  }
0x1c8: {  	v37, v38, _ =	vpop (xrf1);
	vm1 =	vge.f32 v40, v42;
	(xrf1) =	vsort.ascd.msk.f32 $0xffff, v32, v36  }
0x1c9: {  	v32 =	vsel vm1, v40, v42;
	v36 =	vsel vm1, v41, v43;
	vm1 =	vge.f32 v44, v46  }
0x1ca: {  	v39, v40, _ =	vpop (xrf1);
	(xrf1) =	vsort.dscd.msk.f32 $0xffff, v32, v36;
	v46 =	vsel vm1, v44, v46;
	v47 =	vsel vm1, v45, v47  }
0x1cb: {  	v41, v42, _ =	vpop (xrf1);
	vm1 =	vge.f32 v48, v50;
	(xrf1) =	vsort.ascd.msk.f32 $0xffff, v46, v47  }
0x1cc: {  	v50 =	vsel vm1, v48, v50;
	v51 =	vsel vm1, v49, v51;
	vm1 =	vge.f32 v52, v54  }
0x1cd: {  	v54 =	vsel vm1, v52, v54;
	v55 =	vsel vm1, v53, v55;
	vm1 =	vge.f32 v56, v58  }
0x1ce: {  	v43, v44, _ =	vpop (xrf1);
	(xrf1) =	vsort.dscd.msk.f32 $0xffff, v50, v51;
	v58 =	vsel vm1, v56, v58  }
0x1cf: {  	v59 =	vsel vm1, v57, v59;
	vm1 =	vge.f32 v60, v33;
	v45, v46, _ =	vpop (xrf1);
	(xrf1) =	vsort.ascd.msk.f32 $0xffff, v54, v55  }
0x1d0: {  	v52 =	vsel vm1, v60, v33;
	v53 =	vsel vm1, v61, v62;
	vm1 =	vge.f32 v34, v0  }
0x1d1: {  	v47, v48, _ =	vpop (xrf1);
	(xrf1) =	vsort.dscd.msk.f32 $0xffff, v58, v59;
	v0 =	vsel vm1, v34, v0  }
0x1d2: {  	v55 =	vsel vm1, v63, v35;
	vm1 =	vge.f32 v37, v39;
	v54, v49, _ =	vpop (xrf1);
	(xrf1) =	vsort.ascd.msk.f32 $0xffff, v52, v53  }
0x1d3: {  	v58 =	vsel vm1, v38, v40;
	v56, v57, _ =	vpop (xrf1);
	(xrf1) =	vsort.dscd.msk.f32 $0xffff, v0, v55;
	v0 =	vsel vm1, v37, v39  }
0x1d4: {  	vm1 =	vge.f32 v41, v43;
	v59, v60, _ =	vpop (xrf1);
	(xrf1) =	vsort.ascd.msk.f32 $0xffff, v0, v58  }
0x1d5: {  	v0 =	vsel vm1, v41, v43;
	v61 =	vsel vm1, v42, v44;
	vm1 =	vge.f32 v45, v47  }
0x1d6: {  	v50 =	vsel vm1, v45, v47;
	v51 =	vsel vm1, v46, v48;
	vm1 =	vge.f32 v54, v56  }
0x1d7: {  	v63, v62, _ =	vpop (xrf1);
	v34 =	vsel vm1, v49, v57  }
0x1d8: {  	(xrf1) =	vsort.dscd.msk.f32 $0xffff, v0, v61;
	v33 =	vsel vm1, v54, v56;
	vm1 =	vge.f32 v59, v63;
	v0, v32, _ =	vpop (xrf1)  }
0x1d9: {  	v37 =	vsel vm1, v60, v62;
	v53, v52, _ =	vpop (xrf1)  }
0x1da: {  	(xrf1) =	vsort.ascd.msk.f32 $0xffff, v50, v51;
	v35 =	vsel vm1, v59, v63;
	v55, v54, _ =	vpop (xrf1)  }
0x1db: {  	(xrf1) =	vsort.dscd.msk.f32 $0xffff, v33, v34;
	vm1 =	vge.f32 v0, v53;
	v33, v34, _ =	vpop (xrf1)  }
0x1dc: {  	v0 =	vsel vm1, v0, v53;
	v32 =	vsel vm1, v32, v52;
	v56, v57, _ =	vpop (xrf1);
	(xrf1) =	vsort.ascd.msk.f32 $0xffff, v35, v37  }
0x1dd: {  	vm1 =	vge.f32 v55, v33;
	v35, v37, _ =	vpop (xrf1);
	(xrf1) =	vsort.dscd.msk.f32 $0xffff, v0, v32  }
0x1de: {  	v0 =	vsel vm1, v55, v33;
	v58 =	vsel vm1, v54, v34;
	vm1 =	vge.f32 v56, v35  }
0x1df: {  	v59, v60, _ =	vpop (xrf1);
	(xrf1) =	vsort.ascd.msk.f32 $0xffff, v0, v58;
	v0 =	vsel vm1, v56, v35;
	_ =	sdelay $0x1  }
0x1e0: {  	v61 =	vsel vm1, v57, v37;
	v63, v62, _ =	vpop (xrf1)  }
0x1e1: {  	(xrf1) =	vsort.dscd.msk.f32 $0xffff, v0, v61;
	v0, v32, _ =	vpop (xrf1)  }
0x1e2: {  	vm1 =	vge.f32 v59, v63;
	v49, v48, _ =	vpop (xrf1)  }
0x1e3: {  	v33 =	vsel vm1, v59, v63;
	v34 =	vsel vm1, v60, v62;
	v51, v50, _ =	vpop (xrf1);
	vm1 =	vge.f32 v0, v49  }
0x1e4: {  	v52, v53, _ =	vpop (xrf1);
	v32 =	vsel vm1, v32, v48  }
0x1e5: {  	v0 =	vsel vm1, v0, v49;
	v55, v54, _ =	vpop (xrf1)  }
0x1e6: {  	(xrf1) =	vsort.ascd.msk.f32 $0xffff, v33, v34;
	vm1 =	vge.f32 v51, v52;
	v56, v57, _ =	vpop (xrf1)  }
0x1e7: {  	v58 =	vsel vm1, v51, v52;
	v59 =	vsel vm1, v50, v53;
	v33, v34, _ =	vpop (xrf1);
	vm1 =	vge.f32 v55, v56  }
0x1e8: {  	(xrf1) =	vsort.dscd.msk.f32 $0xffff, v0, v32;
	v0, v32, _ =	vpop (xrf1);
	v36 =	vsel vm1, v54, v57  }
0x1e9: {  	v35 =	vsel vm1, v55, v56;
	vm1 =	vge.f32 v33, v0  }
0x1ea: {  	v60, v61, _ =	vpop (xrf1);
	v32 =	vsel vm1, v34, v32  }
0x1eb: {  	(xrf1) =	vsort.ascd.msk.f32 $0xffff, v58, v59;
	v37, v38, _ =	vpop (xrf1);
	v0 =	vsel vm1, v33, v0  }
0x1ec: {  	(xrf1) =	vsort.dscd.msk.f32 $0xffff, v35, v36;
	v35, v36, _ =	vpop (xrf1)  }
0x1ed: {  	vm1 =	vge.f32 v60, v37;
	v62, v63, _ =	vpop (xrf1)  }
0x1ee: {  	v37 =	vsel vm1, v60, v37;
	v38 =	vsel vm1, v61, v38;
	(xrf1) =	vsort.ascd.msk.f32 $0xffff, v0, v32;
	v0, v32, _ =	vpop (xrf1)  }
0x1ef: {  	(xrf1) =	vsort.dscd.msk.f32 $0xffff, v37, v38;
	vm1 =	vge.f32 v35, v62;
	v44, v45, _ =	vpop (xrf1)  }
0x1f0: {  	v33 =	vsel vm1, v35, v62;
	v34 =	vsel vm1, v36, v63;
	vm1 =	vge.f32 v0, v44  }
0x1f1: {  	(xrf1) =	vsort.ascd.msk.f32 $0xffff, v33, v34;
	v0 =	vsel vm1, v0, v44;
	v32 =	vsel vm1, v32, v45  }
0x1f2: {  	(xrf1) =	vsort.dscd.msk.f32 $0xffff, v0, v32;
	_ =	sdelay $0x5  }
0x1f3: {  	v0, v32, _ =	vpop (xrf1)  }
0x1f4: {  	v33, v34, _ =	vpop (xrf1)  }
0x1f5: {  	v46, v47, _ =	vpop (xrf1)  }
0x1f6: {  	vm1 =	vge.f32 v0, v33;
	v37, v38, _ =	vpop (xrf1)  }
0x1f7: {  	v0 =	vsel vm1, v0, v33;
	v32 =	vsel vm1, v32, v34;
	vm1 =	vge.f32 v46, v37  }
0x1f8: {  	v48, v49, _ =	vpop (xrf1);
	(xrf1) =	vsort.ascd.msk.f32 $0xffff, v0, v32;
	v0 =	vsel vm1, v46, v37  }
0x1f9: {  	v50, v51, _ =	vpop (xrf1)  }
0x1fa: {  	v52 =	vsel vm1, v47, v38;
	v53, v54, _ =	vpop (xrf1)  }
0x1fb: {  	(xrf1) =	vsort.dscd.msk.f32 $0xffff, v0, v52;
	vm1 =	vge.f32 v48, v50;
	v0, v32, _ =	vpop (xrf1)  }
0x1fc: {  	v33 =	vsel vm1, v48, v50;
	v34 =	vsel vm1, v49, v51;
	vm1 =	vge.f32 v53, v0  }
0x1fd: {  	(xrf1) =	vsort.ascd.msk.f32 $0xffff, v33, v34;
	v0 =	vsel vm1, v53, v0;
	v32 =	vsel vm1, v54, v32  }
0x1fe: {  	(xrf1) =	vsort.dscd.msk.f32 $0xffff, v0, v32;
	_ =	sdelay $0xa  }
0x1ff: {  	v0, v32, _ =	vpop (xrf1)  }
0x200: {  	v33, v34, _ =	vpop (xrf1)  }
0x201: {  	v55, v56, _ =	vpop (xrf1)  }
0x202: {  	vm1 =	vge.f32 v0, v33;
	v57, v58, _ =	vpop (xrf1)  }
0x203: {  	v0 =	vsel vm1, v0, v33;
	v32 =	vsel vm1, v32, v34;
	vm1 =	vge.f32 v55, v57  }
0x204: {  	(xrf1) =	vsort.ascd.msk.f32 $0xffff, v0, v32;
	v0 =	vsel vm1, v55, v57;
	v59 =	vsel vm1, v56, v58  }
0x205: {  	(xrf1) =	vsort.dscd.msk.f32 $0xffff, v0, v59;
	_ =	sdelay $0xc  }
0x206: {  	v0, v32, _ =	vpop (xrf1)  }
0x207: {  	v60, v61, _ =	vpop (xrf1)  }
0x208: {  	vm1 =	vge.f32 v0, v60  }
0x209: {  	v0 =	vsel vm1, v0, v60;
	v32 =	vsel vm1, v32, v61  }
0x20a: {  	(xrf1) =	vsort.dscd.msk.f32 $0xffff, v0, v32;
	_ =	sdelay $0xd  }
0x20b: {  	v0, v32, _ =	vpop (xrf1)  }
0x20c: {  	v62 =	vbroadcast v0, $0x0;
	_ =	sdelay $0x1  }
0x20d: {  	v0 =	vsub.f32 v0, v62;
	_ =	sdelay $0x1  }
0x20e: {  	v0 =	vmul.f32 $1.442695020e+00, v0;
	_ =	sdelay $0x1  }
0x20f: {  	(erf) = vpow2.f32 v0;
	_ =	sdelay $0x8  }
0x210: {  	v0 =	vpop (erf)  }
0x211: {  	v0 =	vnsel vm0, $0x0, v0  }
0x212: {  	(xrf2) =	vadd.scan.msk.f32 $0xffff, v0;
	_ =	sdelay $0x9  }
0x213: {  	v63, _, _ =	vpop (xrf2)  }
0x214: {  	v33 =	vbroadcast v63, $0xF;
	_ =	sdelay $0x1  }
0x215: {  	(erf) = vrcp.f32 v33;
	_ =	sdelay $0x5  }
0x216: {  	s23 =	sadd.s32 $0x2, s23  }
0x217: {  	p0 =	slt.u32 s23, $0x1E  }
.Ltmp4:
0x218: {  	_ = 	snop;
	(pc) =	sbr.rel @p0 .LBB2_9-.Ltmp4, $4  }
0x219: {  	v33 =	vpop (erf)  }
0x21a: {  	v0 =	vmul.f32 v33, v0  }
0x21b: {  	s25 =	sadd.s32 $0x1, s25;
	[tilespmem:s29+$0x9080] =	vst v32  }
0x21c: {  	s24 =	sadd.s32 $0x100, s24;
	s26 =	sadd.s32 $0x2, s26;
	s28 =	sadd.s32 $0x400, s28;
	[tilespmem:s29+$0xB080] =	vst v0  }
0x21d: {  	s22 =	sshll.u32 s22, $0xC;
	s21 =	sadd.s32 $0x1, s21  }
0x21e: {  	s22 =	sadd.s32 s8, s22;
	p0 =	sne.s32 s21, $0xA  }
.Ltmp5:
0x21f: {  	s22 =	sshrl.u32 s22, $0x3;
	(pc) =	sbr.rel @p0 .LBB2_2-.Ltmp5, $4  }
0x220: {  	s23 =	sadd.s32 s4, s22  }
0x221: {  	[hbm4b:s23+s2] =	stream.linear.scatter [tilespmem:s17], [sflag:$0x4], $0x1000, $0x38;
	[tilespmem:$0xC000] =	vst v63  }
0x222: {  	s22 =	sadd.s32 s5, s22  }
0x223: {  	v0 =	vlaneseq.u32;
	[hbm4b:s22+s2] =	stream.linear.scatter [tilespmem:s18], [sflag:$0x4], $0x1000, $0x38;
	[tilespmem:$0xC000] =	vst v63  }
0x224: {  	_ =	swait.ge [sflag:s19], $0x1000  }
0x225: {  	[sflag:s19] =	ssyncset.done $0x0  }
0x226: {  	[sflag:s19] =	ssyncadd.s32 $0xFFFFF000  }
0x227: {  	_ =	swait.ge [sflag:s19], $0x1000  }
0x228: {  	[sflag:s19] =	ssyncset.done $0x0  }
0x229: {  	s20 =	sadd.s32 $0x1, s20;
	[sflag:s19] =	ssyncadd.s32 $0xFFFFF000  }
0x22a: {  	p0 =	sne.s32 s20, s10;
	_ =	swait.ge [sflag:s16], $0x1000  }
.Ltmp6:
0x22b: {  	[sflag:s16] =	ssyncset.done $0x0;
	(pc) =	sbr.rel @p0 .LBB2_1-.Ltmp6, $4  }
0x22c: {  	[sflag:s16] =	ssyncadd.s32 $0xFFFFF000  }
0x22d: {  	_ =	swait.ge [sflag:s16], $0x1000  }
0x22e: {  	[sflag:s16] =	ssyncset.done $0x0  }
0x22f: {  	[sflag:s16] =	ssyncadd.s32 $0xFFFFF000  }
0x230: {  	_ =	sfence.sel $0x180000  }
0x231: {  	[bflag:$0x0] =	sbarrier.arrive $0xFFFF  }
0x232: {  	p0 =	sne.s32 s1, $0x0;
	_ =	strace $0x9000004A  }
0x233: {  	s0 =	sadd.s32 @!p0 $0x100000, s0;
	[bflag:$0x2] =	sbarrier.arrive $0xFFFF  }
0x234: {  	[sflag:s0] =	ssyncadd.tile.s32 @!p0 $0x1;
	_ =	shalt  }
.Lfunc_end2:
_tile_overlayer_lowered:
.L_overlay_start_2:
0x235: {  	(tag) =	ssettag $0x2  }
0x236: {  	s0 =	rddreg [dreg:$0x0];
	s2 =	stileid.u32  }
0x237: {  	s1 =	rddreg [dreg:$0x1];
	p0 =	sne.s32 s2, $0x0  }
0x238: {  	s3 =	rddreg [dreg:$0x2];
	[bflag:$0x3] =	sbarrier.arrive $0xFFFF;
	s2 =	simm.s32 @!p0 $0x1C05  }
0x239: {  	[timem:s3], [sflag:s2] =	dma.local @!p0 [hbm:s0], s1  }
0x23a: {  	s0 =	simm.s32 @!p0 $0x5  }
0x23b: {  	_ =	swait.ge @!p0 [sflag:s0], s1  }
0x23c: {  	s1 =	ssub.s32 @!p0 $0x0, s1;
	[sflag:s0] =	ssyncset.done @!p0 $0x0  }
0x23d: {  	[sflag:s0] =	ssyncadd.s32 @!p0 s1  }
0x23e: {  	[bflag:$0x3] =	sbarrier.arrive $0xFFFF  }
0x23f: {  	_ =	shalt  }

// kernel: kernel.8.cloned.1.call-start
scs
__scs_entry_jumppad:
0x0: {  	(pc) =	sbr.rel $0x88, $3  }
0x1: {  	(tag) =	ssettag $0x0;
	lr =	simm.s32 $0x1  }
0x2: {  	[smem:$0x3F9F] =	sst lr;
	_ =	strace $0xD0000000  }
0x3: {  	_ = 	snop  }
0x4: {  	_ = 	snop  }
0x5: {  	_ = 	snop  }
0x6: {  	_ = 	snop  }
0x7: {  	_ = 	snop  }
__scs_overlays_trampoline_lowered:
0x8: {  	[smem:$0x3FAE] =	sst s0  }
0x9: {  	[smem:$0x3FAF] =	sst s1  }
0xa: {  	[smem:$0x3FB0] =	sst s2  }
0xb: {  	[smem:$0x3FB1] =	sst s3  }
0xc: {  	[smem:$0x3FB2] =	sst s4  }
0xd: {  	[smem:$0x3FB3] =	sst s5  }
0xe: {  	[smem:$0x3FB4] =	sst s6  }
0xf: {  	[smem:$0x3FB5] =	sst s7  }
0x10: {  	[smem:$0x3FB6] =	sst s8  }
0x11: {  	[smem:$0x3FB7] =	sst s9;
	s0 =	simm.s32 @!p0 $0x0  }
0x12: {  	s1 =	sld [smem:$0x3F9D];
	s0 =	simm.s32 @p0 $0x1  }
0x13: {  	[smem:$0x3FB8] =	sst s0;
	s0 =	simm.s32 @!p1 $0x0  }
0x14: {  	s2 =	sld [smem:$0x3F9C];
	s0 =	simm.s32 @p1 $0x1  }
0x15: {  	[smem:$0x3FB9] =	sst s0;
	s0 =	simm.s32 @!p2 $0x0  }
0x16: {  	s3 =	sld [smem:$0x3FDB];
	s0 =	simm.s32 @p2 $0x1  }
0x17: {  	s4 =	simm.s32 $0x1BF5;
	[smem:$0x3FBB] =	sst s0  }
0x18: {  	s0 =	sld [smem:$0x3F9E];
	_ =	swait.ge [sflag:s4], $0x0  }
0x19: {  	s7 =	sld [smem:$0x3F9F]  }
0x1a: {  	s8 =	sadd.s32 $0xFFFFE003, lr  }
0x1b: {  	s9 =	sadd.s32 $0xFFFFFEF7, lr;
	s5 =	simm.s32 $0xFFFFFFFF;
	p2 =	slt.u32 s8, $0xFFFFF086  }
0x1c: {  	p1 =	slt.u32 s9, $0xF7A;
	s5 =	simm.s32 @!p2 $0x0  }
0x1d: {  	s5 =	simm.s32 @p1 $0x1;
	p0 =	seq.s32 s7, s2  }
0x1e: {  	s7 =	smul.u32 @!p0 $0xF7A, s2;
	p2 =	seq.s32 @!p0 s5, $0x0  }
0x1f: {  	s9 =	smul.u32 $0xF7A, s1;
	s8 =	simm.s32 @!p0 $0x1BF5;
	p2 =	por !p2, p0  }
0x20: {  	[sflag:s8] =	ssyncset.s32 @!p0 $0xFFFFF086;
	s6 =	sadd.s32 @!p0 s3, s7;
	s7 =	simm.s32 @!p0 $0x108  }
0x21: {  	s3 =	sadd.s32 s3, s9;
	s6 =	sadd.s32 @!p0 $0x88, s6;
	s7 =	simm.s32 @p2 $0x1082  }
0x22: {  	[simem:s7], [sflag:s8] =	dma.local @!p0 [hbm:s6], $0xF7A  }
0x23: {  	s9 =	sor.u32 $0xD0000000, s2;
	s6 =	simm.s32 $0x108;
	_ =	swait.ge @!p0 [sflag:s8], $0x0  }
0x24: {  	s3 =	sadd.s32 $0x88, s3;
	s6 =	simm.s32 @!p1 $0x1082;
	[sflag:s4] =	ssyncset.s32 $0xFFFFF086  }
0x25: {  	[simem:s6], [sflag:s4] =	dma.local [hbm:s3], $0xF7A  }
0x26: {  	[smem:$0x3F9F] =	sst s1;
	(tag) =	ssettag s2;
	_ =	strace s9  }
0x27: {  	s1 =	sld [smem:$0x3FAF]  }
0x28: {  	s2 =	sld [smem:$0x3FB0]  }
0x29: {  	s4 =	sld [smem:$0x3FB2]  }
0x2a: {  	p0 =	seq.s32 s5, $0x0;
	s5 =	sld [smem:$0x3FB3]  }
0x2b: {  	s6 =	sld [smem:$0x3FB4]  }
0x2c: {  	s7 =	sld [smem:$0x3FB5]  }
0x2d: {  	s3 =	simm.s32 $0x108;
	s8 =	sld [smem:$0x3FB6]  }
0x2e: {  	s3 =	simm.s32 @!p0 $0x1082;
	s9 =	sld [smem:$0x3FB7]  }
0x2f: {  	lr =	sadd.s32 s0, s3;
	s0 =	sld [smem:$0x3FAE]  }
0x30: {  	s3 =	sld [smem:$0x3FB1]  }
0x31: {  	[smem:$0x3FBA] =	sst s10  }
0x32: {  	s10 =	sld [smem:$0x3FB8];
	_ =	sdelay $0x3  }
0x33: {  	p0 =	seq.s32 s10, $0x1;
	s10 =	sld [smem:$0x3FBA];
	_ =	sdelay $0x3  }
0x34: {  	[smem:$0x3FBA] =	sst s10  }
0x35: {  	s10 =	sld [smem:$0x3FB9];
	_ =	sdelay $0x3  }
0x36: {  	p1 =	seq.s32 s10, $0x1;
	s10 =	sld [smem:$0x3FBA];
	_ =	sdelay $0x3  }
0x37: {  	[smem:$0x3FBA] =	sst s10  }
0x38: {  	s10 =	sld [smem:$0x3FBB]  }
0x39: {  	_ = 	snop;
	(pc) =	sbr.ind lr, $3  }
0x3a: {  	_ = 	snop  }
0x3b: {  	_ = 	snop  }
0x3c: {  	p2 =	seq.s32 s10, $0x1;
	s10 =	sld [smem:$0x3FBA]  }
0x3d: {  	_ =	shalt  }
0x3e: {  	_ =	shalt  }
0x3f: {  	_ =	shalt  }
0x40: {  	_ =	shalt  }
0x41: {  	_ =	shalt  }
0x42: {  	_ =	shalt  }
0x43: {  	_ =	shalt  }
0x44: {  	_ =	shalt  }
0x45: {  	_ =	shalt  }
0x46: {  	_ =	shalt  }
0x47: {  	_ =	shalt  }
0x48: {  	_ =	shalt  }
0x49: {  	_ =	shalt  }
0x4a: {  	_ =	shalt  }
0x4b: {  	_ =	shalt  }
0x4c: {  	_ =	shalt  }
0x4d: {  	_ =	shalt  }
0x4e: {  	_ =	shalt  }
0x4f: {  	_ =	shalt  }
0x50: {  	_ =	shalt  }
0x51: {  	_ =	shalt  }
0x52: {  	_ =	shalt  }
0x53: {  	_ =	shalt  }
0x54: {  	_ =	shalt  }
0x55: {  	_ =	shalt  }
0x56: {  	_ =	shalt  }
0x57: {  	_ =	shalt  }
0x58: {  	_ =	shalt  }
0x59: {  	_ =	shalt  }
0x5a: {  	_ =	shalt  }
0x5b: {  	_ =	shalt  }
0x5c: {  	_ =	shalt  }
0x5d: {  	_ =	shalt  }
0x5e: {  	_ =	shalt  }
0x5f: {  	_ =	shalt  }
0x60: {  	_ =	shalt  }
0x61: {  	_ =	shalt  }
0x62: {  	_ =	shalt  }
0x63: {  	_ =	shalt  }
0x64: {  	_ =	shalt  }
0x65: {  	_ =	shalt  }
0x66: {  	_ =	shalt  }
0x67: {  	_ =	shalt  }
0x68: {  	_ =	shalt  }
0x69: {  	_ =	shalt  }
0x6a: {  	_ =	shalt  }
0x6b: {  	_ =	shalt  }
0x6c: {  	_ =	shalt  }
0x6d: {  	_ =	shalt  }
0x6e: {  	_ =	shalt  }
0x6f: {  	_ =	shalt  }
0x70: {  	_ =	shalt  }
0x71: {  	_ =	shalt  }
0x72: {  	_ =	shalt  }
0x73: {  	_ =	shalt  }
0x74: {  	_ =	shalt  }
0x75: {  	_ =	shalt  }
0x76: {  	_ =	shalt  }
0x77: {  	_ =	shalt  }
0x78: {  	_ =	shalt  }
0x79: {  	_ =	shalt  }
0x7a: {  	_ =	shalt  }
0x7b: {  	_ =	shalt  }
0x7c: {  	_ =	shalt  }
0x7d: {  	_ =	shalt  }
0x7e: {  	_ =	shalt  }
0x7f: {  	_ =	shalt  }
0x80: {  	_ =	shalt  }
0x81: {  	_ =	shalt  }
0x82: {  	_ =	shalt  }
0x83: {  	_ =	shalt  }
0x84: {  	_ =	shalt  }
0x85: {  	_ =	shalt  }
0x86: {  	_ =	shalt  }
0x87: {  	_ =	shalt  }
.Lfunc_end0:
.L_simem_size_0:
called_computation_lowered:
.L_overlay_start_0:
0x88: {  	s2 =	sld [smem:$0x3FD9]  }
0x89: {  	s3 =	sld [smem:$0x3FFE];
	_ =	sdelay $0x1  }
0x8a: {  	s1 =	srdreg.scid  }
0x8b: {  	s0 =	sand.u32 $0x1, s1  }
0x8c: {  	s16 =	sshll.u32 s0, $0xA;
	s2 =	sadd.s32 s3, s2  }
0x8d: {  	s2 =	sadd.s32 s2, s16  }
0x8e: {  	[smem:$0x3FC6] =	sst s2  }
0x8f: {  	_ = 	snop  }
0x90: {  	(tm) =	ssettm $0x1  }
0x91: {  	s17 =	sld [smem:$0x3FFB];
	_ =	sdelay $0x3  }
0x92: {  	_ =	strace s17  }
0x93: {  	s2 =	sld [smem:$0x3FFC];
	_ =	sdelay $0x3  }
0x94: {  	_ =	strace s2  }
0x95: {  	s2 =	sld [smem:$0x3FFD];
	_ =	sdelay $0x3  }
0x96: {  	_ =	strace s2  }
0x97: {  	_ =	strace $0x8FFFFFFF  }
0x98: {  	s18 =	sld [smem:$0x3FDB];
	_ =	sdelay $0x1  }
0x99: {  	s19 =	simm.s32 $_scs_section_size  }
0x9a: {  	s4 =	simm.s32 $_size__tile_overlayer_lowered;
	s5 =	simm.s32 $_tile_overlayer_lowered  }
0x9b: {  	s22 =	simm.s32 $0x1BFF;
	s21 =	sshll.u32 s5, $0x1;
	s2 =	sadd.s32 s19, s18  }
0x9c: {  	s6 =	simm.s32 $0x0;
	s20 =	sshll.u32 s4, $0x1;
	s4 =	sadd.s32 s21, s2  }
0x9d: {  	[timem:s6], [sflag:s22] =	dma.local [hbm:s4], s20  }
0x9e: {  	_ =	swait.ge [sflag:s22], s20  }
0x9f: {  	s3 =	ssub.s32 $0x0, s20;
	[sflag:s22] =	ssyncset.done $0x0  }
0xa0: {  	[sflag:s22] =	ssyncadd.s32 s3;
	_ =	sdelay $0x1  }
0xa1: {  	s23 =	simm.s32 $0x1B8B  }
0xa2: {  	_ =	swait.ge [sflag:s23], $0x1  }
0xa3: {  	[sflag:s23] =	ssyncset.done $0x0  }
0xa4: {  	s25 =	simm.s32 $0x1B8E;
	s24 =	sld [smem:$0x3FFE];
	[sflag:s23] =	ssyncadd.s32 $0xFFFFFFFF  }
0xa5: {  	s26 =	simm.s32 $execute0_lowered;
	[smem:$0x3FD2] =	sst s25  }
0xa6: {  	s4 =	sshll.u32 s26, $0x1;
	_ =	strace $0x80000046;
	[dreg:$0x1] =	wrdreg $0xFFFFFFFF  }
0xa7: {  	s28 =	simm.s32 $_size_execute0_lowered;
	s2 =	sadd.s32 s2, s4;
	[dreg:$0x0] =	wrdreg $0x0  }
0xa8: {  	s4 =	sshll.u32 s28, $0x1;
	[dreg:$0x2] =	wrdreg s2  }
0xa9: {  	[dreg:$0x3] =	wrdreg s4  }
0xaa: {  	[dreg:$0x4] =	wrdreg $0xC0  }
0xab: {  	_ =	task [dreg:s6], $0x5FFFF  }
0xac: {  	[dreg:$0x1] =	wrdreg $0xFFFFFFFF  }
0xad: {  	[dreg:$0x0] =	wrdreg $0x60  }
0xae: {  	[dreg:$0x2] =	wrdreg s24  }
0xaf: {  	[dreg:$0x3] =	wrdreg $0x9  }
0xb0: {  	_ =	task.clear_ibuf [dreg:s6], $0x4FFFF;
	_ =	strace $0x90000046  }
0xb1: {  	s29 =	simm.s32 $0x9;
	_ =	strace $0x80000048  }
0xb2: {  	_ =	swait.ge [sflag:s29], $0x1  }
0xb3: {  	[sflag:s29] =	ssyncadd.s32 $0xFFFFFFFF  }
0xb4: {  	_ =	strace $0x90000048  }
0xb5: {  	_ =	sfence  }
0xb6: {  	s30 =	sld [smem:$0x0];
	_ =	sdelay $0x2  }
0xb7: {  	s31 =	sshll.u32 s1, $0xD;
	s1 =	sshrl.u32 s1, $0x2  }
0xb8: {  	s3 =	sand.u32 $0x4000, s31;
	s1 =	sadd.s32 s1, s30  }
0xb9: {  	s0 =	sor.u32 s3, s0;
	s1 =	sshll.u32 s1, $0x11  }
0xba: {  	s0 =	sor.u32 s1, s0  }
0xbb: {  	s0 =	sadd.s32 $0x8F2B, s0  }
0xbc: {  	[sflag:s0] =	ssyncadd.remote.s32 $0x1  }
0xbd: {  	_ =	sfence.sel $0xFFFF  }
0xbe: {  	[dreg:$0x0] =	wrdreg $0xFFFFFFFF;
	(pc) =	sbr.abs _section_cstart, $3  }
0xbf: {  	[dreg:$0x1] =	wrdreg $0xFFFFFFFF  }
0xc0: {  	_ =	task.clear_ibuf [dreg:s6], $0x2FFFF;
	_ =	strace $0x9FFFFFFF  }
0xc1: {  	(tm) =	ssettm $0x7FFFFFFF  }
tec
execute0_lowered:
.L_overlay_start_1:
0x0: {  	(tag) =	ssettag $0x1  }
0x1: {  	s5 =	rddreg [dreg:$0x0];
	v0 =	vlaneseq.u32  }
0x2: {  	s0 =	rddreg [dreg:$0x1];
	vm0 =	vmmov $0x3ff;
	v1 =	vor.u32 $0x10, v0  }
0x3: {  	s2 =	simm.s32 $0x0;
	s3 =	srdreg.scid;
	s1 =	stileid.u32;
	v2 =	vor.u32 $0x20, v0;
	v3 =	vor.u32 $0x30, v0;
	v4 =	vor.u32 $0x40, v0  }
0x4: {  	s11 =	simm.s32 $0x4000;
	s12 =	simm.s32 $0x1;
	s13 =	simm.s32 $0x8000;
	v5 =	vor.u32 $0x50, v0;
	v6 =	vor.u32 $0x60, v0;
	v7 =	vor.u32 $0x70, v0  }
0x5: {  	s14 =	simm.s32 $0xA000;
	s15 =	simm.s32 $0x2;
	s16 =	simm.s32 $0x4;
	v8 =	vor.u32 $0x80, v0;
	v9 =	vor.u32 $0x90, v0;
	v10 =	vor.u32 $0xA0, v0  }
0x6: {  	s17 =	simm.s32 $0x9000;
	s18 =	simm.s32 $0xB000;
	s19 =	simm.s32 $0x3;
	v11 =	vor.u32 $0xB0, v0;
	v12 =	vor.u32 $0xC0, v0;
	v13 =	vor.u32 $0xD0, v0  }
0x7: {  	s20 =	simm.s32 $0x0;
	s6 =	sand.u32 $0x1, s3;
	s4 =	sshll.u32 s1, $0x1;
	v14 =	vor.u32 $0xE0, v0;
	v15 =	vor.u32 $0xF0, v0;
	v16 =	vor.u32 $0x100, v0  }
0x8: {  	[smem:$0x7FF] =	sst s2;
	s3 =	sadd.s32 $0x3000, s5;
	v17 =	vor.u32 $0x110, v0;
	v18 =	vor.u32 $0x120, v0;
	v19 =	vor.u32 $0x130, v0;
	s8 =	sor.u32 s6, s4  }
0x9: {  	v20 =	vor.u32 $0x140, v0;
	v21 =	vor.u32 $0x150, v0;
	v22 =	vor.u32 $0x160, v0;
	_ =	strace $0x80000047;
	s7 =	ssub.s32 $0x2, s6;
	s9 =	smul.u32 $0x6000, s8  }
0xa: {  	v23 =	vor.u32 $0x170, v0;
	v24 =	vor.u32 $0x180, v0;
	v25 =	vor.u32 $0x190, v0;
	s4 =	sadd.s32 $0xC3000, s5;
	s10 =	sshrl.u32 s7, $0x1;
	s6 =	smul.u32 $0x30000, s8  }
0xb: {  	v26 =	vor.u32 $0x1A0, v0;
	v27 =	vor.u32 $0x1B0, v0;
	v28 =	vor.u32 $0x1C0, v0;
	s5 =	sadd.s32 $0xF3000, s5;
	s8 =	smul.u32 $0xC000, s8;
	s10 =	ssub.s32 s7, s10  }
0xc: {  	v29 =	vor.u32 $0x1D0, v0;
	v30 =	vor.u32 $0x1E0, v0;
	v31 =	vor.u32 $0x1F0, v0;
	s7 =	sadd.s32 s3, s9;
	s9 =	sor.u32 $0x8000, s6;
	s10 =	smax.u32 s10, $0x1  }
.LBB2_1:
0xd: {  	[tilespmem:s2], [sflag:$0x1] =	stream.linear.gather [hbm4b:s7+s2], $0x4000, $0x38;
	[tilespmem:$0xC000] =	vst v63  }
0xe: {  	s21 =	simm.s32 $0x0  }
.LBB2_2:
0xf: {  	s22 =	sshllo.u32 s21, $0x1  }
0x10: {  	s23 =	sshll.u32 s22, $0xE  }
0x11: {  	s23 =	sadd.s32 s6, s23  }
0x12: {  	s23 =	sshrl.u32 s23, $0x3  }
0x13: {  	s23 =	sadd.s32 s3, s23  }
0x14: {  	[tilespmem:s11], [sflag:$0x2] =	stream.linear.gather [hbm4b:s23+s2], $0x4000, $0x38;
	[tilespmem:$0xC000] =	vst v63  }
0x15: {  	_ =	swait.ge [sflag:s12], $0x4000  }
0x16: {  	p0 =	seq.s32 s21, $0x0;
	[sflag:s12] =	ssyncset.done $0x0  }
0x17: {  	s23 =	simm.s32 @!p0 $0x3;
	[sflag:s12] =	ssyncadd.s32 $0xFFFFC000  }
0x18: {  	_ =	swait.ge @!p0 [sflag:s23], $0x1000  }
0x19: {  	[sflag:s23] =	ssyncset.done @!p0 $0x0  }
0x1a: {  	[sflag:s23] =	ssyncadd.s32 @!p0 $0xFFFFF000  }
0x1b: {  	s24 =	simm.s32 $0x80;
	_ =	swait.ge @!p0 [sflag:s23], $0x1000  }
0x1c: {  	s25 =	simm.s32 $0x0;
	s26 =	simm.s32 $0x0;
	[sflag:s23] =	ssyncset.done @!p0 $0x0  }
0x1d: {  	s28 =	simm.s32 $0x0;
	[sflag:s23] =	ssyncadd.s32 @!p0 $0xFFFFF000;
	s23 =	simm.s32 $0xFFFFFFFE  }
.LBB2_3:
0x1e: {  	s29 =	sadd.s32 $0xFFFFFF80, s24  }
0x1f: {  	s30 =	sand.u32 $0x3000, s28;
	s29 =	sand.u32 $0x300, s29  }
0x20: {  	s29 =	sor.u32 s29, s30  }
0x21: {  	v32 =	vld [tilespmem:s29+$0x0]  }
0x22: {  	v33 =	vld [tilespmem:s29+$0x10]  }
0x23: {  	v34 =	vld [tilespmem:s29+$0x20]  }
0x24: {  	v35 =	vld [tilespmem:s29+$0x30]  }
0x25: {  	v36 =	vld [tilespmem:s29+$0x40]  }
0x26: {  	v43 =	vld [tilespmem:s29+$0x50];
	(xrf1) =	vsort.ascd.msk.f32 $0xffff, v32, v0  }
0x27: {  	v44 =	vld [tilespmem:s29+$0x60];
	(xrf1) =	vsort.dscd.msk.f32 $0xffff, v33, v1  }
0x28: {  	v45 =	vld [tilespmem:s29+$0x70];
	(xrf1) =	vsort.ascd.msk.f32 $0xffff, v34, v2  }
0x29: {  	v46 =	vld [tilespmem:s29+$0x400];
	(xrf1) =	vsort.dscd.msk.f32 $0xffff, v35, v3  }
0x2a: {  	v47 =	vld [tilespmem:s29+$0x410];
	(xrf1) =	vsort.ascd.msk.f32 $0xffff, v36, v4  }
0x2b: {  	v48 =	vld [tilespmem:s29+$0x420];
	(xrf1) =	vsort.dscd.msk.f32 $0xffff, v43, v5  }
0x2c: {  	v49 =	vld [tilespmem:s29+$0x430];
	(xrf1) =	vsort.ascd.msk.f32 $0xffff, v44, v6  }
0x2d: {  	v50 =	vld [tilespmem:s29+$0x440];
	(xrf1) =	vsort.dscd.msk.f32 $0xffff, v45, v7  }
0x2e: {  	v51 =	vld [tilespmem:s29+$0x450];
	(xrf1) =	vsort.ascd.msk.f32 $0xffff, v46, v8  }
0x2f: {  	v52 =	vld [tilespmem:s29+$0x460];
	(xrf1) =	vsort.dscd.msk.f32 $0xffff, v47, v9  }
0x30: {  	v53 =	vld [tilespmem:s29+$0x470];
	(xrf1) =	vsort.ascd.msk.f32 $0xffff, v48, v10  }
0x31: {  	v54 =	vld [tilespmem:s29+$0x800];
	(xrf1) =	vsort.dscd.msk.f32 $0xffff, v49, v11  }
0x32: {  	v55 =	vld [tilespmem:s29+$0x810];
	(xrf1) =	vsort.ascd.msk.f32 $0xffff, v50, v12  }
0x33: {  	v56 =	vld [tilespmem:s29+$0x820];
	(xrf1) =	vsort.dscd.msk.f32 $0xffff, v51, v13  }
0x34: {  	v57 =	vld [tilespmem:s29+$0x830];
	(xrf1) =	vsort.ascd.msk.f32 $0xffff, v52, v14  }
0x35: {  	s31 =	sand.u32 $0x3, s25;
	v58 =	vld [tilespmem:s29+$0x840];
	v37, v38, _ =	vpop (xrf1);
	(xrf1) =	vsort.dscd.msk.f32 $0xffff, v53, v15  }
0x36: {  	s31 =	sshll.u32 s31, $0x8;
	v59 =	vld [tilespmem:s29+$0x850];
	v39, v40, _ =	vpop (xrf1);
	(xrf1) =	vsort.ascd.msk.f32 $0xffff, v54, v16  }
0x37: {  	s31 =	sadd.s32 s31, s28;
	v60 =	vld [tilespmem:s29+$0x860];
	v41, v42, _ =	vpop (xrf1);
	(xrf1) =	vsort.dscd.msk.f32 $0xffff, v55, v17  }
0x38: {  	v61 =	vld [tilespmem:s29+$0x870];
	s29 =	sor.u32 $0xC00, s31;
	v43, v44, _ =	vpop (xrf1);
	(xrf1) =	vsort.ascd.msk.f32 $0xffff, v56, v18  }
0x39: {  	v62 =	vld [tilespmem:s29+$0x0];
	s29 =	sor.u32 $0xC10, s31;
	v45, v46, _ =	vpop (xrf1);
	(xrf1) =	vsort.dscd.msk.f32 $0xffff, v57, v19  }
0x3a: {  	v63 =	vld [tilespmem:s29+$0x0];
	s29 =	sor.u32 $0xC20, s31;
	v47, v48, _ =	vpop (xrf1);
	(xrf1) =	vsort.ascd.msk.f32 $0xffff, v58, v20  }
0x3b: {  	v33 =	vld [tilespmem:s29+$0x0];
	s29 =	sor.u32 $0xC30, s31;
	v49, v50, _ =	vpop (xrf1);
	(xrf1) =	vsort.dscd.msk.f32 $0xffff, v59, v21  }
0x3c: {  	v34 =	vld [tilespmem:s29+$0x0];
	s29 =	sor.u32 $0xC40, s31;
	v51, v52, _ =	vpop (xrf1);
	(xrf1) =	vsort.ascd.msk.f32 $0xffff, v60, v22  }
0x3d: {  	v35 =	vld [tilespmem:s29+$0x0];
	s29 =	sor.u32 $0xC50, s31;
	v53, v54, _ =	vpop (xrf1);
	(xrf1) =	vsort.dscd.msk.f32 $0xffff, v61, v23  }
0x3e: {  	v36 =	vld [tilespmem:s29+$0x0];
	s29 =	sor.u32 $0xC60, s31;
	v55, v56, _ =	vpop (xrf1);
	(xrf1) =	vsort.ascd.msk.f32 $0xffff, v62, v24  }
0x3f: {  	s31 =	sor.u32 $0xC70, s31;
	v32 =	vld [tilespmem:s29+$0x0];
	v57, v58, _ =	vpop (xrf1);
	(xrf1) =	vsort.dscd.msk.f32 $0xffff, v63, v25  }
0x40: {  	v59, v60, _ =	vpop (xrf1);
	(xrf1) =	vsort.ascd.msk.f32 $0xffff, v33, v26;
	v33 =	vld [tilespmem:s31+$0x0]  }
0x41: {  	v61, v62, _ =	vpop (xrf1);
	(xrf1) =	vsort.dscd.msk.f32 $0xffff, v34, v27  }
0x42: {  	v34, v63, _ =	vpop (xrf1);
	(xrf1) =	vsort.ascd.msk.f32 $0xffff, v35, v28  }
0x43: {  	vm1 =	vge.f32 v37, v39;
	v35, v0, _ =	vpop (xrf1);
	(xrf1) =	vsort.dscd.msk.f32 $0xffff, v36, v29  }
0x44: {  	(xrf1) =	vsort.ascd.msk.f32 $0xffff, v32, v30;
	v32 =	vsel vm1, v37, v39  }
0x45: {  	v38 =	vsel vm1, v38, v40;
	v36, v37, _ =	vpop (xrf1);
	vm1 =	vge.f32 v41, v43;
	(xrf1) =	vsort.dscd.msk.f32 $0xffff, v33, v31  }
0x46: {  	v39, v40, _ =	vpop (xrf1);
	v44 =	vsel vm1, v42, v44;
	(xrf1) =	vsort.ascd.msk.f32 $0xffff, v32, v38;
	v38 =	vsel vm1, v41, v43  }
0x47: {  	vm1 =	vge.f32 v45, v47;
	v32, v33, _ =	vpop (xrf1);
	(xrf1) =	vsort.dscd.msk.f32 $0xffff, v38, v44  }
0x48: {  	v42 =	vsel vm1, v45, v47;
	v48 =	vsel vm1, v46, v48;
	vm1 =	vge.f32 v49, v51  }
0x49: {  	v51 =	vsel vm1, v49, v51;
	v52 =	vsel vm1, v50, v52;
	vm1 =	vge.f32 v53, v55  }
0x4a: {  	v38, v41, _ =	vpop (xrf1);
	v53 =	vsel vm1, v53, v55;
	v55 =	vsel vm1, v54, v56;
	vm1 =	vge.f32 v57, v59  }
0x4b: {  	v44, v45, _ =	vpop (xrf1);
	(xrf1) =	vsort.ascd.msk.f32 $0xffff, v42, v48;
	v59 =	vsel vm1, v57, v59  }
0x4c: {  	v60 =	vsel vm1, v58, v60;
	vm1 =	vge.f32 v61, v34;
	(xrf1) =	vsort.dscd.msk.f32 $0xffff, v51, v52  }
0x4d: {  	v34 =	vsel vm1, v61, v34;
	v61 =	vsel vm1, v62, v63;
	vm1 =	vge.f32 v35, v36  }
0x4e: {  	v42, v43, _ =	vpop (xrf1);
	(xrf1) =	vsort.ascd.msk.f32 $0xffff, v53, v55;
	v50 =	vsel vm1, v35, v36  }
0x4f: {  	v48, v56, _ =	vpop (xrf1);
	v0 =	vsel vm1, v0, v37;
	vm1 =	vge.f32 v39, v32;
	(xrf1) =	vsort.dscd.msk.f32 $0xffff, v59, v60  }
0x50: {  	v46, v47, _ =	vpop (xrf1);
	v32 =	vsel vm1, v39, v32;
	v33 =	vsel vm1, v40, v33;
	vm1 =	vge.f32 v38, v44  }
0x51: {  	v62, v63, _ =	vpop (xrf1);
	(xrf1) =	vsort.ascd.msk.f32 $0xffff, v34, v61;
	v53 =	vsel vm1, v38, v44  }
0x52: {  	v54 =	vsel vm1, v41, v45;
	vm1 =	vge.f32 v42, v48;
	(xrf1) =	vsort.dscd.msk.f32 $0xffff, v50, v0;
	v0, v34, _ =	vpop (xrf1)  }
0x53: {  	v55 =	vsel vm1, v42, v48;
	v56 =	vsel vm1, v43, v56;
	vm1 =	vge.f32 v46, v62;
	v35, v36, _ =	vpop (xrf1)  }
0x54: {  	(xrf1) =	vsort.ascd.msk.f32 $0xffff, v32, v33;
	v59 =	vsel vm1, v46, v62;
	v32, v33, _ =	vpop (xrf1)  }
0x55: {  	v60 =	vsel vm1, v47, v63;
	(xrf1) =	vsort.dscd.msk.f32 $0xffff, v53, v54;
	vm1 =	vge.f32 v0, v35;
	v57, v58, _ =	vpop (xrf1)  }
0x56: {  	(xrf1) =	vsort.ascd.msk.f32 $0xffff, v55, v56;
	v0 =	vsel vm1, v0, v35;
	v61, v62, _ =	vpop (xrf1)  }
0x57: {  	v34 =	vsel vm1, v34, v36;
	(xrf1) =	vsort.dscd.msk.f32 $0xffff, v59, v60;
	vm1 =	vge.f32 v32, v57;
	v37, v38, _ =	vpop (xrf1)  }
0x58: {  	(xrf1) =	vsort.ascd.msk.f32 $0xffff, v0, v34;
	v0 =	vsel vm1, v32, v57;
	v44 =	vsel vm1, v33, v58;
	v63, v43, _ =	vpop (xrf1)  }
0x59: {  	vm1 =	vge.f32 v61, v37;
	v46, v45, _ =	vpop (xrf1);
	(xrf1) =	vsort.dscd.msk.f32 $0xffff, v0, v44  }
0x5a: {  	v0 =	vsel vm1, v61, v37;
	v47 =	vsel vm1, v62, v38;
	vm1 =	vge.f32 v63, v46  }
0x5b: {  	v48, v49, _ =	vpop (xrf1);
	(xrf1) =	vsort.ascd.msk.f32 $0xffff, v0, v47;
	v0 =	vsel vm1, v63, v46  }
0x5c: {  	v50 =	vsel vm1, v43, v45  }
0x5d: {  	v51, v52, _ =	vpop (xrf1);
	(xrf1) =	vsort.dscd.msk.f32 $0xffff, v0, v50  }
0x5e: {  	v0, v32, _ =	vpop (xrf1)  }
0x5f: {  	v53, v54, _ =	vpop (xrf1)  }
0x60: {  	vm1 =	vge.f32 v48, v51;
	v55, v56, _ =	vpop (xrf1)  }
0x61: {  	v33 =	vsel vm1, v48, v51;
	v34 =	vsel vm1, v49, v52;
	vm1 =	vge.f32 v0, v53;
	v57, v58, _ =	vpop (xrf1)  }
0x62: {  	v32 =	vsel vm1, v32, v54;
	v60, v59, _ =	vpop (xrf1)  }
0x63: {  	(xrf1) =	vsort.ascd.msk.f32 $0xffff, v33, v34;
	v0 =	vsel vm1, v0, v53;
	v61, v62, _ =	vpop (xrf1)  }
0x64: {  	(xrf1) =	vsort.dscd.msk.f32 $0xffff, v0, v32;
	vm1 =	vge.f32 v55, v57;
	v63, v47, _ =	vpop (xrf1)  }
0x65: {  	v48 =	vsel vm1, v55, v57;
	v49 =	vsel vm1, v56, v58;
	vm1 =	vge.f32 v60, v61;
	v33, v34, _ =	vpop (xrf1)  }
0x66: {  	v52 =	vsel vm1, v60, v61;
	v53 =	vsel vm1, v59, v62;
	v0, v32, _ =	vpop (xrf1);
	vm1 =	vge.f32 v63, v33  }
0x67: {  	v50, v51, _ =	vpop (xrf1);
	v34 =	vsel vm1, v47, v34  }
0x68: {  	(xrf1) =	vsort.ascd.msk.f32 $0xffff, v48, v49;
	v33 =	vsel vm1, v63, v33;
	v54, v55, _ =	vpop (xrf1)  }
0x69: {  	(xrf1) =	vsort.dscd.msk.f32 $0xffff, v52, v53;
	vm1 =	vge.f32 v0, v50;
	v35, v36, _ =	vpop (xrf1)  }
0x6a: {  	(xrf1) =	vsort.ascd.msk.f32 $0xffff, v33, v34;
	v0 =	vsel vm1, v0, v50;
	v32 =	vsel vm1, v32, v51;
	v56, v57, _ =	vpop (xrf1)  }
0x6b: {  	(xrf1) =	vsort.dscd.msk.f32 $0xffff, v0, v32;
	vm1 =	vge.f32 v54, v35;
	v33, v34, _ =	vpop (xrf1)  }
0x6c: {  	v0 =	vsel vm1, v54, v35;
	v58 =	vsel vm1, v55, v36;
	vm1 =	vge.f32 v56, v33  }
0x6d: {  	(xrf1) =	vsort.ascd.msk.f32 $0xffff, v0, v58;
	v0 =	vsel vm1, v56, v33;
	v59 =	vsel vm1, v57, v34  }
0x6e: {  	(xrf1) =	vsort.dscd.msk.f32 $0xffff, v0, v59;
	_ =	sdelay $0x6  }
0x6f: {  	v0, v32, _ =	vpop (xrf1)  }
0x70: {  	v60, v61, _ =	vpop (xrf1)  }
0x71: {  	v62, v63, _ =	vpop (xrf1)  }
0x72: {  	v45, v46, _ =	vpop (xrf1)  }
0x73: {  	vm1 =	vge.f32 v0, v60;
	v47, v48, _ =	vpop (xrf1)  }
0x74: {  	v0 =	vsel vm1, v0, v60;
	v32 =	vsel vm1, v32, v61;
	vm1 =	vge.f32 v62, v45;
	v49, v50, _ =	vpop (xrf1)  }
0x75: {  	(xrf1) =	vsort.ascd.msk.f32 $0xffff, v0, v32;
	v0 =	vsel vm1, v62, v45;
	v53 =	vsel vm1, v63, v46;
	v51, v52, _ =	vpop (xrf1)  }
0x76: {  	(xrf1) =	vsort.dscd.msk.f32 $0xffff, v0, v53;
	vm1 =	vge.f32 v47, v49;
	v54, v55, _ =	vpop (xrf1)  }
0x77: {  	v0 =	vsel vm1, v47, v49;
	v56 =	vsel vm1, v48, v50;
	vm1 =	vge.f32 v51, v54  }
0x78: {  	(xrf1) =	vsort.ascd.msk.f32 $0xffff, v0, v56;
	v0 =	vsel vm1, v51, v54;
	v57 =	vsel vm1, v52, v55  }
0x79: {  	(xrf1) =	vsort.dscd.msk.f32 $0xffff, v0, v57;
	_ =	sdelay $0xa  }
0x7a: {  	v0, v32, _ =	vpop (xrf1)  }
0x7b: {  	v58, v59, _ =	vpop (xrf1)  }
0x7c: {  	v60, v61, _ =	vpop (xrf1)  }
0x7d: {  	vm1 =	vge.f32 v0, v58;
	v62, v63, _ =	vpop (xrf1)  }
0x7e: {  	v0 =	vsel vm1, v0, v58;
	v32 =	vsel vm1, v32, v59;
	vm1 =	vge.f32 v60, v62  }
0x7f: {  	(xrf1) =	vsort.ascd.msk.f32 $0xffff, v0, v32;
	v0 =	vsel vm1, v60, v62;
	v38 =	vsel vm1, v61, v63  }
0x80: {  	(xrf1) =	vsort.dscd.msk.f32 $0xffff, v0, v38;
	_ =	sdelay $0xc  }
0x81: {  	v0, v32, _ =	vpop (xrf1)  }
0x82: {  	v39, v40, _ =	vpop (xrf1)  }
0x83: {  	vm1 =	vge.f32 v0, v39  }
0x84: {  	v0 =	vsel vm1, v0, v39;
	v32 =	vsel vm1, v32, v40  }
0x85: {  	(xrf1) =	vsort.dscd.msk.f32 $0xffff, v0, v32;
	_ =	sdelay $0xd  }
0x86: {  	v0, v32, _ =	vpop (xrf1)  }
0x87: {  	v41 =	vbroadcast v0, $0x0;
	_ =	sdelay $0x1  }
0x88: {  	v0 =	vsub.f32 v0, v41;
	_ =	sdelay $0x1  }
0x89: {  	v0 =	vmul.f32 $1.442695020e+00, v0;
	_ =	sdelay $0x1  }
0x8a: {  	(erf) = vpow2.f32 v0;
	_ =	sdelay $0x8  }
0x8b: {  	v0 =	vpop (erf)  }
0x8c: {  	v0 =	vnsel vm0, $0x0, v0  }
0x8d: {  	(xrf2) =	vadd.scan.msk.f32 $0xffff, v0;
	_ =	sdelay $0x9  }
0x8e: {  	v42, _, _ =	vpop (xrf2)  }
0x8f: {  	v33 =	vbroadcast v42, $0xF;
	_ =	sdelay $0x1  }
0x90: {  	(erf) = vrcp.f32 v33;
	_ =	sdelay $0x8  }
0x91: {  	v33 =	vpop (erf)  }
0x92: {  	s29 =	sshra.s32 s28, $0x2;
	v0 =	vmul.f32 v33, v0  }
0x93: {  	s31 =	sand.u32 $0x380, s24;
	[tilespmem:s29+$0x8000] =	vst v32  }
0x94: {  	s30 =	sor.u32 s31, s30;
	[tilespmem:s29+$0xA000] =	vst v0  }
0x95: {  	v0 =	vld [tilespmem:s30+$0x0]  }
0x96: {  	v32 =	vld [tilespmem:s30+$0x10]  }
0x97: {  	v43 =	vld [tilespmem:s30+$0x20]  }
0x98: {  	v44 =	vld [tilespmem:s30+$0x30]  }
0x99: {  	v46 =	vlaneseq.u32;
	v45 =	vld [tilespmem:s30+$0x40]  }
0x9a: {  	(xrf1) =	vsort.ascd.msk.f32 $0xffff, v0, v46;
	v0 =	vld [tilespmem:s30+$0x50]  }
0x9b: {  	v47 =	vld [tilespmem:s30+$0x60];
	(xrf1) =	vsort.dscd.msk.f32 $0xffff, v32, v1  }
0x9c: {  	v48 =	vld [tilespmem:s30+$0x70];
	(xrf1) =	vsort.ascd.msk.f32 $0xffff, v43, v2  }
0x9d: {  	v49 =	vld [tilespmem:s30+$0x400];
	(xrf1) =	vsort.dscd.msk.f32 $0xffff, v44, v3  }
0x9e: {  	v50 =	vld [tilespmem:s30+$0x410];
	(xrf1) =	vsort.ascd.msk.f32 $0xffff, v45, v4  }
0x9f: {  	(xrf1) =	vsort.dscd.msk.f32 $0xffff, v0, v5;
	v0 =	vld [tilespmem:s30+$0x420]  }
0xa0: {  	v51 =	vld [tilespmem:s30+$0x430];
	(xrf1) =	vsort.ascd.msk.f32 $0xffff, v47, v6  }
0xa1: {  	v52 =	vld [tilespmem:s30+$0x440];
	(xrf1) =	vsort.dscd.msk.f32 $0xffff, v48, v7  }
0xa2: {  	v53 =	vld [tilespmem:s30+$0x450];
	(xrf1) =	vsort.ascd.msk.f32 $0xffff, v49, v8  }
0xa3: {  	v54 =	vld [tilespmem:s30+$0x460];
	(xrf1) =	vsort.dscd.msk.f32 $0xffff, v50, v9  }
0xa4: {  	(xrf1) =	vsort.ascd.msk.f32 $0xffff, v0, v10;
	v0 =	vld [tilespmem:s30+$0x470]  }
0xa5: {  	v55 =	vld [tilespmem:s30+$0x800];
	(xrf1) =	vsort.dscd.msk.f32 $0xffff, v51, v11  }
0xa6: {  	v56 =	vld [tilespmem:s30+$0x810];
	(xrf1) =	vsort.ascd.msk.f32 $0xffff, v52, v12  }
0xa7: {  	v57 =	vld [tilespmem:s30+$0x820];
	(xrf1) =	vsort.dscd.msk.f32 $0xffff, v53, v13  }
0xa8: {  	s31 =	sand.u32 $0x7, s26;
	v58 =	vld [tilespmem:s30+$0x830];
	(xrf1) =	vsort.ascd.msk.f32 $0xffff, v54, v14  }
0xa9: {  	s31 =	sshll.u32 s31, $0x7;
	v36, v37, _ =	vpop (xrf1);
	(xrf1) =	vsort.dscd.msk.f32 $0xffff, v0, v15;
	v0 =	vld [tilespmem:s30+$0x840]  }
0xaa: {  	s31 =	sadd.s32 s28, s31;
	v59 =	vld [tilespmem:s30+$0x850];
	v38, v39, _ =	vpop (xrf1);
	(xrf1) =	vsort.ascd.msk.f32 $0xffff, v55, v16  }
0xab: {  	s31 =	sadd.s32 $0x80, s31;
	v60 =	vld [tilespmem:s30+$0x860];
	v40, v41, _ =	vpop (xrf1);
	(xrf1) =	vsort.dscd.msk.f32 $0xffff, v56, v17  }
0xac: {  	v61 =	vld [tilespmem:s30+$0x870];
	s30 =	sor.u32 $0xC00, s31;
	v42, v43, _ =	vpop (xrf1);
	(xrf1) =	vsort.ascd.msk.f32 $0xffff, v57, v18  }
0xad: {  	v62 =	vld [tilespmem:s30+$0x0];
	s30 =	sor.u32 $0xC10, s31;
	v44, v45, _ =	vpop (xrf1);
	(xrf1) =	vsort.dscd.msk.f32 $0xffff, v58, v19  }
0xae: {  	v46, v47, _ =	vpop (xrf1);
	(xrf1) =	vsort.ascd.msk.f32 $0xffff, v0, v20;
	v0 =	vld [tilespmem:s30+$0x0];
	s30 =	sor.u32 $0xC20, s31  }
0xaf: {  	v48, v49, _ =	vpop (xrf1);
	(xrf1) =	vsort.dscd.msk.f32 $0xffff, v59, v21;
	v63 =	vld [tilespmem:s30+$0x0];
	s30 =	sor.u32 $0xC30, s31  }
0xb0: {  	v50, v51, _ =	vpop (xrf1);
	(xrf1) =	vsort.ascd.msk.f32 $0xffff, v60, v22;
	v33 =	vld [tilespmem:s30+$0x0];
	s30 =	sor.u32 $0xC40, s31  }
0xb1: {  	v52, v53, _ =	vpop (xrf1);
	(xrf1) =	vsort.dscd.msk.f32 $0xffff, v61, v23;
	v34 =	vld [tilespmem:s30+$0x0];
	s30 =	sor.u32 $0xC50, s31  }
0xb2: {  	v54, v55, _ =	vpop (xrf1);
	(xrf1) =	vsort.ascd.msk.f32 $0xffff, v62, v24;
	v35 =	vld [tilespmem:s30+$0x0];
	s30 =	sor.u32 $0xC60, s31  }
0xb3: {  	v56, v57, _ =	vpop (xrf1);
	s31 =	sor.u32 $0xC70, s31;
	(xrf1) =	vsort.dscd.msk.f32 $0xffff, v0, v25;
	v0 =	vld [tilespmem:s30+$0x0]  }
0xb4: {  	v58, v59, _ =	vpop (xrf1);
	v32 =	vld [tilespmem:s31+$0x0];
	(xrf1) =	vsort.ascd.msk.f32 $0xffff, v63, v26  }
0xb5: {  	v60, v61, _ =	vpop (xrf1);
	(xrf1) =	vsort.dscd.msk.f32 $0xffff, v33, v27  }
0xb6: {  	v33, v62, _ =	vpop (xrf1);
	(xrf1) =	vsort.ascd.msk.f32 $0xffff, v34, v28  }
0xb7: {  	v34, v63, _ =	vpop (xrf1);
	(xrf1) =	vsort.dscd.msk.f32 $0xffff, v35, v29  }
0xb8: {  	vm1 =	vge.f32 v36, v38;
	(xrf1) =	vsort.ascd.msk.f32 $0xffff, v0, v30  }
0xb9: {  	v0, v35, _ =	vpop (xrf1);
	(xrf1) =	vsort.dscd.msk.f32 $0xffff, v32, v31;
	v32 =	vsel vm1, v36, v38;
	v36 =	vsel vm1, v37, v39  }
0xba: {  	v37, v38, _ =	vpop (xrf1);
	vm1 =	vge.f32 v40, v42;
	(xrf1) =	vsort.ascd.msk.f32 $0xffff, v32, v36  }
0xbb: {  	v32 =	vsel vm1, v40, v42;
	v36 =	vsel vm1, v41, v43;
	vm1 =	vge.f32 v44, v46  }
0xbc: {  	v39, v40, _ =	vpop (xrf1);
	(xrf1) =	vsort.dscd.msk.f32 $0xffff, v32, v36;
	v46 =	vsel vm1, v44, v46;
	v47 =	vsel vm1, v45, v47  }
0xbd: {  	v41, v42, _ =	vpop (xrf1);
	vm1 =	vge.f32 v48, v50;
	(xrf1) =	vsort.ascd.msk.f32 $0xffff, v46, v47  }
0xbe: {  	v50 =	vsel vm1, v48, v50;
	v51 =	vsel vm1, v49, v51;
	vm1 =	vge.f32 v52, v54  }
0xbf: {  	v54 =	vsel vm1, v52, v54;
	v55 =	vsel vm1, v53, v55;
	vm1 =	vge.f32 v56, v58  }
0xc0: {  	v43, v44, _ =	vpop (xrf1);
	(xrf1) =	vsort.dscd.msk.f32 $0xffff, v50, v51;
	v58 =	vsel vm1, v56, v58  }
0xc1: {  	v59 =	vsel vm1, v57, v59;
	vm1 =	vge.f32 v60, v33;
	v45, v46, _ =	vpop (xrf1);
	(xrf1) =	vsort.ascd.msk.f32 $0xffff, v54, v55  }
0xc2: {  	v52 =	vsel vm1, v60, v33;
	v53 =	vsel vm1, v61, v62;
	vm1 =	vge.f32 v34, v0  }
0xc3: {  	v47, v48, _ =	vpop (xrf1);
	(xrf1) =	vsort.dscd.msk.f32 $0xffff, v58, v59;
	v0 =	vsel vm1, v34, v0  }
0xc4: {  	v55 =	vsel vm1, v63, v35;
	vm1 =	vge.f32 v37, v39;
	v54, v49, _ =	vpop (xrf1);
	(xrf1) =	vsort.ascd.msk.f32 $0xffff, v52, v53  }
0xc5: {  	v58 =	vsel vm1, v38, v40;
	v56, v57, _ =	vpop (xrf1);
	(xrf1) =	vsort.dscd.msk.f32 $0xffff, v0, v55;
	v0 =	vsel vm1, v37, v39  }
0xc6: {  	vm1 =	vge.f32 v41, v43;
	v59, v60, _ =	vpop (xrf1);
	(xrf1) =	vsort.ascd.msk.f32 $0xffff, v0, v58  }
0xc7: {  	v0 =	vsel vm1, v41, v43;
	v61 =	vsel vm1, v42, v44;
	vm1 =	vge.f32 v45, v47  }
0xc8: {  	v50 =	vsel vm1, v45, v47;
	v51 =	vsel vm1, v46, v48;
	vm1 =	vge.f32 v54, v56  }
0xc9: {  	v63, v62, _ =	vpop (xrf1);
	v34 =	vsel vm1, v49, v57  }
0xca: {  	(xrf1) =	vsort.dscd.msk.f32 $0xffff, v0, v61;
	v33 =	vsel vm1, v54, v56;
	vm1 =	vge.f32 v59, v63;
	v0, v32, _ =	vpop (xrf1)  }
0xcb: {  	v37 =	vsel vm1, v60, v62;
	v53, v52, _ =	vpop (xrf1)  }
0xcc: {  	(xrf1) =	vsort.ascd.msk.f32 $0xffff, v50, v51;
	v35 =	vsel vm1, v59, v63;
	v55, v54, _ =	vpop (xrf1)  }
0xcd: {  	(xrf1) =	vsort.dscd.msk.f32 $0xffff, v33, v34;
	vm1 =	vge.f32 v0, v53;
	v33, v34, _ =	vpop (xrf1)  }
0xce: {  	v0 =	vsel vm1, v0, v53;
	v32 =	vsel vm1, v32, v52;
	v56, v57, _ =	vpop (xrf1);
	(xrf1) =	vsort.ascd.msk.f32 $0xffff, v35, v37  }
0xcf: {  	vm1 =	vge.f32 v55, v33;
	v35, v37, _ =	vpop (xrf1);
	(xrf1) =	vsort.dscd.msk.f32 $0xffff, v0, v32  }
0xd0: {  	v0 =	vsel vm1, v55, v33;
	v58 =	vsel vm1, v54, v34;
	vm1 =	vge.f32 v56, v35  }
0xd1: {  	v59, v60, _ =	vpop (xrf1);
	(xrf1) =	vsort.ascd.msk.f32 $0xffff, v0, v58;
	v0 =	vsel vm1, v56, v35;
	_ =	sdelay $0x1  }
0xd2: {  	v61 =	vsel vm1, v57, v37;
	v63, v62, _ =	vpop (xrf1)  }
0xd3: {  	(xrf1) =	vsort.dscd.msk.f32 $0xffff, v0, v61;
	v0, v32, _ =	vpop (xrf1)  }
0xd4: {  	vm1 =	vge.f32 v59, v63;
	v49, v48, _ =	vpop (xrf1)  }
0xd5: {  	v33 =	vsel vm1, v59, v63;
	v34 =	vsel vm1, v60, v62;
	v51, v50, _ =	vpop (xrf1);
	vm1 =	vge.f32 v0, v49  }
0xd6: {  	v52, v53, _ =	vpop (xrf1);
	v32 =	vsel vm1, v32, v48  }
0xd7: {  	v0 =	vsel vm1, v0, v49;
	v55, v54, _ =	vpop (xrf1)  }
0xd8: {  	(xrf1) =	vsort.ascd.msk.f32 $0xffff, v33, v34;
	vm1 =	vge.f32 v51, v52;
	v56, v57, _ =	vpop (xrf1)  }
0xd9: {  	v58 =	vsel vm1, v51, v52;
	v59 =	vsel vm1, v50, v53;
	v33, v34, _ =	vpop (xrf1);
	vm1 =	vge.f32 v55, v56  }
0xda: {  	(xrf1) =	vsort.dscd.msk.f32 $0xffff, v0, v32;
	v0, v32, _ =	vpop (xrf1);
	v36 =	vsel vm1, v54, v57  }
0xdb: {  	v35 =	vsel vm1, v55, v56;
	vm1 =	vge.f32 v33, v0  }
0xdc: {  	v60, v61, _ =	vpop (xrf1);
	v32 =	vsel vm1, v34, v32  }
0xdd: {  	(xrf1) =	vsort.ascd.msk.f32 $0xffff, v58, v59;
	v37, v38, _ =	vpop (xrf1);
	v0 =	vsel vm1, v33, v0  }
0xde: {  	(xrf1) =	vsort.dscd.msk.f32 $0xffff, v35, v36;
	v35, v36, _ =	vpop (xrf1)  }
0xdf: {  	vm1 =	vge.f32 v60, v37;
	v62, v63, _ =	vpop (xrf1)  }
0xe0: {  	v37 =	vsel vm1, v60, v37;
	v38 =	vsel vm1, v61, v38;
	(xrf1) =	vsort.ascd.msk.f32 $0xffff, v0, v32;
	v0, v32, _ =	vpop (xrf1)  }
0xe1: {  	(xrf1) =	vsort.dscd.msk.f32 $0xffff, v37, v38;
	vm1 =	vge.f32 v35, v62;
	v44, v45, _ =	vpop (xrf1)  }
0xe2: {  	v33 =	vsel vm1, v35, v62;
	v34 =	vsel vm1, v36, v63;
	vm1 =	vge.f32 v0, v44  }
0xe3: {  	(xrf1) =	vsort.ascd.msk.f32 $0xffff, v33, v34;
	v0 =	vsel vm1, v0, v44;
	v32 =	vsel vm1, v32, v45  }
0xe4: {  	(xrf1) =	vsort.dscd.msk.f32 $0xffff, v0, v32;
	_ =	sdelay $0x5  }
0xe5: {  	v0, v32, _ =	vpop (xrf1)  }
0xe6: {  	v33, v34, _ =	vpop (xrf1)  }
0xe7: {  	v46, v47, _ =	vpop (xrf1)  }
0xe8: {  	vm1 =	vge.f32 v0, v33;
	v37, v38, _ =	vpop (xrf1)  }
0xe9: {  	v0 =	vsel vm1, v0, v33;
	v32 =	vsel vm1, v32, v34;
	vm1 =	vge.f32 v46, v37  }
0xea: {  	v48, v49, _ =	vpop (xrf1);
	(xrf1) =	vsort.ascd.msk.f32 $0xffff, v0, v32;
	v0 =	vsel vm1, v46, v37  }
0xeb: {  	v50, v51, _ =	vpop (xrf1)  }
0xec: {  	v52 =	vsel vm1, v47, v38;
	v53, v54, _ =	vpop (xrf1)  }
0xed: {  	(xrf1) =	vsort.dscd.msk.f32 $0xffff, v0, v52;
	vm1 =	vge.f32 v48, v50;
	v0, v32, _ =	vpop (xrf1)  }
0xee: {  	v33 =	vsel vm1, v48, v50;
	v34 =	vsel vm1, v49, v51;
	vm1 =	vge.f32 v53, v0  }
0xef: {  	(xrf1) =	vsort.ascd.msk.f32 $0xffff, v33, v34;
	v0 =	vsel vm1, v53, v0;
	v32 =	vsel vm1, v54, v32  }
0xf0: {  	(xrf1) =	vsort.dscd.msk.f32 $0xffff, v0, v32;
	_ =	sdelay $0xa  }
0xf1: {  	v0, v32, _ =	vpop (xrf1)  }
0xf2: {  	v33, v34, _ =	vpop (xrf1)  }
0xf3: {  	v55, v56, _ =	vpop (xrf1)  }
0xf4: {  	vm1 =	vge.f32 v0, v33;
	v57, v58, _ =	vpop (xrf1)  }
0xf5: {  	v0 =	vsel vm1, v0, v33;
	v32 =	vsel vm1, v32, v34;
	vm1 =	vge.f32 v55, v57  }
0xf6: {  	(xrf1) =	vsort.ascd.msk.f32 $0xffff, v0, v32;
	v0 =	vsel vm1, v55, v57;
	v59 =	vsel vm1, v56, v58  }
0xf7: {  	(xrf1) =	vsort.dscd.msk.f32 $0xffff, v0, v59;
	_ =	sdelay $0xc  }
0xf8: {  	v0, v32, _ =	vpop (xrf1)  }
0xf9: {  	v60, v61, _ =	vpop (xrf1)  }
0xfa: {  	vm1 =	vge.f32 v0, v60  }
0xfb: {  	v0 =	vsel vm1, v0, v60;
	v32 =	vsel vm1, v32, v61  }
0xfc: {  	(xrf1) =	vsort.dscd.msk.f32 $0xffff, v0, v32;
	_ =	sdelay $0xd  }
0xfd: {  	v0, v32, _ =	vpop (xrf1)  }
0xfe: {  	v62 =	vbroadcast v0, $0x0;
	_ =	sdelay $0x1  }
0xff: {  	v0 =	vsub.f32 v0, v62;
	_ =	sdelay $0x1  }
0x100: {  	v0 =	vmul.f32 $1.442695020e+00, v0;
	_ =	sdelay $0x1  }
0x101: {  	(erf) = vpow2.f32 v0;
	_ =	sdelay $0x8  }
0x102: {  	v0 =	vpop (erf)  }
0x103: {  	v0 =	vnsel vm0, $0x0, v0  }
0x104: {  	(xrf2) =	vadd.scan.msk.f32 $0xffff, v0;
	_ =	sdelay $0x9  }
0x105: {  	v63, _, _ =	vpop (xrf2)  }
0x106: {  	v33 =	vbroadcast v63, $0xF;
	_ =	sdelay $0x1  }
0x107: {  	(erf) = vrcp.f32 v33;
	_ =	sdelay $0x5  }
0x108: {  	s23 =	sadd.s32 $0x2, s23  }
0x109: {  	p1 =	slt.u32 s23, $0x1E  }
.Ltmp0:
0x10a: {  	_ = 	snop;
	(pc) =	sbr.rel @p1 .LBB2_3-.Ltmp0, $4  }
0x10b: {  	v33 =	vpop (erf)  }
0x10c: {  	v0 =	vmul.f32 v33, v0  }
0x10d: {  	s25 =	sadd.s32 $0x1, s25;
	[tilespmem:s29+$0x8080] =	vst v32  }
0x10e: {  	s24 =	sadd.s32 $0x100, s24;
	s26 =	sadd.s32 $0x2, s26;
	s28 =	sadd.s32 $0x400, s28;
	[tilespmem:s29+$0xA080] =	vst v0;
	v0 =	vlaneseq.u32  }
0x10f: {  	s23 =	sshll.u32 s21, $0xD  }
0x110: {  	p1 =	sne.s32 s21, $0x5;
	s23 =	sadd.s32 s8, s23  }
.Ltmp1:
0x111: {  	s23 =	sshrl.u32 s23, $0x3;
	(pc) =	sbr.rel @p1 .LBB2_6-.Ltmp1, $4  }
0x112: {  	s24 =	sadd.s32 s4, s23  }
0x113: {  	[hbm4b:s24+s2] =	stream.linear.scatter [tilespmem:s13], [sflag:$0x3], $0x1000, $0x38;
	[tilespmem:$0xC000] =	vst v63  }
0x114: {  	s23 =	sadd.s32 s5, s23  }
0x115: {  	[hbm4b:s23+s2] =	stream.linear.scatter [tilespmem:s14], [sflag:$0x3], $0x1000, $0x38;
	[tilespmem:$0xC000] =	vst v63  }
.Ltmp2:
0x116: {  	(pc) =	sbr.rel .LBB2_7-.Ltmp2, $4  }
0x117: {  	_ = 	snop  }
0x118: {  	_ =	swait.ge [sflag:s15], $0x4000  }
0x119: {  	[sflag:s15] =	ssyncset.done $0x0  }
0x11a: {  	[sflag:s15] =	ssyncadd.s32 $0xFFFFC000  }
.LBB2_6:
0x11b: {  	s23 =	sshll.u32 s21, $0xF  }
0x11c: {  	s23 =	sadd.s32 s23, s9  }
0x11d: {  	s23 =	sshrl.u32 s23, $0x3  }
.Ltmp3:
0x11e: {  	s23 =	sadd.s32 s3, s23;
	(pc) =	sbr.rel @p0 .LBB2_8-.Ltmp3, $4  }
0x11f: {  	[tilespmem:s2], [sflag:$0x1] =	stream.linear.gather [hbm4b:s23+s2], $0x4000, $0x38;
	[tilespmem:$0xC000] =	vst v63  }
0x120: {  	_ =	swait.ge [sflag:s15], $0x4000  }
0x121: {  	[sflag:s15] =	ssyncset.done $0x0  }
0x122: {  	[sflag:s15] =	ssyncadd.s32 $0xFFFFC000  }
.LBB2_7:
0x123: {  	_ =	swait.ge [sflag:s16], $0x1000  }
0x124: {  	[sflag:s16] =	ssyncset.done $0x0  }
0x125: {  	[sflag:s16] =	ssyncadd.s32 $0xFFFFF000  }
0x126: {  	_ =	swait.ge [sflag:s16], $0x1000  }
0x127: {  	[sflag:s16] =	ssyncset.done $0x0  }
0x128: {  	[sflag:s16] =	ssyncadd.s32 $0xFFFFF000  }
.LBB2_8:
0x129: {  	s23 =	simm.s32 $0xFFFFFFFE;
	s24 =	simm.s32 $0x80  }
0x12a: {  	s25 =	simm.s32 $0x0;
	s26 =	simm.s32 $0x0;
	s28 =	simm.s32 $0x0  }
.LBB2_9:
0x12b: {  	s29 =	sand.u32 $0x3000, s28;
	s30 =	sadd.s32 $0xFFFFFF80, s24  }
0x12c: {  	s31 =	sand.u32 $0x300, s30;
	s30 =	sor.u32 $0x4000, s29  }
0x12d: {  	s29 =	sor.u32 s31, s30  }
0x12e: {  	v0 =	vld [tilespmem:s29+$0x0]  }
0x12f: {  	v32 =	vld [tilespmem:s29+$0x10]  }
0x130: {  	v33 =	vld [tilespmem:s29+$0x20]  }
0x131: {  	v34 =	vld [tilespmem:s29+$0x30]  }
0x132: {  	v36 =	vlaneseq.u32;
	v35 =	vld [tilespmem:s29+$0x40]  }
0x133: {  	(xrf1) =	vsort.ascd.msk.f32 $0xffff, v0, v36;
	v0 =	vld [tilespmem:s29+$0x50]  }
0x134: {  	v47 =	vld [tilespmem:s29+$0x60];
	(xrf1) =	vsort.dscd.msk.f32 $0xffff, v32, v1  }
0x135: {  	v48 =	vld [tilespmem:s29+$0x70];
	(xrf1) =	vsort.ascd.msk.f32 $0xffff, v33, v2  }
0x136: {  	v49 =	vld [tilespmem:s29+$0x400];
	(xrf1) =	vsort.dscd.msk.f32 $0xffff, v34, v3  }
0x137: {  	v50 =	vld [tilespmem:s29+$0x410];
	(xrf1) =	vsort.ascd.msk.f32 $0xffff, v35, v4  }
0x138: {  	(xrf1) =	vsort.dscd.msk.f32 $0xffff, v0, v5;
	v0 =	vld [tilespmem:s29+$0x420]  }
0x139: {  	v51 =	vld [tilespmem:s29+$0x430];
	(xrf1) =	vsort.ascd.msk.f32 $0xffff, v47, v6  }
0x13a: {  	v52 =	vld [tilespmem:s29+$0x440];
	(xrf1) =	vsort.dscd.msk.f32 $0xffff, v48, v7  }
0x13b: {  	v53 =	vld [tilespmem:s29+$0x450];
	(xrf1) =	vsort.ascd.msk.f32 $0xffff, v49, v8  }
0x13c: {  	v54 =	vld [tilespmem:s29+$0x460];
	(xrf1) =	vsort.dscd.msk.f32 $0xffff, v50, v9  }
0x13d: {  	(xrf1) =	vsort.ascd.msk.f32 $0xffff, v0, v10;
	v0 =	vld [tilespmem:s29+$0x470]  }
0x13e: {  	v55 =	vld [tilespmem:s29+$0x800];
	(xrf1) =	vsort.dscd.msk.f32 $0xffff, v51, v11  }
0x13f: {  	v56 =	vld [tilespmem:s29+$0x810];
	(xrf1) =	vsort.ascd.msk.f32 $0xffff, v52, v12  }
0x140: {  	v57 =	vld [tilespmem:s29+$0x820];
	(xrf1) =	vsort.dscd.msk.f32 $0xffff, v53, v13  }
0x141: {  	v58 =	vld [tilespmem:s29+$0x830];
	(xrf1) =	vsort.ascd.msk.f32 $0xffff, v54, v14  }
0x142: {  	s31 =	sand.u32 $0x3, s25;
	v36, v37, _ =	vpop (xrf1);
	(xrf1) =	vsort.dscd.msk.f32 $0xffff, v0, v15;
	v0 =	vld [tilespmem:s29+$0x840]  }
0x143: {  	s31 =	sshll.u32 s31, $0x8;
	v59 =	vld [tilespmem:s29+$0x850];
	v38, v39, _ =	vpop (xrf1);
	(xrf1) =	vsort.ascd.msk.f32 $0xffff, v55, v16  }
0x144: {  	v60 =	vld [tilespmem:s29+$0x860];
	s31 =	sadd.s32 s31, s28;
	v40, v41, _ =	vpop (xrf1);
	(xrf1) =	vsort.dscd.msk.f32 $0xffff, v56, v17  }
0x145: {  	v61 =	vld [tilespmem:s29+$0x870];
	s29 =	sor.u32 $0xC00, s31;
	v42, v43, _ =	vpop (xrf1);
	(xrf1) =	vsort.ascd.msk.f32 $0xffff, v57, v18  }
0x146: {  	v62 =	vld [tilespmem:s29+$0x4000];
	s29 =	sor.u32 $0xC10, s31;
	v44, v45, _ =	vpop (xrf1);
	(xrf1) =	vsort.dscd.msk.f32 $0xffff, v58, v19  }
0x147: {  	v46, v47, _ =	vpop (xrf1);
	(xrf1) =	vsort.ascd.msk.f32 $0xffff, v0, v20;
	v0 =	vld [tilespmem:s29+$0x4000];
	s29 =	sor.u32 $0xC20, s31  }
0x148: {  	v48, v49, _ =	vpop (xrf1);
	(xrf1) =	vsort.dscd.msk.f32 $0xffff, v59, v21;
	v63 =	vld [tilespmem:s29+$0x4000];
	s29 =	sor.u32 $0xC30, s31  }
0x149: {  	v50, v51, _ =	vpop (xrf1);
	(xrf1) =	vsort.ascd.msk.f32 $0xffff, v60, v22;
	v33 =	vld [tilespmem:s29+$0x4000];
	s29 =	sor.u32 $0xC40, s31  }
0x14a: {  	v52, v53, _ =	vpop (xrf1);
	(xrf1) =	vsort.dscd.msk.f32 $0xffff, v61, v23;
	v34 =	vld [tilespmem:s29+$0x4000];
	s29 =	sor.u32 $0xC50, s31  }
0x14b: {  	v54, v55, _ =	vpop (xrf1);
	(xrf1) =	vsort.ascd.msk.f32 $0xffff, v62, v24;
	v35 =	vld [tilespmem:s29+$0x4000];
	s29 =	sor.u32 $0xC60, s31  }
0x14c: {  	v56, v57, _ =	vpop (xrf1);
	s31 =	sor.u32 $0xC70, s31;
	(xrf1) =	vsort.dscd.msk.f32 $0xffff, v0, v25;
	v0 =	vld [tilespmem:s29+$0x4000]  }
0x14d: {  	v58, v59, _ =	vpop (xrf1);
	v32 =	vld [tilespmem:s31+$0x4000];
	(xrf1) =	vsort.ascd.msk.f32 $0xffff, v63, v26  }
0x14e: {  	v60, v61, _ =	vpop (xrf1);
	(xrf1) =	vsort.dscd.msk.f32 $0xffff, v33, v27  }
0x14f: {  	v33, v62, _ =	vpop (xrf1);
	(xrf1) =	vsort.ascd.msk.f32 $0xffff, v34, v28  }
0x150: {  	vm1 =	vge.f32 v36, v38;
	v34, v63, _ =	vpop (xrf1);
	(xrf1) =	vsort.dscd.msk.f32 $0xffff, v35, v29  }
0x151: {  	(xrf1) =	vsort.ascd.msk.f32 $0xffff, v0, v30;
	v0 =	vsel vm1, v36, v38  }
0x152: {  	v37 =	vsel vm1, v37, v39;
	v35, v36, _ =	vpop (xrf1);
	vm1 =	vge.f32 v40, v42;
	(xrf1) =	vsort.dscd.msk.f32 $0xffff, v32, v31  }
0x153: {  	v38, v39, _ =	vpop (xrf1);
	(xrf1) =	vsort.ascd.msk.f32 $0xffff, v0, v37;
	v37 =	vsel vm1, v40, v42;
	v40 =	vsel vm1, v41, v43  }
0x154: {  	vm1 =	vge.f32 v44, v46;
	v0, v32, _ =	vpop (xrf1);
	(xrf1) =	vsort.dscd.msk.f32 $0xffff, v37, v40  }
0x155: {  	v41 =	vsel vm1, v44, v46;
	v42 =	vsel vm1, v45, v47;
	vm1 =	vge.f32 v48, v50  }
0x156: {  	v50 =	vsel vm1, v48, v50;
	v51 =	vsel vm1, v49, v51;
	vm1 =	vge.f32 v52, v54  }
0x157: {  	v54 =	vsel vm1, v52, v54;
	v55 =	vsel vm1, v53, v55;
	vm1 =	vge.f32 v56, v58  }
0x158: {  	v37, v40, _ =	vpop (xrf1);
	v58 =	vsel vm1, v56, v58;
	v59 =	vsel vm1, v57, v59;
	vm1 =	vge.f32 v60, v33  }
0x159: {  	v43, v44, _ =	vpop (xrf1);
	(xrf1) =	vsort.ascd.msk.f32 $0xffff, v41, v42;
	v33 =	vsel vm1, v60, v33  }
0x15a: {  	v60 =	vsel vm1, v61, v62;
	vm1 =	vge.f32 v34, v35;
	(xrf1) =	vsort.dscd.msk.f32 $0xffff, v50, v51  }
0x15b: {  	v41, v42, _ =	vpop (xrf1);
	v49 =	vsel vm1, v34, v35;
	(xrf1) =	vsort.ascd.msk.f32 $0xffff, v54, v55  }
0x15c: {  	v52 =	vsel vm1, v63, v36;
	vm1 =	vge.f32 v38, v0;
	v47, v48, _ =	vpop (xrf1);
	(xrf1) =	vsort.dscd.msk.f32 $0xffff, v58, v59  }
0x15d: {  	v0 =	vsel vm1, v38, v0;
	v45, v46, _ =	vpop (xrf1);
	(xrf1) =	vsort.ascd.msk.f32 $0xffff, v33, v60  }
0x15e: {  	v32 =	vsel vm1, v39, v32;
	vm1 =	vge.f32 v37, v43;
	v61, v62, _ =	vpop (xrf1);
	(xrf1) =	vsort.dscd.msk.f32 $0xffff, v49, v52  }
0x15f: {  	v55 =	vsel vm1, v40, v44;
	v33, v34, _ =	vpop (xrf1);
	(xrf1) =	vsort.ascd.msk.f32 $0xffff, v0, v32;
	v0 =	vsel vm1, v37, v43  }
0x160: {  	v53, v54, _ =	vpop (xrf1);
	vm1 =	vge.f32 v41, v47;
	(xrf1) =	vsort.dscd.msk.f32 $0xffff, v0, v55  }
0x161: {  	v56 =	vsel vm1, v41, v47;
	v57 =	vsel vm1, v42, v48;
	vm1 =	vge.f32 v45, v61  }
0x162: {  	v60 =	vsel vm1, v45, v61;
	v61 =	vsel vm1, v46, v62;
	vm1 =	vge.f32 v33, v53;
	v0, v32, _ =	vpop (xrf1)  }
0x163: {  	v34 =	vsel vm1, v34, v54;
	v58, v59, _ =	vpop (xrf1)  }
0x164: {  	(xrf1) =	vsort.ascd.msk.f32 $0xffff, v56, v57;
	v33 =	vsel vm1, v33, v53;
	v62, v63, _ =	vpop (xrf1)  }
0x165: {  	(xrf1) =	vsort.dscd.msk.f32 $0xffff, v60, v61;
	vm1 =	vge.f32 v0, v58;
	v37, v38, _ =	vpop (xrf1)  }
0x166: {  	(xrf1) =	vsort.ascd.msk.f32 $0xffff, v33, v34;
	v0 =	vsel vm1, v0, v58;
	v32 =	vsel vm1, v32, v59;
	v45, v46, _ =	vpop (xrf1)  }
0x167: {  	vm1 =	vge.f32 v62, v37;
	v33, v34, _ =	vpop (xrf1);
	(xrf1) =	vsort.dscd.msk.f32 $0xffff, v0, v32  }
0x168: {  	v0 =	vsel vm1, v62, v37;
	v47 =	vsel vm1, v63, v38;
	vm1 =	vge.f32 v45, v33  }
0x169: {  	v48, v49, _ =	vpop (xrf1);
	(xrf1) =	vsort.ascd.msk.f32 $0xffff, v0, v47;
	v0 =	vsel vm1, v45, v33  }
0x16a: {  	v50 =	vsel vm1, v46, v34  }
0x16b: {  	v51, v52, _ =	vpop (xrf1);
	(xrf1) =	vsort.dscd.msk.f32 $0xffff, v0, v50  }
0x16c: {  	v0, v32, _ =	vpop (xrf1)  }
0x16d: {  	v53, v54, _ =	vpop (xrf1)  }
0x16e: {  	vm1 =	vge.f32 v48, v51;
	v55, v56, _ =	vpop (xrf1)  }
0x16f: {  	v33 =	vsel vm1, v48, v51;
	v34 =	vsel vm1, v49, v52;
	vm1 =	vge.f32 v0, v53;
	v57, v58, _ =	vpop (xrf1)  }
0x170: {  	v32 =	vsel vm1, v32, v54;
	v59, v60, _ =	vpop (xrf1)  }
0x171: {  	(xrf1) =	vsort.ascd.msk.f32 $0xffff, v33, v34;
	v0 =	vsel vm1, v0, v53;
	v61, v62, _ =	vpop (xrf1)  }
0x172: {  	(xrf1) =	vsort.dscd.msk.f32 $0xffff, v0, v32;
	vm1 =	vge.f32 v55, v57;
	v63, v47, _ =	vpop (xrf1)  }
0x173: {  	v48 =	vsel vm1, v55, v57;
	v49 =	vsel vm1, v56, v58;
	vm1 =	vge.f32 v59, v61;
	v33, v34, _ =	vpop (xrf1)  }
0x174: {  	v52 =	vsel vm1, v59, v61;
	v53 =	vsel vm1, v60, v62;
	v0, v32, _ =	vpop (xrf1);
	vm1 =	vge.f32 v63, v33  }
0x175: {  	v50, v51, _ =	vpop (xrf1);
	v34 =	vsel vm1, v47, v34  }
0x176: {  	(xrf1) =	vsort.ascd.msk.f32 $0xffff, v48, v49;
	v33 =	vsel vm1, v63, v33;
	v54, v55, _ =	vpop (xrf1)  }
0x177: {  	(xrf1) =	vsort.dscd.msk.f32 $0xffff, v52, v53;
	vm1 =	vge.f32 v0, v50;
	v35, v36, _ =	vpop (xrf1)  }
0x178: {  	(xrf1) =	vsort.ascd.msk.f32 $0xffff, v33, v34;
	v0 =	vsel vm1, v0, v50;
	v32 =	vsel vm1, v32, v51;
	v56, v57, _ =	vpop (xrf1)  }
0x179: {  	(xrf1) =	vsort.dscd.msk.f32 $0xffff, v0, v32;
	vm1 =	vge.f32 v54, v35;
	v33, v34, _ =	vpop (xrf1)  }
0x17a: {  	v0 =	vsel vm1, v54, v35;
	v58 =	vsel vm1, v55, v36;
	vm1 =	vge.f32 v56, v33  }
0x17b: {  	(xrf1) =	vsort.ascd.msk.f32 $0xffff, v0, v58;
	v0 =	vsel vm1, v56, v33;
	v59 =	vsel vm1, v57, v34  }
0x17c: {  	(xrf1) =	vsort.dscd.msk.f32 $0xffff, v0, v59;
	_ =	sdelay $0x6  }
0x17d: {  	v0, v32, _ =	vpop (xrf1)  }
0x17e: {  	v60, v61, _ =	vpop (xrf1)  }
0x17f: {  	v62, v63, _ =	vpop (xrf1)  }
0x180: {  	v45, v46, _ =	vpop (xrf1)  }
0x181: {  	vm1 =	vge.f32 v0, v60;
	v47, v48, _ =	vpop (xrf1)  }
0x182: {  	v0 =	vsel vm1, v0, v60;
	v32 =	vsel vm1, v32, v61;
	vm1 =	vge.f32 v62, v45;
	v49, v50, _ =	vpop (xrf1)  }
0x183: {  	(xrf1) =	vsort.ascd.msk.f32 $0xffff, v0, v32;
	v0 =	vsel vm1, v62, v45;
	v53 =	vsel vm1, v63, v46;
	v51, v52, _ =	vpop (xrf1)  }
0x184: {  	(xrf1) =	vsort.dscd.msk.f32 $0xffff, v0, v53;
	vm1 =	vge.f32 v47, v49;
	v54, v55, _ =	vpop (xrf1)  }
0x185: {  	v0 =	vsel vm1, v47, v49;
	v56 =	vsel vm1, v48, v50;
	vm1 =	vge.f32 v51, v54  }
0x186: {  	(xrf1) =	vsort.ascd.msk.f32 $0xffff, v0, v56;
	v0 =	vsel vm1, v51, v54;
	v57 =	vsel vm1, v52, v55  }
0x187: {  	(xrf1) =	vsort.dscd.msk.f32 $0xffff, v0, v57;
	_ =	sdelay $0xa  }
0x188: {  	v0, v32, _ =	vpop (xrf1)  }
0x189: {  	v58, v59, _ =	vpop (xrf1)  }
0x18a: {  	v60, v61, _ =	vpop (xrf1)  }
0x18b: {  	vm1 =	vge.f32 v0, v58;
	v62, v63, _ =	vpop (xrf1)  }
0x18c: {  	v0 =	vsel vm1, v0, v58;
	v32 =	vsel vm1, v32, v59;
	vm1 =	vge.f32 v60, v62  }
0x18d: {  	(xrf1) =	vsort.ascd.msk.f32 $0xffff, v0, v32;
	v0 =	vsel vm1, v60, v62;
	v38 =	vsel vm1, v61, v63  }
0x18e: {  	(xrf1) =	vsort.dscd.msk.f32 $0xffff, v0, v38;
	_ =	sdelay $0xc  }
0x18f: {  	v0, v32, _ =	vpop (xrf1)  }
0x190: {  	v39, v40, _ =	vpop (xrf1)  }
0x191: {  	vm1 =	vge.f32 v0, v39  }
0x192: {  	v0 =	vsel vm1, v0, v39;
	v32 =	vsel vm1, v32, v40  }
0x193: {  	(xrf1) =	vsort.dscd.msk.f32 $0xffff, v0, v32;
	_ =	sdelay $0xd  }
0x194: {  	v0, v32, _ =	vpop (xrf1)  }
0x195: {  	v41 =	vbroadcast v0, $0x0;
	_ =	sdelay $0x1  }
0x196: {  	v0 =	vsub.f32 v0, v41;
	_ =	sdelay $0x1  }
0x197: {  	v0 =	vmul.f32 $1.442695020e+00, v0;
	_ =	sdelay $0x1  }
0x198: {  	(erf) = vpow2.f32 v0;
	_ =	sdelay $0x8  }
0x199: {  	v0 =	vpop (erf)  }
0x19a: {  	v0 =	vnsel vm0, $0x0, v0  }
0x19b: {  	(xrf2) =	vadd.scan.msk.f32 $0xffff, v0;
	_ =	sdelay $0x9  }
0x19c: {  	v42, _, _ =	vpop (xrf2)  }
0x19d: {  	v33 =	vbroadcast v42, $0xF;
	_ =	sdelay $0x1  }
0x19e: {  	(erf) = vrcp.f32 v33;
	_ =	sdelay $0x8  }
0x19f: {  	v33 =	vpop (erf)  }
0x1a0: {  	s29 =	sshra.s32 s28, $0x2;
	v0 =	vmul.f32 v33, v0  }
0x1a1: {  	s31 =	sand.u32 $0x380, s24;
	[tilespmem:s29+$0x9000] =	vst v32  }
0x1a2: {  	s30 =	sor.u32 s31, s30;
	[tilespmem:s29+$0xB000] =	vst v0  }
0x1a3: {  	v0 =	vld [tilespmem:s30+$0x0]  }
0x1a4: {  	v32 =	vld [tilespmem:s30+$0x10]  }
0x1a5: {  	v43 =	vld [tilespmem:s30+$0x20]  }
0x1a6: {  	v44 =	vld [tilespmem:s30+$0x30]  }
0x1a7: {  	v46 =	vlaneseq.u32;
	v45 =	vld [tilespmem:s30+$0x40]  }
0x1a8: {  	(xrf1) =	vsort.ascd.msk.f32 $0xffff, v0, v46;
	v0 =	vld [tilespmem:s30+$0x50]  }
0x1a9: {  	v47 =	vld [tilespmem:s30+$0x60];
	(xrf1) =	vsort.dscd.msk.f32 $0xffff, v32, v1  }
0x1aa: {  	v48 =	vld [tilespmem:s30+$0x70];
	(xrf1) =	vsort.ascd.msk.f32 $0xffff, v43, v2  }
0x1ab: {  	v49 =	vld [tilespmem:s30+$0x400];
	(xrf1) =	vsort.dscd.msk.f32 $0xffff, v44, v3  }
0x1ac: {  	v50 =	vld [tilespmem:s30+$0x410];
	(xrf1) =	vsort.ascd.msk.f32 $0xffff, v45, v4  }
0x1ad: {  	(xrf1) =	vsort.dscd.msk.f32 $0xffff, v0, v5;
	v0 =	vld [tilespmem:s30+$0x420]  }
0x1ae: {  	v51 =	vld [tilespmem:s30+$0x430];
	(xrf1) =	vsort.ascd.msk.f32 $0xffff, v47, v6  }
0x1af: {  	v52 =	vld [tilespmem:s30+$0x440];
	(xrf1) =	vsort.dscd.msk.f32 $0xffff, v48, v7  }
0x1b0: {  	v53 =	vld [tilespmem:s30+$0x450];
	(xrf1) =	vsort.ascd.msk.f32 $0xffff, v49, v8  }
0x1b1: {  	v54 =	vld [tilespmem:s30+$0x460];
	(xrf1) =	vsort.dscd.msk.f32 $0xffff, v50, v9  }
0x1b2: {  	(xrf1) =	vsort.ascd.msk.f32 $0xffff, v0, v10;
	v0 =	vld [tilespmem:s30+$0x470]  }
0x1b3: {  	v55 =	vld [tilespmem:s30+$0x800];
	(xrf1) =	vsort.dscd.msk.f32 $0xffff, v51, v11  }
0x1b4: {  	v56 =	vld [tilespmem:s30+$0x810];
	(xrf1) =	vsort.ascd.msk.f32 $0xffff, v52, v12  }
0x1b5: {  	v57 =	vld [tilespmem:s30+$0x820];
	(xrf1) =	vsort.dscd.msk.f32 $0xffff, v53, v13  }
0x1b6: {  	s31 =	sand.u32 $0x7, s26;
	v58 =	vld [tilespmem:s30+$0x830];
	(xrf1) =	vsort.ascd.msk.f32 $0xffff, v54, v14  }
0x1b7: {  	s31 =	sshll.u32 s31, $0x7;
	v36, v37, _ =	vpop (xrf1);
	(xrf1) =	vsort.dscd.msk.f32 $0xffff, v0, v15;
	v0 =	vld [tilespmem:s30+$0x840]  }
0x1b8: {  	s31 =	sadd.s32 s28, s31;
	v59 =	vld [tilespmem:s30+$0x850];
	v38, v39, _ =	vpop (xrf1);
	(xrf1) =	vsort.ascd.msk.f32 $0xffff, v55, v16  }
0x1b9: {  	s31 =	sadd.s32 $0x80, s31;
	v60 =	vld [tilespmem:s30+$0x860];
	v40, v41, _ =	vpop (xrf1);
	(xrf1) =	vsort.dscd.msk.f32 $0xffff, v56, v17  }
0x1ba: {  	v61 =	vld [tilespmem:s30+$0x870];
	s30 =	sor.u32 $0xC00, s31;
	v42, v43, _ =	vpop (xrf1);
	(xrf1) =	vsort.ascd.msk.f32 $0xffff, v57, v18  }
0x1bb: {  	v62 =	vld [tilespmem:s30+$0x4000];
	s30 =	sor.u32 $0xC10, s31;
	v44, v45, _ =	vpop (xrf1);
	(xrf1) =	vsort.dscd.msk.f32 $0xffff, v58, v19  }
0x1bc: {  	v46, v47, _ =	vpop (xrf1);
	(xrf1) =	vsort.ascd.msk.f32 $0xffff, v0, v20;
	v0 =	vld [tilespmem:s30+$0x4000];
	s30 =	sor.u32 $0xC20, s31  }
0x1bd: {  	v48, v49, _ =	vpop (xrf1);
	(xrf1) =	vsort.dscd.msk.f32 $0xffff, v59, v21;
	v63 =	vld [tilespmem:s30+$0x4000];
	s30 =	sor.u32 $0xC30, s31  }
0x1be: {  	v50, v51, _ =	vpop (xrf1);
	(xrf1) =	vsort.ascd.msk.f32 $0xffff, v60, v22;
	v33 =	vld [tilespmem:s30+$0x4000];
	s30 =	sor.u32 $0xC40, s31  }
0x1bf: {  	v52, v53, _ =	vpop (xrf1);
	(xrf1) =	vsort.dscd.msk.f32 $0xffff, v61, v23;
	v34 =	vld [tilespmem:s30+$0x4000];
	s30 =	sor.u32 $0xC50, s31  }
0x1c0: {  	v54, v55, _ =	vpop (xrf1);
	(xrf1) =	vsort.ascd.msk.f32 $0xffff, v62, v24;
	v35 =	vld [tilespmem:s30+$0x4000];
	s30 =	sor.u32 $0xC60, s31  }
0x1c1: {  	v56, v57, _ =	vpop (xrf1);
	s31 =	sor.u32 $0xC70, s31;
	(xrf1) =	vsort.dscd.msk.f32 $0xffff, v0, v25;
	v0 =	vld [tilespmem:s30+$0x4000]  }
0x1c2: {  	v58, v59, _ =	vpop (xrf1);
	v32 =	vld [tilespmem:s31+$0x4000];
	(xrf1) =	vsort.ascd.msk.f32 $0xffff, v63, v26  }
0x1c3: {  	v60, v61, _ =	vpop (xrf1);
	(xrf1) =	vsort.dscd.msk.f32 $0xffff, v33, v27  }
0x1c4: {  	v33, v62, _ =	vpop (xrf1);
	(xrf1) =	vsort.ascd.msk.f32 $0xffff, v34, v28  }
0x1c5: {  	v34, v63, _ =	vpop (xrf1);
	(xrf1) =	vsort.dscd.msk.f32 $0xffff, v35, v29  }
0x1c6: {  	vm1 =	vge.f32 v36, v38;
	(xrf1) =	vsort.ascd.msk.f32 $0xffff, v0, v30  }
0x1c7: {  	v0, v35, _ =	vpop (xrf1);
	(xrf1) =	vsort.dscd.msk.f32 $0xffff, v32, v31;
	v32 =	vsel vm1, v36, v38;
	v36 =	vsel vm1, v37, v39  }
0x1c8: {  	v37, v38, _ =	vpop (xrf1);
	vm1 =	vge.f32 v40, v42;
	(xrf1) =	vsort.ascd.msk.f32 $0xffff, v32, v36  }
0x1c9: {  	v32 =	vsel vm1, v40, v42;
	v36 =	vsel vm1, v41, v43;
	vm1 =	vge.f32 v44, v46  }
0x1ca: {  	v39, v40, _ =	vpop (xrf1);
	(xrf1) =	vsort.dscd.msk.f32 $0xffff, v32, v36;
	v46 =	vsel vm1, v44, v46;
	v47 =	vsel vm1, v45, v47  }
0x1cb: {  	v41, v42, _ =	vpop (xrf1);
	vm1 =	vge.f32 v48, v50;
	(xrf1) =	vsort.ascd.msk.f32 $0xffff, v46, v47  }
0x1cc: {  	v50 =	vsel vm1, v48, v50;
	v51 =	vsel vm1, v49, v51;
	vm1 =	vge.f32 v52, v54  }
0x1cd: {  	v54 =	vsel vm1, v52, v54;
	v55 =	vsel vm1, v53, v55;
	vm1 =	vge.f32 v56, v58  }
0x1ce: {  	v43, v44, _ =	vpop (xrf1);
	(xrf1) =	vsort.dscd.msk.f32 $0xffff, v50, v51;
	v58 =	vsel vm1, v56, v58  }
0x1cf: {  	v59 =	vsel vm1, v57, v59;
	vm1 =	vge.f32 v60, v33;
	v45, v46, _ =	vpop (xrf1);
	(xrf1) =	vsort.ascd.msk.f32 $0xffff, v54, v55  }
0x1d0: {  	v52 =	vsel vm1, v60, v33;
	v53 =	vsel vm1, v61, v62;
	vm1 =	vge.f32 v34, v0  }
0x1d1: {  	v47, v48, _ =	vpop (xrf1);
	(xrf1) =	vsort.dscd.msk.f32 $0xffff, v58, v59;
	v0 =	vsel vm1, v34, v0  }
0x1d2: {  	v55 =	vsel vm1, v63, v35;
	vm1 =	vge.f32 v37, v39;
	v54, v49, _ =	vpop (xrf1);
	(xrf1) =	vsort.ascd.msk.f32 $0xffff, v52, v53  }
0x1d3: {  	v58 =	vsel vm1, v38, v40;
	v56, v57, _ =	vpop (xrf1);
	(xrf1) =	vsort.dscd.msk.f32 $0xffff, v0, v55;
	v0 =	vsel vm1, v37, v39  }
0x1d4: {  	vm1 =	vge.f32 v41, v43;
	v59, v60, _ =	vpop (xrf1);
	(xrf1) =	vsort.ascd.msk.f32 $0xffff, v0, v58  }
0x1d5: {  	v0 =	vsel vm1, v41, v43;
	v61 =	vsel vm1, v42, v44;
	vm1 =	vge.f32 v45, v47  }
0x1d6: {  	v50 =	vsel vm1, v45, v47;
	v51 =	vsel vm1, v46, v48;
	vm1 =	vge.f32 v54, v56  }
0x1d7: {  	v63, v62, _ =	vpop (xrf1);
	v34 =	vsel vm1, v49, v57  }
0x1d8: {  	(xrf1) =	vsort.dscd.msk.f32 $0xffff, v0, v61;
	v33 =	vsel vm1, v54, v56;
	vm1 =	vge.f32 v59, v63;
	v0, v32, _ =	vpop (xrf1)  }
0x1d9: {  	v37 =	vsel vm1, v60, v62;
	v53, v52, _ =	vpop (xrf1)  }
0x1da: {  	(xrf1) =	vsort.ascd.msk.f32 $0xffff, v50, v51;
	v35 =	vsel vm1, v59, v63;
	v55, v54, _ =	vpop (xrf1)  }
0x1db: {  	(xrf1) =	vsort.dscd.msk.f32 $0xffff, v33, v34;
	vm1 =	vge.f32 v0, v53;
	v33, v34, _ =	vpop (xrf1)  }
0x1dc: {  	v0 =	vsel vm1, v0, v53;
	v32 =	vsel vm1, v32, v52;
	v56, v57, _ =	vpop (xrf1);
	(xrf1) =	vsort.ascd.msk.f32 $0xffff, v35, v37  }
0x1dd: {  	vm1 =	vge.f32 v55, v33;
	v35, v37, _ =	vpop (xrf1);
	(xrf1) =	vsort.dscd.msk.f32 $0xffff, v0, v32  }
0x1de: {  	v0 =	vsel vm1, v55, v33;
	v58 =	vsel vm1, v54, v34;
	vm1 =	vge.f32 v56, v35  }
0x1df: {  	v59, v60, _ =	vpop (xrf1);
	(xrf1) =	vsort.ascd.msk.f32 $0xffff, v0, v58;
	v0 =	vsel vm1, v56, v35;
	_ =	sdelay $0x1  }
0x1e0: {  	v61 =	vsel vm1, v57, v37;
	v63, v62, _ =	vpop (xrf1)  }
0x1e1: {  	(xrf1) =	vsort.dscd.msk.f32 $0xffff, v0, v61;
	v0, v32, _ =	vpop (xrf1)  }
0x1e2: {  	vm1 =	vge.f32 v59, v63;
	v49, v48, _ =	vpop (xrf1)  }
0x1e3: {  	v33 =	vsel vm1, v59, v63;
	v34 =	vsel vm1, v60, v62;
	v51, v50, _ =	vpop (xrf1);
	vm1 =	vge.f32 v0, v49  }
0x1e4: {  	v52, v53, _ =	vpop (xrf1);
	v32 =	vsel vm1, v32, v48  }
0x1e5: {  	v0 =	vsel vm1, v0, v49;
	v55, v54, _ =	vpop (xrf1)  }
0x1e6: {  	(xrf1) =	vsort.ascd.msk.f32 $0xffff, v33, v34;
	vm1 =	vge.f32 v51, v52;
	v56, v57, _ =	vpop (xrf1)  }
0x1e7: {  	v58 =	vsel vm1, v51, v52;
	v59 =	vsel vm1, v50, v53;
	v33, v34, _ =	vpop (xrf1);
	vm1 =	vge.f32 v55, v56  }
0x1e8: {  	(xrf1) =	vsort.dscd.msk.f32 $0xffff, v0, v32;
	v0, v32, _ =	vpop (xrf1);
	v36 =	vsel vm1, v54, v57  }
0x1e9: {  	v35 =	vsel vm1, v55, v56;
	vm1 =	vge.f32 v33, v0  }
0x1ea: {  	v60, v61, _ =	vpop (xrf1);
	v32 =	vsel vm1, v34, v32  }
0x1eb: {  	(xrf1) =	vsort.ascd.msk.f32 $0xffff, v58, v59;
	v37, v38, _ =	vpop (xrf1);
	v0 =	vsel vm1, v33, v0  }
0x1ec: {  	(xrf1) =	vsort.dscd.msk.f32 $0xffff, v35, v36;
	v35, v36, _ =	vpop (xrf1)  }
0x1ed: {  	vm1 =	vge.f32 v60, v37;
	v62, v63, _ =	vpop (xrf1)  }
0x1ee: {  	v37 =	vsel vm1, v60, v37;
	v38 =	vsel vm1, v61, v38;
	(xrf1) =	vsort.ascd.msk.f32 $0xffff, v0, v32;
	v0, v32, _ =	vpop (xrf1)  }
0x1ef: {  	(xrf1) =	vsort.dscd.msk.f32 $0xffff, v37, v38;
	vm1 =	vge.f32 v35, v62;
	v44, v45, _ =	vpop (xrf1)  }
0x1f0: {  	v33 =	vsel vm1, v35, v62;
	v34 =	vsel vm1, v36, v63;
	vm1 =	vge.f32 v0, v44  }
0x1f1: {  	(xrf1) =	vsort.ascd.msk.f32 $0xffff, v33, v34;
	v0 =	vsel vm1, v0, v44;
	v32 =	vsel vm1, v32, v45  }
0x1f2: {  	(xrf1) =	vsort.dscd.msk.f32 $0xffff, v0, v32;
	_ =	sdelay $0x5  }
0x1f3: {  	v0, v32, _ =	vpop (xrf1)  }
0x1f4: {  	v33, v34, _ =	vpop (xrf1)  }
0x1f5: {  	v46, v47, _ =	vpop (xrf1)  }
0x1f6: {  	vm1 =	vge.f32 v0, v33;
	v37, v38, _ =	vpop (xrf1)  }
0x1f7: {  	v0 =	vsel vm1, v0, v33;
	v32 =	vsel vm1, v32, v34;
	vm1 =	vge.f32 v46, v37  }
0x1f8: {  	v48, v49, _ =	vpop (xrf1);
	(xrf1) =	vsort.ascd.msk.f32 $0xffff, v0, v32;
	v0 =	vsel vm1, v46, v37  }
0x1f9: {  	v50, v51, _ =	vpop (xrf1)  }
0x1fa: {  	v52 =	vsel vm1, v47, v38;
	v53, v54, _ =	vpop (xrf1)  }
0x1fb: {  	(xrf1) =	vsort.dscd.msk.f32 $0xffff, v0, v52;
	vm1 =	vge.f32 v48, v50;
	v0, v32, _ =	vpop (xrf1)  }
0x1fc: {  	v33 =	vsel vm1, v48, v50;
	v34 =	vsel vm1, v49, v51;
	vm1 =	vge.f32 v53, v0  }
0x1fd: {  	(xrf1) =	vsort.ascd.msk.f32 $0xffff, v33, v34;
	v0 =	vsel vm1, v53, v0;
	v32 =	vsel vm1, v54, v32  }
0x1fe: {  	(xrf1) =	vsort.dscd.msk.f32 $0xffff, v0, v32;
	_ =	sdelay $0xa  }
0x1ff: {  	v0, v32, _ =	vpop (xrf1)  }
0x200: {  	v33, v34, _ =	vpop (xrf1)  }
0x201: {  	v55, v56, _ =	vpop (xrf1)  }
0x202: {  	vm1 =	vge.f32 v0, v33;
	v57, v58, _ =	vpop (xrf1)  }
0x203: {  	v0 =	vsel vm1, v0, v33;
	v32 =	vsel vm1, v32, v34;
	vm1 =	vge.f32 v55, v57  }
0x204: {  	(xrf1) =	vsort.ascd.msk.f32 $0xffff, v0, v32;
	v0 =	vsel vm1, v55, v57;
	v59 =	vsel vm1, v56, v58  }
0x205: {  	(xrf1) =	vsort.dscd.msk.f32 $0xffff, v0, v59;
	_ =	sdelay $0xc  }
0x206: {  	v0, v32, _ =	vpop (xrf1)  }
0x207: {  	v60, v61, _ =	vpop (xrf1)  }
0x208: {  	vm1 =	vge.f32 v0, v60  }
0x209: {  	v0 =	vsel vm1, v0, v60;
	v32 =	vsel vm1, v32, v61  }
0x20a: {  	(xrf1) =	vsort.dscd.msk.f32 $0xffff, v0, v32;
	_ =	sdelay $0xd  }
0x20b: {  	v0, v32, _ =	vpop (xrf1)  }
0x20c: {  	v62 =	vbroadcast v0, $0x0;
	_ =	sdelay $0x1  }
0x20d: {  	v0 =	vsub.f32 v0, v62;
	_ =	sdelay $0x1  }
0x20e: {  	v0 =	vmul.f32 $1.442695020e+00, v0;
	_ =	sdelay $0x1  }
0x20f: {  	(erf) = vpow2.f32 v0;
	_ =	sdelay $0x8  }
0x210: {  	v0 =	vpop (erf)  }
0x211: {  	v0 =	vnsel vm0, $0x0, v0  }
0x212: {  	(xrf2) =	vadd.scan.msk.f32 $0xffff, v0;
	_ =	sdelay $0x9  }
0x213: {  	v63, _, _ =	vpop (xrf2)  }
0x214: {  	v33 =	vbroadcast v63, $0xF;
	_ =	sdelay $0x1  }
0x215: {  	(erf) = vrcp.f32 v33;
	_ =	sdelay $0x5  }
0x216: {  	s23 =	sadd.s32 $0x2, s23  }
0x217: {  	p0 =	slt.u32 s23, $0x1E  }
.Ltmp4:
0x218: {  	_ = 	snop;
	(pc) =	sbr.rel @p0 .LBB2_9-.Ltmp4, $4  }
0x219: {  	v33 =	vpop (erf)  }
0x21a: {  	v0 =	vmul.f32 v33, v0  }
0x21b: {  	s25 =	sadd.s32 $0x1, s25;
	[tilespmem:s29+$0x9080] =	vst v32  }
0x21c: {  	s24 =	sadd.s32 $0x100, s24;
	s26 =	sadd.s32 $0x2, s26;
	s28 =	sadd.s32 $0x400, s28;
	[tilespmem:s29+$0xB080] =	vst v0  }
0x21d: {  	s22 =	sshll.u32 s22, $0xC;
	s21 =	sadd.s32 $0x1, s21  }
0x21e: {  	s22 =	sadd.s32 s8, s22;
	p0 =	sne.s32 s21, $0x6  }
.Ltmp5:
0x21f: {  	s22 =	sshrl.u32 s22, $0x3;
	(pc) =	sbr.rel @p0 .LBB2_2-.Ltmp5, $4  }
0x220: {  	s23 =	sadd.s32 s4, s22  }
0x221: {  	[hbm4b:s23+s2] =	stream.linear.scatter [tilespmem:s17], [sflag:$0x4], $0x1000, $0x38;
	[tilespmem:$0xC000] =	vst v63  }
0x222: {  	s22 =	sadd.s32 s5, s22  }
0x223: {  	v0 =	vlaneseq.u32;
	[hbm4b:s22+s2] =	stream.linear.scatter [tilespmem:s18], [sflag:$0x4], $0x1000, $0x38;
	[tilespmem:$0xC000] =	vst v63  }
0x224: {  	_ =	swait.ge [sflag:s19], $0x1000  }
0x225: {  	[sflag:s19] =	ssyncset.done $0x0  }
0x226: {  	[sflag:s19] =	ssyncadd.s32 $0xFFFFF000  }
0x227: {  	_ =	swait.ge [sflag:s19], $0x1000  }
0x228: {  	[sflag:s19] =	ssyncset.done $0x0  }
0x229: {  	s20 =	sadd.s32 $0x1, s20;
	[sflag:s19] =	ssyncadd.s32 $0xFFFFF000  }
0x22a: {  	p0 =	sne.s32 s20, s10;
	_ =	swait.ge [sflag:s16], $0x1000  }
.Ltmp6:
0x22b: {  	[sflag:s16] =	ssyncset.done $0x0;
	(pc) =	sbr.rel @p0 .LBB2_1-.Ltmp6, $4  }
0x22c: {  	[sflag:s16] =	ssyncadd.s32 $0xFFFFF000  }
0x22d: {  	_ =	swait.ge [sflag:s16], $0x1000  }
0x22e: {  	[sflag:s16] =	ssyncset.done $0x0  }
0x22f: {  	[sflag:s16] =	ssyncadd.s32 $0xFFFFF000  }
0x230: {  	_ =	sfence.sel $0x180000  }
0x231: {  	[bflag:$0x0] =	sbarrier.arrive $0xFFFF  }
0x232: {  	p0 =	sne.s32 s1, $0x0;
	_ =	strace $0x90000047  }
0x233: {  	s0 =	sadd.s32 @!p0 $0x100000, s0;
	[bflag:$0x2] =	sbarrier.arrive $0xFFFF  }
0x234: {  	[sflag:s0] =	ssyncadd.tile.s32 @!p0 $0x1;
	_ =	shalt  }
.Lfunc_end2:
_tile_overlayer_lowered:
.L_overlay_start_2:
0x235: {  	(tag) =	ssettag $0x2  }
0x236: {  	s0 =	rddreg [dreg:$0x0];
	s2 =	stileid.u32  }
0x237: {  	s1 =	rddreg [dreg:$0x1];
	p0 =	sne.s32 s2, $0x0  }
0x238: {  	s3 =	rddreg [dreg:$0x2];
	[bflag:$0x3] =	sbarrier.arrive $0xFFFF;
	s2 =	simm.s32 @!p0 $0x1C05  }
0x239: {  	[timem:s3], [sflag:s2] =	dma.local @!p0 [hbm:s0], s1  }
0x23a: {  	s0 =	simm.s32 @!p0 $0x5  }
0x23b: {  	_ =	swait.ge @!p0 [sflag:s0], s1  }
0x23c: {  	s1 =	ssub.s32 @!p0 $0x0, s1;
	[sflag:s0] =	ssyncset.done @!p0 $0x0  }
0x23d: {  	[sflag:s0] =	ssyncadd.s32 @!p0 s1  }
0x23e: {  	[bflag:$0x3] =	sbarrier.arrive $0xFFFF  }
0x23f: {  	_ =	shalt  }

</sc_bundles>
